<compile_context>
chip_gen: v7x
topology: tpu7x:2x2x1
jax: 0.10.2.dev20260603
libtpu: 0.0.44.dev20260713+nightly
codegen_flags: <defaults>
</compile_context>

<pallas_src>
import functools

import jax
import jax.numpy as jnp
from jax import lax
from jax.experimental import pallas as pl
from jax.experimental.pallas import tpu as pltpu
from jax.experimental.pallas import tpu_sc as plsc

N = 10000
E = 320000
IN = 128
OUT = 128
MAP = 64
H = 8

NPAD = 10240
NW = 32
DELTA = 320
ES = E // NW
RES = 10240
CA = 128
CB = 48
TBLK = 256
NBLK = NPAD // TBLK

_mesh = plsc.VectorSubcoreMesh(core_axis_name="c", subcore_axis_name="s")


def _wid():
    return lax.axis_index("s") * 2 + lax.axis_index("c")


def _bucket(d):
    return ((d >> 6) * 13108) >> 16


@functools.partial(
    pl.kernel, mesh=_mesh,
    compiler_params=pltpu.CompilerParams(needs_layout_passes=False),
    out_type=[
        jax.ShapeDtypeStruct((NW * RES + 128,), jnp.int32),
        jax.ShapeDtypeStruct((NW * 32,), jnp.int32),
        jax.ShapeDtypeStruct((NW * 32,), jnp.int32),
    ],
    scratch_types=[
        pltpu.VMEM((ES,), jnp.int32),
        pltpu.VMEM((ES,), jnp.int32),
        pltpu.VMEM((RES,), jnp.int32),
        pltpu.VMEM((512,), jnp.int32),
        pltpu.VMEM((512,), jnp.int32),
        pltpu.VMEM((512,), jnp.int32),
        pltpu.VMEM((32,), jnp.int32),
        pltpu.VMEM((32,), jnp.int32),
    ],
)
def _bin_kernel(src_hbm, dst_hbm, binned_hbm, cnt_hbm, off_hbm,
                srcv, dstv, permv, hbl, hlb, cur, totst, offst):
    w = _wid()
    eb = w * ES
    pltpu.sync_copy(src_hbm.at[pl.ds(eb, ES)], srcv)
    pltpu.sync_copy(dst_hbm.at[pl.ds(eb, ES)], dstv)
    zero16 = jnp.zeros((16,), jnp.int32)
    iota16 = lax.iota(jnp.int32, 16)
    ones_i = jnp.ones((16,), jnp.int32)
    for q in range(32):
        hbl[pl.ds(q * 16, 16)] = zero16
        hlb[pl.ds(q * 16, 16)] = zero16

    def initperm(i, c):
        permv[pl.ds(i * 16, 16)] = zero16
        return c
    lax.fori_loop(0, RES // 16, initperm, 0)

    def countbody(i, c):
        bv = _bucket(dstv[pl.ds(i * 16, 16)])
        plsc.addupdate_scatter(hbl, [bv * 16 + iota16], ones_i)
        plsc.addupdate_scatter(hlb, [iota16 * 32 + bv], ones_i)
        return c
    lax.fori_loop(0, ES // 16, countbody, 0)

    tot0 = zero16
    tot1 = zero16
    for lane in range(16):
        tot0 = tot0 + hlb[pl.ds(lane * 32, 16)]
        tot1 = tot1 + hlb[pl.ds(lane * 32 + 16, 16)]
    al0 = (tot0 + 7) & (-8)
    al1 = (tot1 + 7) & (-8)
    inc0 = plsc.cumsum(al0)
    exc0 = inc0 - al0
    inc1 = plsc.cumsum(al1)
    exc1 = inc1 - al1 + inc0[15]
    totst[pl.ds(0, 16)] = tot0
    totst[pl.ds(16, 16)] = tot1
    offst[pl.ds(0, 16)] = exc0
    offst[pl.ds(16, 16)] = exc1
    for b in range(32):
        hv = hbl[pl.ds(b * 16, 16)]
        lex = plsc.cumsum(hv) - hv
        offb = exc0[b] if b < 16 else exc1[b - 16]
        cur[pl.ds(b * 16, 16)] = lex + offb

    def placebody(i, c):
        s = srcv[pl.ds(i * 16, 16)]
        t = dstv[pl.ds(i * 16, 16)]
        bv = _bucket(t)
        cidx = bv * 16 + iota16
        cu = plsc.load_gather(cur, [cidx])
        plsc.store_scatter(permv, [cu], s * 16384 + t)
        plsc.store_scatter(cur, [cidx], cu + 1)
        return c
    lax.fori_loop(0, ES // 16, placebody, 0)

    pltpu.sync_copy(permv, binned_hbm.at[pl.ds(w * RES, RES)])
    pltpu.sync_copy(totst, cnt_hbm.at[pl.ds(w * 32, 32)])
    pltpu.sync_copy(offst, off_hbm.at[pl.ds(w * 32, 32)])


@functools.partial(
    pl.kernel, mesh=_mesh,
    compiler_params=pltpu.CompilerParams(needs_layout_passes=False),
    out_type=[
        jax.ShapeDtypeStruct((NPAD * 16,), jnp.float32),
        jax.ShapeDtypeStruct((NPAD * 16,), jnp.float32),
        jax.ShapeDtypeStruct((NPAD * MAP,), jnp.float32),
    ],
    scratch_types=[
        pltpu.VMEM((DELTA * 16,), jnp.float32),
        pltpu.VMEM((DELTA * 16,), jnp.float32),
        pltpu.VMEM((DELTA * MAP,), jnp.float32),
        pltpu.VMEM((DELTA * 16,), jnp.float32),
        pltpu.VMEM((NW * 32 + 16,), jnp.int32),
        pltpu.VMEM((NW * 32 + 16,), jnp.int32),
        pltpu.VMEM((CA,), jnp.int32),
        pltpu.VMEM((CA,), jnp.int32),
        pltpu.VMEM((CA + 16,), jnp.int32),
        pltpu.VMEM((CA, 128), jnp.float32),
        pltpu.SemaphoreType.DMA,
    ],
)
def _passa_kernel(binned_hbm, cnt_hbm, off_hbm, srctab_hbm, ertab_hbm,
                  acca_hbm, deg_hbm, maxz_hbm,
                  acc, deg, mxz, erl, cnts, offs, packc, idxc, dlc, rows, sem):
    w = _wid()
    nbase = w * DELTA
    pltpu.sync_copy(cnt_hbm, cnts.at[pl.ds(0, NW * 32)])
    pltpu.sync_copy(off_hbm, offs.at[pl.ds(0, NW * 32)])
    erbase = pl.multiple_of(nbase * 16, 8)
    pltpu.sync_copy(ertab_hbm.at[pl.ds(erbase, DELTA * 16)], erl)
    zf = jnp.zeros((16,), jnp.float32)
    neg = jnp.full((16,), -1e30, jnp.float32)

    def initb(i, c):
        acc[pl.ds(i * 16, 16)] = zf
        deg[pl.ds(i * 16, 16)] = zf
        return c
    lax.fori_loop(0, DELTA, initb, 0)

    def initm(i, c):
        mxz[pl.ds(i * 16, 16)] = neg
        return c
    lax.fori_loop(0, DELTA * MAP // 16, initm, 0)

    lanelt8 = lax.iota(jnp.int32, 16) < 8
    one16 = jnp.ones((16,), jnp.float32)

    def regionbody(r, c0):
        ln = cnts[pl.ds(r * 32 + w, 16)][0]
        st = offs[pl.ds(r * 32 + w, 16)][0]
        base = r * RES + st
        nch = (ln + (CA - 1)) >> 7

        def chunkbody(k, c1):
            o = pl.multiple_of(base + k * CA, 8)
            pltpu.sync_copy(binned_hbm.at[pl.ds(o, CA)], packc)
            for j in range(CA // 16):
                p = packc[pl.ds(j * 16, 16)]
                idxc[pl.ds(j * 16, 16)] = jnp.clip(p >> 14, 0, NPAD - 1)
                dlc[pl.ds(j * 16, 16)] = (p & 16383) - nbase
            pltpu.async_copy(srctab_hbm.at[idxc], rows, sem).wait()
            ni = jnp.minimum(CA, ln - k * CA)

            def edgebody(i, c2):
                dl = dlc[pl.ds(i, 16)][0]
                g = rows[i, pl.ds(64, 16)]
                v = g + erl[pl.ds(dl * 16, 16)]
                exv = jnp.exp(jnp.maximum(v, 0.2 * v))
                a16 = pl.ds(dl * 16, 16)
                acc[a16] = acc[a16] + jnp.where(lanelt8, v, exv)
                deg[a16] = deg[a16] + one16
                for q in range(MAP // 16):
                    sl = pl.ds(dl * MAP + q * 16, 16)
                    mxz[sl] = jnp.maximum(mxz[sl], rows[i, pl.ds(q * 16, 16)])
                return c2
            lax.fori_loop(0, ni, edgebody, 0)
            return c1
        lax.fori_loop(0, nch, chunkbody, 0)
        return c0
    lax.fori_loop(0, NW, regionbody, 0)

    ob = pl.multiple_of(nbase * 16, 8)
    pltpu.sync_copy(acc, acca_hbm.at[pl.ds(ob, DELTA * 16)])
    pltpu.sync_copy(deg, deg_hbm.at[pl.ds(ob, DELTA * 16)])
    om = pl.multiple_of(nbase * MAP, 8)
    pltpu.sync_copy(mxz, maxz_hbm.at[pl.ds(om, DELTA * MAP)])


@functools.partial(
    pl.kernel, mesh=_mesh,
    compiler_params=pltpu.CompilerParams(needs_layout_passes=False),
    out_type=jax.ShapeDtypeStruct((NPAD, OUT), jnp.float32),
    scratch_types=[
        pltpu.VMEM((DELTA, OUT), jnp.float32),
        pltpu.VMEM((DELTA * 32,), jnp.float32),
        pltpu.VMEM((NW * 32 + 16,), jnp.int32),
        pltpu.VMEM((NW * 32 + 16,), jnp.int32),
        pltpu.VMEM((CB,), jnp.int32),
        pltpu.VMEM((CB,), jnp.int32),
        pltpu.VMEM((CB + 16,), jnp.int32),
        pltpu.VMEM((CB, 1152), jnp.float32),
        pltpu.SemaphoreType.DMA,
    ],
)
def _passb_kernel(binned_hbm, cnt_hbm, off_hbm, srctab4_hbm, dtab_hbm,
                  gated_hbm,
                  accy, dtl, cnts, offs, packc, idxc, dlc, rows, sem):
    w = _wid()
    nbase = w * DELTA
    pltpu.sync_copy(cnt_hbm, cnts.at[pl.ds(0, NW * 32)])
    pltpu.sync_copy(off_hbm, offs.at[pl.ds(0, NW * 32)])
    dbase = pl.multiple_of(nbase * 32, 8)
    pltpu.sync_copy(dtab_hbm.at[pl.ds(dbase, DELTA * 32)], dtl)
    zf = jnp.zeros((16,), jnp.float32)

    def initb(i, c):
        for q in range(OUT // 16):
            accy[i, pl.ds(q * 16, 16)] = zf
        return c
    lax.fori_loop(0, DELTA, initb, 0)

    def regionbody(r, c0):
        ln = cnts[pl.ds(r * 32 + w, 16)][0]
        st = offs[pl.ds(r * 32 + w, 16)][0]
        base = r * RES + st
        nch = (ln + (CB - 1)) // CB

        def chunkbody(k, c1):
            o = pl.multiple_of(base + k * CB, 8)
            pltpu.sync_copy(binned_hbm.at[pl.ds(o, CB)], packc)
            for j in range(CB // 16):
                p = packc[pl.ds(j * 16, 16)]
                idxc[pl.ds(j * 16, 16)] = jnp.clip(p >> 14, 0, NPAD - 1)
                dlc[pl.ds(j * 16, 16)] = (p & 16383) - nbase
            pltpu.async_copy(srctab4_hbm.at[idxc], rows, sem).wait()
            ni = jnp.minimum(CB, ln - k * CB)

            def edgebody(i, c2):
                dl = dlc[pl.ds(i, 16)][0]
                v = rows[i, pl.ds(0, 16)] + dtl[pl.ds(dl * 32, 16)]
                wv = (jnp.exp(jnp.maximum(v, 0.2 * v))
                      * dtl[pl.ds(dl * 32 + 16, 16)])
                s = [wv[h] for h in range(H)]
                for q in range(OUT // 16):
                    sl = pl.ds(q * 16, 16)
                    a = accy[dl, sl]
                    for h in range(H):
                        a = a + s[h] * rows[i, pl.ds(16 + h * OUT + q * 16, 16)]
                    accy[dl, sl] = a
                return c2
            lax.fori_loop(0, ni, edgebody, 0)
            return c1
        lax.fori_loop(0, nch, chunkbody, 0)
        return c0
    lax.fori_loop(0, NW, regionbody, 0)

    pltpu.sync_copy(accy, gated_hbm.at[pl.ds(nbase, DELTA)])


def _tc_pre(xp, w2, b2, wer, w4):
    def body(x_ref, w2_ref, b2_ref, wer_ref, w4_ref, o2_ref, oer_ref, o4_ref):
        xb = x_ref[...]
        o2_ref[...] = jnp.dot(xb, w2_ref[...],
                              preferred_element_type=jnp.float32) + b2_ref[...]
        oer_ref[...] = jnp.dot(xb, wer_ref[...],
                               preferred_element_type=jnp.float32)
        o4_ref[...] = jnp.dot(xb, w4_ref[...],
                              preferred_element_type=jnp.float32)
    return pl.pallas_call(
        body,
        grid=(NBLK,),
        in_specs=[
            pl.BlockSpec((TBLK, IN), lambda i: (i, 0)),
            pl.BlockSpec((IN, 128), lambda i: (0, 0)),
            pl.BlockSpec((1, 128), lambda i: (0, 0)),
            pl.BlockSpec((IN, 16), lambda i: (0, 0)),
            pl.BlockSpec((IN, 1152), lambda i: (0, 0)),
        ],
        out_specs=[
            pl.BlockSpec((TBLK, 128), lambda i: (i, 0)),
            pl.BlockSpec((TBLK, 16), lambda i: (i, 0)),
            pl.BlockSpec((TBLK, 1152), lambda i: (i, 0)),
        ],
        out_shape=[
            jax.ShapeDtypeStruct((NPAD, 128), jnp.float32),
            jax.ShapeDtypeStruct((NPAD, 16), jnp.float32),
            jax.ShapeDtypeStruct((NPAD, 1152), jnp.float32),
        ],
    )(xp, w2, b2, wer, w4)


def _tc_mid(xp, acca, deg, maxz, ertab, wg1t, wg2t, bg):
    def body(x_ref, acca_ref, deg_ref, mxz_ref, er_ref, wg1t_ref, wg2t_ref,
             bg_ref, o_ref):
        deg0 = deg_ref[...][:, 0:1]
        acca_b = acca_ref[...]
        q3m = acca_b[:, 0:8] / jnp.maximum(deg0, 1.0)
        denom = acca_b[:, 8:16]
        mz = jnp.where(deg0 > 0, mxz_ref[...], 0.0)
        logits = (jnp.dot(x_ref[...], wg1t_ref[...],
                          preferred_element_type=jnp.float32)
                  + jnp.dot(mz, wg2t_ref[...],
                            preferred_element_type=jnp.float32)
                  + q3m + bg_ref[...])
        gate = 1.0 / (1.0 + jnp.exp(-logits))
        cw = gate / (float(H) * (denom + 1e-9))
        o_ref[:, 0:8] = er_ref[...][:, 8:16]
        o_ref[:, 8:16] = jnp.full((TBLK, 8), -1e30, jnp.float32)
        o_ref[:, 16:24] = cw
        o_ref[:, 24:32] = jnp.zeros((TBLK, 8), jnp.float32)
    return pl.pallas_call(
        body,
        grid=(NBLK,),
        in_specs=[
            pl.BlockSpec((TBLK, IN), lambda i: (i, 0)),
            pl.BlockSpec((TBLK, 16), lambda i: (i, 0)),
            pl.BlockSpec((TBLK, 16), lambda i: (i, 0)),
            pl.BlockSpec((TBLK, MAP), lambda i: (i, 0)),
            pl.BlockSpec((TBLK, 16), lambda i: (i, 0)),
            pl.BlockSpec((IN, H), lambda i: (0, 0)),
            pl.BlockSpec((MAP, H), lambda i: (0, 0)),
            pl.BlockSpec((1, H), lambda i: (0, 0)),
        ],
        out_specs=pl.BlockSpec((TBLK, 32), lambda i: (i, 0)),
        out_shape=jax.ShapeDtypeStruct((NPAD, 32), jnp.float32),
    )(xp, acca, deg, maxz, ertab, wg1t, wg2t, bg)


def _tc_final(xp, gated, wmxt, wmgt, bm_):
    def body(x_ref, g_ref, wx_ref, wg_ref, b_ref, o_ref):
        o_ref[...] = (jnp.dot(x_ref[...], wx_ref[...],
                              preferred_element_type=jnp.float32)
                      + jnp.dot(g_ref[...], wg_ref[...],
                                preferred_element_type=jnp.float32)
                      + b_ref[...])
    return pl.pallas_call(
        body,
        grid=(NBLK,),
        in_specs=[
            pl.BlockSpec((TBLK, IN), lambda i: (i, 0)),
            pl.BlockSpec((TBLK, OUT), lambda i: (i, 0)),
            pl.BlockSpec((IN, OUT), lambda i: (0, 0)),
            pl.BlockSpec((OUT, OUT), lambda i: (0, 0)),
            pl.BlockSpec((1, OUT), lambda i: (0, 0)),
        ],
        out_specs=pl.BlockSpec((TBLK, OUT), lambda i: (i, 0)),
        out_shape=jax.ShapeDtypeStruct((NPAD, OUT), jnp.float32),
    )(xp, gated, wmxt, wmgt, bm_)


def kernel(x, edge_index, Wm, bm, Wgate, bgate, Wgat, attn_l, attn_r,
           Wmerge, bmerge):
    f32 = jnp.float32
    x = x.astype(f32)
    wg1 = Wgate[:, :IN]
    wg2 = Wgate[:, IN:IN + MAP]
    wg3 = Wgate[:, IN + MAP:]
    wal = (Wgat.reshape(IN, H, OUT) * attn_l[None]).sum(-1)
    war = (Wgat.reshape(IN, H, OUT) * attn_r[None]).sum(-1)
    w2 = jnp.concatenate([Wm.T, wg3.T, wal, jnp.zeros((IN, 48), f32)],
                         axis=1)
    b2 = jnp.concatenate([bm, jnp.zeros((64,), f32)]).reshape(1, 128)
    wer = jnp.concatenate([jnp.zeros((IN, 8), f32), war], axis=1)
    w4 = jnp.concatenate([wal, jnp.zeros((IN, 8), f32), Wgat,
                          jnp.zeros((IN, 112), f32)], axis=1)
    xp = jnp.pad(x, ((0, NPAD - N), (0, 0)))

    srctab2, ertab, srctab4 = _tc_pre(xp, w2, b2, wer, w4)
    src = edge_index[0].astype(jnp.int32)
    dst = edge_index[1].astype(jnp.int32)
    binned, cnts, offs = _bin_kernel(src, dst)
    acca, deg, maxz = _passa_kernel(binned, cnts, offs, srctab2,
                                    ertab.reshape(-1))
    dtab = _tc_mid(xp, acca.reshape(NPAD, 16), deg.reshape(NPAD, 16),
                   maxz.reshape(NPAD, MAP), ertab, wg1.T, wg2.T,
                   bgate.reshape(1, H))
    gated = _passb_kernel(binned, cnts, offs, srctab4, dtab.reshape(-1))
    out = _tc_final(xp, gated, Wmerge[:, :IN].T, Wmerge[:, IN:].T,
                    bmerge.reshape(1, OUT))
    return out[:N]

# --- scband reference (transcript-rebuilt; emitter-appended) ---
"""Pipeline reference for scband-gated-gat-9663676416811 (READ-ONLY COPY).

The authoritative reference and input builder live on the scoring server;
editing this copy changes nothing except your own understanding.
"""

import jax, jax.numpy as jnp
import numpy as np

N = 10000
E = 320000
IN = 128
OUT = 128
MAP = 64
H = 8


def setup_inputs(seed: int = 0) -> dict:
    key = jax.random.key(seed)
    ks = jax.random.split(key, 12)
    x = jax.random.normal(ks[0], (N, IN), dtype=jnp.float32)
    edge_index = jax.random.randint(ks[1], (2, E), 0, N, dtype=jnp.int32)
    # gate_m: Linear(IN, MAP)
    Wm = jax.random.normal(ks[2], (MAP, IN), dtype=jnp.float32) / np.sqrt(IN)
    bm = jnp.zeros((MAP,), dtype=jnp.float32)
    # gate_fn: Linear(2*IN + MAP, H)
    Wgate = jax.random.normal(ks[3], (H, 2 * IN + MAP), dtype=jnp.float32) / np.sqrt(2 * IN + MAP)
    bgate = jnp.zeros((H,), dtype=jnp.float32)
    # GATConv weights: W [IN, H*OUT], attention vectors per head
    Wgat = jax.random.normal(ks[4], (IN, H * OUT), dtype=jnp.float32) / np.sqrt(IN)
    attn_l = jax.random.normal(ks[5], (H, OUT), dtype=jnp.float32) / np.sqrt(OUT)
    attn_r = jax.random.normal(ks[6], (H, OUT), dtype=jnp.float32) / np.sqrt(OUT)
    # merger: Linear(IN + OUT, OUT)
    Wmerge = jax.random.normal(ks[7], (OUT, IN + OUT), dtype=jnp.float32) / np.sqrt(IN + OUT)
    bmerge = jnp.zeros((OUT,), dtype=jnp.float32)
    return {"x": x, "edge_index": edge_index, "Wm": Wm, "bm": bm,
            "Wgate": Wgate, "bgate": bgate, "Wgat": Wgat,
            "attn_l": attn_l, "attn_r": attn_r, "Wmerge": Wmerge, "bmerge": bmerge}


def reference(x, edge_index, Wm, bm, Wgate, bgate, Wgat, attn_l, attn_r, Wmerge, bmerge):
    src = edge_index[0]
    dst = edge_index[1]
    # gate_m projection
    linear_z = x @ Wm.T + bm
    # mean aggregation of x over in-neighbors (gspmm mean)
    deg = jax.ops.segment_sum(jnp.ones((E,), dtype=x.dtype), dst, num_segments=N)
    mean_z = jax.ops.segment_sum(jnp.take(x, src, axis=0), dst, num_segments=N) / jnp.maximum(deg, 1.0)[:, None]
    # max aggregation of linear_z over in-neighbors (gspmm max)
    mz = jax.ops.segment_max(jnp.take(linear_z, src, axis=0), dst, num_segments=N)
    max_z = jnp.where((deg > 0)[:, None], mz, 0.0)
    # gate
    nft = jnp.concatenate([x, max_z, mean_z], axis=1)
    gate = jax.nn.sigmoid(nft @ Wgate.T + bgate)  # [N, H]
    # GATConv
    h = (x @ Wgat).reshape(N, H, OUT)
    el = (h * attn_l[None]).sum(-1)  # [N, H]
    er = (h * attn_r[None]).sum(-1)  # [N, H]
    e = jax.nn.leaky_relu(jnp.take(el, src, axis=0) + jnp.take(er, dst, axis=0), negative_slope=0.2)  # [E, H]
    emax = jax.ops.segment_max(e, dst, num_segments=N)
    emax = jnp.where(jnp.isfinite(emax), emax, 0.0)
    ee = jnp.exp(e - jnp.take(emax, dst, axis=0))
    denom = jax.ops.segment_sum(ee, dst, num_segments=N)
    alpha = ee / (jnp.take(denom, dst, axis=0) + 1e-9)  # [E, H]
    msg = alpha[:, :, None] * jnp.take(h, src, axis=0)  # [E, H, OUT]
    attn_out = jax.ops.segment_sum(msg, dst, num_segments=N)  # [N, H, OUT]
    # gating + head mean
    gated_out = (gate[:, :, None] * attn_out).mean(axis=1)  # [N, OUT]
    merge = jnp.concatenate([x, gated_out], axis=1) @ Wmerge.T + bmerge
    return merge

if __name__ == "__main__":
    import jax
    _d = setup_inputs()
    print(jax.jit(kernel)(*tuple(_d.values())))

</pallas_src>

<mosaic_0001>
#map = affine_map<(d0, d1) -> (0)>
#map1 = affine_map<(d0, d1) -> (0, 0)>
module attributes {stable_mosaic.version = 14 : i64} {
  func.func @_passb_kernel(%arg0: i32, %arg1: i32, %arg2: memref<327808xi32, #tpu.memory_space<hbm>>, %arg3: memref<1024xi32, #tpu.memory_space<hbm>>, %arg4: memref<1024xi32, #tpu.memory_space<hbm>>, %arg5: memref<10240x1152xf32, #tpu.memory_space<hbm>>, %arg6: memref<327680xf32, #tpu.memory_space<hbm>>, %arg7: memref<10240x128xf32, #tpu.memory_space<hbm>>, %arg8: memref<320x128xf32, #tpu.memory_space<vmem>>, %arg9: memref<10240xf32, #tpu.memory_space<vmem>>, %arg10: memref<1040xi32, #tpu.memory_space<vmem>>, %arg11: memref<1040xi32, #tpu.memory_space<vmem>>, %arg12: memref<48xi32, #tpu.memory_space<vmem>>, %arg13: memref<48xi32, #tpu.memory_space<vmem>>, %arg14: memref<64xi32, #tpu.memory_space<vmem>>, %arg15: memref<48x1152xf32, #tpu.memory_space<vmem>>, %arg16: memref<!tpu.dma_semaphore, #tpu.memory_space<semaphore_mem>>) attributes {dimension_semantics = [#tpu.dimension_semantics<core_parallel>, #tpu.dimension_semantics<subcore_parallel>], iteration_bounds = array<i64: 2, 16>, scalar_prefetch = 0 : i64, scratch_operands = 9 : i64, tpu.core_type = #tpu.core_type<sc_vector_subcore>, window_params = [{transform_indices = #map}, {transform_indices = #map}, {transform_indices = #map}, {transform_indices = #map1}, {transform_indices = #map}, {transform_indices = #map1}]} {
    %mul3A = arith.constant 2 : i32
    %mul3A_0 = arith.muli %arg1, %mul3A : i32
    %add3A = arith.addi %mul3A_0, %arg0 : i32
    %mul3A_1 = arith.constant 320 : i32
    %mul3A_2 = arith.muli %add3A, %mul3A_1 : i32
    "tpu.region"() ({
      %run_scoped3A = tpu.sem_alloc : memref<!tpu.dma_semaphore, #tpu.memory_space<semaphore_mem>>
      %dma_start3A = arith.constant 0 : i32
      %dma_start3A_17 = tpu.memref_slice %arg10[%dma_start3A] : memref<1040xi32, #tpu.memory_space<vmem>> -> memref<1024xi32, #tpu.memory_space<vmem>>
      %dma_start3A_18 = arith.constant 0 : i32
      %dma_start3A_19 = tpu.memref_slice %arg10[%dma_start3A_18] : memref<1040xi32, #tpu.memory_space<vmem>> -> memref<1024xi32, #tpu.memory_space<vmem>>
      tpu.enqueue_dma source(%arg3 : memref<1024xi32, #tpu.memory_space<hbm>>) target(%dma_start3A_19 : memref<1024xi32, #tpu.memory_space<vmem>>) target_semaphore(%run_scoped3A : memref<!tpu.dma_semaphore, #tpu.memory_space<semaphore_mem>>)
      %dma_wait3A = arith.constant 0 : i32
      %dma_wait3A_20 = tpu.memref_slice %arg10[%dma_wait3A] : memref<1040xi32, #tpu.memory_space<vmem>> -> memref<1024xi32, #tpu.memory_space<vmem>>
      %dma_wait3A_21 = arith.constant 0 : i32
      %dma_wait3A_22 = tpu.memref_slice %arg10[%dma_wait3A_21] : memref<1040xi32, #tpu.memory_space<vmem>> -> memref<1024xi32, #tpu.memory_space<vmem>>
      tpu.wait_dma2 semaphore(%run_scoped3A : memref<!tpu.dma_semaphore, #tpu.memory_space<semaphore_mem>>) src(%arg3 : memref<1024xi32, #tpu.memory_space<hbm>>) dst(%dma_wait3A_22 : memref<1024xi32, #tpu.memory_space<vmem>>)
      tpu.yield
    }) : () -> ()
    "tpu.region"() ({
      %run_scoped3A = tpu.sem_alloc : memref<!tpu.dma_semaphore, #tpu.memory_space<semaphore_mem>>
      %dma_start3A = arith.constant 0 : i32
      %dma_start3A_17 = tpu.memref_slice %arg11[%dma_start3A] : memref<1040xi32, #tpu.memory_space<vmem>> -> memref<1024xi32, #tpu.memory_space<vmem>>
      %dma_start3A_18 = arith.constant 0 : i32
      %dma_start3A_19 = tpu.memref_slice %arg11[%dma_start3A_18] : memref<1040xi32, #tpu.memory_space<vmem>> -> memref<1024xi32, #tpu.memory_space<vmem>>
      tpu.enqueue_dma source(%arg4 : memref<1024xi32, #tpu.memory_space<hbm>>) target(%dma_start3A_19 : memref<1024xi32, #tpu.memory_space<vmem>>) target_semaphore(%run_scoped3A : memref<!tpu.dma_semaphore, #tpu.memory_space<semaphore_mem>>)
      %dma_wait3A = arith.constant 0 : i32
      %dma_wait3A_20 = tpu.memref_slice %arg11[%dma_wait3A] : memref<1040xi32, #tpu.memory_space<vmem>> -> memref<1024xi32, #tpu.memory_space<vmem>>
      %dma_wait3A_21 = arith.constant 0 : i32
      %dma_wait3A_22 = tpu.memref_slice %arg11[%dma_wait3A_21] : memref<1040xi32, #tpu.memory_space<vmem>> -> memref<1024xi32, #tpu.memory_space<vmem>>
      tpu.wait_dma2 semaphore(%run_scoped3A : memref<!tpu.dma_semaphore, #tpu.memory_space<semaphore_mem>>) src(%arg4 : memref<1024xi32, #tpu.memory_space<hbm>>) dst(%dma_wait3A_22 : memref<1024xi32, #tpu.memory_space<vmem>>)
      tpu.yield
    }) : () -> ()
    %mul3A_3 = arith.constant 32 : i32
    %mul3A_4 = arith.muli %mul3A_2, %mul3A_3 : i32
    %multiple_of3A = tpu.assume_multiple %mul3A_4, 8 : i32
    "tpu.region"() ({
      %run_scoped3A = tpu.sem_alloc : memref<!tpu.dma_semaphore, #tpu.memory_space<semaphore_mem>>
      %dma_start3A = tpu.memref_slice %arg6[%multiple_of3A] : memref<327680xf32, #tpu.memory_space<hbm>> -> memref<10240xf32, #tpu.memory_space<hbm>>
      %dma_start3A_17 = tpu.memref_slice %arg6[%multiple_of3A] : memref<327680xf32, #tpu.memory_space<hbm>> -> memref<10240xf32, #tpu.memory_space<hbm>>
      tpu.enqueue_dma source(%dma_start3A_17 : memref<10240xf32, #tpu.memory_space<hbm>>) target(%arg9 : memref<10240xf32, #tpu.memory_space<vmem>>) target_semaphore(%run_scoped3A : memref<!tpu.dma_semaphore, #tpu.memory_space<semaphore_mem>>)
      %dma_wait3A = tpu.memref_slice %arg6[%multiple_of3A] : memref<327680xf32, #tpu.memory_space<hbm>> -> memref<10240xf32, #tpu.memory_space<hbm>>
      %dma_wait3A_18 = tpu.memref_slice %arg6[%multiple_of3A] : memref<327680xf32, #tpu.memory_space<hbm>> -> memref<10240xf32, #tpu.memory_space<hbm>>
      tpu.wait_dma2 semaphore(%run_scoped3A : memref<!tpu.dma_semaphore, #tpu.memory_space<semaphore_mem>>) src(%dma_wait3A_18 : memref<10240xf32, #tpu.memory_space<hbm>>) dst(%arg9 : memref<10240xf32, #tpu.memory_space<vmem>>)
      tpu.yield
    }) : () -> ()
    %broadcast_in_dim3A = arith.constant 0.000000e+00 : f32
    %broadcast_in_dim3A_5 = vector.broadcast %broadcast_in_dim3A : f32 to vector<16xf32>
    %scan3A = arith.constant 0 : i32
    %scan3A_6 = arith.constant 0 : i32
    %scan3A_7 = arith.constant 320 : i32
    %scan3A_8 = arith.addi %scan3A_6, %scan3A_7 : i32
    %scan3A_9 = arith.constant 1 : i32
    scf.for %scan3A_17 = %scan3A_6 to %scan3A_8 step %scan3A_9  : i32 {
      %swap3A = arith.index_cast %scan3A_17 : i32 to index
      %swap3A_18 = arith.constant 0 : index
      %swap3A_19 = tpu.vector_load %arg8[%swap3A, %swap3A_18] {strides = array<i32>} : memref<320x128xf32, #tpu.memory_space<vmem>>, vector<16xf32>,
      tpu.vector_store %arg8[%swap3A, %swap3A_18], %broadcast_in_dim3A_5 {strides = array<i32>} : memref<320x128xf32, #tpu.memory_space<vmem>>, vector<16xf32>,
      %swap3A_20 = arith.index_cast %scan3A_17 : i32 to index
      %swap3A_21 = arith.constant 16 : index
      %swap3A_22 = tpu.vector_load %arg8[%swap3A_20, %swap3A_21] {strides = array<i32>} : memref<320x128xf32, #tpu.memory_space<vmem>>, vector<16xf32>,
      tpu.vector_store %arg8[%swap3A_20, %swap3A_21], %broadcast_in_dim3A_5 {strides = array<i32>} : memref<320x128xf32, #tpu.memory_space<vmem>>, vector<16xf32>,
      %swap3A_23 = arith.index_cast %scan3A_17 : i32 to index
      %swap3A_24 = arith.constant 32 : index
      %swap3A_25 = tpu.vector_load %arg8[%swap3A_23, %swap3A_24] {strides = array<i32>} : memref<320x128xf32, #tpu.memory_space<vmem>>, vector<16xf32>,
      tpu.vector_store %arg8[%swap3A_23, %swap3A_24], %broadcast_in_dim3A_5 {strides = array<i32>} : memref<320x128xf32, #tpu.memory_space<vmem>>, vector<16xf32>,
      %swap3A_26 = arith.index_cast %scan3A_17 : i32 to index
      %swap3A_27 = arith.constant 48 : index
      %swap3A_28 = tpu.vector_load %arg8[%swap3A_26, %swap3A_27] {strides = array<i32>} : memref<320x128xf32, #tpu.memory_space<vmem>>, vector<16xf32>,
      tpu.vector_store %arg8[%swap3A_26, %swap3A_27], %broadcast_in_dim3A_5 {strides = array<i32>} : memref<320x128xf32, #tpu.memory_space<vmem>>, vector<16xf32>,
      %swap3A_29 = arith.index_cast %scan3A_17 : i32 to index
      %swap3A_30 = arith.constant 64 : index
      %swap3A_31 = tpu.vector_load %arg8[%swap3A_29, %swap3A_30] {strides = array<i32>} : memref<320x128xf32, #tpu.memory_space<vmem>>, vector<16xf32>,
      tpu.vector_store %arg8[%swap3A_29, %swap3A_30], %broadcast_in_dim3A_5 {strides = array<i32>} : memref<320x128xf32, #tpu.memory_space<vmem>>, vector<16xf32>,
      %swap3A_32 = arith.index_cast %scan3A_17 : i32 to index
      %swap3A_33 = arith.constant 80 : index
      %swap3A_34 = tpu.vector_load %arg8[%swap3A_32, %swap3A_33] {strides = array<i32>} : memref<320x128xf32, #tpu.memory_space<vmem>>, vector<16xf32>,
      tpu.vector_store %arg8[%swap3A_32, %swap3A_33], %broadcast_in_dim3A_5 {strides = array<i32>} : memref<320x128xf32, #tpu.memory_space<vmem>>, vector<16xf32>,
      %swap3A_35 = arith.index_cast %scan3A_17 : i32 to index
      %swap3A_36 = arith.constant 96 : index
      %swap3A_37 = tpu.vector_load %arg8[%swap3A_35, %swap3A_36] {strides = array<i32>} : memref<320x128xf32, #tpu.memory_space<vmem>>, vector<16xf32>,
      tpu.vector_store %arg8[%swap3A_35, %swap3A_36], %broadcast_in_dim3A_5 {strides = array<i32>} : memref<320x128xf32, #tpu.memory_space<vmem>>, vector<16xf32>,
      %swap3A_38 = arith.index_cast %scan3A_17 : i32 to index
      %swap3A_39 = arith.constant 112 : index
      %swap3A_40 = tpu.vector_load %arg8[%swap3A_38, %swap3A_39] {strides = array<i32>} : memref<320x128xf32, #tpu.memory_space<vmem>>, vector<16xf32>,
      tpu.vector_store %arg8[%swap3A_38, %swap3A_39], %broadcast_in_dim3A_5 {strides = array<i32>} : memref<320x128xf32, #tpu.memory_space<vmem>>, vector<16xf32>,
    }
    %scan3A_10 = arith.constant 320 : i32
    %scan3A_11 = arith.constant 0 : i32
    %scan3A_12 = arith.constant 0 : i32
    %scan3A_13 = arith.constant 32 : i32
    %scan3A_14 = arith.addi %scan3A_12, %scan3A_13 : i32
    %scan3A_15 = arith.constant 1 : i32
    scf.for %scan3A_17 = %scan3A_12 to %scan3A_14 step %scan3A_15  : i32 {
      %mul3A_18 = arith.constant 32 : i32
      %mul3A_19 = arith.muli %scan3A_17, %mul3A_18 : i32
      %add3A_20 = arith.addi %mul3A_19, %add3A : i32
      %get3A = arith.index_cast %add3A_20 : i32 to index
      %get3A_21 = tpu.vector_load %arg10[%get3A] {strides = array<i32>} : memref<1040xi32, #tpu.memory_space<vmem>>, vector<16xi32>,
      %slice3A = vector.extract_strided_slice %get3A_21 {offsets = [0], sizes = [1], strides = [1]} : vector<16xi32> to vector<1xi32>
      %squeeze3A = vector.extract %slice3A[0] : i32 from vector<1xi32>
      %mul3A_22 = arith.constant 32 : i32
      %mul3A_23 = arith.muli %scan3A_17, %mul3A_22 : i32
      %add3A_24 = arith.addi %mul3A_23, %add3A : i32
      %get3A_25 = arith.index_cast %add3A_24 : i32 to index
      %get3A_26 = tpu.vector_load %arg11[%get3A_25] {strides = array<i32>} : memref<1040xi32, #tpu.memory_space<vmem>>, vector<16xi32>,
      %slice3A_27 = vector.extract_strided_slice %get3A_26 {offsets = [0], sizes = [1], strides = [1]} : vector<16xi32> to vector<1xi32>
      %squeeze3A_28 = vector.extract %slice3A_27[0] : i32 from vector<1xi32>
      %mul3A_29 = arith.constant 10240 : i32
      %mul3A_30 = arith.muli %scan3A_17, %mul3A_29 : i32
      %add3A_31 = arith.addi %mul3A_30, %squeeze3A_28 : i32
      %add3A_32 = arith.constant 47 : i32
      %add3A_33 = arith.addi %squeeze3A, %add3A_32 : i32
      %jit3A = arith.constant 48 : i32
      %div3A = arith.divsi %add3A_33, %jit3A : i32
      %sign3A = arith.constant 0 : i32
      %sign3A_34 = arith.cmpi sgt, %add3A_33, %sign3A : i32
      %sign3A_35 = arith.extui %sign3A_34 : i1 to i32
      %sign3A_36 = arith.constant 0 : i32
      %sign3A_37 = arith.cmpi slt, %add3A_33, %sign3A_36 : i32
      %sign3A_38 = arith.extui %sign3A_37 : i1 to i32
      %sign3A_39 = arith.subi %sign3A_35, %sign3A_38 : i32
      %sign3A_40 = arith.constant 0 : i32
      %sign3A_41 = arith.cmpi sgt, %jit3A, %sign3A_40 : i32
      %sign3A_42 = arith.extui %sign3A_41 : i1 to i32
      %sign3A_43 = arith.constant 0 : i32
      %sign3A_44 = arith.cmpi slt, %jit3A, %sign3A_43 : i32
      %sign3A_45 = arith.extui %sign3A_44 : i1 to i32
      %sign3A_46 = arith.subi %sign3A_42, %sign3A_45 : i32
      %ne3A = arith.cmpi ne, %sign3A_39, %sign3A_46 : i32
      %rem3A = arith.remsi %add3A_33, %jit3A : i32
      %ne3A_47 = arith.constant 0 : i32
      %ne3A_48 = arith.cmpi ne, %rem3A, %ne3A_47 : i32
      %and3A = arith.andi %ne3A, %ne3A_48 : i1
      %sub3A = arith.constant 1 : i32
      %sub3A_49 = arith.subi %div3A, %sub3A : i32
      %select_n3A = arith.select %and3A, %sub3A_49, %div3A : i32
      %while3A = arith.constant 0 : i32
      %while3A_50 = arith.constant 0 : i32
      %while3A_51 = arith.subi %select_n3A, %while3A_50 : i32
      %while3A_52 = arith.addi %while3A_50, %while3A_51 : i32
      %while3A_53 = arith.constant 1 : i32
      %while3A_54 = arith.divsi %while3A_51, %while3A_53 : i32
      %while3A_55 = arith.muli %while3A_54, %while3A_53 : i32
      %while3A_56 = arith.addi %while3A_50, %while3A_55 : i32
      %while3A_57 = arith.constant 1 : i32
      scf.for %while3A_59 = %while3A_50 to %while3A_56 step %while3A_57  : i32 {
        %mul3A_60 = arith.constant 48 : i32
        %mul3A_61 = arith.muli %while3A_59, %mul3A_60 : i32
        %add3A_62 = arith.addi %add3A_31, %mul3A_61 : i32
        %multiple_of3A_63 = tpu.assume_multiple %add3A_62, 8 : i32
        "tpu.region"() ({
          %run_scoped3A = tpu.sem_alloc : memref<!tpu.dma_semaphore, #tpu.memory_space<semaphore_mem>>
          %dma_start3A_139 = tpu.memref_slice %arg2[%multiple_of3A_63] : memref<327808xi32, #tpu.memory_space<hbm>> -> memref<48xi32, #tpu.memory_space<hbm>>
          %dma_start3A_140 = tpu.memref_slice %arg2[%multiple_of3A_63] : memref<327808xi32, #tpu.memory_space<hbm>> -> memref<48xi32, #tpu.memory_space<hbm>>
          tpu.enqueue_dma source(%dma_start3A_140 : memref<48xi32, #tpu.memory_space<hbm>>) target(%arg12 : memref<48xi32, #tpu.memory_space<vmem>>) target_semaphore(%run_scoped3A : memref<!tpu.dma_semaphore, #tpu.memory_space<semaphore_mem>>)
          %dma_wait3A_141 = tpu.memref_slice %arg2[%multiple_of3A_63] : memref<327808xi32, #tpu.memory_space<hbm>> -> memref<48xi32, #tpu.memory_space<hbm>>
          %dma_wait3A_142 = tpu.memref_slice %arg2[%multiple_of3A_63] : memref<327808xi32, #tpu.memory_space<hbm>> -> memref<48xi32, #tpu.memory_space<hbm>>
          tpu.wait_dma2 semaphore(%run_scoped3A : memref<!tpu.dma_semaphore, #tpu.memory_space<semaphore_mem>>) src(%dma_wait3A_142 : memref<48xi32, #tpu.memory_space<hbm>>) dst(%arg12 : memref<48xi32, #tpu.memory_space<vmem>>)
          tpu.yield
        }) : () -> ()
        %get3A_64 = arith.constant 0 : index
        %get3A_65 = tpu.vector_load %arg12[%get3A_64] {strides = array<i32>} : memref<48xi32, #tpu.memory_space<vmem>>, vector<16xi32>,
        %shift_right_arithmetic3A = arith.constant 14 : i32
        %shift_right_arithmetic3A_66 = vector.broadcast %shift_right_arithmetic3A : i32 to vector<16xi32>
        %shift_right_arithmetic3A_67 = arith.shrsi %get3A_65, %shift_right_arithmetic3A_66 : vector<16xi32>
        %jit3A_68 = arith.constant 0 : i32
        %jit3A_69 = arith.constant 10239 : i32
        %max3A = vector.broadcast %jit3A_68 : i32 to vector<16xi32>
        %max3A_70 = arith.maxsi %max3A, %shift_right_arithmetic3A_67 : vector<16xi32>
        %min3A = vector.broadcast %jit3A_69 : i32 to vector<16xi32>
        %min3A_71 = arith.minsi %min3A, %max3A_70 : vector<16xi32>
        %swap3A = arith.constant 0 : index
        %swap3A_72 = tpu.vector_load %arg13[%swap3A] {strides = array<i32>} : memref<48xi32, #tpu.memory_space<vmem>>, vector<16xi32>,
        tpu.vector_store %arg13[%swap3A], %min3A_71 {strides = array<i32>} : memref<48xi32, #tpu.memory_space<vmem>>, vector<16xi32>,
        %and3A_73 = arith.constant 16383 : i32
        %and3A_74 = vector.broadcast %and3A_73 : i32 to vector<16xi32>
        %and3A_75 = arith.andi %get3A_65, %and3A_74 : vector<16xi32>
        %sub3A_76 = vector.broadcast %mul3A_2 : i32 to vector<16xi32>
        %sub3A_77 = arith.subi %and3A_75, %sub3A_76 : vector<16xi32>
        %swap3A_78 = arith.constant 0 : index
        %swap3A_79 = tpu.vector_load %arg14[%swap3A_78] {strides = array<i32>} : memref<64xi32, #tpu.memory_space<vmem>>, vector<16xi32>,
        tpu.vector_store %arg14[%swap3A_78], %sub3A_77 {strides = array<i32>} : memref<64xi32, #tpu.memory_space<vmem>>, vector<16xi32>,
        %get3A_80 = arith.constant 16 : index
        %get3A_81 = tpu.vector_load %arg12[%get3A_80] {strides = array<i32>} : memref<48xi32, #tpu.memory_space<vmem>>, vector<16xi32>,
        %shift_right_arithmetic3A_82 = arith.constant 14 : i32
        %shift_right_arithmetic3A_83 = vector.broadcast %shift_right_arithmetic3A_82 : i32 to vector<16xi32>
        %shift_right_arithmetic3A_84 = arith.shrsi %get3A_81, %shift_right_arithmetic3A_83 : vector<16xi32>
        %jit3A_85 = arith.constant 0 : i32
        %jit3A_86 = arith.constant 10239 : i32
        %max3A_87 = vector.broadcast %jit3A_85 : i32 to vector<16xi32>
        %max3A_88 = arith.maxsi %max3A_87, %shift_right_arithmetic3A_84 : vector<16xi32>
        %min3A_89 = vector.broadcast %jit3A_86 : i32 to vector<16xi32>
        %min3A_90 = arith.minsi %min3A_89, %max3A_88 : vector<16xi32>
        %swap3A_91 = arith.constant 16 : index
        %swap3A_92 = tpu.vector_load %arg13[%swap3A_91] {strides = array<i32>} : memref<48xi32, #tpu.memory_space<vmem>>, vector<16xi32>,
        tpu.vector_store %arg13[%swap3A_91], %min3A_90 {strides = array<i32>} : memref<48xi32, #tpu.memory_space<vmem>>, vector<16xi32>,
        %and3A_93 = arith.constant 16383 : i32
        %and3A_94 = vector.broadcast %and3A_93 : i32 to vector<16xi32>
        %and3A_95 = arith.andi %get3A_81, %and3A_94 : vector<16xi32>
        %sub3A_96 = vector.broadcast %mul3A_2 : i32 to vector<16xi32>
        %sub3A_97 = arith.subi %and3A_95, %sub3A_96 : vector<16xi32>
        %swap3A_98 = arith.constant 16 : index
        %swap3A_99 = tpu.vector_load %arg14[%swap3A_98] {strides = array<i32>} : memref<64xi32, #tpu.memory_space<vmem>>, vector<16xi32>,
        tpu.vector_store %arg14[%swap3A_98], %sub3A_97 {strides = array<i32>} : memref<64xi32, #tpu.memory_space<vmem>>, vector<16xi32>,
        %get3A_100 = arith.constant 32 : index
        %get3A_101 = tpu.vector_load %arg12[%get3A_100] {strides = array<i32>} : memref<48xi32, #tpu.memory_space<vmem>>, vector<16xi32>,
        %shift_right_arithmetic3A_102 = arith.constant 14 : i32
        %shift_right_arithmetic3A_103 = vector.broadcast %shift_right_arithmetic3A_102 : i32 to vector<16xi32>
        %shift_right_arithmetic3A_104 = arith.shrsi %get3A_101, %shift_right_arithmetic3A_103 : vector<16xi32>
        %jit3A_105 = arith.constant 0 : i32
        %jit3A_106 = arith.constant 10239 : i32
        %max3A_107 = vector.broadcast %jit3A_105 : i32 to vector<16xi32>
        %max3A_108 = arith.maxsi %max3A_107, %shift_right_arithmetic3A_104 : vector<16xi32>
        %min3A_109 = vector.broadcast %jit3A_106 : i32 to vector<16xi32>
        %min3A_110 = arith.minsi %min3A_109, %max3A_108 : vector<16xi32>
        %swap3A_111 = arith.constant 32 : index
        %swap3A_112 = tpu.vector_load %arg13[%swap3A_111] {strides = array<i32>} : memref<48xi32, #tpu.memory_space<vmem>>, vector<16xi32>,
        tpu.vector_store %arg13[%swap3A_111], %min3A_110 {strides = array<i32>} : memref<48xi32, #tpu.memory_space<vmem>>, vector<16xi32>,
        %and3A_113 = arith.constant 16383 : i32
        %and3A_114 = vector.broadcast %and3A_113 : i32 to vector<16xi32>
        %and3A_115 = arith.andi %get3A_101, %and3A_114 : vector<16xi32>
        %sub3A_116 = vector.broadcast %mul3A_2 : i32 to vector<16xi32>
        %sub3A_117 = arith.subi %and3A_115, %sub3A_116 : vector<16xi32>
        %swap3A_118 = arith.constant 32 : index
        %swap3A_119 = tpu.vector_load %arg14[%swap3A_118] {strides = array<i32>} : memref<64xi32, #tpu.memory_space<vmem>>, vector<16xi32>,
        tpu.vector_store %arg14[%swap3A_118], %sub3A_117 {strides = array<i32>} : memref<64xi32, #tpu.memory_space<vmem>>, vector<16xi32>,
        %dma_start3A = arith.constant 0 : i32
        %dma_start3A_120 = arith.constant 0 : i32
        %dma_start3A_121 = tpu.memref_slice %arg5[%dma_start3A, %dma_start3A_120] : memref<10240x1152xf32, #tpu.memory_space<hbm>> -> memref<10240x1152xf32, #tpu.memory_space<hbm>>
        tpu.enqueue_indirect_dma source(%dma_start3A_121 : memref<10240x1152xf32, #tpu.memory_space<hbm>>) target(%arg15 : memref<48x1152xf32, #tpu.memory_space<vmem>>) offsets(%arg13 : memref<48xi32, #tpu.memory_space<vmem>>) semaphore(%arg16 : memref<!tpu.dma_semaphore, #tpu.memory_space<semaphore_mem>>)
        %dma_wait3A = arith.constant 0 : i32
        %dma_wait3A_122 = arith.constant 0 : i32
        %dma_wait3A_123 = tpu.memref_slice %arg5[%dma_wait3A, %dma_wait3A_122] : memref<10240x1152xf32, #tpu.memory_space<hbm>> -> memref<10240x1152xf32, #tpu.memory_space<hbm>>
        tpu.wait_indirect_dma semaphore(%arg16 : memref<!tpu.dma_semaphore, #tpu.memory_space<semaphore_mem>>) src(%dma_wait3A_123 : memref<10240x1152xf32, #tpu.memory_space<hbm>>) dst(%arg15 : memref<48x1152xf32, #tpu.memory_space<vmem>>)
        %mul3A_124 = arith.constant 48 : i32
        %mul3A_125 = arith.muli %while3A_59, %mul3A_124 : i32
        %sub3A_126 = arith.subi %squeeze3A, %mul3A_125 : i32
        %min3A_127 = arith.constant 48 : i32
        %min3A_128 = arith.minsi %min3A_127, %sub3A_126 : i32
        %while3A_129 = arith.constant 0 : i32
        %while3A_130 = arith.constant 0 : i32
        %while3A_131 = arith.subi %min3A_128, %while3A_130 : i32
        %while3A_132 = arith.addi %while3A_130, %while3A_131 : i32
        %while3A_133 = arith.constant 1 : i32
        %while3A_134 = arith.divsi %while3A_131, %while3A_133 : i32
        %while3A_135 = arith.muli %while3A_134, %while3A_133 : i32
        %while3A_136 = arith.addi %while3A_130, %while3A_135 : i32
        %while3A_137 = arith.constant 1 : i32
        scf.for %while3A_139 = %while3A_130 to %while3A_136 step %while3A_137  : i32 {
          %get3A_140 = arith.index_cast %while3A_139 : i32 to index
          %get3A_141 = tpu.vector_load %arg14[%get3A_140] {strides = array<i32>} : memref<64xi32, #tpu.memory_space<vmem>>, vector<16xi32>,
          %slice3A_142 = vector.extract_strided_slice %get3A_141 {offsets = [0], sizes = [1], strides = [1]} : vector<16xi32> to vector<1xi32>
          %squeeze3A_143 = vector.extract %slice3A_142[0] : i32 from vector<1xi32>
          %get3A_144 = arith.index_cast %while3A_139 : i32 to index
          %get3A_145 = arith.constant 0 : index
          %get3A_146 = tpu.vector_load %arg15[%get3A_144, %get3A_145] {strides = array<i32>} : memref<48x1152xf32, #tpu.memory_space<vmem>>, vector<16xf32>,
          %mul3A_147 = arith.constant 32 : i32
          %mul3A_148 = arith.muli %squeeze3A_143, %mul3A_147 : i32
          %get3A_149 = arith.index_cast %mul3A_148 : i32 to index
          %get3A_150 = tpu.vector_load %arg9[%get3A_149] {strides = array<i32>} : memref<10240xf32, #tpu.memory_space<vmem>>, vector<16xf32>,
          %add3A_151 = arith.addf %get3A_146, %get3A_150 : vector<16xf32>
          %mul3A_152 = arith.constant 2.000000e-01 : f32
          %mul3A_153 = vector.broadcast %mul3A_152 : f32 to vector<16xf32>
          %mul3A_154 = arith.mulf %mul3A_153, %add3A_151 : vector<16xf32>
          %max3A_155 = arith.maximumf %add3A_151, %mul3A_154 : vector<16xf32>
          %exp3A = math.exp %max3A_155 : vector<16xf32>
          %mul3A_156 = arith.constant 32 : i32
          %mul3A_157 = arith.muli %squeeze3A_143, %mul3A_156 : i32
          %add3A_158 = arith.constant 16 : i32
          %add3A_159 = arith.addi %mul3A_157, %add3A_158 : i32
          %get3A_160 = arith.index_cast %add3A_159 : i32 to index
          %get3A_161 = tpu.vector_load %arg9[%get3A_160] {strides = array<i32>} : memref<10240xf32, #tpu.memory_space<vmem>>, vector<16xf32>,
          %mul3A_162 = arith.mulf %exp3A, %get3A_161 : vector<16xf32>
          %slice3A_163 = vector.extract_strided_slice %mul3A_162 {offsets = [0], sizes = [1], strides = [1]} : vector<16xf32> to vector<1xf32>
          %squeeze3A_164 = vector.extract %slice3A_163[0] : f32 from vector<1xf32>
          %slice3A_165 = vector.extract_strided_slice %mul3A_162 {offsets = [1], sizes = [1], strides = [1]} : vector<16xf32> to vector<1xf32>
          %squeeze3A_166 = vector.extract %slice3A_165[0] : f32 from vector<1xf32>
          %slice3A_167 = vector.extract_strided_slice %mul3A_162 {offsets = [2], sizes = [1], strides = [1]} : vector<16xf32> to vector<1xf32>
          %squeeze3A_168 = vector.extract %slice3A_167[0] : f32 from vector<1xf32>
          %slice3A_169 = vector.extract_strided_slice %mul3A_162 {offsets = [3], sizes = [1], strides = [1]} : vector<16xf32> to vector<1xf32>
          %squeeze3A_170 = vector.extract %slice3A_169[0] : f32 from vector<1xf32>
          %slice3A_171 = vector.extract_strided_slice %mul3A_162 {offsets = [4], sizes = [1], strides = [1]} : vector<16xf32> to vector<1xf32>
          %squeeze3A_172 = vector.extract %slice3A_171[0] : f32 from vector<1xf32>
          %slice3A_173 = vector.extract_strided_slice %mul3A_162 {offsets = [5], sizes = [1], strides = [1]} : vector<16xf32> to vector<1xf32>
          %squeeze3A_174 = vector.extract %slice3A_173[0] : f32 from vector<1xf32>
          %slice3A_175 = vector.extract_strided_slice %mul3A_162 {offsets = [6], sizes = [1], strides = [1]} : vector<16xf32> to vector<1xf32>
          %squeeze3A_176 = vector.extract %slice3A_175[0] : f32 from vector<1xf32>
          %slice3A_177 = vector.extract_strided_slice %mul3A_162 {offsets = [7], sizes = [1], strides = [1]} : vector<16xf32> to vector<1xf32>
          %squeeze3A_178 = vector.extract %slice3A_177[0] : f32 from vector<1xf32>
          %get3A_179 = arith.index_cast %squeeze3A_143 : i32 to index
          %get3A_180 = arith.constant 0 : index
          %get3A_181 = tpu.vector_load %arg8[%get3A_179, %get3A_180] {strides = array<i32>} : memref<320x128xf32, #tpu.memory_space<vmem>>, vector<16xf32>,
          %get3A_182 = arith.index_cast %while3A_139 : i32 to index
          %get3A_183 = arith.constant 16 : index
          %get3A_184 = tpu.vector_load %arg15[%get3A_182, %get3A_183] {strides = array<i32>} : memref<48x1152xf32, #tpu.memory_space<vmem>>, vector<16xf32>,
          %mul3A_185 = vector.broadcast %squeeze3A_164 : f32 to vector<16xf32>
          %mul3A_186 = arith.mulf %mul3A_185, %get3A_184 : vector<16xf32>
          %add3A_187 = arith.addf %get3A_181, %mul3A_186 : vector<16xf32>
          %get3A_188 = arith.index_cast %while3A_139 : i32 to index
          %get3A_189 = arith.constant 144 : index
          %get3A_190 = tpu.vector_load %arg15[%get3A_188, %get3A_189] {strides = array<i32>} : memref<48x1152xf32, #tpu.memory_space<vmem>>, vector<16xf32>,
          %mul3A_191 = vector.broadcast %squeeze3A_166 : f32 to vector<16xf32>
          %mul3A_192 = arith.mulf %mul3A_191, %get3A_190 : vector<16xf32>
          %add3A_193 = arith.addf %add3A_187, %mul3A_192 : vector<16xf32>
          %get3A_194 = arith.index_cast %while3A_139 : i32 to index
          %get3A_195 = arith.constant 272 : index
          %get3A_196 = tpu.vector_load %arg15[%get3A_194, %get3A_195] {strides = array<i32>} : memref<48x1152xf32, #tpu.memory_space<vmem>>, vector<16xf32>,
          %mul3A_197 = vector.broadcast %squeeze3A_168 : f32 to vector<16xf32>
          %mul3A_198 = arith.mulf %mul3A_197, %get3A_196 : vector<16xf32>
          %add3A_199 = arith.addf %add3A_193, %mul3A_198 : vector<16xf32>
          %get3A_200 = arith.index_cast %while3A_139 : i32 to index
          %get3A_201 = arith.constant 400 : index
          %get3A_202 = tpu.vector_load %arg15[%get3A_200, %get3A_201] {strides = array<i32>} : memref<48x1152xf32, #tpu.memory_space<vmem>>, vector<16xf32>,
          %mul3A_203 = vector.broadcast %squeeze3A_170 : f32 to vector<16xf32>
          %mul3A_204 = arith.mulf %mul3A_203, %get3A_202 : vector<16xf32>
          %add3A_205 = arith.addf %add3A_199, %mul3A_204 : vector<16xf32>
          %get3A_206 = arith.index_cast %while3A_139 : i32 to index
          %get3A_207 = arith.constant 528 : index
          %get3A_208 = tpu.vector_load %arg15[%get3A_206, %get3A_207] {strides = array<i32>} : memref<48x1152xf32, #tpu.memory_space<vmem>>, vector<16xf32>,
          %mul3A_209 = vector.broadcast %squeeze3A_172 : f32 to vector<16xf32>
          %mul3A_210 = arith.mulf %mul3A_209, %get3A_208 : vector<16xf32>
          %add3A_211 = arith.addf %add3A_205, %mul3A_210 : vector<16xf32>
          %get3A_212 = arith.index_cast %while3A_139 : i32 to index
          %get3A_213 = arith.constant 656 : index
          %get3A_214 = tpu.vector_load %arg15[%get3A_212, %get3A_213] {strides = array<i32>} : memref<48x1152xf32, #tpu.memory_space<vmem>>, vector<16xf32>,
          %mul3A_215 = vector.broadcast %squeeze3A_174 : f32 to vector<16xf32>
          %mul3A_216 = arith.mulf %mul3A_215, %get3A_214 : vector<16xf32>
          %add3A_217 = arith.addf %add3A_211, %mul3A_216 : vector<16xf32>
          %get3A_218 = arith.index_cast %while3A_139 : i32 to index
          %get3A_219 = arith.constant 784 : index
          %get3A_220 = tpu.vector_load %arg15[%get3A_218, %get3A_219] {strides = array<i32>} : memref<48x1152xf32, #tpu.memory_space<vmem>>, vector<16xf32>,
          %mul3A_221 = vector.broadcast %squeeze3A_176 : f32 to vector<16xf32>
          %mul3A_222 = arith.mulf %mul3A_221, %get3A_220 : vector<16xf32>
          %add3A_223 = arith.addf %add3A_217, %mul3A_222 : vector<16xf32>
          %get3A_224 = arith.index_cast %while3A_139 : i32 to index
          %get3A_225 = arith.constant 912 : index
          %get3A_226 = tpu.vector_load %arg15[%get3A_224, %get3A_225] {strides = array<i32>} : memref<48x1152xf32, #tpu.memory_space<vmem>>, vector<16xf32>,
          %mul3A_227 = vector.broadcast %squeeze3A_178 : f32 to vector<16xf32>
          %mul3A_228 = arith.mulf %mul3A_227, %get3A_226 : vector<16xf32>
          %add3A_229 = arith.addf %add3A_223, %mul3A_228 : vector<16xf32>
          %swap3A_230 = arith.index_cast %squeeze3A_143 : i32 to index
          %swap3A_231 = arith.constant 0 : index
          %swap3A_232 = tpu.vector_load %arg8[%swap3A_230, %swap3A_231] {strides = array<i32>} : memref<320x128xf32, #tpu.memory_space<vmem>>, vector<16xf32>,
          tpu.vector_store %arg8[%swap3A_230, %swap3A_231], %add3A_229 {strides = array<i32>} : memref<320x128xf32, #tpu.memory_space<vmem>>, vector<16xf32>,
          %get3A_233 = arith.index_cast %squeeze3A_143 : i32 to index
          %get3A_234 = arith.constant 16 : index
          %get3A_235 = tpu.vector_load %arg8[%get3A_233, %get3A_234] {strides = array<i32>} : memref<320x128xf32, #tpu.memory_space<vmem>>, vector<16xf32>,
          %get3A_236 = arith.index_cast %while3A_139 : i32 to index
          %get3A_237 = arith.constant 32 : index
          %get3A_238 = tpu.vector_load %arg15[%get3A_236, %get3A_237] {strides = array<i32>} : memref<48x1152xf32, #tpu.memory_space<vmem>>, vector<16xf32>,
          %mul3A_239 = vector.broadcast %squeeze3A_164 : f32 to vector<16xf32>
          %mul3A_240 = arith.mulf %mul3A_239, %get3A_238 : vector<16xf32>
          %add3A_241 = arith.addf %get3A_235, %mul3A_240 : vector<16xf32>
          %get3A_242 = arith.index_cast %while3A_139 : i32 to index
          %get3A_243 = arith.constant 160 : index
          %get3A_244 = tpu.vector_load %arg15[%get3A_242, %get3A_243] {strides = array<i32>} : memref<48x1152xf32, #tpu.memory_space<vmem>>, vector<16xf32>,
          %mul3A_245 = vector.broadcast %squeeze3A_166 : f32 to vector<16xf32>
          %mul3A_246 = arith.mulf %mul3A_245, %get3A_244 : vector<16xf32>
          %add3A_247 = arith.addf %add3A_241, %mul3A_246 : vector<16xf32>
          %get3A_248 = arith.index_cast %while3A_139 : i32 to index
          %get3A_249 = arith.constant 288 : index
          %get3A_250 = tpu.vector_load %arg15[%get3A_248, %get3A_249] {strides = array<i32>} : memref<48x1152xf32, #tpu.memory_space<vmem>>, vector<16xf32>,
          %mul3A_251 = vector.broadcast %squeeze3A_168 : f32 to vector<16xf32>
          %mul3A_252 = arith.mulf %mul3A_251, %get3A_250 : vector<16xf32>
          %add3A_253 = arith.addf %add3A_247, %mul3A_252 : vector<16xf32>
          %get3A_254 = arith.index_cast %while3A_139 : i32 to index
          %get3A_255 = arith.constant 416 : index
          %get3A_256 = tpu.vector_load %arg15[%get3A_254, %get3A_255] {strides = array<i32>} : memref<48x1152xf32, #tpu.memory_space<vmem>>, vector<16xf32>,
          %mul3A_257 = vector.broadcast %squeeze3A_170 : f32 to vector<16xf32>
          %mul3A_258 = arith.mulf %mul3A_257, %get3A_256 : vector<16xf32>
          %add3A_259 = arith.addf %add3A_253, %mul3A_258 : vector<16xf32>
          %get3A_260 = arith.index_cast %while3A_139 : i32 to index
          %get3A_261 = arith.constant 544 : index
          %get3A_262 = tpu.vector_load %arg15[%get3A_260, %get3A_261] {strides = array<i32>} : memref<48x1152xf32, #tpu.memory_space<vmem>>, vector<16xf32>,
          %mul3A_263 = vector.broadcast %squeeze3A_172 : f32 to vector<16xf32>
          %mul3A_264 = arith.mulf %mul3A_263, %get3A_262 : vector<16xf32>
          %add3A_265 = arith.addf %add3A_259, %mul3A_264 : vector<16xf32>
          %get3A_266 = arith.index_cast %while3A_139 : i32 to index
          %get3A_267 = arith.constant 672 : index
          %get3A_268 = tpu.vector_load %arg15[%get3A_266, %get3A_267] {strides = array<i32>} : memref<48x1152xf32, #tpu.memory_space<vmem>>, vector<16xf32>,
          %mul3A_269 = vector.broadcast %squeeze3A_174 : f32 to vector<16xf32>
          %mul3A_270 = arith.mulf %mul3A_269, %get3A_268 : vector<16xf32>
          %add3A_271 = arith.addf %add3A_265, %mul3A_270 : vector<16xf32>
          %get3A_272 = arith.index_cast %while3A_139 : i32 to index
          %get3A_273 = arith.constant 800 : index
          %get3A_274 = tpu.vector_load %arg15[%get3A_272, %get3A_273] {strides = array<i32>} : memref<48x1152xf32, #tpu.memory_space<vmem>>, vector<16xf32>,
          %mul3A_275 = vector.broadcast %squeeze3A_176 : f32 to vector<16xf32>
          %mul3A_276 = arith.mulf %mul3A_275, %get3A_274 : vector<16xf32>
          %add3A_277 = arith.addf %add3A_271, %mul3A_276 : vector<16xf32>
          %get3A_278 = arith.index_cast %while3A_139 : i32 to index
          %get3A_279 = arith.constant 928 : index
          %get3A_280 = tpu.vector_load %arg15[%get3A_278, %get3A_279] {strides = array<i32>} : memref<48x1152xf32, #tpu.memory_space<vmem>>, vector<16xf32>,
          %mul3A_281 = vector.broadcast %squeeze3A_178 : f32 to vector<16xf32>
          %mul3A_282 = arith.mulf %mul3A_281, %get3A_280 : vector<16xf32>
          %add3A_283 = arith.addf %add3A_277, %mul3A_282 : vector<16xf32>
          %swap3A_284 = arith.index_cast %squeeze3A_143 : i32 to index
          %swap3A_285 = arith.constant 16 : index
          %swap3A_286 = tpu.vector_load %arg8[%swap3A_284, %swap3A_285] {strides = array<i32>} : memref<320x128xf32, #tpu.memory_space<vmem>>, vector<16xf32>,
          tpu.vector_store %arg8[%swap3A_284, %swap3A_285], %add3A_283 {strides = array<i32>} : memref<320x128xf32, #tpu.memory_space<vmem>>, vector<16xf32>,
          %get3A_287 = arith.index_cast %squeeze3A_143 : i32 to index
          %get3A_288 = arith.constant 32 : index
          %get3A_289 = tpu.vector_load %arg8[%get3A_287, %get3A_288] {strides = array<i32>} : memref<320x128xf32, #tpu.memory_space<vmem>>, vector<16xf32>,
          %get3A_290 = arith.index_cast %while3A_139 : i32 to index
          %get3A_291 = arith.constant 48 : index
          %get3A_292 = tpu.vector_load %arg15[%get3A_290, %get3A_291] {strides = array<i32>} : memref<48x1152xf32, #tpu.memory_space<vmem>>, vector<16xf32>,
          %mul3A_293 = vector.broadcast %squeeze3A_164 : f32 to vector<16xf32>
          %mul3A_294 = arith.mulf %mul3A_293, %get3A_292 : vector<16xf32>
          %add3A_295 = arith.addf %get3A_289, %mul3A_294 : vector<16xf32>
          %get3A_296 = arith.index_cast %while3A_139 : i32 to index
          %get3A_297 = arith.constant 176 : index
          %get3A_298 = tpu.vector_load %arg15[%get3A_296, %get3A_297] {strides = array<i32>} : memref<48x1152xf32, #tpu.memory_space<vmem>>, vector<16xf32>,
          %mul3A_299 = vector.broadcast %squeeze3A_166 : f32 to vector<16xf32>
          %mul3A_300 = arith.mulf %mul3A_299, %get3A_298 : vector<16xf32>
          %add3A_301 = arith.addf %add3A_295, %mul3A_300 : vector<16xf32>
          %get3A_302 = arith.index_cast %while3A_139 : i32 to index
          %get3A_303 = arith.constant 304 : index
          %get3A_304 = tpu.vector_load %arg15[%get3A_302, %get3A_303] {strides = array<i32>} : memref<48x1152xf32, #tpu.memory_space<vmem>>, vector<16xf32>,
          %mul3A_305 = vector.broadcast %squeeze3A_168 : f32 to vector<16xf32>
          %mul3A_306 = arith.mulf %mul3A_305, %get3A_304 : vector<16xf32>
          %add3A_307 = arith.addf %add3A_301, %mul3A_306 : vector<16xf32>
          %get3A_308 = arith.index_cast %while3A_139 : i32 to index
          %get3A_309 = arith.constant 432 : index
          %get3A_310 = tpu.vector_load %arg15[%get3A_308, %get3A_309] {strides = array<i32>} : memref<48x1152xf32, #tpu.memory_space<vmem>>, vector<16xf32>,
          %mul3A_311 = vector.broadcast %squeeze3A_170 : f32 to vector<16xf32>
          %mul3A_312 = arith.mulf %mul3A_311, %get3A_310 : vector<16xf32>
          %add3A_313 = arith.addf %add3A_307, %mul3A_312 : vector<16xf32>
          %get3A_314 = arith.index_cast %while3A_139 : i32 to index
          %get3A_315 = arith.constant 560 : index
          %get3A_316 = tpu.vector_load %arg15[%get3A_314, %get3A_315] {strides = array<i32>} : memref<48x1152xf32, #tpu.memory_space<vmem>>, vector<16xf32>,
          %mul3A_317 = vector.broadcast %squeeze3A_172 : f32 to vector<16xf32>
          %mul3A_318 = arith.mulf %mul3A_317, %get3A_316 : vector<16xf32>
          %add3A_319 = arith.addf %add3A_313, %mul3A_318 : vector<16xf32>
          %get3A_320 = arith.index_cast %while3A_139 : i32 to index
          %get3A_321 = arith.constant 688 : index
          %get3A_322 = tpu.vector_load %arg15[%get3A_320, %get3A_321] {strides = array<i32>} : memref<48x1152xf32, #tpu.memory_space<vmem>>, vector<16xf32>,
          %mul3A_323 = vector.broadcast %squeeze3A_174 : f32 to vector<16xf32>
          %mul3A_324 = arith.mulf %mul3A_323, %get3A_322 : vector<16xf32>
          %add3A_325 = arith.addf %add3A_319, %mul3A_324 : vector<16xf32>
          %get3A_326 = arith.index_cast %while3A_139 : i32 to index
          %get3A_327 = arith.constant 816 : index
          %get3A_328 = tpu.vector_load %arg15[%get3A_326, %get3A_327] {strides = array<i32>} : memref<48x1152xf32, #tpu.memory_space<vmem>>, vector<16xf32>,
          %mul3A_329 = vector.broadcast %squeeze3A_176 : f32 to vector<16xf32>
          %mul3A_330 = arith.mulf %mul3A_329, %get3A_328 : vector<16xf32>
          %add3A_331 = arith.addf %add3A_325, %mul3A_330 : vector<16xf32>
          %get3A_332 = arith.index_cast %while3A_139 : i32 to index
          %get3A_333 = arith.constant 944 : index
          %get3A_334 = tpu.vector_load %arg15[%get3A_332, %get3A_333] {strides = array<i32>} : memref<48x1152xf32, #tpu.memory_space<vmem>>, vector<16xf32>,
          %mul3A_335 = vector.broadcast %squeeze3A_178 : f32 to vector<16xf32>
          %mul3A_336 = arith.mulf %mul3A_335, %get3A_334 : vector<16xf32>
          %add3A_337 = arith.addf %add3A_331, %mul3A_336 : vector<16xf32>
          %swap3A_338 = arith.index_cast %squeeze3A_143 : i32 to index
          %swap3A_339 = arith.constant 32 : index
          %swap3A_340 = tpu.vector_load %arg8[%swap3A_338, %swap3A_339] {strides = array<i32>} : memref<320x128xf32, #tpu.memory_space<vmem>>, vector<16xf32>,
          tpu.vector_store %arg8[%swap3A_338, %swap3A_339], %add3A_337 {strides = array<i32>} : memref<320x128xf32, #tpu.memory_space<vmem>>, vector<16xf32>,
          %get3A_341 = arith.index_cast %squeeze3A_143 : i32 to index
          %get3A_342 = arith.constant 48 : index
          %get3A_343 = tpu.vector_load %arg8[%get3A_341, %get3A_342] {strides = array<i32>} : memref<320x128xf32, #tpu.memory_space<vmem>>, vector<16xf32>,
          %get3A_344 = arith.index_cast %while3A_139 : i32 to index
          %get3A_345 = arith.constant 64 : index
          %get3A_346 = tpu.vector_load %arg15[%get3A_344, %get3A_345] {strides = array<i32>} : memref<48x1152xf32, #tpu.memory_space<vmem>>, vector<16xf32>,
          %mul3A_347 = vector.broadcast %squeeze3A_164 : f32 to vector<16xf32>
          %mul3A_348 = arith.mulf %mul3A_347, %get3A_346 : vector<16xf32>
          %add3A_349 = arith.addf %get3A_343, %mul3A_348 : vector<16xf32>
          %get3A_350 = arith.index_cast %while3A_139 : i32 to index
          %get3A_351 = arith.constant 192 : index
          %get3A_352 = tpu.vector_load %arg15[%get3A_350, %get3A_351] {strides = array<i32>} : memref<48x1152xf32, #tpu.memory_space<vmem>>, vector<16xf32>,
          %mul3A_353 = vector.broadcast %squeeze3A_166 : f32 to vector<16xf32>
          %mul3A_354 = arith.mulf %mul3A_353, %get3A_352 : vector<16xf32>
          %add3A_355 = arith.addf %add3A_349, %mul3A_354 : vector<16xf32>
          %get3A_356 = arith.index_cast %while3A_139 : i32 to index
          %get3A_357 = arith.constant 320 : index
          %get3A_358 = tpu.vector_load %arg15[%get3A_356, %get3A_357] {strides = array<i32>} : memref<48x1152xf32, #tpu.memory_space<vmem>>, vector<16xf32>,
          %mul3A_359 = vector.broadcast %squeeze3A_168 : f32 to vector<16xf32>
          %mul3A_360 = arith.mulf %mul3A_359, %get3A_358 : vector<16xf32>
          %add3A_361 = arith.addf %add3A_355, %mul3A_360 : vector<16xf32>
          %get3A_362 = arith.index_cast %while3A_139 : i32 to index
          %get3A_363 = arith.constant 448 : index
          %get3A_364 = tpu.vector_load %arg15[%get3A_362, %get3A_363] {strides = array<i32>} : memref<48x1152xf32, #tpu.memory_space<vmem>>, vector<16xf32>,
          %mul3A_365 = vector.broadcast %squeeze3A_170 : f32 to vector<16xf32>
          %mul3A_366 = arith.mulf %mul3A_365, %get3A_364 : vector<16xf32>
          %add3A_367 = arith.addf %add3A_361, %mul3A_366 : vector<16xf32>
          %get3A_368 = arith.index_cast %while3A_139 : i32 to index
          %get3A_369 = arith.constant 576 : index
          %get3A_370 = tpu.vector_load %arg15[%get3A_368, %get3A_369] {strides = array<i32>} : memref<48x1152xf32, #tpu.memory_space<vmem>>, vector<16xf32>,
          %mul3A_371 = vector.broadcast %squeeze3A_172 : f32 to vector<16xf32>
          %mul3A_372 = arith.mulf %mul3A_371, %get3A_370 : vector<16xf32>
          %add3A_373 = arith.addf %add3A_367, %mul3A_372 : vector<16xf32>
          %get3A_374 = arith.index_cast %while3A_139 : i32 to index
          %get3A_375 = arith.constant 704 : index
          %get3A_376 = tpu.vector_load %arg15[%get3A_374, %get3A_375] {strides = array<i32>} : memref<48x1152xf32, #tpu.memory_space<vmem>>, vector<16xf32>,
          %mul3A_377 = vector.broadcast %squeeze3A_174 : f32 to vector<16xf32>
          %mul3A_378 = arith.mulf %mul3A_377, %get3A_376 : vector<16xf32>
          %add3A_379 = arith.addf %add3A_373, %mul3A_378 : vector<16xf32>
          %get3A_380 = arith.index_cast %while3A_139 : i32 to index
          %get3A_381 = arith.constant 832 : index
          %get3A_382 = tpu.vector_load %arg15[%get3A_380, %get3A_381] {strides = array<i32>} : memref<48x1152xf32, #tpu.memory_space<vmem>>, vector<16xf32>,
          %mul3A_383 = vector.broadcast %squeeze3A_176 : f32 to vector<16xf32>
          %mul3A_384 = arith.mulf %mul3A_383, %get3A_382 : vector<16xf32>
          %add3A_385 = arith.addf %add3A_379, %mul3A_384 : vector<16xf32>
          %get3A_386 = arith.index_cast %while3A_139 : i32 to index
          %get3A_387 = arith.constant 960 : index
          %get3A_388 = tpu.vector_load %arg15[%get3A_386, %get3A_387] {strides = array<i32>} : memref<48x1152xf32, #tpu.memory_space<vmem>>, vector<16xf32>,
          %mul3A_389 = vector.broadcast %squeeze3A_178 : f32 to vector<16xf32>
          %mul3A_390 = arith.mulf %mul3A_389, %get3A_388 : vector<16xf32>
          %add3A_391 = arith.addf %add3A_385, %mul3A_390 : vector<16xf32>
          %swap3A_392 = arith.index_cast %squeeze3A_143 : i32 to index
          %swap3A_393 = arith.constant 48 : index
          %swap3A_394 = tpu.vector_load %arg8[%swap3A_392, %swap3A_393] {strides = array<i32>} : memref<320x128xf32, #tpu.memory_space<vmem>>, vector<16xf32>,
          tpu.vector_store %arg8[%swap3A_392, %swap3A_393], %add3A_391 {strides = array<i32>} : memref<320x128xf32, #tpu.memory_space<vmem>>, vector<16xf32>,
          %get3A_395 = arith.index_cast %squeeze3A_143 : i32 to index
          %get3A_396 = arith.constant 64 : index
          %get3A_397 = tpu.vector_load %arg8[%get3A_395, %get3A_396] {strides = array<i32>} : memref<320x128xf32, #tpu.memory_space<vmem>>, vector<16xf32>,
          %get3A_398 = arith.index_cast %while3A_139 : i32 to index
          %get3A_399 = arith.constant 80 : index
          %get3A_400 = tpu.vector_load %arg15[%get3A_398, %get3A_399] {strides = array<i32>} : memref<48x1152xf32, #tpu.memory_space<vmem>>, vector<16xf32>,
          %mul3A_401 = vector.broadcast %squeeze3A_164 : f32 to vector<16xf32>
          %mul3A_402 = arith.mulf %mul3A_401, %get3A_400 : vector<16xf32>
          %add3A_403 = arith.addf %get3A_397, %mul3A_402 : vector<16xf32>
          %get3A_404 = arith.index_cast %while3A_139 : i32 to index
          %get3A_405 = arith.constant 208 : index
          %get3A_406 = tpu.vector_load %arg15[%get3A_404, %get3A_405] {strides = array<i32>} : memref<48x1152xf32, #tpu.memory_space<vmem>>, vector<16xf32>,
          %mul3A_407 = vector.broadcast %squeeze3A_166 : f32 to vector<16xf32>
          %mul3A_408 = arith.mulf %mul3A_407, %get3A_406 : vector<16xf32>
          %add3A_409 = arith.addf %add3A_403, %mul3A_408 : vector<16xf32>
          %get3A_410 = arith.index_cast %while3A_139 : i32 to index
          %get3A_411 = arith.constant 336 : index
          %get3A_412 = tpu.vector_load %arg15[%get3A_410, %get3A_411] {strides = array<i32>} : memref<48x1152xf32, #tpu.memory_space<vmem>>, vector<16xf32>,
          %mul3A_413 = vector.broadcast %squeeze3A_168 : f32 to vector<16xf32>
          %mul3A_414 = arith.mulf %mul3A_413, %get3A_412 : vector<16xf32>
          %add3A_415 = arith.addf %add3A_409, %mul3A_414 : vector<16xf32>
          %get3A_416 = arith.index_cast %while3A_139 : i32 to index
          %get3A_417 = arith.constant 464 : index
          %get3A_418 = tpu.vector_load %arg15[%get3A_416, %get3A_417] {strides = array<i32>} : memref<48x1152xf32, #tpu.memory_space<vmem>>, vector<16xf32>,
          %mul3A_419 = vector.broadcast %squeeze3A_170 : f32 to vector<16xf32>
          %mul3A_420 = arith.mulf %mul3A_419, %get3A_418 : vector<16xf32>
          %add3A_421 = arith.addf %add3A_415, %mul3A_420 : vector<16xf32>
          %get3A_422 = arith.index_cast %while3A_139 : i32 to index
          %get3A_423 = arith.constant 592 : index
          %get3A_424 = tpu.vector_load %arg15[%get3A_422, %get3A_423] {strides = array<i32>} : memref<48x1152xf32, #tpu.memory_space<vmem>>, vector<16xf32>,
          %mul3A_425 = vector.broadcast %squeeze3A_172 : f32 to vector<16xf32>
          %mul3A_426 = arith.mulf %mul3A_425, %get3A_424 : vector<16xf32>
          %add3A_427 = arith.addf %add3A_421, %mul3A_426 : vector<16xf32>
          %get3A_428 = arith.index_cast %while3A_139 : i32 to index
          %get3A_429 = arith.constant 720 : index
          %get3A_430 = tpu.vector_load %arg15[%get3A_428, %get3A_429] {strides = array<i32>} : memref<48x1152xf32, #tpu.memory_space<vmem>>, vector<16xf32>,
          %mul3A_431 = vector.broadcast %squeeze3A_174 : f32 to vector<16xf32>
          %mul3A_432 = arith.mulf %mul3A_431, %get3A_430 : vector<16xf32>
          %add3A_433 = arith.addf %add3A_427, %mul3A_432 : vector<16xf32>
          %get3A_434 = arith.index_cast %while3A_139 : i32 to index
          %get3A_435 = arith.constant 848 : index
          %get3A_436 = tpu.vector_load %arg15[%get3A_434, %get3A_435] {strides = array<i32>} : memref<48x1152xf32, #tpu.memory_space<vmem>>, vector<16xf32>,
          %mul3A_437 = vector.broadcast %squeeze3A_176 : f32 to vector<16xf32>
          %mul3A_438 = arith.mulf %mul3A_437, %get3A_436 : vector<16xf32>
          %add3A_439 = arith.addf %add3A_433, %mul3A_438 : vector<16xf32>
          %get3A_440 = arith.index_cast %while3A_139 : i32 to index
          %get3A_441 = arith.constant 976 : index
          %get3A_442 = tpu.vector_load %arg15[%get3A_440, %get3A_441] {strides = array<i32>} : memref<48x1152xf32, #tpu.memory_space<vmem>>, vector<16xf32>,
          %mul3A_443 = vector.broadcast %squeeze3A_178 : f32 to vector<16xf32>
          %mul3A_444 = arith.mulf %mul3A_443, %get3A_442 : vector<16xf32>
          %add3A_445 = arith.addf %add3A_439, %mul3A_444 : vector<16xf32>
          %swap3A_446 = arith.index_cast %squeeze3A_143 : i32 to index
          %swap3A_447 = arith.constant 64 : index
          %swap3A_448 = tpu.vector_load %arg8[%swap3A_446, %swap3A_447] {strides = array<i32>} : memref<320x128xf32, #tpu.memory_space<vmem>>, vector<16xf32>,
          tpu.vector_store %arg8[%swap3A_446, %swap3A_447], %add3A_445 {strides = array<i32>} : memref<320x128xf32, #tpu.memory_space<vmem>>, vector<16xf32>,
          %get3A_449 = arith.index_cast %squeeze3A_143 : i32 to index
          %get3A_450 = arith.constant 80 : index
          %get3A_451 = tpu.vector_load %arg8[%get3A_449, %get3A_450] {strides = array<i32>} : memref<320x128xf32, #tpu.memory_space<vmem>>, vector<16xf32>,
          %get3A_452 = arith.index_cast %while3A_139 : i32 to index
          %get3A_453 = arith.constant 96 : index
          %get3A_454 = tpu.vector_load %arg15[%get3A_452, %get3A_453] {strides = array<i32>} : memref<48x1152xf32, #tpu.memory_space<vmem>>, vector<16xf32>,
          %mul3A_455 = vector.broadcast %squeeze3A_164 : f32 to vector<16xf32>
          %mul3A_456 = arith.mulf %mul3A_455, %get3A_454 : vector<16xf32>
          %add3A_457 = arith.addf %get3A_451, %mul3A_456 : vector<16xf32>
          %get3A_458 = arith.index_cast %while3A_139 : i32 to index
          %get3A_459 = arith.constant 224 : index
          %get3A_460 = tpu.vector_load %arg15[%get3A_458, %get3A_459] {strides = array<i32>} : memref<48x1152xf32, #tpu.memory_space<vmem>>, vector<16xf32>,
          %mul3A_461 = vector.broadcast %squeeze3A_166 : f32 to vector<16xf32>
          %mul3A_462 = arith.mulf %mul3A_461, %get3A_460 : vector<16xf32>
          %add3A_463 = arith.addf %add3A_457, %mul3A_462 : vector<16xf32>
          %get3A_464 = arith.index_cast %while3A_139 : i32 to index
          %get3A_465 = arith.constant 352 : index
          %get3A_466 = tpu.vector_load %arg15[%get3A_464, %get3A_465] {strides = array<i32>} : memref<48x1152xf32, #tpu.memory_space<vmem>>, vector<16xf32>,
          %mul3A_467 = vector.broadcast %squeeze3A_168 : f32 to vector<16xf32>
          %mul3A_468 = arith.mulf %mul3A_467, %get3A_466 : vector<16xf32>
          %add3A_469 = arith.addf %add3A_463, %mul3A_468 : vector<16xf32>
          %get3A_470 = arith.index_cast %while3A_139 : i32 to index
          %get3A_471 = arith.constant 480 : index
          %get3A_472 = tpu.vector_load %arg15[%get3A_470, %get3A_471] {strides = array<i32>} : memref<48x1152xf32, #tpu.memory_space<vmem>>, vector<16xf32>,
          %mul3A_473 = vector.broadcast %squeeze3A_170 : f32 to vector<16xf32>
          %mul3A_474 = arith.mulf %mul3A_473, %get3A_472 : vector<16xf32>
          %add3A_475 = arith.addf %add3A_469, %mul3A_474 : vector<16xf32>
          %get3A_476 = arith.index_cast %while3A_139 : i32 to index
          %get3A_477 = arith.constant 608 : index
          %get3A_478 = tpu.vector_load %arg15[%get3A_476, %get3A_477] {strides = array<i32>} : memref<48x1152xf32, #tpu.memory_space<vmem>>, vector<16xf32>,
          %mul3A_479 = vector.broadcast %squeeze3A_172 : f32 to vector<16xf32>
          %mul3A_480 = arith.mulf %mul3A_479, %get3A_478 : vector<16xf32>
          %add3A_481 = arith.addf %add3A_475, %mul3A_480 : vector<16xf32>
          %get3A_482 = arith.index_cast %while3A_139 : i32 to index
          %get3A_483 = arith.constant 736 : index
          %get3A_484 = tpu.vector_load %arg15[%get3A_482, %get3A_483] {strides = array<i32>} : memref<48x1152xf32, #tpu.memory_space<vmem>>, vector<16xf32>,
          %mul3A_485 = vector.broadcast %squeeze3A_174 : f32 to vector<16xf32>
          %mul3A_486 = arith.mulf %mul3A_485, %get3A_484 : vector<16xf32>
          %add3A_487 = arith.addf %add3A_481, %mul3A_486 : vector<16xf32>
          %get3A_488 = arith.index_cast %while3A_139 : i32 to index
          %get3A_489 = arith.constant 864 : index
          %get3A_490 = tpu.vector_load %arg15[%get3A_488, %get3A_489] {strides = array<i32>} : memref<48x1152xf32, #tpu.memory_space<vmem>>, vector<16xf32>,
          %mul3A_491 = vector.broadcast %squeeze3A_176 : f32 to vector<16xf32>
          %mul3A_492 = arith.mulf %mul3A_491, %get3A_490 : vector<16xf32>
          %add3A_493 = arith.addf %add3A_487, %mul3A_492 : vector<16xf32>
          %get3A_494 = arith.index_cast %while3A_139 : i32 to index
          %get3A_495 = arith.constant 992 : index
          %get3A_496 = tpu.vector_load %arg15[%get3A_494, %get3A_495] {strides = array<i32>} : memref<48x1152xf32, #tpu.memory_space<vmem>>, vector<16xf32>,
          %mul3A_497 = vector.broadcast %squeeze3A_178 : f32 to vector<16xf32>
          %mul3A_498 = arith.mulf %mul3A_497, %get3A_496 : vector<16xf32>
          %add3A_499 = arith.addf %add3A_493, %mul3A_498 : vector<16xf32>
          %swap3A_500 = arith.index_cast %squeeze3A_143 : i32 to index
          %swap3A_501 = arith.constant 80 : index
          %swap3A_502 = tpu.vector_load %arg8[%swap3A_500, %swap3A_501] {strides = array<i32>} : memref<320x128xf32, #tpu.memory_space<vmem>>, vector<16xf32>,
          tpu.vector_store %arg8[%swap3A_500, %swap3A_501], %add3A_499 {strides = array<i32>} : memref<320x128xf32, #tpu.memory_space<vmem>>, vector<16xf32>,
          %get3A_503 = arith.index_cast %squeeze3A_143 : i32 to index
          %get3A_504 = arith.constant 96 : index
          %get3A_505 = tpu.vector_load %arg8[%get3A_503, %get3A_504] {strides = array<i32>} : memref<320x128xf32, #tpu.memory_space<vmem>>, vector<16xf32>,
          %get3A_506 = arith.index_cast %while3A_139 : i32 to index
          %get3A_507 = arith.constant 112 : index
          %get3A_508 = tpu.vector_load %arg15[%get3A_506, %get3A_507] {strides = array<i32>} : memref<48x1152xf32, #tpu.memory_space<vmem>>, vector<16xf32>,
          %mul3A_509 = vector.broadcast %squeeze3A_164 : f32 to vector<16xf32>
          %mul3A_510 = arith.mulf %mul3A_509, %get3A_508 : vector<16xf32>
          %add3A_511 = arith.addf %get3A_505, %mul3A_510 : vector<16xf32>
          %get3A_512 = arith.index_cast %while3A_139 : i32 to index
          %get3A_513 = arith.constant 240 : index
          %get3A_514 = tpu.vector_load %arg15[%get3A_512, %get3A_513] {strides = array<i32>} : memref<48x1152xf32, #tpu.memory_space<vmem>>, vector<16xf32>,
          %mul3A_515 = vector.broadcast %squeeze3A_166 : f32 to vector<16xf32>
          %mul3A_516 = arith.mulf %mul3A_515, %get3A_514 : vector<16xf32>
          %add3A_517 = arith.addf %add3A_511, %mul3A_516 : vector<16xf32>
          %get3A_518 = arith.index_cast %while3A_139 : i32 to index
          %get3A_519 = arith.constant 368 : index
          %get3A_520 = tpu.vector_load %arg15[%get3A_518, %get3A_519] {strides = array<i32>} : memref<48x1152xf32, #tpu.memory_space<vmem>>, vector<16xf32>,
          %mul3A_521 = vector.broadcast %squeeze3A_168 : f32 to vector<16xf32>
          %mul3A_522 = arith.mulf %mul3A_521, %get3A_520 : vector<16xf32>
          %add3A_523 = arith.addf %add3A_517, %mul3A_522 : vector<16xf32>
          %get3A_524 = arith.index_cast %while3A_139 : i32 to index
          %get3A_525 = arith.constant 496 : index
          %get3A_526 = tpu.vector_load %arg15[%get3A_524, %get3A_525] {strides = array<i32>} : memref<48x1152xf32, #tpu.memory_space<vmem>>, vector<16xf32>,
          %mul3A_527 = vector.broadcast %squeeze3A_170 : f32 to vector<16xf32>
          %mul3A_528 = arith.mulf %mul3A_527, %get3A_526 : vector<16xf32>
          %add3A_529 = arith.addf %add3A_523, %mul3A_528 : vector<16xf32>
          %get3A_530 = arith.index_cast %while3A_139 : i32 to index
          %get3A_531 = arith.constant 624 : index
          %get3A_532 = tpu.vector_load %arg15[%get3A_530, %get3A_531] {strides = array<i32>} : memref<48x1152xf32, #tpu.memory_space<vmem>>, vector<16xf32>,
          %mul3A_533 = vector.broadcast %squeeze3A_172 : f32 to vector<16xf32>
          %mul3A_534 = arith.mulf %mul3A_533, %get3A_532 : vector<16xf32>
          %add3A_535 = arith.addf %add3A_529, %mul3A_534 : vector<16xf32>
          %get3A_536 = arith.index_cast %while3A_139 : i32 to index
          %get3A_537 = arith.constant 752 : index
          %get3A_538 = tpu.vector_load %arg15[%get3A_536, %get3A_537] {strides = array<i32>} : memref<48x1152xf32, #tpu.memory_space<vmem>>, vector<16xf32>,
          %mul3A_539 = vector.broadcast %squeeze3A_174 : f32 to vector<16xf32>
          %mul3A_540 = arith.mulf %mul3A_539, %get3A_538 : vector<16xf32>
          %add3A_541 = arith.addf %add3A_535, %mul3A_540 : vector<16xf32>
          %get3A_542 = arith.index_cast %while3A_139 : i32 to index
          %get3A_543 = arith.constant 880 : index
          %get3A_544 = tpu.vector_load %arg15[%get3A_542, %get3A_543] {strides = array<i32>} : memref<48x1152xf32, #tpu.memory_space<vmem>>, vector<16xf32>,
          %mul3A_545 = vector.broadcast %squeeze3A_176 : f32 to vector<16xf32>
          %mul3A_546 = arith.mulf %mul3A_545, %get3A_544 : vector<16xf32>
          %add3A_547 = arith.addf %add3A_541, %mul3A_546 : vector<16xf32>
          %get3A_548 = arith.index_cast %while3A_139 : i32 to index
          %get3A_549 = arith.constant 1008 : index
          %get3A_550 = tpu.vector_load %arg15[%get3A_548, %get3A_549] {strides = array<i32>} : memref<48x1152xf32, #tpu.memory_space<vmem>>, vector<16xf32>,
          %mul3A_551 = vector.broadcast %squeeze3A_178 : f32 to vector<16xf32>
          %mul3A_552 = arith.mulf %mul3A_551, %get3A_550 : vector<16xf32>
          %add3A_553 = arith.addf %add3A_547, %mul3A_552 : vector<16xf32>
          %swap3A_554 = arith.index_cast %squeeze3A_143 : i32 to index
          %swap3A_555 = arith.constant 96 : index
          %swap3A_556 = tpu.vector_load %arg8[%swap3A_554, %swap3A_555] {strides = array<i32>} : memref<320x128xf32, #tpu.memory_space<vmem>>, vector<16xf32>,
          tpu.vector_store %arg8[%swap3A_554, %swap3A_555], %add3A_553 {strides = array<i32>} : memref<320x128xf32, #tpu.memory_space<vmem>>, vector<16xf32>,
          %get3A_557 = arith.index_cast %squeeze3A_143 : i32 to index
          %get3A_558 = arith.constant 112 : index
          %get3A_559 = tpu.vector_load %arg8[%get3A_557, %get3A_558] {strides = array<i32>} : memref<320x128xf32, #tpu.memory_space<vmem>>, vector<16xf32>,
          %get3A_560 = arith.index_cast %while3A_139 : i32 to index
          %get3A_561 = arith.constant 128 : index
          %get3A_562 = tpu.vector_load %arg15[%get3A_560, %get3A_561] {strides = array<i32>} : memref<48x1152xf32, #tpu.memory_space<vmem>>, vector<16xf32>,
          %mul3A_563 = vector.broadcast %squeeze3A_164 : f32 to vector<16xf32>
          %mul3A_564 = arith.mulf %mul3A_563, %get3A_562 : vector<16xf32>
          %add3A_565 = arith.addf %get3A_559, %mul3A_564 : vector<16xf32>
          %get3A_566 = arith.index_cast %while3A_139 : i32 to index
          %get3A_567 = arith.constant 256 : index
          %get3A_568 = tpu.vector_load %arg15[%get3A_566, %get3A_567] {strides = array<i32>} : memref<48x1152xf32, #tpu.memory_space<vmem>>, vector<16xf32>,
          %mul3A_569 = vector.broadcast %squeeze3A_166 : f32 to vector<16xf32>
          %mul3A_570 = arith.mulf %mul3A_569, %get3A_568 : vector<16xf32>
          %add3A_571 = arith.addf %add3A_565, %mul3A_570 : vector<16xf32>
          %get3A_572 = arith.index_cast %while3A_139 : i32 to index
          %get3A_573 = arith.constant 384 : index
          %get3A_574 = tpu.vector_load %arg15[%get3A_572, %get3A_573] {strides = array<i32>} : memref<48x1152xf32, #tpu.memory_space<vmem>>, vector<16xf32>,
          %mul3A_575 = vector.broadcast %squeeze3A_168 : f32 to vector<16xf32>
          %mul3A_576 = arith.mulf %mul3A_575, %get3A_574 : vector<16xf32>
          %add3A_577 = arith.addf %add3A_571, %mul3A_576 : vector<16xf32>
          %get3A_578 = arith.index_cast %while3A_139 : i32 to index
          %get3A_579 = arith.constant 512 : index
          %get3A_580 = tpu.vector_load %arg15[%get3A_578, %get3A_579] {strides = array<i32>} : memref<48x1152xf32, #tpu.memory_space<vmem>>, vector<16xf32>,
          %mul3A_581 = vector.broadcast %squeeze3A_170 : f32 to vector<16xf32>
          %mul3A_582 = arith.mulf %mul3A_581, %get3A_580 : vector<16xf32>
          %add3A_583 = arith.addf %add3A_577, %mul3A_582 : vector<16xf32>
          %get3A_584 = arith.index_cast %while3A_139 : i32 to index
          %get3A_585 = arith.constant 640 : index
          %get3A_586 = tpu.vector_load %arg15[%get3A_584, %get3A_585] {strides = array<i32>} : memref<48x1152xf32, #tpu.memory_space<vmem>>, vector<16xf32>,
          %mul3A_587 = vector.broadcast %squeeze3A_172 : f32 to vector<16xf32>
          %mul3A_588 = arith.mulf %mul3A_587, %get3A_586 : vector<16xf32>
          %add3A_589 = arith.addf %add3A_583, %mul3A_588 : vector<16xf32>
          %get3A_590 = arith.index_cast %while3A_139 : i32 to index
          %get3A_591 = arith.constant 768 : index
          %get3A_592 = tpu.vector_load %arg15[%get3A_590, %get3A_591] {strides = array<i32>} : memref<48x1152xf32, #tpu.memory_space<vmem>>, vector<16xf32>,
          %mul3A_593 = vector.broadcast %squeeze3A_174 : f32 to vector<16xf32>
          %mul3A_594 = arith.mulf %mul3A_593, %get3A_592 : vector<16xf32>
          %add3A_595 = arith.addf %add3A_589, %mul3A_594 : vector<16xf32>
          %get3A_596 = arith.index_cast %while3A_139 : i32 to index
          %get3A_597 = arith.constant 896 : index
          %get3A_598 = tpu.vector_load %arg15[%get3A_596, %get3A_597] {strides = array<i32>} : memref<48x1152xf32, #tpu.memory_space<vmem>>, vector<16xf32>,
          %mul3A_599 = vector.broadcast %squeeze3A_176 : f32 to vector<16xf32>
          %mul3A_600 = arith.mulf %mul3A_599, %get3A_598 : vector<16xf32>
          %add3A_601 = arith.addf %add3A_595, %mul3A_600 : vector<16xf32>
          %get3A_602 = arith.index_cast %while3A_139 : i32 to index
          %get3A_603 = arith.constant 1024 : index
          %get3A_604 = tpu.vector_load %arg15[%get3A_602, %get3A_603] {strides = array<i32>} : memref<48x1152xf32, #tpu.memory_space<vmem>>, vector<16xf32>,
          %mul3A_605 = vector.broadcast %squeeze3A_178 : f32 to vector<16xf32>
          %mul3A_606 = arith.mulf %mul3A_605, %get3A_604 : vector<16xf32>
          %add3A_607 = arith.addf %add3A_601, %mul3A_606 : vector<16xf32>
          %swap3A_608 = arith.index_cast %squeeze3A_143 : i32 to index
          %swap3A_609 = arith.constant 112 : index
          %swap3A_610 = tpu.vector_load %arg8[%swap3A_608, %swap3A_609] {strides = array<i32>} : memref<320x128xf32, #tpu.memory_space<vmem>>, vector<16xf32>,
          tpu.vector_store %arg8[%swap3A_608, %swap3A_609], %add3A_607 {strides = array<i32>} : memref<320x128xf32, #tpu.memory_space<vmem>>, vector<16xf32>,
        }
        %while3A_138 = arith.constant 1 : i32
        scf.for %while3A_139 = %while3A_136 to %while3A_132 step %while3A_138  : i32 {
          %get3A_140 = arith.index_cast %while3A_139 : i32 to index
          %get3A_141 = tpu.vector_load %arg14[%get3A_140] {strides = array<i32>} : memref<64xi32, #tpu.memory_space<vmem>>, vector<16xi32>,
          %slice3A_142 = vector.extract_strided_slice %get3A_141 {offsets = [0], sizes = [1], strides = [1]} : vector<16xi32> to vector<1xi32>
          %squeeze3A_143 = vector.extract %slice3A_142[0] : i32 from vector<1xi32>
          %get3A_144 = arith.index_cast %while3A_139 : i32 to index
          %get3A_145 = arith.constant 0 : index
          %get3A_146 = tpu.vector_load %arg15[%get3A_144, %get3A_145] {strides = array<i32>} : memref<48x1152xf32, #tpu.memory_space<vmem>>, vector<16xf32>,
          %mul3A_147 = arith.constant 32 : i32
          %mul3A_148 = arith.muli %squeeze3A_143, %mul3A_147 : i32
          %get3A_149 = arith.index_cast %mul3A_148 : i32 to index
          %get3A_150 = tpu.vector_load %arg9[%get3A_149] {strides = array<i32>} : memref<10240xf32, #tpu.memory_space<vmem>>, vector<16xf32>,
          %add3A_151 = arith.addf %get3A_146, %get3A_150 : vector<16xf32>
          %mul3A_152 = arith.constant 2.000000e-01 : f32
          %mul3A_153 = vector.broadcast %mul3A_152 : f32 to vector<16xf32>
          %mul3A_154 = arith.mulf %mul3A_153, %add3A_151 : vector<16xf32>
          %max3A_155 = arith.maximumf %add3A_151, %mul3A_154 : vector<16xf32>
          %exp3A = math.exp %max3A_155 : vector<16xf32>
          %mul3A_156 = arith.constant 32 : i32
          %mul3A_157 = arith.muli %squeeze3A_143, %mul3A_156 : i32
          %add3A_158 = arith.constant 16 : i32
          %add3A_159 = arith.addi %mul3A_157, %add3A_158 : i32
          %get3A_160 = arith.index_cast %add3A_159 : i32 to index
          %get3A_161 = tpu.vector_load %arg9[%get3A_160] {strides = array<i32>} : memref<10240xf32, #tpu.memory_space<vmem>>, vector<16xf32>,
          %mul3A_162 = arith.mulf %exp3A, %get3A_161 : vector<16xf32>
          %slice3A_163 = vector.extract_strided_slice %mul3A_162 {offsets = [0], sizes = [1], strides = [1]} : vector<16xf32> to vector<1xf32>
          %squeeze3A_164 = vector.extract %slice3A_163[0] : f32 from vector<1xf32>
          %slice3A_165 = vector.extract_strided_slice %mul3A_162 {offsets = [1], sizes = [1], strides = [1]} : vector<16xf32> to vector<1xf32>
          %squeeze3A_166 = vector.extract %slice3A_165[0] : f32 from vector<1xf32>
          %slice3A_167 = vector.extract_strided_slice %mul3A_162 {offsets = [2], sizes = [1], strides = [1]} : vector<16xf32> to vector<1xf32>
          %squeeze3A_168 = vector.extract %slice3A_167[0] : f32 from vector<1xf32>
          %slice3A_169 = vector.extract_strided_slice %mul3A_162 {offsets = [3], sizes = [1], strides = [1]} : vector<16xf32> to vector<1xf32>
          %squeeze3A_170 = vector.extract %slice3A_169[0] : f32 from vector<1xf32>
          %slice3A_171 = vector.extract_strided_slice %mul3A_162 {offsets = [4], sizes = [1], strides = [1]} : vector<16xf32> to vector<1xf32>
          %squeeze3A_172 = vector.extract %slice3A_171[0] : f32 from vector<1xf32>
          %slice3A_173 = vector.extract_strided_slice %mul3A_162 {offsets = [5], sizes = [1], strides = [1]} : vector<16xf32> to vector<1xf32>
          %squeeze3A_174 = vector.extract %slice3A_173[0] : f32 from vector<1xf32>
          %slice3A_175 = vector.extract_strided_slice %mul3A_162 {offsets = [6], sizes = [1], strides = [1]} : vector<16xf32> to vector<1xf32>
          %squeeze3A_176 = vector.extract %slice3A_175[0] : f32 from vector<1xf32>
          %slice3A_177 = vector.extract_strided_slice %mul3A_162 {offsets = [7], sizes = [1], strides = [1]} : vector<16xf32> to vector<1xf32>
          %squeeze3A_178 = vector.extract %slice3A_177[0] : f32 from vector<1xf32>
          %get3A_179 = arith.index_cast %squeeze3A_143 : i32 to index
          %get3A_180 = arith.constant 0 : index
          %get3A_181 = tpu.vector_load %arg8[%get3A_179, %get3A_180] {strides = array<i32>} : memref<320x128xf32, #tpu.memory_space<vmem>>, vector<16xf32>,
          %get3A_182 = arith.index_cast %while3A_139 : i32 to index
          %get3A_183 = arith.constant 16 : index
          %get3A_184 = tpu.vector_load %arg15[%get3A_182, %get3A_183] {strides = array<i32>} : memref<48x1152xf32, #tpu.memory_space<vmem>>, vector<16xf32>,
          %mul3A_185 = vector.broadcast %squeeze3A_164 : f32 to vector<16xf32>
          %mul3A_186 = arith.mulf %mul3A_185, %get3A_184 : vector<16xf32>
          %add3A_187 = arith.addf %get3A_181, %mul3A_186 : vector<16xf32>
          %get3A_188 = arith.index_cast %while3A_139 : i32 to index
          %get3A_189 = arith.constant 144 : index
          %get3A_190 = tpu.vector_load %arg15[%get3A_188, %get3A_189] {strides = array<i32>} : memref<48x1152xf32, #tpu.memory_space<vmem>>, vector<16xf32>,
          %mul3A_191 = vector.broadcast %squeeze3A_166 : f32 to vector<16xf32>
          %mul3A_192 = arith.mulf %mul3A_191, %get3A_190 : vector<16xf32>
          %add3A_193 = arith.addf %add3A_187, %mul3A_192 : vector<16xf32>
          %get3A_194 = arith.index_cast %while3A_139 : i32 to index
          %get3A_195 = arith.constant 272 : index
          %get3A_196 = tpu.vector_load %arg15[%get3A_194, %get3A_195] {strides = array<i32>} : memref<48x1152xf32, #tpu.memory_space<vmem>>, vector<16xf32>,
          %mul3A_197 = vector.broadcast %squeeze3A_168 : f32 to vector<16xf32>
          %mul3A_198 = arith.mulf %mul3A_197, %get3A_196 : vector<16xf32>
          %add3A_199 = arith.addf %add3A_193, %mul3A_198 : vector<16xf32>
          %get3A_200 = arith.index_cast %while3A_139 : i32 to index
          %get3A_201 = arith.constant 400 : index
          %get3A_202 = tpu.vector_load %arg15[%get3A_200, %get3A_201] {strides = array<i32>} : memref<48x1152xf32, #tpu.memory_space<vmem>>, vector<16xf32>,
          %mul3A_203 = vector.broadcast %squeeze3A_170 : f32 to vector<16xf32>
          %mul3A_204 = arith.mulf %mul3A_203, %get3A_202 : vector<16xf32>
          %add3A_205 = arith.addf %add3A_199, %mul3A_204 : vector<16xf32>
          %get3A_206 = arith.index_cast %while3A_139 : i32 to index
          %get3A_207 = arith.constant 528 : index
          %get3A_208 = tpu.vector_load %arg15[%get3A_206, %get3A_207] {strides = array<i32>} : memref<48x1152xf32, #tpu.memory_space<vmem>>, vector<16xf32>,
          %mul3A_209 = vector.broadcast %squeeze3A_172 : f32 to vector<16xf32>
          %mul3A_210 = arith.mulf %mul3A_209, %get3A_208 : vector<16xf32>
          %add3A_211 = arith.addf %add3A_205, %mul3A_210 : vector<16xf32>
          %get3A_212 = arith.index_cast %while3A_139 : i32 to index
          %get3A_213 = arith.constant 656 : index
          %get3A_214 = tpu.vector_load %arg15[%get3A_212, %get3A_213] {strides = array<i32>} : memref<48x1152xf32, #tpu.memory_space<vmem>>, vector<16xf32>,
          %mul3A_215 = vector.broadcast %squeeze3A_174 : f32 to vector<16xf32>
          %mul3A_216 = arith.mulf %mul3A_215, %get3A_214 : vector<16xf32>
          %add3A_217 = arith.addf %add3A_211, %mul3A_216 : vector<16xf32>
          %get3A_218 = arith.index_cast %while3A_139 : i32 to index
          %get3A_219 = arith.constant 784 : index
          %get3A_220 = tpu.vector_load %arg15[%get3A_218, %get3A_219] {strides = array<i32>} : memref<48x1152xf32, #tpu.memory_space<vmem>>, vector<16xf32>,
          %mul3A_221 = vector.broadcast %squeeze3A_176 : f32 to vector<16xf32>
          %mul3A_222 = arith.mulf %mul3A_221, %get3A_220 : vector<16xf32>
          %add3A_223 = arith.addf %add3A_217, %mul3A_222 : vector<16xf32>
          %get3A_224 = arith.index_cast %while3A_139 : i32 to index
          %get3A_225 = arith.constant 912 : index
          %get3A_226 = tpu.vector_load %arg15[%get3A_224, %get3A_225] {strides = array<i32>} : memref<48x1152xf32, #tpu.memory_space<vmem>>, vector<16xf32>,
          %mul3A_227 = vector.broadcast %squeeze3A_178 : f32 to vector<16xf32>
          %mul3A_228 = arith.mulf %mul3A_227, %get3A_226 : vector<16xf32>
          %add3A_229 = arith.addf %add3A_223, %mul3A_228 : vector<16xf32>
          %swap3A_230 = arith.index_cast %squeeze3A_143 : i32 to index
          %swap3A_231 = arith.constant 0 : index
          %swap3A_232 = tpu.vector_load %arg8[%swap3A_230, %swap3A_231] {strides = array<i32>} : memref<320x128xf32, #tpu.memory_space<vmem>>, vector<16xf32>,
          tpu.vector_store %arg8[%swap3A_230, %swap3A_231], %add3A_229 {strides = array<i32>} : memref<320x128xf32, #tpu.memory_space<vmem>>, vector<16xf32>,
          %get3A_233 = arith.index_cast %squeeze3A_143 : i32 to index
          %get3A_234 = arith.constant 16 : index
          %get3A_235 = tpu.vector_load %arg8[%get3A_233, %get3A_234] {strides = array<i32>} : memref<320x128xf32, #tpu.memory_space<vmem>>, vector<16xf32>,
          %get3A_236 = arith.index_cast %while3A_139 : i32 to index
          %get3A_237 = arith.constant 32 : index
          %get3A_238 = tpu.vector_load %arg15[%get3A_236, %get3A_237] {strides = array<i32>} : memref<48x1152xf32, #tpu.memory_space<vmem>>, vector<16xf32>,
          %mul3A_239 = vector.broadcast %squeeze3A_164 : f32 to vector<16xf32>
          %mul3A_240 = arith.mulf %mul3A_239, %get3A_238 : vector<16xf32>
          %add3A_241 = arith.addf %get3A_235, %mul3A_240 : vector<16xf32>
          %get3A_242 = arith.index_cast %while3A_139 : i32 to index
          %get3A_243 = arith.constant 160 : index
          %get3A_244 = tpu.vector_load %arg15[%get3A_242, %get3A_243] {strides = array<i32>} : memref<48x1152xf32, #tpu.memory_space<vmem>>, vector<16xf32>,
          %mul3A_245 = vector.broadcast %squeeze3A_166 : f32 to vector<16xf32>
          %mul3A_246 = arith.mulf %mul3A_245, %get3A_244 : vector<16xf32>
          %add3A_247 = arith.addf %add3A_241, %mul3A_246 : vector<16xf32>
          %get3A_248 = arith.index_cast %while3A_139 : i32 to index
          %get3A_249 = arith.constant 288 : index
          %get3A_250 = tpu.vector_load %arg15[%get3A_248, %get3A_249] {strides = array<i32>} : memref<48x1152xf32, #tpu.memory_space<vmem>>, vector<16xf32>,
          %mul3A_251 = vector.broadcast %squeeze3A_168 : f32 to vector<16xf32>
          %mul3A_252 = arith.mulf %mul3A_251, %get3A_250 : vector<16xf32>
          %add3A_253 = arith.addf %add3A_247, %mul3A_252 : vector<16xf32>
          %get3A_254 = arith.index_cast %while3A_139 : i32 to index
          %get3A_255 = arith.constant 416 : index
          %get3A_256 = tpu.vector_load %arg15[%get3A_254, %get3A_255] {strides = array<i32>} : memref<48x1152xf32, #tpu.memory_space<vmem>>, vector<16xf32>,
          %mul3A_257 = vector.broadcast %squeeze3A_170 : f32 to vector<16xf32>
          %mul3A_258 = arith.mulf %mul3A_257, %get3A_256 : vector<16xf32>
          %add3A_259 = arith.addf %add3A_253, %mul3A_258 : vector<16xf32>
          %get3A_260 = arith.index_cast %while3A_139 : i32 to index
          %get3A_261 = arith.constant 544 : index
          %get3A_262 = tpu.vector_load %arg15[%get3A_260, %get3A_261] {strides = array<i32>} : memref<48x1152xf32, #tpu.memory_space<vmem>>, vector<16xf32>,
          %mul3A_263 = vector.broadcast %squeeze3A_172 : f32 to vector<16xf32>
          %mul3A_264 = arith.mulf %mul3A_263, %get3A_262 : vector<16xf32>
          %add3A_265 = arith.addf %add3A_259, %mul3A_264 : vector<16xf32>
          %get3A_266 = arith.index_cast %while3A_139 : i32 to index
          %get3A_267 = arith.constant 672 : index
          %get3A_268 = tpu.vector_load %arg15[%get3A_266, %get3A_267] {strides = array<i32>} : memref<48x1152xf32, #tpu.memory_space<vmem>>, vector<16xf32>,
          %mul3A_269 = vector.broadcast %squeeze3A_174 : f32 to vector<16xf32>
          %mul3A_270 = arith.mulf %mul3A_269, %get3A_268 : vector<16xf32>
          %add3A_271 = arith.addf %add3A_265, %mul3A_270 : vector<16xf32>
          %get3A_272 = arith.index_cast %while3A_139 : i32 to index
          %get3A_273 = arith.constant 800 : index
          %get3A_274 = tpu.vector_load %arg15[%get3A_272, %get3A_273] {strides = array<i32>} : memref<48x1152xf32, #tpu.memory_space<vmem>>, vector<16xf32>,
          %mul3A_275 = vector.broadcast %squeeze3A_176 : f32 to vector<16xf32>
          %mul3A_276 = arith.mulf %mul3A_275, %get3A_274 : vector<16xf32>
          %add3A_277 = arith.addf %add3A_271, %mul3A_276 : vector<16xf32>
          %get3A_278 = arith.index_cast %while3A_139 : i32 to index
          %get3A_279 = arith.constant 928 : index
          %get3A_280 = tpu.vector_load %arg15[%get3A_278, %get3A_279] {strides = array<i32>} : memref<48x1152xf32, #tpu.memory_space<vmem>>, vector<16xf32>,
          %mul3A_281 = vector.broadcast %squeeze3A_178 : f32 to vector<16xf32>
          %mul3A_282 = arith.mulf %mul3A_281, %get3A_280 : vector<16xf32>
          %add3A_283 = arith.addf %add3A_277, %mul3A_282 : vector<16xf32>
          %swap3A_284 = arith.index_cast %squeeze3A_143 : i32 to index
          %swap3A_285 = arith.constant 16 : index
          %swap3A_286 = tpu.vector_load %arg8[%swap3A_284, %swap3A_285] {strides = array<i32>} : memref<320x128xf32, #tpu.memory_space<vmem>>, vector<16xf32>,
          tpu.vector_store %arg8[%swap3A_284, %swap3A_285], %add3A_283 {strides = array<i32>} : memref<320x128xf32, #tpu.memory_space<vmem>>, vector<16xf32>,
          %get3A_287 = arith.index_cast %squeeze3A_143 : i32 to index
          %get3A_288 = arith.constant 32 : index
          %get3A_289 = tpu.vector_load %arg8[%get3A_287, %get3A_288] {strides = array<i32>} : memref<320x128xf32, #tpu.memory_space<vmem>>, vector<16xf32>,
          %get3A_290 = arith.index_cast %while3A_139 : i32 to index
          %get3A_291 = arith.constant 48 : index
          %get3A_292 = tpu.vector_load %arg15[%get3A_290, %get3A_291] {strides = array<i32>} : memref<48x1152xf32, #tpu.memory_space<vmem>>, vector<16xf32>,
          %mul3A_293 = vector.broadcast %squeeze3A_164 : f32 to vector<16xf32>
          %mul3A_294 = arith.mulf %mul3A_293, %get3A_292 : vector<16xf32>
          %add3A_295 = arith.addf %get3A_289, %mul3A_294 : vector<16xf32>
          %get3A_296 = arith.index_cast %while3A_139 : i32 to index
          %get3A_297 = arith.constant 176 : index
          %get3A_298 = tpu.vector_load %arg15[%get3A_296, %get3A_297] {strides = array<i32>} : memref<48x1152xf32, #tpu.memory_space<vmem>>, vector<16xf32>,
          %mul3A_299 = vector.broadcast %squeeze3A_166 : f32 to vector<16xf32>
          %mul3A_300 = arith.mulf %mul3A_299, %get3A_298 : vector<16xf32>
          %add3A_301 = arith.addf %add3A_295, %mul3A_300 : vector<16xf32>
          %get3A_302 = arith.index_cast %while3A_139 : i32 to index
          %get3A_303 = arith.constant 304 : index
          %get3A_304 = tpu.vector_load %arg15[%get3A_302, %get3A_303] {strides = array<i32>} : memref<48x1152xf32, #tpu.memory_space<vmem>>, vector<16xf32>,
          %mul3A_305 = vector.broadcast %squeeze3A_168 : f32 to vector<16xf32>
          %mul3A_306 = arith.mulf %mul3A_305, %get3A_304 : vector<16xf32>
          %add3A_307 = arith.addf %add3A_301, %mul3A_306 : vector<16xf32>
          %get3A_308 = arith.index_cast %while3A_139 : i32 to index
          %get3A_309 = arith.constant 432 : index
          %get3A_310 = tpu.vector_load %arg15[%get3A_308, %get3A_309] {strides = array<i32>} : memref<48x1152xf32, #tpu.memory_space<vmem>>, vector<16xf32>,
          %mul3A_311 = vector.broadcast %squeeze3A_170 : f32 to vector<16xf32>
          %mul3A_312 = arith.mulf %mul3A_311, %get3A_310 : vector<16xf32>
          %add3A_313 = arith.addf %add3A_307, %mul3A_312 : vector<16xf32>
          %get3A_314 = arith.index_cast %while3A_139 : i32 to index
          %get3A_315 = arith.constant 560 : index
          %get3A_316 = tpu.vector_load %arg15[%get3A_314, %get3A_315] {strides = array<i32>} : memref<48x1152xf32, #tpu.memory_space<vmem>>, vector<16xf32>,
          %mul3A_317 = vector.broadcast %squeeze3A_172 : f32 to vector<16xf32>
          %mul3A_318 = arith.mulf %mul3A_317, %get3A_316 : vector<16xf32>
          %add3A_319 = arith.addf %add3A_313, %mul3A_318 : vector<16xf32>
          %get3A_320 = arith.index_cast %while3A_139 : i32 to index
          %get3A_321 = arith.constant 688 : index
          %get3A_322 = tpu.vector_load %arg15[%get3A_320, %get3A_321] {strides = array<i32>} : memref<48x1152xf32, #tpu.memory_space<vmem>>, vector<16xf32>,
          %mul3A_323 = vector.broadcast %squeeze3A_174 : f32 to vector<16xf32>
          %mul3A_324 = arith.mulf %mul3A_323, %get3A_322 : vector<16xf32>
          %add3A_325 = arith.addf %add3A_319, %mul3A_324 : vector<16xf32>
          %get3A_326 = arith.index_cast %while3A_139 : i32 to index
          %get3A_327 = arith.constant 816 : index
          %get3A_328 = tpu.vector_load %arg15[%get3A_326, %get3A_327] {strides = array<i32>} : memref<48x1152xf32, #tpu.memory_space<vmem>>, vector<16xf32>,
          %mul3A_329 = vector.broadcast %squeeze3A_176 : f32 to vector<16xf32>
          %mul3A_330 = arith.mulf %mul3A_329, %get3A_328 : vector<16xf32>
          %add3A_331 = arith.addf %add3A_325, %mul3A_330 : vector<16xf32>
          %get3A_332 = arith.index_cast %while3A_139 : i32 to index
          %get3A_333 = arith.constant 944 : index
          %get3A_334 = tpu.vector_load %arg15[%get3A_332, %get3A_333] {strides = array<i32>} : memref<48x1152xf32, #tpu.memory_space<vmem>>, vector<16xf32>,
          %mul3A_335 = vector.broadcast %squeeze3A_178 : f32 to vector<16xf32>
          %mul3A_336 = arith.mulf %mul3A_335, %get3A_334 : vector<16xf32>
          %add3A_337 = arith.addf %add3A_331, %mul3A_336 : vector<16xf32>
          %swap3A_338 = arith.index_cast %squeeze3A_143 : i32 to index
          %swap3A_339 = arith.constant 32 : index
          %swap3A_340 = tpu.vector_load %arg8[%swap3A_338, %swap3A_339] {strides = array<i32>} : memref<320x128xf32, #tpu.memory_space<vmem>>, vector<16xf32>,
          tpu.vector_store %arg8[%swap3A_338, %swap3A_339], %add3A_337 {strides = array<i32>} : memref<320x128xf32, #tpu.memory_space<vmem>>, vector<16xf32>,
          %get3A_341 = arith.index_cast %squeeze3A_143 : i32 to index
          %get3A_342 = arith.constant 48 : index
          %get3A_343 = tpu.vector_load %arg8[%get3A_341, %get3A_342] {strides = array<i32>} : memref<320x128xf32, #tpu.memory_space<vmem>>, vector<16xf32>,
          %get3A_344 = arith.index_cast %while3A_139 : i32 to index
          %get3A_345 = arith.constant 64 : index
          %get3A_346 = tpu.vector_load %arg15[%get3A_344, %get3A_345] {strides = array<i32>} : memref<48x1152xf32, #tpu.memory_space<vmem>>, vector<16xf32>,
          %mul3A_347 = vector.broadcast %squeeze3A_164 : f32 to vector<16xf32>
          %mul3A_348 = arith.mulf %mul3A_347, %get3A_346 : vector<16xf32>
          %add3A_349 = arith.addf %get3A_343, %mul3A_348 : vector<16xf32>
          %get3A_350 = arith.index_cast %while3A_139 : i32 to index
          %get3A_351 = arith.constant 192 : index
          %get3A_352 = tpu.vector_load %arg15[%get3A_350, %get3A_351] {strides = array<i32>} : memref<48x1152xf32, #tpu.memory_space<vmem>>, vector<16xf32>,
          %mul3A_353 = vector.broadcast %squeeze3A_166 : f32 to vector<16xf32>
          %mul3A_354 = arith.mulf %mul3A_353, %get3A_352 : vector<16xf32>
          %add3A_355 = arith.addf %add3A_349, %mul3A_354 : vector<16xf32>
          %get3A_356 = arith.index_cast %while3A_139 : i32 to index
          %get3A_357 = arith.constant 320 : index
          %get3A_358 = tpu.vector_load %arg15[%get3A_356, %get3A_357] {strides = array<i32>} : memref<48x1152xf32, #tpu.memory_space<vmem>>, vector<16xf32>,
          %mul3A_359 = vector.broadcast %squeeze3A_168 : f32 to vector<16xf32>
          %mul3A_360 = arith.mulf %mul3A_359, %get3A_358 : vector<16xf32>
          %add3A_361 = arith.addf %add3A_355, %mul3A_360 : vector<16xf32>
          %get3A_362 = arith.index_cast %while3A_139 : i32 to index
          %get3A_363 = arith.constant 448 : index
          %get3A_364 = tpu.vector_load %arg15[%get3A_362, %get3A_363] {strides = array<i32>} : memref<48x1152xf32, #tpu.memory_space<vmem>>, vector<16xf32>,
          %mul3A_365 = vector.broadcast %squeeze3A_170 : f32 to vector<16xf32>
          %mul3A_366 = arith.mulf %mul3A_365, %get3A_364 : vector<16xf32>
          %add3A_367 = arith.addf %add3A_361, %mul3A_366 : vector<16xf32>
          %get3A_368 = arith.index_cast %while3A_139 : i32 to index
          %get3A_369 = arith.constant 576 : index
          %get3A_370 = tpu.vector_load %arg15[%get3A_368, %get3A_369] {strides = array<i32>} : memref<48x1152xf32, #tpu.memory_space<vmem>>, vector<16xf32>,
          %mul3A_371 = vector.broadcast %squeeze3A_172 : f32 to vector<16xf32>
          %mul3A_372 = arith.mulf %mul3A_371, %get3A_370 : vector<16xf32>
          %add3A_373 = arith.addf %add3A_367, %mul3A_372 : vector<16xf32>
          %get3A_374 = arith.index_cast %while3A_139 : i32 to index
          %get3A_375 = arith.constant 704 : index
          %get3A_376 = tpu.vector_load %arg15[%get3A_374, %get3A_375] {strides = array<i32>} : memref<48x1152xf32, #tpu.memory_space<vmem>>, vector<16xf32>,
          %mul3A_377 = vector.broadcast %squeeze3A_174 : f32 to vector<16xf32>
          %mul3A_378 = arith.mulf %mul3A_377, %get3A_376 : vector<16xf32>
          %add3A_379 = arith.addf %add3A_373, %mul3A_378 : vector<16xf32>
          %get3A_380 = arith.index_cast %while3A_139 : i32 to index
          %get3A_381 = arith.constant 832 : index
          %get3A_382 = tpu.vector_load %arg15[%get3A_380, %get3A_381] {strides = array<i32>} : memref<48x1152xf32, #tpu.memory_space<vmem>>, vector<16xf32>,
          %mul3A_383 = vector.broadcast %squeeze3A_176 : f32 to vector<16xf32>
          %mul3A_384 = arith.mulf %mul3A_383, %get3A_382 : vector<16xf32>
          %add3A_385 = arith.addf %add3A_379, %mul3A_384 : vector<16xf32>
          %get3A_386 = arith.index_cast %while3A_139 : i32 to index
          %get3A_387 = arith.constant 960 : index
          %get3A_388 = tpu.vector_load %arg15[%get3A_386, %get3A_387] {strides = array<i32>} : memref<48x1152xf32, #tpu.memory_space<vmem>>, vector<16xf32>,
          %mul3A_389 = vector.broadcast %squeeze3A_178 : f32 to vector<16xf32>
          %mul3A_390 = arith.mulf %mul3A_389, %get3A_388 : vector<16xf32>
          %add3A_391 = arith.addf %add3A_385, %mul3A_390 : vector<16xf32>
          %swap3A_392 = arith.index_cast %squeeze3A_143 : i32 to index
          %swap3A_393 = arith.constant 48 : index
          %swap3A_394 = tpu.vector_load %arg8[%swap3A_392, %swap3A_393] {strides = array<i32>} : memref<320x128xf32, #tpu.memory_space<vmem>>, vector<16xf32>,
          tpu.vector_store %arg8[%swap3A_392, %swap3A_393], %add3A_391 {strides = array<i32>} : memref<320x128xf32, #tpu.memory_space<vmem>>, vector<16xf32>,
          %get3A_395 = arith.index_cast %squeeze3A_143 : i32 to index
          %get3A_396 = arith.constant 64 : index
          %get3A_397 = tpu.vector_load %arg8[%get3A_395, %get3A_396] {strides = array<i32>} : memref<320x128xf32, #tpu.memory_space<vmem>>, vector<16xf32>,
          %get3A_398 = arith.index_cast %while3A_139 : i32 to index
          %get3A_399 = arith.constant 80 : index
          %get3A_400 = tpu.vector_load %arg15[%get3A_398, %get3A_399] {strides = array<i32>} : memref<48x1152xf32, #tpu.memory_space<vmem>>, vector<16xf32>,
          %mul3A_401 = vector.broadcast %squeeze3A_164 : f32 to vector<16xf32>
          %mul3A_402 = arith.mulf %mul3A_401, %get3A_400 : vector<16xf32>
          %add3A_403 = arith.addf %get3A_397, %mul3A_402 : vector<16xf32>
          %get3A_404 = arith.index_cast %while3A_139 : i32 to index
          %get3A_405 = arith.constant 208 : index
          %get3A_406 = tpu.vector_load %arg15[%get3A_404, %get3A_405] {strides = array<i32>} : memref<48x1152xf32, #tpu.memory_space<vmem>>, vector<16xf32>,
          %mul3A_407 = vector.broadcast %squeeze3A_166 : f32 to vector<16xf32>
          %mul3A_408 = arith.mulf %mul3A_407, %get3A_406 : vector<16xf32>
          %add3A_409 = arith.addf %add3A_403, %mul3A_408 : vector<16xf32>
          %get3A_410 = arith.index_cast %while3A_139 : i32 to index
          %get3A_411 = arith.constant 336 : index
          %get3A_412 = tpu.vector_load %arg15[%get3A_410, %get3A_411] {strides = array<i32>} : memref<48x1152xf32, #tpu.memory_space<vmem>>, vector<16xf32>,
          %mul3A_413 = vector.broadcast %squeeze3A_168 : f32 to vector<16xf32>
          %mul3A_414 = arith.mulf %mul3A_413, %get3A_412 : vector<16xf32>
          %add3A_415 = arith.addf %add3A_409, %mul3A_414 : vector<16xf32>
          %get3A_416 = arith.index_cast %while3A_139 : i32 to index
          %get3A_417 = arith.constant 464 : index
          %get3A_418 = tpu.vector_load %arg15[%get3A_416, %get3A_417] {strides = array<i32>} : memref<48x1152xf32, #tpu.memory_space<vmem>>, vector<16xf32>,
          %mul3A_419 = vector.broadcast %squeeze3A_170 : f32 to vector<16xf32>
          %mul3A_420 = arith.mulf %mul3A_419, %get3A_418 : vector<16xf32>
          %add3A_421 = arith.addf %add3A_415, %mul3A_420 : vector<16xf32>
          %get3A_422 = arith.index_cast %while3A_139 : i32 to index
          %get3A_423 = arith.constant 592 : index
          %get3A_424 = tpu.vector_load %arg15[%get3A_422, %get3A_423] {strides = array<i32>} : memref<48x1152xf32, #tpu.memory_space<vmem>>, vector<16xf32>,
          %mul3A_425 = vector.broadcast %squeeze3A_172 : f32 to vector<16xf32>
          %mul3A_426 = arith.mulf %mul3A_425, %get3A_424 : vector<16xf32>
          %add3A_427 = arith.addf %add3A_421, %mul3A_426 : vector<16xf32>
          %get3A_428 = arith.index_cast %while3A_139 : i32 to index
          %get3A_429 = arith.constant 720 : index
          %get3A_430 = tpu.vector_load %arg15[%get3A_428, %get3A_429] {strides = array<i32>} : memref<48x1152xf32, #tpu.memory_space<vmem>>, vector<16xf32>,
          %mul3A_431 = vector.broadcast %squeeze3A_174 : f32 to vector<16xf32>
          %mul3A_432 = arith.mulf %mul3A_431, %get3A_430 : vector<16xf32>
          %add3A_433 = arith.addf %add3A_427, %mul3A_432 : vector<16xf32>
          %get3A_434 = arith.index_cast %while3A_139 : i32 to index
          %get3A_435 = arith.constant 848 : index
          %get3A_436 = tpu.vector_load %arg15[%get3A_434, %get3A_435] {strides = array<i32>} : memref<48x1152xf32, #tpu.memory_space<vmem>>, vector<16xf32>,
          %mul3A_437 = vector.broadcast %squeeze3A_176 : f32 to vector<16xf32>
          %mul3A_438 = arith.mulf %mul3A_437, %get3A_436 : vector<16xf32>
          %add3A_439 = arith.addf %add3A_433, %mul3A_438 : vector<16xf32>
          %get3A_440 = arith.index_cast %while3A_139 : i32 to index
          %get3A_441 = arith.constant 976 : index
          %get3A_442 = tpu.vector_load %arg15[%get3A_440, %get3A_441] {strides = array<i32>} : memref<48x1152xf32, #tpu.memory_space<vmem>>, vector<16xf32>,
          %mul3A_443 = vector.broadcast %squeeze3A_178 : f32 to vector<16xf32>
          %mul3A_444 = arith.mulf %mul3A_443, %get3A_442 : vector<16xf32>
          %add3A_445 = arith.addf %add3A_439, %mul3A_444 : vector<16xf32>
          %swap3A_446 = arith.index_cast %squeeze3A_143 : i32 to index
          %swap3A_447 = arith.constant 64 : index
          %swap3A_448 = tpu.vector_load %arg8[%swap3A_446, %swap3A_447] {strides = array<i32>} : memref<320x128xf32, #tpu.memory_space<vmem>>, vector<16xf32>,
          tpu.vector_store %arg8[%swap3A_446, %swap3A_447], %add3A_445 {strides = array<i32>} : memref<320x128xf32, #tpu.memory_space<vmem>>, vector<16xf32>,
          %get3A_449 = arith.index_cast %squeeze3A_143 : i32 to index
          %get3A_450 = arith.constant 80 : index
          %get3A_451 = tpu.vector_load %arg8[%get3A_449, %get3A_450] {strides = array<i32>} : memref<320x128xf32, #tpu.memory_space<vmem>>, vector<16xf32>,
          %get3A_452 = arith.index_cast %while3A_139 : i32 to index
          %get3A_453 = arith.constant 96 : index
          %get3A_454 = tpu.vector_load %arg15[%get3A_452, %get3A_453] {strides = array<i32>} : memref<48x1152xf32, #tpu.memory_space<vmem>>, vector<16xf32>,
          %mul3A_455 = vector.broadcast %squeeze3A_164 : f32 to vector<16xf32>
          %mul3A_456 = arith.mulf %mul3A_455, %get3A_454 : vector<16xf32>
          %add3A_457 = arith.addf %get3A_451, %mul3A_456 : vector<16xf32>
          %get3A_458 = arith.index_cast %while3A_139 : i32 to index
          %get3A_459 = arith.constant 224 : index
          %get3A_460 = tpu.vector_load %arg15[%get3A_458, %get3A_459] {strides = array<i32>} : memref<48x1152xf32, #tpu.memory_space<vmem>>, vector<16xf32>,
          %mul3A_461 = vector.broadcast %squeeze3A_166 : f32 to vector<16xf32>
          %mul3A_462 = arith.mulf %mul3A_461, %get3A_460 : vector<16xf32>
          %add3A_463 = arith.addf %add3A_457, %mul3A_462 : vector<16xf32>
          %get3A_464 = arith.index_cast %while3A_139 : i32 to index
          %get3A_465 = arith.constant 352 : index
          %get3A_466 = tpu.vector_load %arg15[%get3A_464, %get3A_465] {strides = array<i32>} : memref<48x1152xf32, #tpu.memory_space<vmem>>, vector<16xf32>,
          %mul3A_467 = vector.broadcast %squeeze3A_168 : f32 to vector<16xf32>
          %mul3A_468 = arith.mulf %mul3A_467, %get3A_466 : vector<16xf32>
          %add3A_469 = arith.addf %add3A_463, %mul3A_468 : vector<16xf32>
          %get3A_470 = arith.index_cast %while3A_139 : i32 to index
          %get3A_471 = arith.constant 480 : index
          %get3A_472 = tpu.vector_load %arg15[%get3A_470, %get3A_471] {strides = array<i32>} : memref<48x1152xf32, #tpu.memory_space<vmem>>, vector<16xf32>,
          %mul3A_473 = vector.broadcast %squeeze3A_170 : f32 to vector<16xf32>
          %mul3A_474 = arith.mulf %mul3A_473, %get3A_472 : vector<16xf32>
          %add3A_475 = arith.addf %add3A_469, %mul3A_474 : vector<16xf32>
          %get3A_476 = arith.index_cast %while3A_139 : i32 to index
          %get3A_477 = arith.constant 608 : index
          %get3A_478 = tpu.vector_load %arg15[%get3A_476, %get3A_477] {strides = array<i32>} : memref<48x1152xf32, #tpu.memory_space<vmem>>, vector<16xf32>,
          %mul3A_479 = vector.broadcast %squeeze3A_172 : f32 to vector<16xf32>
          %mul3A_480 = arith.mulf %mul3A_479, %get3A_478 : vector<16xf32>
          %add3A_481 = arith.addf %add3A_475, %mul3A_480 : vector<16xf32>
          %get3A_482 = arith.index_cast %while3A_139 : i32 to index
          %get3A_483 = arith.constant 736 : index
          %get3A_484 = tpu.vector_load %arg15[%get3A_482, %get3A_483] {strides = array<i32>} : memref<48x1152xf32, #tpu.memory_space<vmem>>, vector<16xf32>,
          %mul3A_485 = vector.broadcast %squeeze3A_174 : f32 to vector<16xf32>
          %mul3A_486 = arith.mulf %mul3A_485, %get3A_484 : vector<16xf32>
          %add3A_487 = arith.addf %add3A_481, %mul3A_486 : vector<16xf32>
          %get3A_488 = arith.index_cast %while3A_139 : i32 to index
          %get3A_489 = arith.constant 864 : index
          %get3A_490 = tpu.vector_load %arg15[%get3A_488, %get3A_489] {strides = array<i32>} : memref<48x1152xf32, #tpu.memory_space<vmem>>, vector<16xf32>,
          %mul3A_491 = vector.broadcast %squeeze3A_176 : f32 to vector<16xf32>
          %mul3A_492 = arith.mulf %mul3A_491, %get3A_490 : vector<16xf32>
          %add3A_493 = arith.addf %add3A_487, %mul3A_492 : vector<16xf32>
          %get3A_494 = arith.index_cast %while3A_139 : i32 to index
          %get3A_495 = arith.constant 992 : index
          %get3A_496 = tpu.vector_load %arg15[%get3A_494, %get3A_495] {strides = array<i32>} : memref<48x1152xf32, #tpu.memory_space<vmem>>, vector<16xf32>,
          %mul3A_497 = vector.broadcast %squeeze3A_178 : f32 to vector<16xf32>
          %mul3A_498 = arith.mulf %mul3A_497, %get3A_496 : vector<16xf32>
          %add3A_499 = arith.addf %add3A_493, %mul3A_498 : vector<16xf32>
          %swap3A_500 = arith.index_cast %squeeze3A_143 : i32 to index
          %swap3A_501 = arith.constant 80 : index
          %swap3A_502 = tpu.vector_load %arg8[%swap3A_500, %swap3A_501] {strides = array<i32>} : memref<320x128xf32, #tpu.memory_space<vmem>>, vector<16xf32>,
          tpu.vector_store %arg8[%swap3A_500, %swap3A_501], %add3A_499 {strides = array<i32>} : memref<320x128xf32, #tpu.memory_space<vmem>>, vector<16xf32>,
          %get3A_503 = arith.index_cast %squeeze3A_143 : i32 to index
          %get3A_504 = arith.constant 96 : index
          %get3A_505 = tpu.vector_load %arg8[%get3A_503, %get3A_504] {strides = array<i32>} : memref<320x128xf32, #tpu.memory_space<vmem>>, vector<16xf32>,
          %get3A_506 = arith.index_cast %while3A_139 : i32 to index
          %get3A_507 = arith.constant 112 : index
          %get3A_508 = tpu.vector_load %arg15[%get3A_506, %get3A_507] {strides = array<i32>} : memref<48x1152xf32, #tpu.memory_space<vmem>>, vector<16xf32>,
          %mul3A_509 = vector.broadcast %squeeze3A_164 : f32 to vector<16xf32>
          %mul3A_510 = arith.mulf %mul3A_509, %get3A_508 : vector<16xf32>
          %add3A_511 = arith.addf %get3A_505, %mul3A_510 : vector<16xf32>
          %get3A_512 = arith.index_cast %while3A_139 : i32 to index
          %get3A_513 = arith.constant 240 : index
          %get3A_514 = tpu.vector_load %arg15[%get3A_512, %get3A_513] {strides = array<i32>} : memref<48x1152xf32, #tpu.memory_space<vmem>>, vector<16xf32>,
          %mul3A_515 = vector.broadcast %squeeze3A_166 : f32 to vector<16xf32>
          %mul3A_516 = arith.mulf %mul3A_515, %get3A_514 : vector<16xf32>
          %add3A_517 = arith.addf %add3A_511, %mul3A_516 : vector<16xf32>
          %get3A_518 = arith.index_cast %while3A_139 : i32 to index
          %get3A_519 = arith.constant 368 : index
          %get3A_520 = tpu.vector_load %arg15[%get3A_518, %get3A_519] {strides = array<i32>} : memref<48x1152xf32, #tpu.memory_space<vmem>>, vector<16xf32>,
          %mul3A_521 = vector.broadcast %squeeze3A_168 : f32 to vector<16xf32>
          %mul3A_522 = arith.mulf %mul3A_521, %get3A_520 : vector<16xf32>
          %add3A_523 = arith.addf %add3A_517, %mul3A_522 : vector<16xf32>
          %get3A_524 = arith.index_cast %while3A_139 : i32 to index
          %get3A_525 = arith.constant 496 : index
          %get3A_526 = tpu.vector_load %arg15[%get3A_524, %get3A_525] {strides = array<i32>} : memref<48x1152xf32, #tpu.memory_space<vmem>>, vector<16xf32>,
          %mul3A_527 = vector.broadcast %squeeze3A_170 : f32 to vector<16xf32>
          %mul3A_528 = arith.mulf %mul3A_527, %get3A_526 : vector<16xf32>
          %add3A_529 = arith.addf %add3A_523, %mul3A_528 : vector<16xf32>
          %get3A_530 = arith.index_cast %while3A_139 : i32 to index
          %get3A_531 = arith.constant 624 : index
          %get3A_532 = tpu.vector_load %arg15[%get3A_530, %get3A_531] {strides = array<i32>} : memref<48x1152xf32, #tpu.memory_space<vmem>>, vector<16xf32>,
          %mul3A_533 = vector.broadcast %squeeze3A_172 : f32 to vector<16xf32>
          %mul3A_534 = arith.mulf %mul3A_533, %get3A_532 : vector<16xf32>
          %add3A_535 = arith.addf %add3A_529, %mul3A_534 : vector<16xf32>
          %get3A_536 = arith.index_cast %while3A_139 : i32 to index
          %get3A_537 = arith.constant 752 : index
          %get3A_538 = tpu.vector_load %arg15[%get3A_536, %get3A_537] {strides = array<i32>} : memref<48x1152xf32, #tpu.memory_space<vmem>>, vector<16xf32>,
          %mul3A_539 = vector.broadcast %squeeze3A_174 : f32 to vector<16xf32>
          %mul3A_540 = arith.mulf %mul3A_539, %get3A_538 : vector<16xf32>
          %add3A_541 = arith.addf %add3A_535, %mul3A_540 : vector<16xf32>
          %get3A_542 = arith.index_cast %while3A_139 : i32 to index
          %get3A_543 = arith.constant 880 : index
          %get3A_544 = tpu.vector_load %arg15[%get3A_542, %get3A_543] {strides = array<i32>} : memref<48x1152xf32, #tpu.memory_space<vmem>>, vector<16xf32>,
          %mul3A_545 = vector.broadcast %squeeze3A_176 : f32 to vector<16xf32>
          %mul3A_546 = arith.mulf %mul3A_545, %get3A_544 : vector<16xf32>
          %add3A_547 = arith.addf %add3A_541, %mul3A_546 : vector<16xf32>
          %get3A_548 = arith.index_cast %while3A_139 : i32 to index
          %get3A_549 = arith.constant 1008 : index
          %get3A_550 = tpu.vector_load %arg15[%get3A_548, %get3A_549] {strides = array<i32>} : memref<48x1152xf32, #tpu.memory_space<vmem>>, vector<16xf32>,
          %mul3A_551 = vector.broadcast %squeeze3A_178 : f32 to vector<16xf32>
          %mul3A_552 = arith.mulf %mul3A_551, %get3A_550 : vector<16xf32>
          %add3A_553 = arith.addf %add3A_547, %mul3A_552 : vector<16xf32>
          %swap3A_554 = arith.index_cast %squeeze3A_143 : i32 to index
          %swap3A_555 = arith.constant 96 : index
          %swap3A_556 = tpu.vector_load %arg8[%swap3A_554, %swap3A_555] {strides = array<i32>} : memref<320x128xf32, #tpu.memory_space<vmem>>, vector<16xf32>,
          tpu.vector_store %arg8[%swap3A_554, %swap3A_555], %add3A_553 {strides = array<i32>} : memref<320x128xf32, #tpu.memory_space<vmem>>, vector<16xf32>,
          %get3A_557 = arith.index_cast %squeeze3A_143 : i32 to index
          %get3A_558 = arith.constant 112 : index
          %get3A_559 = tpu.vector_load %arg8[%get3A_557, %get3A_558] {strides = array<i32>} : memref<320x128xf32, #tpu.memory_space<vmem>>, vector<16xf32>,
          %get3A_560 = arith.index_cast %while3A_139 : i32 to index
          %get3A_561 = arith.constant 128 : index
          %get3A_562 = tpu.vector_load %arg15[%get3A_560, %get3A_561] {strides = array<i32>} : memref<48x1152xf32, #tpu.memory_space<vmem>>, vector<16xf32>,
          %mul3A_563 = vector.broadcast %squeeze3A_164 : f32 to vector<16xf32>
          %mul3A_564 = arith.mulf %mul3A_563, %get3A_562 : vector<16xf32>
          %add3A_565 = arith.addf %get3A_559, %mul3A_564 : vector<16xf32>
          %get3A_566 = arith.index_cast %while3A_139 : i32 to index
          %get3A_567 = arith.constant 256 : index
          %get3A_568 = tpu.vector_load %arg15[%get3A_566, %get3A_567] {strides = array<i32>} : memref<48x1152xf32, #tpu.memory_space<vmem>>, vector<16xf32>,
          %mul3A_569 = vector.broadcast %squeeze3A_166 : f32 to vector<16xf32>
          %mul3A_570 = arith.mulf %mul3A_569, %get3A_568 : vector<16xf32>
          %add3A_571 = arith.addf %add3A_565, %mul3A_570 : vector<16xf32>
          %get3A_572 = arith.index_cast %while3A_139 : i32 to index
          %get3A_573 = arith.constant 384 : index
          %get3A_574 = tpu.vector_load %arg15[%get3A_572, %get3A_573] {strides = array<i32>} : memref<48x1152xf32, #tpu.memory_space<vmem>>, vector<16xf32>,
          %mul3A_575 = vector.broadcast %squeeze3A_168 : f32 to vector<16xf32>
          %mul3A_576 = arith.mulf %mul3A_575, %get3A_574 : vector<16xf32>
          %add3A_577 = arith.addf %add3A_571, %mul3A_576 : vector<16xf32>
          %get3A_578 = arith.index_cast %while3A_139 : i32 to index
          %get3A_579 = arith.constant 512 : index
          %get3A_580 = tpu.vector_load %arg15[%get3A_578, %get3A_579] {strides = array<i32>} : memref<48x1152xf32, #tpu.memory_space<vmem>>, vector<16xf32>,
          %mul3A_581 = vector.broadcast %squeeze3A_170 : f32 to vector<16xf32>
          %mul3A_582 = arith.mulf %mul3A_581, %get3A_580 : vector<16xf32>
          %add3A_583 = arith.addf %add3A_577, %mul3A_582 : vector<16xf32>
          %get3A_584 = arith.index_cast %while3A_139 : i32 to index
          %get3A_585 = arith.constant 640 : index
          %get3A_586 = tpu.vector_load %arg15[%get3A_584, %get3A_585] {strides = array<i32>} : memref<48x1152xf32, #tpu.memory_space<vmem>>, vector<16xf32>,
          %mul3A_587 = vector.broadcast %squeeze3A_172 : f32 to vector<16xf32>
          %mul3A_588 = arith.mulf %mul3A_587, %get3A_586 : vector<16xf32>
          %add3A_589 = arith.addf %add3A_583, %mul3A_588 : vector<16xf32>
          %get3A_590 = arith.index_cast %while3A_139 : i32 to index
          %get3A_591 = arith.constant 768 : index
          %get3A_592 = tpu.vector_load %arg15[%get3A_590, %get3A_591] {strides = array<i32>} : memref<48x1152xf32, #tpu.memory_space<vmem>>, vector<16xf32>,
          %mul3A_593 = vector.broadcast %squeeze3A_174 : f32 to vector<16xf32>
          %mul3A_594 = arith.mulf %mul3A_593, %get3A_592 : vector<16xf32>
          %add3A_595 = arith.addf %add3A_589, %mul3A_594 : vector<16xf32>
          %get3A_596 = arith.index_cast %while3A_139 : i32 to index
          %get3A_597 = arith.constant 896 : index
          %get3A_598 = tpu.vector_load %arg15[%get3A_596, %get3A_597] {strides = array<i32>} : memref<48x1152xf32, #tpu.memory_space<vmem>>, vector<16xf32>,
          %mul3A_599 = vector.broadcast %squeeze3A_176 : f32 to vector<16xf32>
          %mul3A_600 = arith.mulf %mul3A_599, %get3A_598 : vector<16xf32>
          %add3A_601 = arith.addf %add3A_595, %mul3A_600 : vector<16xf32>
          %get3A_602 = arith.index_cast %while3A_139 : i32 to index
          %get3A_603 = arith.constant 1024 : index
          %get3A_604 = tpu.vector_load %arg15[%get3A_602, %get3A_603] {strides = array<i32>} : memref<48x1152xf32, #tpu.memory_space<vmem>>, vector<16xf32>,
          %mul3A_605 = vector.broadcast %squeeze3A_178 : f32 to vector<16xf32>
          %mul3A_606 = arith.mulf %mul3A_605, %get3A_604 : vector<16xf32>
          %add3A_607 = arith.addf %add3A_601, %mul3A_606 : vector<16xf32>
          %swap3A_608 = arith.index_cast %squeeze3A_143 : i32 to index
          %swap3A_609 = arith.constant 112 : index
          %swap3A_610 = tpu.vector_load %arg8[%swap3A_608, %swap3A_609] {strides = array<i32>} : memref<320x128xf32, #tpu.memory_space<vmem>>, vector<16xf32>,
          tpu.vector_store %arg8[%swap3A_608, %swap3A_609], %add3A_607 {strides = array<i32>} : memref<320x128xf32, #tpu.memory_space<vmem>>, vector<16xf32>,
        }
      }
      %while3A_58 = arith.constant 1 : i32
      scf.for %while3A_59 = %while3A_56 to %while3A_52 step %while3A_58  : i32 {
        %mul3A_60 = arith.constant 48 : i32
        %mul3A_61 = arith.muli %while3A_59, %mul3A_60 : i32
        %add3A_62 = arith.addi %add3A_31, %mul3A_61 : i32
        %multiple_of3A_63 = tpu.assume_multiple %add3A_62, 8 : i32
        "tpu.region"() ({
          %run_scoped3A = tpu.sem_alloc : memref<!tpu.dma_semaphore, #tpu.memory_space<semaphore_mem>>
          %dma_start3A_139 = tpu.memref_slice %arg2[%multiple_of3A_63] : memref<327808xi32, #tpu.memory_space<hbm>> -> memref<48xi32, #tpu.memory_space<hbm>>
          %dma_start3A_140 = tpu.memref_slice %arg2[%multiple_of3A_63] : memref<327808xi32, #tpu.memory_space<hbm>> -> memref<48xi32, #tpu.memory_space<hbm>>
          tpu.enqueue_dma source(%dma_start3A_140 : memref<48xi32, #tpu.memory_space<hbm>>) target(%arg12 : memref<48xi32, #tpu.memory_space<vmem>>) target_semaphore(%run_scoped3A : memref<!tpu.dma_semaphore, #tpu.memory_space<semaphore_mem>>)
          %dma_wait3A_141 = tpu.memref_slice %arg2[%multiple_of3A_63] : memref<327808xi32, #tpu.memory_space<hbm>> -> memref<48xi32, #tpu.memory_space<hbm>>
          %dma_wait3A_142 = tpu.memref_slice %arg2[%multiple_of3A_63] : memref<327808xi32, #tpu.memory_space<hbm>> -> memref<48xi32, #tpu.memory_space<hbm>>
          tpu.wait_dma2 semaphore(%run_scoped3A : memref<!tpu.dma_semaphore, #tpu.memory_space<semaphore_mem>>) src(%dma_wait3A_142 : memref<48xi32, #tpu.memory_space<hbm>>) dst(%arg12 : memref<48xi32, #tpu.memory_space<vmem>>)
          tpu.yield
        }) : () -> ()
        %get3A_64 = arith.constant 0 : index
        %get3A_65 = tpu.vector_load %arg12[%get3A_64] {strides = array<i32>} : memref<48xi32, #tpu.memory_space<vmem>>, vector<16xi32>,
        %shift_right_arithmetic3A = arith.constant 14 : i32
        %shift_right_arithmetic3A_66 = vector.broadcast %shift_right_arithmetic3A : i32 to vector<16xi32>
        %shift_right_arithmetic3A_67 = arith.shrsi %get3A_65, %shift_right_arithmetic3A_66 : vector<16xi32>
        %jit3A_68 = arith.constant 0 : i32
        %jit3A_69 = arith.constant 10239 : i32
        %max3A = vector.broadcast %jit3A_68 : i32 to vector<16xi32>
        %max3A_70 = arith.maxsi %max3A, %shift_right_arithmetic3A_67 : vector<16xi32>
        %min3A = vector.broadcast %jit3A_69 : i32 to vector<16xi32>
        %min3A_71 = arith.minsi %min3A, %max3A_70 : vector<16xi32>
        %swap3A = arith.constant 0 : index
        %swap3A_72 = tpu.vector_load %arg13[%swap3A] {strides = array<i32>} : memref<48xi32, #tpu.memory_space<vmem>>, vector<16xi32>,
        tpu.vector_store %arg13[%swap3A], %min3A_71 {strides = array<i32>} : memref<48xi32, #tpu.memory_space<vmem>>, vector<16xi32>,
        %and3A_73 = arith.constant 16383 : i32
        %and3A_74 = vector.broadcast %and3A_73 : i32 to vector<16xi32>
        %and3A_75 = arith.andi %get3A_65, %and3A_74 : vector<16xi32>
        %sub3A_76 = vector.broadcast %mul3A_2 : i32 to vector<16xi32>
        %sub3A_77 = arith.subi %and3A_75, %sub3A_76 : vector<16xi32>
        %swap3A_78 = arith.constant 0 : index
        %swap3A_79 = tpu.vector_load %arg14[%swap3A_78] {strides = array<i32>} : memref<64xi32, #tpu.memory_space<vmem>>, vector<16xi32>,
        tpu.vector_store %arg14[%swap3A_78], %sub3A_77 {strides = array<i32>} : memref<64xi32, #tpu.memory_space<vmem>>, vector<16xi32>,
        %get3A_80 = arith.constant 16 : index
        %get3A_81 = tpu.vector_load %arg12[%get3A_80] {strides = array<i32>} : memref<48xi32, #tpu.memory_space<vmem>>, vector<16xi32>,
        %shift_right_arithmetic3A_82 = arith.constant 14 : i32
        %shift_right_arithmetic3A_83 = vector.broadcast %shift_right_arithmetic3A_82 : i32 to vector<16xi32>
        %shift_right_arithmetic3A_84 = arith.shrsi %get3A_81, %shift_right_arithmetic3A_83 : vector<16xi32>
        %jit3A_85 = arith.constant 0 : i32
        %jit3A_86 = arith.constant 10239 : i32
        %max3A_87 = vector.broadcast %jit3A_85 : i32 to vector<16xi32>
        %max3A_88 = arith.maxsi %max3A_87, %shift_right_arithmetic3A_84 : vector<16xi32>
        %min3A_89 = vector.broadcast %jit3A_86 : i32 to vector<16xi32>
        %min3A_90 = arith.minsi %min3A_89, %max3A_88 : vector<16xi32>
        %swap3A_91 = arith.constant 16 : index
        %swap3A_92 = tpu.vector_load %arg13[%swap3A_91] {strides = array<i32>} : memref<48xi32, #tpu.memory_space<vmem>>, vector<16xi32>,
        tpu.vector_store %arg13[%swap3A_91], %min3A_90 {strides = array<i32>} : memref<48xi32, #tpu.memory_space<vmem>>, vector<16xi32>,
        %and3A_93 = arith.constant 16383 : i32
        %and3A_94 = vector.broadcast %and3A_93 : i32 to vector<16xi32>
        %and3A_95 = arith.andi %get3A_81, %and3A_94 : vector<16xi32>
        %sub3A_96 = vector.broadcast %mul3A_2 : i32 to vector<16xi32>
        %sub3A_97 = arith.subi %and3A_95, %sub3A_96 : vector<16xi32>
        %swap3A_98 = arith.constant 16 : index
        %swap3A_99 = tpu.vector_load %arg14[%swap3A_98] {strides = array<i32>} : memref<64xi32, #tpu.memory_space<vmem>>, vector<16xi32>,
        tpu.vector_store %arg14[%swap3A_98], %sub3A_97 {strides = array<i32>} : memref<64xi32, #tpu.memory_space<vmem>>, vector<16xi32>,
        %get3A_100 = arith.constant 32 : index
        %get3A_101 = tpu.vector_load %arg12[%get3A_100] {strides = array<i32>} : memref<48xi32, #tpu.memory_space<vmem>>, vector<16xi32>,
        %shift_right_arithmetic3A_102 = arith.constant 14 : i32
        %shift_right_arithmetic3A_103 = vector.broadcast %shift_right_arithmetic3A_102 : i32 to vector<16xi32>
        %shift_right_arithmetic3A_104 = arith.shrsi %get3A_101, %shift_right_arithmetic3A_103 : vector<16xi32>
        %jit3A_105 = arith.constant 0 : i32
        %jit3A_106 = arith.constant 10239 : i32
        %max3A_107 = vector.broadcast %jit3A_105 : i32 to vector<16xi32>
        %max3A_108 = arith.maxsi %max3A_107, %shift_right_arithmetic3A_104 : vector<16xi32>
        %min3A_109 = vector.broadcast %jit3A_106 : i32 to vector<16xi32>
        %min3A_110 = arith.minsi %min3A_109, %max3A_108 : vector<16xi32>
        %swap3A_111 = arith.constant 32 : index
        %swap3A_112 = tpu.vector_load %arg13[%swap3A_111] {strides = array<i32>} : memref<48xi32, #tpu.memory_space<vmem>>, vector<16xi32>,
        tpu.vector_store %arg13[%swap3A_111], %min3A_110 {strides = array<i32>} : memref<48xi32, #tpu.memory_space<vmem>>, vector<16xi32>,
        %and3A_113 = arith.constant 16383 : i32
        %and3A_114 = vector.broadcast %and3A_113 : i32 to vector<16xi32>
        %and3A_115 = arith.andi %get3A_101, %and3A_114 : vector<16xi32>
        %sub3A_116 = vector.broadcast %mul3A_2 : i32 to vector<16xi32>
        %sub3A_117 = arith.subi %and3A_115, %sub3A_116 : vector<16xi32>
        %swap3A_118 = arith.constant 32 : index
        %swap3A_119 = tpu.vector_load %arg14[%swap3A_118] {strides = array<i32>} : memref<64xi32, #tpu.memory_space<vmem>>, vector<16xi32>,
        tpu.vector_store %arg14[%swap3A_118], %sub3A_117 {strides = array<i32>} : memref<64xi32, #tpu.memory_space<vmem>>, vector<16xi32>,
        %dma_start3A = arith.constant 0 : i32
        %dma_start3A_120 = arith.constant 0 : i32
        %dma_start3A_121 = tpu.memref_slice %arg5[%dma_start3A, %dma_start3A_120] : memref<10240x1152xf32, #tpu.memory_space<hbm>> -> memref<10240x1152xf32, #tpu.memory_space<hbm>>
        tpu.enqueue_indirect_dma source(%dma_start3A_121 : memref<10240x1152xf32, #tpu.memory_space<hbm>>) target(%arg15 : memref<48x1152xf32, #tpu.memory_space<vmem>>) offsets(%arg13 : memref<48xi32, #tpu.memory_space<vmem>>) semaphore(%arg16 : memref<!tpu.dma_semaphore, #tpu.memory_space<semaphore_mem>>)
        %dma_wait3A = arith.constant 0 : i32
        %dma_wait3A_122 = arith.constant 0 : i32
        %dma_wait3A_123 = tpu.memref_slice %arg5[%dma_wait3A, %dma_wait3A_122] : memref<10240x1152xf32, #tpu.memory_space<hbm>> -> memref<10240x1152xf32, #tpu.memory_space<hbm>>
        tpu.wait_indirect_dma semaphore(%arg16 : memref<!tpu.dma_semaphore, #tpu.memory_space<semaphore_mem>>) src(%dma_wait3A_123 : memref<10240x1152xf32, #tpu.memory_space<hbm>>) dst(%arg15 : memref<48x1152xf32, #tpu.memory_space<vmem>>)
        %mul3A_124 = arith.constant 48 : i32
        %mul3A_125 = arith.muli %while3A_59, %mul3A_124 : i32
        %sub3A_126 = arith.subi %squeeze3A, %mul3A_125 : i32
        %min3A_127 = arith.constant 48 : i32
        %min3A_128 = arith.minsi %min3A_127, %sub3A_126 : i32
        %while3A_129 = arith.constant 0 : i32
        %while3A_130 = arith.constant 0 : i32
        %while3A_131 = arith.subi %min3A_128, %while3A_130 : i32
        %while3A_132 = arith.addi %while3A_130, %while3A_131 : i32
        %while3A_133 = arith.constant 1 : i32
        %while3A_134 = arith.divsi %while3A_131, %while3A_133 : i32
        %while3A_135 = arith.muli %while3A_134, %while3A_133 : i32
        %while3A_136 = arith.addi %while3A_130, %while3A_135 : i32
        %while3A_137 = arith.constant 1 : i32
        scf.for %while3A_139 = %while3A_130 to %while3A_136 step %while3A_137  : i32 {
          %get3A_140 = arith.index_cast %while3A_139 : i32 to index
          %get3A_141 = tpu.vector_load %arg14[%get3A_140] {strides = array<i32>} : memref<64xi32, #tpu.memory_space<vmem>>, vector<16xi32>,
          %slice3A_142 = vector.extract_strided_slice %get3A_141 {offsets = [0], sizes = [1], strides = [1]} : vector<16xi32> to vector<1xi32>
          %squeeze3A_143 = vector.extract %slice3A_142[0] : i32 from vector<1xi32>
          %get3A_144 = arith.index_cast %while3A_139 : i32 to index
          %get3A_145 = arith.constant 0 : index
          %get3A_146 = tpu.vector_load %arg15[%get3A_144, %get3A_145] {strides = array<i32>} : memref<48x1152xf32, #tpu.memory_space<vmem>>, vector<16xf32>,
          %mul3A_147 = arith.constant 32 : i32
          %mul3A_148 = arith.muli %squeeze3A_143, %mul3A_147 : i32
          %get3A_149 = arith.index_cast %mul3A_148 : i32 to index
          %get3A_150 = tpu.vector_load %arg9[%get3A_149] {strides = array<i32>} : memref<10240xf32, #tpu.memory_space<vmem>>, vector<16xf32>,
          %add3A_151 = arith.addf %get3A_146, %get3A_150 : vector<16xf32>
          %mul3A_152 = arith.constant 2.000000e-01 : f32
          %mul3A_153 = vector.broadcast %mul3A_152 : f32 to vector<16xf32>
          %mul3A_154 = arith.mulf %mul3A_153, %add3A_151 : vector<16xf32>
          %max3A_155 = arith.maximumf %add3A_151, %mul3A_154 : vector<16xf32>
          %exp3A = math.exp %max3A_155 : vector<16xf32>
          %mul3A_156 = arith.constant 32 : i32
          %mul3A_157 = arith.muli %squeeze3A_143, %mul3A_156 : i32
          %add3A_158 = arith.constant 16 : i32
          %add3A_159 = arith.addi %mul3A_157, %add3A_158 : i32
          %get3A_160 = arith.index_cast %add3A_159 : i32 to index
          %get3A_161 = tpu.vector_load %arg9[%get3A_160] {strides = array<i32>} : memref<10240xf32, #tpu.memory_space<vmem>>, vector<16xf32>,
          %mul3A_162 = arith.mulf %exp3A, %get3A_161 : vector<16xf32>
          %slice3A_163 = vector.extract_strided_slice %mul3A_162 {offsets = [0], sizes = [1], strides = [1]} : vector<16xf32> to vector<1xf32>
          %squeeze3A_164 = vector.extract %slice3A_163[0] : f32 from vector<1xf32>
          %slice3A_165 = vector.extract_strided_slice %mul3A_162 {offsets = [1], sizes = [1], strides = [1]} : vector<16xf32> to vector<1xf32>
          %squeeze3A_166 = vector.extract %slice3A_165[0] : f32 from vector<1xf32>
          %slice3A_167 = vector.extract_strided_slice %mul3A_162 {offsets = [2], sizes = [1], strides = [1]} : vector<16xf32> to vector<1xf32>
          %squeeze3A_168 = vector.extract %slice3A_167[0] : f32 from vector<1xf32>
          %slice3A_169 = vector.extract_strided_slice %mul3A_162 {offsets = [3], sizes = [1], strides = [1]} : vector<16xf32> to vector<1xf32>
          %squeeze3A_170 = vector.extract %slice3A_169[0] : f32 from vector<1xf32>
          %slice3A_171 = vector.extract_strided_slice %mul3A_162 {offsets = [4], sizes = [1], strides = [1]} : vector<16xf32> to vector<1xf32>
          %squeeze3A_172 = vector.extract %slice3A_171[0] : f32 from vector<1xf32>
          %slice3A_173 = vector.extract_strided_slice %mul3A_162 {offsets = [5], sizes = [1], strides = [1]} : vector<16xf32> to vector<1xf32>
          %squeeze3A_174 = vector.extract %slice3A_173[0] : f32 from vector<1xf32>
          %slice3A_175 = vector.extract_strided_slice %mul3A_162 {offsets = [6], sizes = [1], strides = [1]} : vector<16xf32> to vector<1xf32>
          %squeeze3A_176 = vector.extract %slice3A_175[0] : f32 from vector<1xf32>
          %slice3A_177 = vector.extract_strided_slice %mul3A_162 {offsets = [7], sizes = [1], strides = [1]} : vector<16xf32> to vector<1xf32>
          %squeeze3A_178 = vector.extract %slice3A_177[0] : f32 from vector<1xf32>
          %get3A_179 = arith.index_cast %squeeze3A_143 : i32 to index
          %get3A_180 = arith.constant 0 : index
          %get3A_181 = tpu.vector_load %arg8[%get3A_179, %get3A_180] {strides = array<i32>} : memref<320x128xf32, #tpu.memory_space<vmem>>, vector<16xf32>,
          %get3A_182 = arith.index_cast %while3A_139 : i32 to index
          %get3A_183 = arith.constant 16 : index
          %get3A_184 = tpu.vector_load %arg15[%get3A_182, %get3A_183] {strides = array<i32>} : memref<48x1152xf32, #tpu.memory_space<vmem>>, vector<16xf32>,
          %mul3A_185 = vector.broadcast %squeeze3A_164 : f32 to vector<16xf32>
          %mul3A_186 = arith.mulf %mul3A_185, %get3A_184 : vector<16xf32>
          %add3A_187 = arith.addf %get3A_181, %mul3A_186 : vector<16xf32>
          %get3A_188 = arith.index_cast %while3A_139 : i32 to index
          %get3A_189 = arith.constant 144 : index
          %get3A_190 = tpu.vector_load %arg15[%get3A_188, %get3A_189] {strides = array<i32>} : memref<48x1152xf32, #tpu.memory_space<vmem>>, vector<16xf32>,
          %mul3A_191 = vector.broadcast %squeeze3A_166 : f32 to vector<16xf32>
          %mul3A_192 = arith.mulf %mul3A_191, %get3A_190 : vector<16xf32>
          %add3A_193 = arith.addf %add3A_187, %mul3A_192 : vector<16xf32>
          %get3A_194 = arith.index_cast %while3A_139 : i32 to index
          %get3A_195 = arith.constant 272 : index
          %get3A_196 = tpu.vector_load %arg15[%get3A_194, %get3A_195] {strides = array<i32>} : memref<48x1152xf32, #tpu.memory_space<vmem>>, vector<16xf32>,
          %mul3A_197 = vector.broadcast %squeeze3A_168 : f32 to vector<16xf32>
          %mul3A_198 = arith.mulf %mul3A_197, %get3A_196 : vector<16xf32>
          %add3A_199 = arith.addf %add3A_193, %mul3A_198 : vector<16xf32>
          %get3A_200 = arith.index_cast %while3A_139 : i32 to index
          %get3A_201 = arith.constant 400 : index
          %get3A_202 = tpu.vector_load %arg15[%get3A_200, %get3A_201] {strides = array<i32>} : memref<48x1152xf32, #tpu.memory_space<vmem>>, vector<16xf32>,
          %mul3A_203 = vector.broadcast %squeeze3A_170 : f32 to vector<16xf32>
          %mul3A_204 = arith.mulf %mul3A_203, %get3A_202 : vector<16xf32>
          %add3A_205 = arith.addf %add3A_199, %mul3A_204 : vector<16xf32>
          %get3A_206 = arith.index_cast %while3A_139 : i32 to index
          %get3A_207 = arith.constant 528 : index
          %get3A_208 = tpu.vector_load %arg15[%get3A_206, %get3A_207] {strides = array<i32>} : memref<48x1152xf32, #tpu.memory_space<vmem>>, vector<16xf32>,
          %mul3A_209 = vector.broadcast %squeeze3A_172 : f32 to vector<16xf32>
          %mul3A_210 = arith.mulf %mul3A_209, %get3A_208 : vector<16xf32>
          %add3A_211 = arith.addf %add3A_205, %mul3A_210 : vector<16xf32>
          %get3A_212 = arith.index_cast %while3A_139 : i32 to index
          %get3A_213 = arith.constant 656 : index
          %get3A_214 = tpu.vector_load %arg15[%get3A_212, %get3A_213] {strides = array<i32>} : memref<48x1152xf32, #tpu.memory_space<vmem>>, vector<16xf32>,
          %mul3A_215 = vector.broadcast %squeeze3A_174 : f32 to vector<16xf32>
          %mul3A_216 = arith.mulf %mul3A_215, %get3A_214 : vector<16xf32>
          %add3A_217 = arith.addf %add3A_211, %mul3A_216 : vector<16xf32>
          %get3A_218 = arith.index_cast %while3A_139 : i32 to index
          %get3A_219 = arith.constant 784 : index
          %get3A_220 = tpu.vector_load %arg15[%get3A_218, %get3A_219] {strides = array<i32>} : memref<48x1152xf32, #tpu.memory_space<vmem>>, vector<16xf32>,
          %mul3A_221 = vector.broadcast %squeeze3A_176 : f32 to vector<16xf32>
          %mul3A_222 = arith.mulf %mul3A_221, %get3A_220 : vector<16xf32>
          %add3A_223 = arith.addf %add3A_217, %mul3A_222 : vector<16xf32>
          %get3A_224 = arith.index_cast %while3A_139 : i32 to index
          %get3A_225 = arith.constant 912 : index
          %get3A_226 = tpu.vector_load %arg15[%get3A_224, %get3A_225] {strides = array<i32>} : memref<48x1152xf32, #tpu.memory_space<vmem>>, vector<16xf32>,
          %mul3A_227 = vector.broadcast %squeeze3A_178 : f32 to vector<16xf32>
          %mul3A_228 = arith.mulf %mul3A_227, %get3A_226 : vector<16xf32>
          %add3A_229 = arith.addf %add3A_223, %mul3A_228 : vector<16xf32>
          %swap3A_230 = arith.index_cast %squeeze3A_143 : i32 to index
          %swap3A_231 = arith.constant 0 : index
          %swap3A_232 = tpu.vector_load %arg8[%swap3A_230, %swap3A_231] {strides = array<i32>} : memref<320x128xf32, #tpu.memory_space<vmem>>, vector<16xf32>,
          tpu.vector_store %arg8[%swap3A_230, %swap3A_231], %add3A_229 {strides = array<i32>} : memref<320x128xf32, #tpu.memory_space<vmem>>, vector<16xf32>,
          %get3A_233 = arith.index_cast %squeeze3A_143 : i32 to index
          %get3A_234 = arith.constant 16 : index
          %get3A_235 = tpu.vector_load %arg8[%get3A_233, %get3A_234] {strides = array<i32>} : memref<320x128xf32, #tpu.memory_space<vmem>>, vector<16xf32>,
          %get3A_236 = arith.index_cast %while3A_139 : i32 to index
          %get3A_237 = arith.constant 32 : index
          %get3A_238 = tpu.vector_load %arg15[%get3A_236, %get3A_237] {strides = array<i32>} : memref<48x1152xf32, #tpu.memory_space<vmem>>, vector<16xf32>,
          %mul3A_239 = vector.broadcast %squeeze3A_164 : f32 to vector<16xf32>
          %mul3A_240 = arith.mulf %mul3A_239, %get3A_238 : vector<16xf32>
          %add3A_241 = arith.addf %get3A_235, %mul3A_240 : vector<16xf32>
          %get3A_242 = arith.index_cast %while3A_139 : i32 to index
          %get3A_243 = arith.constant 160 : index
          %get3A_244 = tpu.vector_load %arg15[%get3A_242, %get3A_243] {strides = array<i32>} : memref<48x1152xf32, #tpu.memory_space<vmem>>, vector<16xf32>,
          %mul3A_245 = vector.broadcast %squeeze3A_166 : f32 to vector<16xf32>
          %mul3A_246 = arith.mulf %mul3A_245, %get3A_244 : vector<16xf32>
          %add3A_247 = arith.addf %add3A_241, %mul3A_246 : vector<16xf32>
          %get3A_248 = arith.index_cast %while3A_139 : i32 to index
          %get3A_249 = arith.constant 288 : index
          %get3A_250 = tpu.vector_load %arg15[%get3A_248, %get3A_249] {strides = array<i32>} : memref<48x1152xf32, #tpu.memory_space<vmem>>, vector<16xf32>,
          %mul3A_251 = vector.broadcast %squeeze3A_168 : f32 to vector<16xf32>
          %mul3A_252 = arith.mulf %mul3A_251, %get3A_250 : vector<16xf32>
          %add3A_253 = arith.addf %add3A_247, %mul3A_252 : vector<16xf32>
          %get3A_254 = arith.index_cast %while3A_139 : i32 to index
          %get3A_255 = arith.constant 416 : index
          %get3A_256 = tpu.vector_load %arg15[%get3A_254, %get3A_255] {strides = array<i32>} : memref<48x1152xf32, #tpu.memory_space<vmem>>, vector<16xf32>,
          %mul3A_257 = vector.broadcast %squeeze3A_170 : f32 to vector<16xf32>
          %mul3A_258 = arith.mulf %mul3A_257, %get3A_256 : vector<16xf32>
          %add3A_259 = arith.addf %add3A_253, %mul3A_258 : vector<16xf32>
          %get3A_260 = arith.index_cast %while3A_139 : i32 to index
          %get3A_261 = arith.constant 544 : index
          %get3A_262 = tpu.vector_load %arg15[%get3A_260, %get3A_261] {strides = array<i32>} : memref<48x1152xf32, #tpu.memory_space<vmem>>, vector<16xf32>,
          %mul3A_263 = vector.broadcast %squeeze3A_172 : f32 to vector<16xf32>
          %mul3A_264 = arith.mulf %mul3A_263, %get3A_262 : vector<16xf32>
          %add3A_265 = arith.addf %add3A_259, %mul3A_264 : vector<16xf32>
          %get3A_266 = arith.index_cast %while3A_139 : i32 to index
          %get3A_267 = arith.constant 672 : index
          %get3A_268 = tpu.vector_load %arg15[%get3A_266, %get3A_267] {strides = array<i32>} : memref<48x1152xf32, #tpu.memory_space<vmem>>, vector<16xf32>,
          %mul3A_269 = vector.broadcast %squeeze3A_174 : f32 to vector<16xf32>
          %mul3A_270 = arith.mulf %mul3A_269, %get3A_268 : vector<16xf32>
          %add3A_271 = arith.addf %add3A_265, %mul3A_270 : vector<16xf32>
          %get3A_272 = arith.index_cast %while3A_139 : i32 to index
          %get3A_273 = arith.constant 800 : index
          %get3A_274 = tpu.vector_load %arg15[%get3A_272, %get3A_273] {strides = array<i32>} : memref<48x1152xf32, #tpu.memory_space<vmem>>, vector<16xf32>,
          %mul3A_275 = vector.broadcast %squeeze3A_176 : f32 to vector<16xf32>
          %mul3A_276 = arith.mulf %mul3A_275, %get3A_274 : vector<16xf32>
          %add3A_277 = arith.addf %add3A_271, %mul3A_276 : vector<16xf32>
          %get3A_278 = arith.index_cast %while3A_139 : i32 to index
          %get3A_279 = arith.constant 928 : index
          %get3A_280 = tpu.vector_load %arg15[%get3A_278, %get3A_279] {strides = array<i32>} : memref<48x1152xf32, #tpu.memory_space<vmem>>, vector<16xf32>,
          %mul3A_281 = vector.broadcast %squeeze3A_178 : f32 to vector<16xf32>
          %mul3A_282 = arith.mulf %mul3A_281, %get3A_280 : vector<16xf32>
          %add3A_283 = arith.addf %add3A_277, %mul3A_282 : vector<16xf32>
          %swap3A_284 = arith.index_cast %squeeze3A_143 : i32 to index
          %swap3A_285 = arith.constant 16 : index
          %swap3A_286 = tpu.vector_load %arg8[%swap3A_284, %swap3A_285] {strides = array<i32>} : memref<320x128xf32, #tpu.memory_space<vmem>>, vector<16xf32>,
          tpu.vector_store %arg8[%swap3A_284, %swap3A_285], %add3A_283 {strides = array<i32>} : memref<320x128xf32, #tpu.memory_space<vmem>>, vector<16xf32>,
          %get3A_287 = arith.index_cast %squeeze3A_143 : i32 to index
          %get3A_288 = arith.constant 32 : index
          %get3A_289 = tpu.vector_load %arg8[%get3A_287, %get3A_288] {strides = array<i32>} : memref<320x128xf32, #tpu.memory_space<vmem>>, vector<16xf32>,
          %get3A_290 = arith.index_cast %while3A_139 : i32 to index
          %get3A_291 = arith.constant 48 : index
          %get3A_292 = tpu.vector_load %arg15[%get3A_290, %get3A_291] {strides = array<i32>} : memref<48x1152xf32, #tpu.memory_space<vmem>>, vector<16xf32>,
          %mul3A_293 = vector.broadcast %squeeze3A_164 : f32 to vector<16xf32>
          %mul3A_294 = arith.mulf %mul3A_293, %get3A_292 : vector<16xf32>
          %add3A_295 = arith.addf %get3A_289, %mul3A_294 : vector<16xf32>
          %get3A_296 = arith.index_cast %while3A_139 : i32 to index
          %get3A_297 = arith.constant 176 : index
          %get3A_298 = tpu.vector_load %arg15[%get3A_296, %get3A_297] {strides = array<i32>} : memref<48x1152xf32, #tpu.memory_space<vmem>>, vector<16xf32>,
          %mul3A_299 = vector.broadcast %squeeze3A_166 : f32 to vector<16xf32>
          %mul3A_300 = arith.mulf %mul3A_299, %get3A_298 : vector<16xf32>
          %add3A_301 = arith.addf %add3A_295, %mul3A_300 : vector<16xf32>
          %get3A_302 = arith.index_cast %while3A_139 : i32 to index
          %get3A_303 = arith.constant 304 : index
          %get3A_304 = tpu.vector_load %arg15[%get3A_302, %get3A_303] {strides = array<i32>} : memref<48x1152xf32, #tpu.memory_space<vmem>>, vector<16xf32>,
          %mul3A_305 = vector.broadcast %squeeze3A_168 : f32 to vector<16xf32>
          %mul3A_306 = arith.mulf %mul3A_305, %get3A_304 : vector<16xf32>
          %add3A_307 = arith.addf %add3A_301, %mul3A_306 : vector<16xf32>
          %get3A_308 = arith.index_cast %while3A_139 : i32 to index
          %get3A_309 = arith.constant 432 : index
          %get3A_310 = tpu.vector_load %arg15[%get3A_308, %get3A_309] {strides = array<i32>} : memref<48x1152xf32, #tpu.memory_space<vmem>>, vector<16xf32>,
          %mul3A_311 = vector.broadcast %squeeze3A_170 : f32 to vector<16xf32>
          %mul3A_312 = arith.mulf %mul3A_311, %get3A_310 : vector<16xf32>
          %add3A_313 = arith.addf %add3A_307, %mul3A_312 : vector<16xf32>
          %get3A_314 = arith.index_cast %while3A_139 : i32 to index
          %get3A_315 = arith.constant 560 : index
          %get3A_316 = tpu.vector_load %arg15[%get3A_314, %get3A_315] {strides = array<i32>} : memref<48x1152xf32, #tpu.memory_space<vmem>>, vector<16xf32>,
          %mul3A_317 = vector.broadcast %squeeze3A_172 : f32 to vector<16xf32>
          %mul3A_318 = arith.mulf %mul3A_317, %get3A_316 : vector<16xf32>
          %add3A_319 = arith.addf %add3A_313, %mul3A_318 : vector<16xf32>
          %get3A_320 = arith.index_cast %while3A_139 : i32 to index
          %get3A_321 = arith.constant 688 : index
          %get3A_322 = tpu.vector_load %arg15[%get3A_320, %get3A_321] {strides = array<i32>} : memref<48x1152xf32, #tpu.memory_space<vmem>>, vector<16xf32>,
          %mul3A_323 = vector.broadcast %squeeze3A_174 : f32 to vector<16xf32>
          %mul3A_324 = arith.mulf %mul3A_323, %get3A_322 : vector<16xf32>
          %add3A_325 = arith.addf %add3A_319, %mul3A_324 : vector<16xf32>
          %get3A_326 = arith.index_cast %while3A_139 : i32 to index
          %get3A_327 = arith.constant 816 : index
          %get3A_328 = tpu.vector_load %arg15[%get3A_326, %get3A_327] {strides = array<i32>} : memref<48x1152xf32, #tpu.memory_space<vmem>>, vector<16xf32>,
          %mul3A_329 = vector.broadcast %squeeze3A_176 : f32 to vector<16xf32>
          %mul3A_330 = arith.mulf %mul3A_329, %get3A_328 : vector<16xf32>
          %add3A_331 = arith.addf %add3A_325, %mul3A_330 : vector<16xf32>
          %get3A_332 = arith.index_cast %while3A_139 : i32 to index
          %get3A_333 = arith.constant 944 : index
          %get3A_334 = tpu.vector_load %arg15[%get3A_332, %get3A_333] {strides = array<i32>} : memref<48x1152xf32, #tpu.memory_space<vmem>>, vector<16xf32>,
          %mul3A_335 = vector.broadcast %squeeze3A_178 : f32 to vector<16xf32>
          %mul3A_336 = arith.mulf %mul3A_335, %get3A_334 : vector<16xf32>
          %add3A_337 = arith.addf %add3A_331, %mul3A_336 : vector<16xf32>
          %swap3A_338 = arith.index_cast %squeeze3A_143 : i32 to index
          %swap3A_339 = arith.constant 32 : index
          %swap3A_340 = tpu.vector_load %arg8[%swap3A_338, %swap3A_339] {strides = array<i32>} : memref<320x128xf32, #tpu.memory_space<vmem>>, vector<16xf32>,
          tpu.vector_store %arg8[%swap3A_338, %swap3A_339], %add3A_337 {strides = array<i32>} : memref<320x128xf32, #tpu.memory_space<vmem>>, vector<16xf32>,
          %get3A_341 = arith.index_cast %squeeze3A_143 : i32 to index
          %get3A_342 = arith.constant 48 : index
          %get3A_343 = tpu.vector_load %arg8[%get3A_341, %get3A_342] {strides = array<i32>} : memref<320x128xf32, #tpu.memory_space<vmem>>, vector<16xf32>,
          %get3A_344 = arith.index_cast %while3A_139 : i32 to index
          %get3A_345 = arith.constant 64 : index
          %get3A_346 = tpu.vector_load %arg15[%get3A_344, %get3A_345] {strides = array<i32>} : memref<48x1152xf32, #tpu.memory_space<vmem>>, vector<16xf32>,
          %mul3A_347 = vector.broadcast %squeeze3A_164 : f32 to vector<16xf32>
          %mul3A_348 = arith.mulf %mul3A_347, %get3A_346 : vector<16xf32>
          %add3A_349 = arith.addf %get3A_343, %mul3A_348 : vector<16xf32>
          %get3A_350 = arith.index_cast %while3A_139 : i32 to index
          %get3A_351 = arith.constant 192 : index
          %get3A_352 = tpu.vector_load %arg15[%get3A_350, %get3A_351] {strides = array<i32>} : memref<48x1152xf32, #tpu.memory_space<vmem>>, vector<16xf32>,
          %mul3A_353 = vector.broadcast %squeeze3A_166 : f32 to vector<16xf32>
          %mul3A_354 = arith.mulf %mul3A_353, %get3A_352 : vector<16xf32>
          %add3A_355 = arith.addf %add3A_349, %mul3A_354 : vector<16xf32>
          %get3A_356 = arith.index_cast %while3A_139 : i32 to index
          %get3A_357 = arith.constant 320 : index
          %get3A_358 = tpu.vector_load %arg15[%get3A_356, %get3A_357] {strides = array<i32>} : memref<48x1152xf32, #tpu.memory_space<vmem>>, vector<16xf32>,
          %mul3A_359 = vector.broadcast %squeeze3A_168 : f32 to vector<16xf32>
          %mul3A_360 = arith.mulf %mul3A_359, %get3A_358 : vector<16xf32>
          %add3A_361 = arith.addf %add3A_355, %mul3A_360 : vector<16xf32>
          %get3A_362 = arith.index_cast %while3A_139 : i32 to index
          %get3A_363 = arith.constant 448 : index
          %get3A_364 = tpu.vector_load %arg15[%get3A_362, %get3A_363] {strides = array<i32>} : memref<48x1152xf32, #tpu.memory_space<vmem>>, vector<16xf32>,
          %mul3A_365 = vector.broadcast %squeeze3A_170 : f32 to vector<16xf32>
          %mul3A_366 = arith.mulf %mul3A_365, %get3A_364 : vector<16xf32>
          %add3A_367 = arith.addf %add3A_361, %mul3A_366 : vector<16xf32>
          %get3A_368 = arith.index_cast %while3A_139 : i32 to index
          %get3A_369 = arith.constant 576 : index
          %get3A_370 = tpu.vector_load %arg15[%get3A_368, %get3A_369] {strides = array<i32>} : memref<48x1152xf32, #tpu.memory_space<vmem>>, vector<16xf32>,
          %mul3A_371 = vector.broadcast %squeeze3A_172 : f32 to vector<16xf32>
          %mul3A_372 = arith.mulf %mul3A_371, %get3A_370 : vector<16xf32>
          %add3A_373 = arith.addf %add3A_367, %mul3A_372 : vector<16xf32>
          %get3A_374 = arith.index_cast %while3A_139 : i32 to index
          %get3A_375 = arith.constant 704 : index
          %get3A_376 = tpu.vector_load %arg15[%get3A_374, %get3A_375] {strides = array<i32>} : memref<48x1152xf32, #tpu.memory_space<vmem>>, vector<16xf32>,
          %mul3A_377 = vector.broadcast %squeeze3A_174 : f32 to vector<16xf32>
          %mul3A_378 = arith.mulf %mul3A_377, %get3A_376 : vector<16xf32>
          %add3A_379 = arith.addf %add3A_373, %mul3A_378 : vector<16xf32>
          %get3A_380 = arith.index_cast %while3A_139 : i32 to index
          %get3A_381 = arith.constant 832 : index
          %get3A_382 = tpu.vector_load %arg15[%get3A_380, %get3A_381] {strides = array<i32>} : memref<48x1152xf32, #tpu.memory_space<vmem>>, vector<16xf32>,
          %mul3A_383 = vector.broadcast %squeeze3A_176 : f32 to vector<16xf32>
          %mul3A_384 = arith.mulf %mul3A_383, %get3A_382 : vector<16xf32>
          %add3A_385 = arith.addf %add3A_379, %mul3A_384 : vector<16xf32>
          %get3A_386 = arith.index_cast %while3A_139 : i32 to index
          %get3A_387 = arith.constant 960 : index
          %get3A_388 = tpu.vector_load %arg15[%get3A_386, %get3A_387] {strides = array<i32>} : memref<48x1152xf32, #tpu.memory_space<vmem>>, vector<16xf32>,
          %mul3A_389 = vector.broadcast %squeeze3A_178 : f32 to vector<16xf32>
          %mul3A_390 = arith.mulf %mul3A_389, %get3A_388 : vector<16xf32>
          %add3A_391 = arith.addf %add3A_385, %mul3A_390 : vector<16xf32>
          %swap3A_392 = arith.index_cast %squeeze3A_143 : i32 to index
          %swap3A_393 = arith.constant 48 : index
          %swap3A_394 = tpu.vector_load %arg8[%swap3A_392, %swap3A_393] {strides = array<i32>} : memref<320x128xf32, #tpu.memory_space<vmem>>, vector<16xf32>,
          tpu.vector_store %arg8[%swap3A_392, %swap3A_393], %add3A_391 {strides = array<i32>} : memref<320x128xf32, #tpu.memory_space<vmem>>, vector<16xf32>,
          %get3A_395 = arith.index_cast %squeeze3A_143 : i32 to index
          %get3A_396 = arith.constant 64 : index
          %get3A_397 = tpu.vector_load %arg8[%get3A_395, %get3A_396] {strides = array<i32>} : memref<320x128xf32, #tpu.memory_space<vmem>>, vector<16xf32>,
          %get3A_398 = arith.index_cast %while3A_139 : i32 to index
          %get3A_399 = arith.constant 80 : index
          %get3A_400 = tpu.vector_load %arg15[%get3A_398, %get3A_399] {strides = array<i32>} : memref<48x1152xf32, #tpu.memory_space<vmem>>, vector<16xf32>,
          %mul3A_401 = vector.broadcast %squeeze3A_164 : f32 to vector<16xf32>
          %mul3A_402 = arith.mulf %mul3A_401, %get3A_400 : vector<16xf32>
          %add3A_403 = arith.addf %get3A_397, %mul3A_402 : vector<16xf32>
          %get3A_404 = arith.index_cast %while3A_139 : i32 to index
          %get3A_405 = arith.constant 208 : index
          %get3A_406 = tpu.vector_load %arg15[%get3A_404, %get3A_405] {strides = array<i32>} : memref<48x1152xf32, #tpu.memory_space<vmem>>, vector<16xf32>,
          %mul3A_407 = vector.broadcast %squeeze3A_166 : f32 to vector<16xf32>
          %mul3A_408 = arith.mulf %mul3A_407, %get3A_406 : vector<16xf32>
          %add3A_409 = arith.addf %add3A_403, %mul3A_408 : vector<16xf32>
          %get3A_410 = arith.index_cast %while3A_139 : i32 to index
          %get3A_411 = arith.constant 336 : index
          %get3A_412 = tpu.vector_load %arg15[%get3A_410, %get3A_411] {strides = array<i32>} : memref<48x1152xf32, #tpu.memory_space<vmem>>, vector<16xf32>,
          %mul3A_413 = vector.broadcast %squeeze3A_168 : f32 to vector<16xf32>
          %mul3A_414 = arith.mulf %mul3A_413, %get3A_412 : vector<16xf32>
          %add3A_415 = arith.addf %add3A_409, %mul3A_414 : vector<16xf32>
          %get3A_416 = arith.index_cast %while3A_139 : i32 to index
          %get3A_417 = arith.constant 464 : index
          %get3A_418 = tpu.vector_load %arg15[%get3A_416, %get3A_417] {strides = array<i32>} : memref<48x1152xf32, #tpu.memory_space<vmem>>, vector<16xf32>,
          %mul3A_419 = vector.broadcast %squeeze3A_170 : f32 to vector<16xf32>
          %mul3A_420 = arith.mulf %mul3A_419, %get3A_418 : vector<16xf32>
          %add3A_421 = arith.addf %add3A_415, %mul3A_420 : vector<16xf32>
          %get3A_422 = arith.index_cast %while3A_139 : i32 to index
          %get3A_423 = arith.constant 592 : index
          %get3A_424 = tpu.vector_load %arg15[%get3A_422, %get3A_423] {strides = array<i32>} : memref<48x1152xf32, #tpu.memory_space<vmem>>, vector<16xf32>,
          %mul3A_425 = vector.broadcast %squeeze3A_172 : f32 to vector<16xf32>
          %mul3A_426 = arith.mulf %mul3A_425, %get3A_424 : vector<16xf32>
          %add3A_427 = arith.addf %add3A_421, %mul3A_426 : vector<16xf32>
          %get3A_428 = arith.index_cast %while3A_139 : i32 to index
          %get3A_429 = arith.constant 720 : index
          %get3A_430 = tpu.vector_load %arg15[%get3A_428, %get3A_429] {strides = array<i32>} : memref<48x1152xf32, #tpu.memory_space<vmem>>, vector<16xf32>,
          %mul3A_431 = vector.broadcast %squeeze3A_174 : f32 to vector<16xf32>
          %mul3A_432 = arith.mulf %mul3A_431, %get3A_430 : vector<16xf32>
          %add3A_433 = arith.addf %add3A_427, %mul3A_432 : vector<16xf32>
          %get3A_434 = arith.index_cast %while3A_139 : i32 to index
          %get3A_435 = arith.constant 848 : index
          %get3A_436 = tpu.vector_load %arg15[%get3A_434, %get3A_435] {strides = array<i32>} : memref<48x1152xf32, #tpu.memory_space<vmem>>, vector<16xf32>,
          %mul3A_437 = vector.broadcast %squeeze3A_176 : f32 to vector<16xf32>
          %mul3A_438 = arith.mulf %mul3A_437, %get3A_436 : vector<16xf32>
          %add3A_439 = arith.addf %add3A_433, %mul3A_438 : vector<16xf32>
          %get3A_440 = arith.index_cast %while3A_139 : i32 to index
          %get3A_441 = arith.constant 976 : index
          %get3A_442 = tpu.vector_load %arg15[%get3A_440, %get3A_441] {strides = array<i32>} : memref<48x1152xf32, #tpu.memory_space<vmem>>, vector<16xf32>,
          %mul3A_443 = vector.broadcast %squeeze3A_178 : f32 to vector<16xf32>
          %mul3A_444 = arith.mulf %mul3A_443, %get3A_442 : vector<16xf32>
          %add3A_445 = arith.addf %add3A_439, %mul3A_444 : vector<16xf32>
          %swap3A_446 = arith.index_cast %squeeze3A_143 : i32 to index
          %swap3A_447 = arith.constant 64 : index
          %swap3A_448 = tpu.vector_load %arg8[%swap3A_446, %swap3A_447] {strides = array<i32>} : memref<320x128xf32, #tpu.memory_space<vmem>>, vector<16xf32>,
          tpu.vector_store %arg8[%swap3A_446, %swap3A_447], %add3A_445 {strides = array<i32>} : memref<320x128xf32, #tpu.memory_space<vmem>>, vector<16xf32>,
          %get3A_449 = arith.index_cast %squeeze3A_143 : i32 to index
          %get3A_450 = arith.constant 80 : index
          %get3A_451 = tpu.vector_load %arg8[%get3A_449, %get3A_450] {strides = array<i32>} : memref<320x128xf32, #tpu.memory_space<vmem>>, vector<16xf32>,
          %get3A_452 = arith.index_cast %while3A_139 : i32 to index
          %get3A_453 = arith.constant 96 : index
          %get3A_454 = tpu.vector_load %arg15[%get3A_452, %get3A_453] {strides = array<i32>} : memref<48x1152xf32, #tpu.memory_space<vmem>>, vector<16xf32>,
          %mul3A_455 = vector.broadcast %squeeze3A_164 : f32 to vector<16xf32>
          %mul3A_456 = arith.mulf %mul3A_455, %get3A_454 : vector<16xf32>
          %add3A_457 = arith.addf %get3A_451, %mul3A_456 : vector<16xf32>
          %get3A_458 = arith.index_cast %while3A_139 : i32 to index
          %get3A_459 = arith.constant 224 : index
          %get3A_460 = tpu.vector_load %arg15[%get3A_458, %get3A_459] {strides = array<i32>} : memref<48x1152xf32, #tpu.memory_space<vmem>>, vector<16xf32>,
          %mul3A_461 = vector.broadcast %squeeze3A_166 : f32 to vector<16xf32>
          %mul3A_462 = arith.mulf %mul3A_461, %get3A_460 : vector<16xf32>
          %add3A_463 = arith.addf %add3A_457, %mul3A_462 : vector<16xf32>
          %get3A_464 = arith.index_cast %while3A_139 : i32 to index
          %get3A_465 = arith.constant 352 : index
          %get3A_466 = tpu.vector_load %arg15[%get3A_464, %get3A_465] {strides = array<i32>} : memref<48x1152xf32, #tpu.memory_space<vmem>>, vector<16xf32>,
          %mul3A_467 = vector.broadcast %squeeze3A_168 : f32 to vector<16xf32>
          %mul3A_468 = arith.mulf %mul3A_467, %get3A_466 : vector<16xf32>
          %add3A_469 = arith.addf %add3A_463, %mul3A_468 : vector<16xf32>
          %get3A_470 = arith.index_cast %while3A_139 : i32 to index
          %get3A_471 = arith.constant 480 : index
          %get3A_472 = tpu.vector_load %arg15[%get3A_470, %get3A_471] {strides = array<i32>} : memref<48x1152xf32, #tpu.memory_space<vmem>>, vector<16xf32>,
          %mul3A_473 = vector.broadcast %squeeze3A_170 : f32 to vector<16xf32>
          %mul3A_474 = arith.mulf %mul3A_473, %get3A_472 : vector<16xf32>
          %add3A_475 = arith.addf %add3A_469, %mul3A_474 : vector<16xf32>
          %get3A_476 = arith.index_cast %while3A_139 : i32 to index
          %get3A_477 = arith.constant 608 : index
          %get3A_478 = tpu.vector_load %arg15[%get3A_476, %get3A_477] {strides = array<i32>} : memref<48x1152xf32, #tpu.memory_space<vmem>>, vector<16xf32>,
          %mul3A_479 = vector.broadcast %squeeze3A_172 : f32 to vector<16xf32>
          %mul3A_480 = arith.mulf %mul3A_479, %get3A_478 : vector<16xf32>
          %add3A_481 = arith.addf %add3A_475, %mul3A_480 : vector<16xf32>
          %get3A_482 = arith.index_cast %while3A_139 : i32 to index
          %get3A_483 = arith.constant 736 : index
          %get3A_484 = tpu.vector_load %arg15[%get3A_482, %get3A_483] {strides = array<i32>} : memref<48x1152xf32, #tpu.memory_space<vmem>>, vector<16xf32>,
          %mul3A_485 = vector.broadcast %squeeze3A_174 : f32 to vector<16xf32>
          %mul3A_486 = arith.mulf %mul3A_485, %get3A_484 : vector<16xf32>
          %add3A_487 = arith.addf %add3A_481, %mul3A_486 : vector<16xf32>
          %get3A_488 = arith.index_cast %while3A_139 : i32 to index
          %get3A_489 = arith.constant 864 : index
          %get3A_490 = tpu.vector_load %arg15[%get3A_488, %get3A_489] {strides = array<i32>} : memref<48x1152xf32, #tpu.memory_space<vmem>>, vector<16xf32>,
          %mul3A_491 = vector.broadcast %squeeze3A_176 : f32 to vector<16xf32>
          %mul3A_492 = arith.mulf %mul3A_491, %get3A_490 : vector<16xf32>
          %add3A_493 = arith.addf %add3A_487, %mul3A_492 : vector<16xf32>
          %get3A_494 = arith.index_cast %while3A_139 : i32 to index
          %get3A_495 = arith.constant 992 : index
          %get3A_496 = tpu.vector_load %arg15[%get3A_494, %get3A_495] {strides = array<i32>} : memref<48x1152xf32, #tpu.memory_space<vmem>>, vector<16xf32>,
          %mul3A_497 = vector.broadcast %squeeze3A_178 : f32 to vector<16xf32>
          %mul3A_498 = arith.mulf %mul3A_497, %get3A_496 : vector<16xf32>
          %add3A_499 = arith.addf %add3A_493, %mul3A_498 : vector<16xf32>
          %swap3A_500 = arith.index_cast %squeeze3A_143 : i32 to index
          %swap3A_501 = arith.constant 80 : index
          %swap3A_502 = tpu.vector_load %arg8[%swap3A_500, %swap3A_501] {strides = array<i32>} : memref<320x128xf32, #tpu.memory_space<vmem>>, vector<16xf32>,
          tpu.vector_store %arg8[%swap3A_500, %swap3A_501], %add3A_499 {strides = array<i32>} : memref<320x128xf32, #tpu.memory_space<vmem>>, vector<16xf32>,
          %get3A_503 = arith.index_cast %squeeze3A_143 : i32 to index
          %get3A_504 = arith.constant 96 : index
          %get3A_505 = tpu.vector_load %arg8[%get3A_503, %get3A_504] {strides = array<i32>} : memref<320x128xf32, #tpu.memory_space<vmem>>, vector<16xf32>,
          %get3A_506 = arith.index_cast %while3A_139 : i32 to index
          %get3A_507 = arith.constant 112 : index
          %get3A_508 = tpu.vector_load %arg15[%get3A_506, %get3A_507] {strides = array<i32>} : memref<48x1152xf32, #tpu.memory_space<vmem>>, vector<16xf32>,
          %mul3A_509 = vector.broadcast %squeeze3A_164 : f32 to vector<16xf32>
          %mul3A_510 = arith.mulf %mul3A_509, %get3A_508 : vector<16xf32>
          %add3A_511 = arith.addf %get3A_505, %mul3A_510 : vector<16xf32>
          %get3A_512 = arith.index_cast %while3A_139 : i32 to index
          %get3A_513 = arith.constant 240 : index
          %get3A_514 = tpu.vector_load %arg15[%get3A_512, %get3A_513] {strides = array<i32>} : memref<48x1152xf32, #tpu.memory_space<vmem>>, vector<16xf32>,
          %mul3A_515 = vector.broadcast %squeeze3A_166 : f32 to vector<16xf32>
          %mul3A_516 = arith.mulf %mul3A_515, %get3A_514 : vector<16xf32>
          %add3A_517 = arith.addf %add3A_511, %mul3A_516 : vector<16xf32>
          %get3A_518 = arith.index_cast %while3A_139 : i32 to index
          %get3A_519 = arith.constant 368 : index
          %get3A_520 = tpu.vector_load %arg15[%get3A_518, %get3A_519] {strides = array<i32>} : memref<48x1152xf32, #tpu.memory_space<vmem>>, vector<16xf32>,
          %mul3A_521 = vector.broadcast %squeeze3A_168 : f32 to vector<16xf32>
          %mul3A_522 = arith.mulf %mul3A_521, %get3A_520 : vector<16xf32>
          %add3A_523 = arith.addf %add3A_517, %mul3A_522 : vector<16xf32>
          %get3A_524 = arith.index_cast %while3A_139 : i32 to index
          %get3A_525 = arith.constant 496 : index
          %get3A_526 = tpu.vector_load %arg15[%get3A_524, %get3A_525] {strides = array<i32>} : memref<48x1152xf32, #tpu.memory_space<vmem>>, vector<16xf32>,
          %mul3A_527 = vector.broadcast %squeeze3A_170 : f32 to vector<16xf32>
          %mul3A_528 = arith.mulf %mul3A_527, %get3A_526 : vector<16xf32>
          %add3A_529 = arith.addf %add3A_523, %mul3A_528 : vector<16xf32>
          %get3A_530 = arith.index_cast %while3A_139 : i32 to index
          %get3A_531 = arith.constant 624 : index
          %get3A_532 = tpu.vector_load %arg15[%get3A_530, %get3A_531] {strides = array<i32>} : memref<48x1152xf32, #tpu.memory_space<vmem>>, vector<16xf32>,
          %mul3A_533 = vector.broadcast %squeeze3A_172 : f32 to vector<16xf32>
          %mul3A_534 = arith.mulf %mul3A_533, %get3A_532 : vector<16xf32>
          %add3A_535 = arith.addf %add3A_529, %mul3A_534 : vector<16xf32>
          %get3A_536 = arith.index_cast %while3A_139 : i32 to index
          %get3A_537 = arith.constant 752 : index
          %get3A_538 = tpu.vector_load %arg15[%get3A_536, %get3A_537] {strides = array<i32>} : memref<48x1152xf32, #tpu.memory_space<vmem>>, vector<16xf32>,
          %mul3A_539 = vector.broadcast %squeeze3A_174 : f32 to vector<16xf32>
          %mul3A_540 = arith.mulf %mul3A_539, %get3A_538 : vector<16xf32>
          %add3A_541 = arith.addf %add3A_535, %mul3A_540 : vector<16xf32>
          %get3A_542 = arith.index_cast %while3A_139 : i32 to index
          %get3A_543 = arith.constant 880 : index
          %get3A_544 = tpu.vector_load %arg15[%get3A_542, %get3A_543] {strides = array<i32>} : memref<48x1152xf32, #tpu.memory_space<vmem>>, vector<16xf32>,
          %mul3A_545 = vector.broadcast %squeeze3A_176 : f32 to vector<16xf32>
          %mul3A_546 = arith.mulf %mul3A_545, %get3A_544 : vector<16xf32>
          %add3A_547 = arith.addf %add3A_541, %mul3A_546 : vector<16xf32>
          %get3A_548 = arith.index_cast %while3A_139 : i32 to index
          %get3A_549 = arith.constant 1008 : index
          %get3A_550 = tpu.vector_load %arg15[%get3A_548, %get3A_549] {strides = array<i32>} : memref<48x1152xf32, #tpu.memory_space<vmem>>, vector<16xf32>,
          %mul3A_551 = vector.broadcast %squeeze3A_178 : f32 to vector<16xf32>
          %mul3A_552 = arith.mulf %mul3A_551, %get3A_550 : vector<16xf32>
          %add3A_553 = arith.addf %add3A_547, %mul3A_552 : vector<16xf32>
          %swap3A_554 = arith.index_cast %squeeze3A_143 : i32 to index
          %swap3A_555 = arith.constant 96 : index
          %swap3A_556 = tpu.vector_load %arg8[%swap3A_554, %swap3A_555] {strides = array<i32>} : memref<320x128xf32, #tpu.memory_space<vmem>>, vector<16xf32>,
          tpu.vector_store %arg8[%swap3A_554, %swap3A_555], %add3A_553 {strides = array<i32>} : memref<320x128xf32, #tpu.memory_space<vmem>>, vector<16xf32>,
          %get3A_557 = arith.index_cast %squeeze3A_143 : i32 to index
          %get3A_558 = arith.constant 112 : index
          %get3A_559 = tpu.vector_load %arg8[%get3A_557, %get3A_558] {strides = array<i32>} : memref<320x128xf32, #tpu.memory_space<vmem>>, vector<16xf32>,
          %get3A_560 = arith.index_cast %while3A_139 : i32 to index
          %get3A_561 = arith.constant 128 : index
          %get3A_562 = tpu.vector_load %arg15[%get3A_560, %get3A_561] {strides = array<i32>} : memref<48x1152xf32, #tpu.memory_space<vmem>>, vector<16xf32>,
          %mul3A_563 = vector.broadcast %squeeze3A_164 : f32 to vector<16xf32>
          %mul3A_564 = arith.mulf %mul3A_563, %get3A_562 : vector<16xf32>
          %add3A_565 = arith.addf %get3A_559, %mul3A_564 : vector<16xf32>
          %get3A_566 = arith.index_cast %while3A_139 : i32 to index
          %get3A_567 = arith.constant 256 : index
          %get3A_568 = tpu.vector_load %arg15[%get3A_566, %get3A_567] {strides = array<i32>} : memref<48x1152xf32, #tpu.memory_space<vmem>>, vector<16xf32>,
          %mul3A_569 = vector.broadcast %squeeze3A_166 : f32 to vector<16xf32>
          %mul3A_570 = arith.mulf %mul3A_569, %get3A_568 : vector<16xf32>
          %add3A_571 = arith.addf %add3A_565, %mul3A_570 : vector<16xf32>
          %get3A_572 = arith.index_cast %while3A_139 : i32 to index
          %get3A_573 = arith.constant 384 : index
          %get3A_574 = tpu.vector_load %arg15[%get3A_572, %get3A_573] {strides = array<i32>} : memref<48x1152xf32, #tpu.memory_space<vmem>>, vector<16xf32>,
          %mul3A_575 = vector.broadcast %squeeze3A_168 : f32 to vector<16xf32>
          %mul3A_576 = arith.mulf %mul3A_575, %get3A_574 : vector<16xf32>
          %add3A_577 = arith.addf %add3A_571, %mul3A_576 : vector<16xf32>
          %get3A_578 = arith.index_cast %while3A_139 : i32 to index
          %get3A_579 = arith.constant 512 : index
          %get3A_580 = tpu.vector_load %arg15[%get3A_578, %get3A_579] {strides = array<i32>} : memref<48x1152xf32, #tpu.memory_space<vmem>>, vector<16xf32>,
          %mul3A_581 = vector.broadcast %squeeze3A_170 : f32 to vector<16xf32>
          %mul3A_582 = arith.mulf %mul3A_581, %get3A_580 : vector<16xf32>
          %add3A_583 = arith.addf %add3A_577, %mul3A_582 : vector<16xf32>
          %get3A_584 = arith.index_cast %while3A_139 : i32 to index
          %get3A_585 = arith.constant 640 : index
          %get3A_586 = tpu.vector_load %arg15[%get3A_584, %get3A_585] {strides = array<i32>} : memref<48x1152xf32, #tpu.memory_space<vmem>>, vector<16xf32>,
          %mul3A_587 = vector.broadcast %squeeze3A_172 : f32 to vector<16xf32>
          %mul3A_588 = arith.mulf %mul3A_587, %get3A_586 : vector<16xf32>
          %add3A_589 = arith.addf %add3A_583, %mul3A_588 : vector<16xf32>
          %get3A_590 = arith.index_cast %while3A_139 : i32 to index
          %get3A_591 = arith.constant 768 : index
          %get3A_592 = tpu.vector_load %arg15[%get3A_590, %get3A_591] {strides = array<i32>} : memref<48x1152xf32, #tpu.memory_space<vmem>>, vector<16xf32>,
          %mul3A_593 = vector.broadcast %squeeze3A_174 : f32 to vector<16xf32>
          %mul3A_594 = arith.mulf %mul3A_593, %get3A_592 : vector<16xf32>
          %add3A_595 = arith.addf %add3A_589, %mul3A_594 : vector<16xf32>
          %get3A_596 = arith.index_cast %while3A_139 : i32 to index
          %get3A_597 = arith.constant 896 : index
          %get3A_598 = tpu.vector_load %arg15[%get3A_596, %get3A_597] {strides = array<i32>} : memref<48x1152xf32, #tpu.memory_space<vmem>>, vector<16xf32>,
          %mul3A_599 = vector.broadcast %squeeze3A_176 : f32 to vector<16xf32>
          %mul3A_600 = arith.mulf %mul3A_599, %get3A_598 : vector<16xf32>
          %add3A_601 = arith.addf %add3A_595, %mul3A_600 : vector<16xf32>
          %get3A_602 = arith.index_cast %while3A_139 : i32 to index
          %get3A_603 = arith.constant 1024 : index
          %get3A_604 = tpu.vector_load %arg15[%get3A_602, %get3A_603] {strides = array<i32>} : memref<48x1152xf32, #tpu.memory_space<vmem>>, vector<16xf32>,
          %mul3A_605 = vector.broadcast %squeeze3A_178 : f32 to vector<16xf32>
          %mul3A_606 = arith.mulf %mul3A_605, %get3A_604 : vector<16xf32>
          %add3A_607 = arith.addf %add3A_601, %mul3A_606 : vector<16xf32>
          %swap3A_608 = arith.index_cast %squeeze3A_143 : i32 to index
          %swap3A_609 = arith.constant 112 : index
          %swap3A_610 = tpu.vector_load %arg8[%swap3A_608, %swap3A_609] {strides = array<i32>} : memref<320x128xf32, #tpu.memory_space<vmem>>, vector<16xf32>,
          tpu.vector_store %arg8[%swap3A_608, %swap3A_609], %add3A_607 {strides = array<i32>} : memref<320x128xf32, #tpu.memory_space<vmem>>, vector<16xf32>,
        }
        %while3A_138 = arith.constant 1 : i32
        scf.for %while3A_139 = %while3A_136 to %while3A_132 step %while3A_138  : i32 {
          %get3A_140 = arith.index_cast %while3A_139 : i32 to index
          %get3A_141 = tpu.vector_load %arg14[%get3A_140] {strides = array<i32>} : memref<64xi32, #tpu.memory_space<vmem>>, vector<16xi32>,
          %slice3A_142 = vector.extract_strided_slice %get3A_141 {offsets = [0], sizes = [1], strides = [1]} : vector<16xi32> to vector<1xi32>
          %squeeze3A_143 = vector.extract %slice3A_142[0] : i32 from vector<1xi32>
          %get3A_144 = arith.index_cast %while3A_139 : i32 to index
          %get3A_145 = arith.constant 0 : index
          %get3A_146 = tpu.vector_load %arg15[%get3A_144, %get3A_145] {strides = array<i32>} : memref<48x1152xf32, #tpu.memory_space<vmem>>, vector<16xf32>,
          %mul3A_147 = arith.constant 32 : i32
          %mul3A_148 = arith.muli %squeeze3A_143, %mul3A_147 : i32
          %get3A_149 = arith.index_cast %mul3A_148 : i32 to index
          %get3A_150 = tpu.vector_load %arg9[%get3A_149] {strides = array<i32>} : memref<10240xf32, #tpu.memory_space<vmem>>, vector<16xf32>,
          %add3A_151 = arith.addf %get3A_146, %get3A_150 : vector<16xf32>
          %mul3A_152 = arith.constant 2.000000e-01 : f32
          %mul3A_153 = vector.broadcast %mul3A_152 : f32 to vector<16xf32>
          %mul3A_154 = arith.mulf %mul3A_153, %add3A_151 : vector<16xf32>
          %max3A_155 = arith.maximumf %add3A_151, %mul3A_154 : vector<16xf32>
          %exp3A = math.exp %max3A_155 : vector<16xf32>
          %mul3A_156 = arith.constant 32 : i32
          %mul3A_157 = arith.muli %squeeze3A_143, %mul3A_156 : i32
          %add3A_158 = arith.constant 16 : i32
          %add3A_159 = arith.addi %mul3A_157, %add3A_158 : i32
          %get3A_160 = arith.index_cast %add3A_159 : i32 to index
          %get3A_161 = tpu.vector_load %arg9[%get3A_160] {strides = array<i32>} : memref<10240xf32, #tpu.memory_space<vmem>>, vector<16xf32>,
          %mul3A_162 = arith.mulf %exp3A, %get3A_161 : vector<16xf32>
          %slice3A_163 = vector.extract_strided_slice %mul3A_162 {offsets = [0], sizes = [1], strides = [1]} : vector<16xf32> to vector<1xf32>
          %squeeze3A_164 = vector.extract %slice3A_163[0] : f32 from vector<1xf32>
          %slice3A_165 = vector.extract_strided_slice %mul3A_162 {offsets = [1], sizes = [1], strides = [1]} : vector<16xf32> to vector<1xf32>
          %squeeze3A_166 = vector.extract %slice3A_165[0] : f32 from vector<1xf32>
          %slice3A_167 = vector.extract_strided_slice %mul3A_162 {offsets = [2], sizes = [1], strides = [1]} : vector<16xf32> to vector<1xf32>
          %squeeze3A_168 = vector.extract %slice3A_167[0] : f32 from vector<1xf32>
          %slice3A_169 = vector.extract_strided_slice %mul3A_162 {offsets = [3], sizes = [1], strides = [1]} : vector<16xf32> to vector<1xf32>
          %squeeze3A_170 = vector.extract %slice3A_169[0] : f32 from vector<1xf32>
          %slice3A_171 = vector.extract_strided_slice %mul3A_162 {offsets = [4], sizes = [1], strides = [1]} : vector<16xf32> to vector<1xf32>
          %squeeze3A_172 = vector.extract %slice3A_171[0] : f32 from vector<1xf32>
          %slice3A_173 = vector.extract_strided_slice %mul3A_162 {offsets = [5], sizes = [1], strides = [1]} : vector<16xf32> to vector<1xf32>
          %squeeze3A_174 = vector.extract %slice3A_173[0] : f32 from vector<1xf32>
          %slice3A_175 = vector.extract_strided_slice %mul3A_162 {offsets = [6], sizes = [1], strides = [1]} : vector<16xf32> to vector<1xf32>
          %squeeze3A_176 = vector.extract %slice3A_175[0] : f32 from vector<1xf32>
          %slice3A_177 = vector.extract_strided_slice %mul3A_162 {offsets = [7], sizes = [1], strides = [1]} : vector<16xf32> to vector<1xf32>
          %squeeze3A_178 = vector.extract %slice3A_177[0] : f32 from vector<1xf32>
          %get3A_179 = arith.index_cast %squeeze3A_143 : i32 to index
          %get3A_180 = arith.constant 0 : index
          %get3A_181 = tpu.vector_load %arg8[%get3A_179, %get3A_180] {strides = array<i32>} : memref<320x128xf32, #tpu.memory_space<vmem>>, vector<16xf32>,
          %get3A_182 = arith.index_cast %while3A_139 : i32 to index
          %get3A_183 = arith.constant 16 : index
          %get3A_184 = tpu.vector_load %arg15[%get3A_182, %get3A_183] {strides = array<i32>} : memref<48x1152xf32, #tpu.memory_space<vmem>>, vector<16xf32>,
          %mul3A_185 = vector.broadcast %squeeze3A_164 : f32 to vector<16xf32>
          %mul3A_186 = arith.mulf %mul3A_185, %get3A_184 : vector<16xf32>
          %add3A_187 = arith.addf %get3A_181, %mul3A_186 : vector<16xf32>
          %get3A_188 = arith.index_cast %while3A_139 : i32 to index
          %get3A_189 = arith.constant 144 : index
          %get3A_190 = tpu.vector_load %arg15[%get3A_188, %get3A_189] {strides = array<i32>} : memref<48x1152xf32, #tpu.memory_space<vmem>>, vector<16xf32>,
          %mul3A_191 = vector.broadcast %squeeze3A_166 : f32 to vector<16xf32>
          %mul3A_192 = arith.mulf %mul3A_191, %get3A_190 : vector<16xf32>
          %add3A_193 = arith.addf %add3A_187, %mul3A_192 : vector<16xf32>
          %get3A_194 = arith.index_cast %while3A_139 : i32 to index
          %get3A_195 = arith.constant 272 : index
          %get3A_196 = tpu.vector_load %arg15[%get3A_194, %get3A_195] {strides = array<i32>} : memref<48x1152xf32, #tpu.memory_space<vmem>>, vector<16xf32>,
          %mul3A_197 = vector.broadcast %squeeze3A_168 : f32 to vector<16xf32>
          %mul3A_198 = arith.mulf %mul3A_197, %get3A_196 : vector<16xf32>
          %add3A_199 = arith.addf %add3A_193, %mul3A_198 : vector<16xf32>
          %get3A_200 = arith.index_cast %while3A_139 : i32 to index
          %get3A_201 = arith.constant 400 : index
          %get3A_202 = tpu.vector_load %arg15[%get3A_200, %get3A_201] {strides = array<i32>} : memref<48x1152xf32, #tpu.memory_space<vmem>>, vector<16xf32>,
          %mul3A_203 = vector.broadcast %squeeze3A_170 : f32 to vector<16xf32>
          %mul3A_204 = arith.mulf %mul3A_203, %get3A_202 : vector<16xf32>
          %add3A_205 = arith.addf %add3A_199, %mul3A_204 : vector<16xf32>
          %get3A_206 = arith.index_cast %while3A_139 : i32 to index
          %get3A_207 = arith.constant 528 : index
          %get3A_208 = tpu.vector_load %arg15[%get3A_206, %get3A_207] {strides = array<i32>} : memref<48x1152xf32, #tpu.memory_space<vmem>>, vector<16xf32>,
          %mul3A_209 = vector.broadcast %squeeze3A_172 : f32 to vector<16xf32>
          %mul3A_210 = arith.mulf %mul3A_209, %get3A_208 : vector<16xf32>
          %add3A_211 = arith.addf %add3A_205, %mul3A_210 : vector<16xf32>
          %get3A_212 = arith.index_cast %while3A_139 : i32 to index
          %get3A_213 = arith.constant 656 : index
          %get3A_214 = tpu.vector_load %arg15[%get3A_212, %get3A_213] {strides = array<i32>} : memref<48x1152xf32, #tpu.memory_space<vmem>>, vector<16xf32>,
          %mul3A_215 = vector.broadcast %squeeze3A_174 : f32 to vector<16xf32>
          %mul3A_216 = arith.mulf %mul3A_215, %get3A_214 : vector<16xf32>
          %add3A_217 = arith.addf %add3A_211, %mul3A_216 : vector<16xf32>
          %get3A_218 = arith.index_cast %while3A_139 : i32 to index
          %get3A_219 = arith.constant 784 : index
          %get3A_220 = tpu.vector_load %arg15[%get3A_218, %get3A_219] {strides = array<i32>} : memref<48x1152xf32, #tpu.memory_space<vmem>>, vector<16xf32>,
          %mul3A_221 = vector.broadcast %squeeze3A_176 : f32 to vector<16xf32>
          %mul3A_222 = arith.mulf %mul3A_221, %get3A_220 : vector<16xf32>
          %add3A_223 = arith.addf %add3A_217, %mul3A_222 : vector<16xf32>
          %get3A_224 = arith.index_cast %while3A_139 : i32 to index
          %get3A_225 = arith.constant 912 : index
          %get3A_226 = tpu.vector_load %arg15[%get3A_224, %get3A_225] {strides = array<i32>} : memref<48x1152xf32, #tpu.memory_space<vmem>>, vector<16xf32>,
          %mul3A_227 = vector.broadcast %squeeze3A_178 : f32 to vector<16xf32>
          %mul3A_228 = arith.mulf %mul3A_227, %get3A_226 : vector<16xf32>
          %add3A_229 = arith.addf %add3A_223, %mul3A_228 : vector<16xf32>
          %swap3A_230 = arith.index_cast %squeeze3A_143 : i32 to index
          %swap3A_231 = arith.constant 0 : index
          %swap3A_232 = tpu.vector_load %arg8[%swap3A_230, %swap3A_231] {strides = array<i32>} : memref<320x128xf32, #tpu.memory_space<vmem>>, vector<16xf32>,
          tpu.vector_store %arg8[%swap3A_230, %swap3A_231], %add3A_229 {strides = array<i32>} : memref<320x128xf32, #tpu.memory_space<vmem>>, vector<16xf32>,
          %get3A_233 = arith.index_cast %squeeze3A_143 : i32 to index
          %get3A_234 = arith.constant 16 : index
          %get3A_235 = tpu.vector_load %arg8[%get3A_233, %get3A_234] {strides = array<i32>} : memref<320x128xf32, #tpu.memory_space<vmem>>, vector<16xf32>,
          %get3A_236 = arith.index_cast %while3A_139 : i32 to index
          %get3A_237 = arith.constant 32 : index
          %get3A_238 = tpu.vector_load %arg15[%get3A_236, %get3A_237] {strides = array<i32>} : memref<48x1152xf32, #tpu.memory_space<vmem>>, vector<16xf32>,
          %mul3A_239 = vector.broadcast %squeeze3A_164 : f32 to vector<16xf32>
          %mul3A_240 = arith.mulf %mul3A_239, %get3A_238 : vector<16xf32>
          %add3A_241 = arith.addf %get3A_235, %mul3A_240 : vector<16xf32>
          %get3A_242 = arith.index_cast %while3A_139 : i32 to index
          %get3A_243 = arith.constant 160 : index
          %get3A_244 = tpu.vector_load %arg15[%get3A_242, %get3A_243] {strides = array<i32>} : memref<48x1152xf32, #tpu.memory_space<vmem>>, vector<16xf32>,
          %mul3A_245 = vector.broadcast %squeeze3A_166 : f32 to vector<16xf32>
          %mul3A_246 = arith.mulf %mul3A_245, %get3A_244 : vector<16xf32>
          %add3A_247 = arith.addf %add3A_241, %mul3A_246 : vector<16xf32>
          %get3A_248 = arith.index_cast %while3A_139 : i32 to index
          %get3A_249 = arith.constant 288 : index
          %get3A_250 = tpu.vector_load %arg15[%get3A_248, %get3A_249] {strides = array<i32>} : memref<48x1152xf32, #tpu.memory_space<vmem>>, vector<16xf32>,
          %mul3A_251 = vector.broadcast %squeeze3A_168 : f32 to vector<16xf32>
          %mul3A_252 = arith.mulf %mul3A_251, %get3A_250 : vector<16xf32>
          %add3A_253 = arith.addf %add3A_247, %mul3A_252 : vector<16xf32>
          %get3A_254 = arith.index_cast %while3A_139 : i32 to index
          %get3A_255 = arith.constant 416 : index
          %get3A_256 = tpu.vector_load %arg15[%get3A_254, %get3A_255] {strides = array<i32>} : memref<48x1152xf32, #tpu.memory_space<vmem>>, vector<16xf32>,
          %mul3A_257 = vector.broadcast %squeeze3A_170 : f32 to vector<16xf32>
          %mul3A_258 = arith.mulf %mul3A_257, %get3A_256 : vector<16xf32>
          %add3A_259 = arith.addf %add3A_253, %mul3A_258 : vector<16xf32>
          %get3A_260 = arith.index_cast %while3A_139 : i32 to index
          %get3A_261 = arith.constant 544 : index
          %get3A_262 = tpu.vector_load %arg15[%get3A_260, %get3A_261] {strides = array<i32>} : memref<48x1152xf32, #tpu.memory_space<vmem>>, vector<16xf32>,
          %mul3A_263 = vector.broadcast %squeeze3A_172 : f32 to vector<16xf32>
          %mul3A_264 = arith.mulf %mul3A_263, %get3A_262 : vector<16xf32>
          %add3A_265 = arith.addf %add3A_259, %mul3A_264 : vector<16xf32>
          %get3A_266 = arith.index_cast %while3A_139 : i32 to index
          %get3A_267 = arith.constant 672 : index
          %get3A_268 = tpu.vector_load %arg15[%get3A_266, %get3A_267] {strides = array<i32>} : memref<48x1152xf32, #tpu.memory_space<vmem>>, vector<16xf32>,
          %mul3A_269 = vector.broadcast %squeeze3A_174 : f32 to vector<16xf32>
          %mul3A_270 = arith.mulf %mul3A_269, %get3A_268 : vector<16xf32>
          %add3A_271 = arith.addf %add3A_265, %mul3A_270 : vector<16xf32>
          %get3A_272 = arith.index_cast %while3A_139 : i32 to index
          %get3A_273 = arith.constant 800 : index
          %get3A_274 = tpu.vector_load %arg15[%get3A_272, %get3A_273] {strides = array<i32>} : memref<48x1152xf32, #tpu.memory_space<vmem>>, vector<16xf32>,
          %mul3A_275 = vector.broadcast %squeeze3A_176 : f32 to vector<16xf32>
          %mul3A_276 = arith.mulf %mul3A_275, %get3A_274 : vector<16xf32>
          %add3A_277 = arith.addf %add3A_271, %mul3A_276 : vector<16xf32>
          %get3A_278 = arith.index_cast %while3A_139 : i32 to index
          %get3A_279 = arith.constant 928 : index
          %get3A_280 = tpu.vector_load %arg15[%get3A_278, %get3A_279] {strides = array<i32>} : memref<48x1152xf32, #tpu.memory_space<vmem>>, vector<16xf32>,
          %mul3A_281 = vector.broadcast %squeeze3A_178 : f32 to vector<16xf32>
          %mul3A_282 = arith.mulf %mul3A_281, %get3A_280 : vector<16xf32>
          %add3A_283 = arith.addf %add3A_277, %mul3A_282 : vector<16xf32>
          %swap3A_284 = arith.index_cast %squeeze3A_143 : i32 to index
          %swap3A_285 = arith.constant 16 : index
          %swap3A_286 = tpu.vector_load %arg8[%swap3A_284, %swap3A_285] {strides = array<i32>} : memref<320x128xf32, #tpu.memory_space<vmem>>, vector<16xf32>,
          tpu.vector_store %arg8[%swap3A_284, %swap3A_285], %add3A_283 {strides = array<i32>} : memref<320x128xf32, #tpu.memory_space<vmem>>, vector<16xf32>,
          %get3A_287 = arith.index_cast %squeeze3A_143 : i32 to index
          %get3A_288 = arith.constant 32 : index
          %get3A_289 = tpu.vector_load %arg8[%get3A_287, %get3A_288] {strides = array<i32>} : memref<320x128xf32, #tpu.memory_space<vmem>>, vector<16xf32>,
          %get3A_290 = arith.index_cast %while3A_139 : i32 to index
          %get3A_291 = arith.constant 48 : index
          %get3A_292 = tpu.vector_load %arg15[%get3A_290, %get3A_291] {strides = array<i32>} : memref<48x1152xf32, #tpu.memory_space<vmem>>, vector<16xf32>,
          %mul3A_293 = vector.broadcast %squeeze3A_164 : f32 to vector<16xf32>
          %mul3A_294 = arith.mulf %mul3A_293, %get3A_292 : vector<16xf32>
          %add3A_295 = arith.addf %get3A_289, %mul3A_294 : vector<16xf32>
          %get3A_296 = arith.index_cast %while3A_139 : i32 to index
          %get3A_297 = arith.constant 176 : index
          %get3A_298 = tpu.vector_load %arg15[%get3A_296, %get3A_297] {strides = array<i32>} : memref<48x1152xf32, #tpu.memory_space<vmem>>, vector<16xf32>,
          %mul3A_299 = vector.broadcast %squeeze3A_166 : f32 to vector<16xf32>
          %mul3A_300 = arith.mulf %mul3A_299, %get3A_298 : vector<16xf32>
          %add3A_301 = arith.addf %add3A_295, %mul3A_300 : vector<16xf32>
          %get3A_302 = arith.index_cast %while3A_139 : i32 to index
          %get3A_303 = arith.constant 304 : index
          %get3A_304 = tpu.vector_load %arg15[%get3A_302, %get3A_303] {strides = array<i32>} : memref<48x1152xf32, #tpu.memory_space<vmem>>, vector<16xf32>,
          %mul3A_305 = vector.broadcast %squeeze3A_168 : f32 to vector<16xf32>
          %mul3A_306 = arith.mulf %mul3A_305, %get3A_304 : vector<16xf32>
          %add3A_307 = arith.addf %add3A_301, %mul3A_306 : vector<16xf32>
          %get3A_308 = arith.index_cast %while3A_139 : i32 to index
          %get3A_309 = arith.constant 432 : index
          %get3A_310 = tpu.vector_load %arg15[%get3A_308, %get3A_309] {strides = array<i32>} : memref<48x1152xf32, #tpu.memory_space<vmem>>, vector<16xf32>,
          %mul3A_311 = vector.broadcast %squeeze3A_170 : f32 to vector<16xf32>
          %mul3A_312 = arith.mulf %mul3A_311, %get3A_310 : vector<16xf32>
          %add3A_313 = arith.addf %add3A_307, %mul3A_312 : vector<16xf32>
          %get3A_314 = arith.index_cast %while3A_139 : i32 to index
          %get3A_315 = arith.constant 560 : index
          %get3A_316 = tpu.vector_load %arg15[%get3A_314, %get3A_315] {strides = array<i32>} : memref<48x1152xf32, #tpu.memory_space<vmem>>, vector<16xf32>,
          %mul3A_317 = vector.broadcast %squeeze3A_172 : f32 to vector<16xf32>
          %mul3A_318 = arith.mulf %mul3A_317, %get3A_316 : vector<16xf32>
          %add3A_319 = arith.addf %add3A_313, %mul3A_318 : vector<16xf32>
          %get3A_320 = arith.index_cast %while3A_139 : i32 to index
          %get3A_321 = arith.constant 688 : index
          %get3A_322 = tpu.vector_load %arg15[%get3A_320, %get3A_321] {strides = array<i32>} : memref<48x1152xf32, #tpu.memory_space<vmem>>, vector<16xf32>,
          %mul3A_323 = vector.broadcast %squeeze3A_174 : f32 to vector<16xf32>
          %mul3A_324 = arith.mulf %mul3A_323, %get3A_322 : vector<16xf32>
          %add3A_325 = arith.addf %add3A_319, %mul3A_324 : vector<16xf32>
          %get3A_326 = arith.index_cast %while3A_139 : i32 to index
          %get3A_327 = arith.constant 816 : index
          %get3A_328 = tpu.vector_load %arg15[%get3A_326, %get3A_327] {strides = array<i32>} : memref<48x1152xf32, #tpu.memory_space<vmem>>, vector<16xf32>,
          %mul3A_329 = vector.broadcast %squeeze3A_176 : f32 to vector<16xf32>
          %mul3A_330 = arith.mulf %mul3A_329, %get3A_328 : vector<16xf32>
          %add3A_331 = arith.addf %add3A_325, %mul3A_330 : vector<16xf32>
          %get3A_332 = arith.index_cast %while3A_139 : i32 to index
          %get3A_333 = arith.constant 944 : index
          %get3A_334 = tpu.vector_load %arg15[%get3A_332, %get3A_333] {strides = array<i32>} : memref<48x1152xf32, #tpu.memory_space<vmem>>, vector<16xf32>,
          %mul3A_335 = vector.broadcast %squeeze3A_178 : f32 to vector<16xf32>
          %mul3A_336 = arith.mulf %mul3A_335, %get3A_334 : vector<16xf32>
          %add3A_337 = arith.addf %add3A_331, %mul3A_336 : vector<16xf32>
          %swap3A_338 = arith.index_cast %squeeze3A_143 : i32 to index
          %swap3A_339 = arith.constant 32 : index
          %swap3A_340 = tpu.vector_load %arg8[%swap3A_338, %swap3A_339] {strides = array<i32>} : memref<320x128xf32, #tpu.memory_space<vmem>>, vector<16xf32>,
          tpu.vector_store %arg8[%swap3A_338, %swap3A_339], %add3A_337 {strides = array<i32>} : memref<320x128xf32, #tpu.memory_space<vmem>>, vector<16xf32>,
          %get3A_341 = arith.index_cast %squeeze3A_143 : i32 to index
          %get3A_342 = arith.constant 48 : index
          %get3A_343 = tpu.vector_load %arg8[%get3A_341, %get3A_342] {strides = array<i32>} : memref<320x128xf32, #tpu.memory_space<vmem>>, vector<16xf32>,
          %get3A_344 = arith.index_cast %while3A_139 : i32 to index
          %get3A_345 = arith.constant 64 : index
          %get3A_346 = tpu.vector_load %arg15[%get3A_344, %get3A_345] {strides = array<i32>} : memref<48x1152xf32, #tpu.memory_space<vmem>>, vector<16xf32>,
          %mul3A_347 = vector.broadcast %squeeze3A_164 : f32 to vector<16xf32>
          %mul3A_348 = arith.mulf %mul3A_347, %get3A_346 : vector<16xf32>
          %add3A_349 = arith.addf %get3A_343, %mul3A_348 : vector<16xf32>
          %get3A_350 = arith.index_cast %while3A_139 : i32 to index
          %get3A_351 = arith.constant 192 : index
          %get3A_352 = tpu.vector_load %arg15[%get3A_350, %get3A_351] {strides = array<i32>} : memref<48x1152xf32, #tpu.memory_space<vmem>>, vector<16xf32>,
          %mul3A_353 = vector.broadcast %squeeze3A_166 : f32 to vector<16xf32>
          %mul3A_354 = arith.mulf %mul3A_353, %get3A_352 : vector<16xf32>
          %add3A_355 = arith.addf %add3A_349, %mul3A_354 : vector<16xf32>
          %get3A_356 = arith.index_cast %while3A_139 : i32 to index
          %get3A_357 = arith.constant 320 : index
          %get3A_358 = tpu.vector_load %arg15[%get3A_356, %get3A_357] {strides = array<i32>} : memref<48x1152xf32, #tpu.memory_space<vmem>>, vector<16xf32>,
          %mul3A_359 = vector.broadcast %squeeze3A_168 : f32 to vector<16xf32>
          %mul3A_360 = arith.mulf %mul3A_359, %get3A_358 : vector<16xf32>
          %add3A_361 = arith.addf %add3A_355, %mul3A_360 : vector<16xf32>
          %get3A_362 = arith.index_cast %while3A_139 : i32 to index
          %get3A_363 = arith.constant 448 : index
          %get3A_364 = tpu.vector_load %arg15[%get3A_362, %get3A_363] {strides = array<i32>} : memref<48x1152xf32, #tpu.memory_space<vmem>>, vector<16xf32>,
          %mul3A_365 = vector.broadcast %squeeze3A_170 : f32 to vector<16xf32>
          %mul3A_366 = arith.mulf %mul3A_365, %get3A_364 : vector<16xf32>
          %add3A_367 = arith.addf %add3A_361, %mul3A_366 : vector<16xf32>
          %get3A_368 = arith.index_cast %while3A_139 : i32 to index
          %get3A_369 = arith.constant 576 : index
          %get3A_370 = tpu.vector_load %arg15[%get3A_368, %get3A_369] {strides = array<i32>} : memref<48x1152xf32, #tpu.memory_space<vmem>>, vector<16xf32>,
          %mul3A_371 = vector.broadcast %squeeze3A_172 : f32 to vector<16xf32>
          %mul3A_372 = arith.mulf %mul3A_371, %get3A_370 : vector<16xf32>
          %add3A_373 = arith.addf %add3A_367, %mul3A_372 : vector<16xf32>
          %get3A_374 = arith.index_cast %while3A_139 : i32 to index
          %get3A_375 = arith.constant 704 : index
          %get3A_376 = tpu.vector_load %arg15[%get3A_374, %get3A_375] {strides = array<i32>} : memref<48x1152xf32, #tpu.memory_space<vmem>>, vector<16xf32>,
          %mul3A_377 = vector.broadcast %squeeze3A_174 : f32 to vector<16xf32>
          %mul3A_378 = arith.mulf %mul3A_377, %get3A_376 : vector<16xf32>
          %add3A_379 = arith.addf %add3A_373, %mul3A_378 : vector<16xf32>
          %get3A_380 = arith.index_cast %while3A_139 : i32 to index
          %get3A_381 = arith.constant 832 : index
          %get3A_382 = tpu.vector_load %arg15[%get3A_380, %get3A_381] {strides = array<i32>} : memref<48x1152xf32, #tpu.memory_space<vmem>>, vector<16xf32>,
          %mul3A_383 = vector.broadcast %squeeze3A_176 : f32 to vector<16xf32>
          %mul3A_384 = arith.mulf %mul3A_383, %get3A_382 : vector<16xf32>
          %add3A_385 = arith.addf %add3A_379, %mul3A_384 : vector<16xf32>
          %get3A_386 = arith.index_cast %while3A_139 : i32 to index
          %get3A_387 = arith.constant 960 : index
          %get3A_388 = tpu.vector_load %arg15[%get3A_386, %get3A_387] {strides = array<i32>} : memref<48x1152xf32, #tpu.memory_space<vmem>>, vector<16xf32>,
          %mul3A_389 = vector.broadcast %squeeze3A_178 : f32 to vector<16xf32>
          %mul3A_390 = arith.mulf %mul3A_389, %get3A_388 : vector<16xf32>
          %add3A_391 = arith.addf %add3A_385, %mul3A_390 : vector<16xf32>
          %swap3A_392 = arith.index_cast %squeeze3A_143 : i32 to index
          %swap3A_393 = arith.constant 48 : index
          %swap3A_394 = tpu.vector_load %arg8[%swap3A_392, %swap3A_393] {strides = array<i32>} : memref<320x128xf32, #tpu.memory_space<vmem>>, vector<16xf32>,
          tpu.vector_store %arg8[%swap3A_392, %swap3A_393], %add3A_391 {strides = array<i32>} : memref<320x128xf32, #tpu.memory_space<vmem>>, vector<16xf32>,
          %get3A_395 = arith.index_cast %squeeze3A_143 : i32 to index
          %get3A_396 = arith.constant 64 : index
          %get3A_397 = tpu.vector_load %arg8[%get3A_395, %get3A_396] {strides = array<i32>} : memref<320x128xf32, #tpu.memory_space<vmem>>, vector<16xf32>,
          %get3A_398 = arith.index_cast %while3A_139 : i32 to index
          %get3A_399 = arith.constant 80 : index
          %get3A_400 = tpu.vector_load %arg15[%get3A_398, %get3A_399] {strides = array<i32>} : memref<48x1152xf32, #tpu.memory_space<vmem>>, vector<16xf32>,
          %mul3A_401 = vector.broadcast %squeeze3A_164 : f32 to vector<16xf32>
          %mul3A_402 = arith.mulf %mul3A_401, %get3A_400 : vector<16xf32>
          %add3A_403 = arith.addf %get3A_397, %mul3A_402 : vector<16xf32>
          %get3A_404 = arith.index_cast %while3A_139 : i32 to index
          %get3A_405 = arith.constant 208 : index
          %get3A_406 = tpu.vector_load %arg15[%get3A_404, %get3A_405] {strides = array<i32>} : memref<48x1152xf32, #tpu.memory_space<vmem>>, vector<16xf32>,
          %mul3A_407 = vector.broadcast %squeeze3A_166 : f32 to vector<16xf32>
          %mul3A_408 = arith.mulf %mul3A_407, %get3A_406 : vector<16xf32>
          %add3A_409 = arith.addf %add3A_403, %mul3A_408 : vector<16xf32>
          %get3A_410 = arith.index_cast %while3A_139 : i32 to index
          %get3A_411 = arith.constant 336 : index
          %get3A_412 = tpu.vector_load %arg15[%get3A_410, %get3A_411] {strides = array<i32>} : memref<48x1152xf32, #tpu.memory_space<vmem>>, vector<16xf32>,
          %mul3A_413 = vector.broadcast %squeeze3A_168 : f32 to vector<16xf32>
          %mul3A_414 = arith.mulf %mul3A_413, %get3A_412 : vector<16xf32>
          %add3A_415 = arith.addf %add3A_409, %mul3A_414 : vector<16xf32>
          %get3A_416 = arith.index_cast %while3A_139 : i32 to index
          %get3A_417 = arith.constant 464 : index
          %get3A_418 = tpu.vector_load %arg15[%get3A_416, %get3A_417] {strides = array<i32>} : memref<48x1152xf32, #tpu.memory_space<vmem>>, vector<16xf32>,
          %mul3A_419 = vector.broadcast %squeeze3A_170 : f32 to vector<16xf32>
          %mul3A_420 = arith.mulf %mul3A_419, %get3A_418 : vector<16xf32>
          %add3A_421 = arith.addf %add3A_415, %mul3A_420 : vector<16xf32>
          %get3A_422 = arith.index_cast %while3A_139 : i32 to index
          %get3A_423 = arith.constant 592 : index
          %get3A_424 = tpu.vector_load %arg15[%get3A_422, %get3A_423] {strides = array<i32>} : memref<48x1152xf32, #tpu.memory_space<vmem>>, vector<16xf32>,
          %mul3A_425 = vector.broadcast %squeeze3A_172 : f32 to vector<16xf32>
          %mul3A_426 = arith.mulf %mul3A_425, %get3A_424 : vector<16xf32>
          %add3A_427 = arith.addf %add3A_421, %mul3A_426 : vector<16xf32>
          %get3A_428 = arith.index_cast %while3A_139 : i32 to index
          %get3A_429 = arith.constant 720 : index
          %get3A_430 = tpu.vector_load %arg15[%get3A_428, %get3A_429] {strides = array<i32>} : memref<48x1152xf32, #tpu.memory_space<vmem>>, vector<16xf32>,
          %mul3A_431 = vector.broadcast %squeeze3A_174 : f32 to vector<16xf32>
          %mul3A_432 = arith.mulf %mul3A_431, %get3A_430 : vector<16xf32>
          %add3A_433 = arith.addf %add3A_427, %mul3A_432 : vector<16xf32>
          %get3A_434 = arith.index_cast %while3A_139 : i32 to index
          %get3A_435 = arith.constant 848 : index
          %get3A_436 = tpu.vector_load %arg15[%get3A_434, %get3A_435] {strides = array<i32>} : memref<48x1152xf32, #tpu.memory_space<vmem>>, vector<16xf32>,
          %mul3A_437 = vector.broadcast %squeeze3A_176 : f32 to vector<16xf32>
          %mul3A_438 = arith.mulf %mul3A_437, %get3A_436 : vector<16xf32>
          %add3A_439 = arith.addf %add3A_433, %mul3A_438 : vector<16xf32>
          %get3A_440 = arith.index_cast %while3A_139 : i32 to index
          %get3A_441 = arith.constant 976 : index
          %get3A_442 = tpu.vector_load %arg15[%get3A_440, %get3A_441] {strides = array<i32>} : memref<48x1152xf32, #tpu.memory_space<vmem>>, vector<16xf32>,
          %mul3A_443 = vector.broadcast %squeeze3A_178 : f32 to vector<16xf32>
          %mul3A_444 = arith.mulf %mul3A_443, %get3A_442 : vector<16xf32>
          %add3A_445 = arith.addf %add3A_439, %mul3A_444 : vector<16xf32>
          %swap3A_446 = arith.index_cast %squeeze3A_143 : i32 to index
          %swap3A_447 = arith.constant 64 : index
          %swap3A_448 = tpu.vector_load %arg8[%swap3A_446, %swap3A_447] {strides = array<i32>} : memref<320x128xf32, #tpu.memory_space<vmem>>, vector<16xf32>,
          tpu.vector_store %arg8[%swap3A_446, %swap3A_447], %add3A_445 {strides = array<i32>} : memref<320x128xf32, #tpu.memory_space<vmem>>, vector<16xf32>,
          %get3A_449 = arith.index_cast %squeeze3A_143 : i32 to index
          %get3A_450 = arith.constant 80 : index
          %get3A_451 = tpu.vector_load %arg8[%get3A_449, %get3A_450] {strides = array<i32>} : memref<320x128xf32, #tpu.memory_space<vmem>>, vector<16xf32>,
          %get3A_452 = arith.index_cast %while3A_139 : i32 to index
          %get3A_453 = arith.constant 96 : index
          %get3A_454 = tpu.vector_load %arg15[%get3A_452, %get3A_453] {strides = array<i32>} : memref<48x1152xf32, #tpu.memory_space<vmem>>, vector<16xf32>,
          %mul3A_455 = vector.broadcast %squeeze3A_164 : f32 to vector<16xf32>
          %mul3A_456 = arith.mulf %mul3A_455, %get3A_454 : vector<16xf32>
          %add3A_457 = arith.addf %get3A_451, %mul3A_456 : vector<16xf32>
          %get3A_458 = arith.index_cast %while3A_139 : i32 to index
          %get3A_459 = arith.constant 224 : index
          %get3A_460 = tpu.vector_load %arg15[%get3A_458, %get3A_459] {strides = array<i32>} : memref<48x1152xf32, #tpu.memory_space<vmem>>, vector<16xf32>,
          %mul3A_461 = vector.broadcast %squeeze3A_166 : f32 to vector<16xf32>
          %mul3A_462 = arith.mulf %mul3A_461, %get3A_460 : vector<16xf32>
          %add3A_463 = arith.addf %add3A_457, %mul3A_462 : vector<16xf32>
          %get3A_464 = arith.index_cast %while3A_139 : i32 to index
          %get3A_465 = arith.constant 352 : index
          %get3A_466 = tpu.vector_load %arg15[%get3A_464, %get3A_465] {strides = array<i32>} : memref<48x1152xf32, #tpu.memory_space<vmem>>, vector<16xf32>,
          %mul3A_467 = vector.broadcast %squeeze3A_168 : f32 to vector<16xf32>
          %mul3A_468 = arith.mulf %mul3A_467, %get3A_466 : vector<16xf32>
          %add3A_469 = arith.addf %add3A_463, %mul3A_468 : vector<16xf32>
          %get3A_470 = arith.index_cast %while3A_139 : i32 to index
          %get3A_471 = arith.constant 480 : index
          %get3A_472 = tpu.vector_load %arg15[%get3A_470, %get3A_471] {strides = array<i32>} : memref<48x1152xf32, #tpu.memory_space<vmem>>, vector<16xf32>,
          %mul3A_473 = vector.broadcast %squeeze3A_170 : f32 to vector<16xf32>
          %mul3A_474 = arith.mulf %mul3A_473, %get3A_472 : vector<16xf32>
          %add3A_475 = arith.addf %add3A_469, %mul3A_474 : vector<16xf32>
          %get3A_476 = arith.index_cast %while3A_139 : i32 to index
          %get3A_477 = arith.constant 608 : index
          %get3A_478 = tpu.vector_load %arg15[%get3A_476, %get3A_477] {strides = array<i32>} : memref<48x1152xf32, #tpu.memory_space<vmem>>, vector<16xf32>,
          %mul3A_479 = vector.broadcast %squeeze3A_172 : f32 to vector<16xf32>
          %mul3A_480 = arith.mulf %mul3A_479, %get3A_478 : vector<16xf32>
          %add3A_481 = arith.addf %add3A_475, %mul3A_480 : vector<16xf32>
          %get3A_482 = arith.index_cast %while3A_139 : i32 to index
          %get3A_483 = arith.constant 736 : index
          %get3A_484 = tpu.vector_load %arg15[%get3A_482, %get3A_483] {strides = array<i32>} : memref<48x1152xf32, #tpu.memory_space<vmem>>, vector<16xf32>,
          %mul3A_485 = vector.broadcast %squeeze3A_174 : f32 to vector<16xf32>
          %mul3A_486 = arith.mulf %mul3A_485, %get3A_484 : vector<16xf32>
          %add3A_487 = arith.addf %add3A_481, %mul3A_486 : vector<16xf32>
          %get3A_488 = arith.index_cast %while3A_139 : i32 to index
          %get3A_489 = arith.constant 864 : index
          %get3A_490 = tpu.vector_load %arg15[%get3A_488, %get3A_489] {strides = array<i32>} : memref<48x1152xf32, #tpu.memory_space<vmem>>, vector<16xf32>,
          %mul3A_491 = vector.broadcast %squeeze3A_176 : f32 to vector<16xf32>
          %mul3A_492 = arith.mulf %mul3A_491, %get3A_490 : vector<16xf32>
          %add3A_493 = arith.addf %add3A_487, %mul3A_492 : vector<16xf32>
          %get3A_494 = arith.index_cast %while3A_139 : i32 to index
          %get3A_495 = arith.constant 992 : index
          %get3A_496 = tpu.vector_load %arg15[%get3A_494, %get3A_495] {strides = array<i32>} : memref<48x1152xf32, #tpu.memory_space<vmem>>, vector<16xf32>,
          %mul3A_497 = vector.broadcast %squeeze3A_178 : f32 to vector<16xf32>
          %mul3A_498 = arith.mulf %mul3A_497, %get3A_496 : vector<16xf32>
          %add3A_499 = arith.addf %add3A_493, %mul3A_498 : vector<16xf32>
          %swap3A_500 = arith.index_cast %squeeze3A_143 : i32 to index
          %swap3A_501 = arith.constant 80 : index
          %swap3A_502 = tpu.vector_load %arg8[%swap3A_500, %swap3A_501] {strides = array<i32>} : memref<320x128xf32, #tpu.memory_space<vmem>>, vector<16xf32>,
          tpu.vector_store %arg8[%swap3A_500, %swap3A_501], %add3A_499 {strides = array<i32>} : memref<320x128xf32, #tpu.memory_space<vmem>>, vector<16xf32>,
          %get3A_503 = arith.index_cast %squeeze3A_143 : i32 to index
          %get3A_504 = arith.constant 96 : index
          %get3A_505 = tpu.vector_load %arg8[%get3A_503, %get3A_504] {strides = array<i32>} : memref<320x128xf32, #tpu.memory_space<vmem>>, vector<16xf32>,
          %get3A_506 = arith.index_cast %while3A_139 : i32 to index
          %get3A_507 = arith.constant 112 : index
          %get3A_508 = tpu.vector_load %arg15[%get3A_506, %get3A_507] {strides = array<i32>} : memref<48x1152xf32, #tpu.memory_space<vmem>>, vector<16xf32>,
          %mul3A_509 = vector.broadcast %squeeze3A_164 : f32 to vector<16xf32>
          %mul3A_510 = arith.mulf %mul3A_509, %get3A_508 : vector<16xf32>
          %add3A_511 = arith.addf %get3A_505, %mul3A_510 : vector<16xf32>
          %get3A_512 = arith.index_cast %while3A_139 : i32 to index
          %get3A_513 = arith.constant 240 : index
          %get3A_514 = tpu.vector_load %arg15[%get3A_512, %get3A_513] {strides = array<i32>} : memref<48x1152xf32, #tpu.memory_space<vmem>>, vector<16xf32>,
          %mul3A_515 = vector.broadcast %squeeze3A_166 : f32 to vector<16xf32>
          %mul3A_516 = arith.mulf %mul3A_515, %get3A_514 : vector<16xf32>
          %add3A_517 = arith.addf %add3A_511, %mul3A_516 : vector<16xf32>
          %get3A_518 = arith.index_cast %while3A_139 : i32 to index
          %get3A_519 = arith.constant 368 : index
          %get3A_520 = tpu.vector_load %arg15[%get3A_518, %get3A_519] {strides = array<i32>} : memref<48x1152xf32, #tpu.memory_space<vmem>>, vector<16xf32>,
          %mul3A_521 = vector.broadcast %squeeze3A_168 : f32 to vector<16xf32>
          %mul3A_522 = arith.mulf %mul3A_521, %get3A_520 : vector<16xf32>
          %add3A_523 = arith.addf %add3A_517, %mul3A_522 : vector<16xf32>
          %get3A_524 = arith.index_cast %while3A_139 : i32 to index
          %get3A_525 = arith.constant 496 : index
          %get3A_526 = tpu.vector_load %arg15[%get3A_524, %get3A_525] {strides = array<i32>} : memref<48x1152xf32, #tpu.memory_space<vmem>>, vector<16xf32>,
          %mul3A_527 = vector.broadcast %squeeze3A_170 : f32 to vector<16xf32>
          %mul3A_528 = arith.mulf %mul3A_527, %get3A_526 : vector<16xf32>
          %add3A_529 = arith.addf %add3A_523, %mul3A_528 : vector<16xf32>
          %get3A_530 = arith.index_cast %while3A_139 : i32 to index
          %get3A_531 = arith.constant 624 : index
          %get3A_532 = tpu.vector_load %arg15[%get3A_530, %get3A_531] {strides = array<i32>} : memref<48x1152xf32, #tpu.memory_space<vmem>>, vector<16xf32>,
          %mul3A_533 = vector.broadcast %squeeze3A_172 : f32 to vector<16xf32>
          %mul3A_534 = arith.mulf %mul3A_533, %get3A_532 : vector<16xf32>
          %add3A_535 = arith.addf %add3A_529, %mul3A_534 : vector<16xf32>
          %get3A_536 = arith.index_cast %while3A_139 : i32 to index
          %get3A_537 = arith.constant 752 : index
          %get3A_538 = tpu.vector_load %arg15[%get3A_536, %get3A_537] {strides = array<i32>} : memref<48x1152xf32, #tpu.memory_space<vmem>>, vector<16xf32>,
          %mul3A_539 = vector.broadcast %squeeze3A_174 : f32 to vector<16xf32>
          %mul3A_540 = arith.mulf %mul3A_539, %get3A_538 : vector<16xf32>
          %add3A_541 = arith.addf %add3A_535, %mul3A_540 : vector<16xf32>
          %get3A_542 = arith.index_cast %while3A_139 : i32 to index
          %get3A_543 = arith.constant 880 : index
          %get3A_544 = tpu.vector_load %arg15[%get3A_542, %get3A_543] {strides = array<i32>} : memref<48x1152xf32, #tpu.memory_space<vmem>>, vector<16xf32>,
          %mul3A_545 = vector.broadcast %squeeze3A_176 : f32 to vector<16xf32>
          %mul3A_546 = arith.mulf %mul3A_545, %get3A_544 : vector<16xf32>
          %add3A_547 = arith.addf %add3A_541, %mul3A_546 : vector<16xf32>
          %get3A_548 = arith.index_cast %while3A_139 : i32 to index
          %get3A_549 = arith.constant 1008 : index
          %get3A_550 = tpu.vector_load %arg15[%get3A_548, %get3A_549] {strides = array<i32>} : memref<48x1152xf32, #tpu.memory_space<vmem>>, vector<16xf32>,
          %mul3A_551 = vector.broadcast %squeeze3A_178 : f32 to vector<16xf32>
          %mul3A_552 = arith.mulf %mul3A_551, %get3A_550 : vector<16xf32>
          %add3A_553 = arith.addf %add3A_547, %mul3A_552 : vector<16xf32>
          %swap3A_554 = arith.index_cast %squeeze3A_143 : i32 to index
          %swap3A_555 = arith.constant 96 : index
          %swap3A_556 = tpu.vector_load %arg8[%swap3A_554, %swap3A_555] {strides = array<i32>} : memref<320x128xf32, #tpu.memory_space<vmem>>, vector<16xf32>,
          tpu.vector_store %arg8[%swap3A_554, %swap3A_555], %add3A_553 {strides = array<i32>} : memref<320x128xf32, #tpu.memory_space<vmem>>, vector<16xf32>,
          %get3A_557 = arith.index_cast %squeeze3A_143 : i32 to index
          %get3A_558 = arith.constant 112 : index
          %get3A_559 = tpu.vector_load %arg8[%get3A_557, %get3A_558] {strides = array<i32>} : memref<320x128xf32, #tpu.memory_space<vmem>>, vector<16xf32>,
          %get3A_560 = arith.index_cast %while3A_139 : i32 to index
          %get3A_561 = arith.constant 128 : index
          %get3A_562 = tpu.vector_load %arg15[%get3A_560, %get3A_561] {strides = array<i32>} : memref<48x1152xf32, #tpu.memory_space<vmem>>, vector<16xf32>,
          %mul3A_563 = vector.broadcast %squeeze3A_164 : f32 to vector<16xf32>
          %mul3A_564 = arith.mulf %mul3A_563, %get3A_562 : vector<16xf32>
          %add3A_565 = arith.addf %get3A_559, %mul3A_564 : vector<16xf32>
          %get3A_566 = arith.index_cast %while3A_139 : i32 to index
          %get3A_567 = arith.constant 256 : index
          %get3A_568 = tpu.vector_load %arg15[%get3A_566, %get3A_567] {strides = array<i32>} : memref<48x1152xf32, #tpu.memory_space<vmem>>, vector<16xf32>,
          %mul3A_569 = vector.broadcast %squeeze3A_166 : f32 to vector<16xf32>
          %mul3A_570 = arith.mulf %mul3A_569, %get3A_568 : vector<16xf32>
          %add3A_571 = arith.addf %add3A_565, %mul3A_570 : vector<16xf32>
          %get3A_572 = arith.index_cast %while3A_139 : i32 to index
          %get3A_573 = arith.constant 384 : index
          %get3A_574 = tpu.vector_load %arg15[%get3A_572, %get3A_573] {strides = array<i32>} : memref<48x1152xf32, #tpu.memory_space<vmem>>, vector<16xf32>,
          %mul3A_575 = vector.broadcast %squeeze3A_168 : f32 to vector<16xf32>
          %mul3A_576 = arith.mulf %mul3A_575, %get3A_574 : vector<16xf32>
          %add3A_577 = arith.addf %add3A_571, %mul3A_576 : vector<16xf32>
          %get3A_578 = arith.index_cast %while3A_139 : i32 to index
          %get3A_579 = arith.constant 512 : index
          %get3A_580 = tpu.vector_load %arg15[%get3A_578, %get3A_579] {strides = array<i32>} : memref<48x1152xf32, #tpu.memory_space<vmem>>, vector<16xf32>,
          %mul3A_581 = vector.broadcast %squeeze3A_170 : f32 to vector<16xf32>
          %mul3A_582 = arith.mulf %mul3A_581, %get3A_580 : vector<16xf32>
          %add3A_583 = arith.addf %add3A_577, %mul3A_582 : vector<16xf32>
          %get3A_584 = arith.index_cast %while3A_139 : i32 to index
          %get3A_585 = arith.constant 640 : index
          %get3A_586 = tpu.vector_load %arg15[%get3A_584, %get3A_585] {strides = array<i32>} : memref<48x1152xf32, #tpu.memory_space<vmem>>, vector<16xf32>,
          %mul3A_587 = vector.broadcast %squeeze3A_172 : f32 to vector<16xf32>
          %mul3A_588 = arith.mulf %mul3A_587, %get3A_586 : vector<16xf32>
          %add3A_589 = arith.addf %add3A_583, %mul3A_588 : vector<16xf32>
          %get3A_590 = arith.index_cast %while3A_139 : i32 to index
          %get3A_591 = arith.constant 768 : index
          %get3A_592 = tpu.vector_load %arg15[%get3A_590, %get3A_591] {strides = array<i32>} : memref<48x1152xf32, #tpu.memory_space<vmem>>, vector<16xf32>,
          %mul3A_593 = vector.broadcast %squeeze3A_174 : f32 to vector<16xf32>
          %mul3A_594 = arith.mulf %mul3A_593, %get3A_592 : vector<16xf32>
          %add3A_595 = arith.addf %add3A_589, %mul3A_594 : vector<16xf32>
          %get3A_596 = arith.index_cast %while3A_139 : i32 to index
          %get3A_597 = arith.constant 896 : index
          %get3A_598 = tpu.vector_load %arg15[%get3A_596, %get3A_597] {strides = array<i32>} : memref<48x1152xf32, #tpu.memory_space<vmem>>, vector<16xf32>,
          %mul3A_599 = vector.broadcast %squeeze3A_176 : f32 to vector<16xf32>
          %mul3A_600 = arith.mulf %mul3A_599, %get3A_598 : vector<16xf32>
          %add3A_601 = arith.addf %add3A_595, %mul3A_600 : vector<16xf32>
          %get3A_602 = arith.index_cast %while3A_139 : i32 to index
          %get3A_603 = arith.constant 1024 : index
          %get3A_604 = tpu.vector_load %arg15[%get3A_602, %get3A_603] {strides = array<i32>} : memref<48x1152xf32, #tpu.memory_space<vmem>>, vector<16xf32>,
          %mul3A_605 = vector.broadcast %squeeze3A_178 : f32 to vector<16xf32>
          %mul3A_606 = arith.mulf %mul3A_605, %get3A_604 : vector<16xf32>
          %add3A_607 = arith.addf %add3A_601, %mul3A_606 : vector<16xf32>
          %swap3A_608 = arith.index_cast %squeeze3A_143 : i32 to index
          %swap3A_609 = arith.constant 112 : index
          %swap3A_610 = tpu.vector_load %arg8[%swap3A_608, %swap3A_609] {strides = array<i32>} : memref<320x128xf32, #tpu.memory_space<vmem>>, vector<16xf32>,
          tpu.vector_store %arg8[%swap3A_608, %swap3A_609], %add3A_607 {strides = array<i32>} : memref<320x128xf32, #tpu.memory_space<vmem>>, vector<16xf32>,
        }
      }
    }
    %scan3A_16 = arith.constant 32 : i32
    "tpu.region"() ({
      %run_scoped3A = tpu.sem_alloc : memref<!tpu.dma_semaphore, #tpu.memory_space<semaphore_mem>>
      %dma_start3A = arith.constant 0 : i32
      %dma_start3A_17 = tpu.memref_slice %arg7[%mul3A_2, %dma_start3A] : memref<10240x128xf32, #tpu.memory_space<hbm>> -> memref<320x128xf32, #tpu.memory_space<hbm>>
      %dma_start3A_18 = arith.constant 0 : i32
      %dma_start3A_19 = tpu.memref_slice %arg7[%mul3A_2, %dma_start3A_18] : memref<10240x128xf32, #tpu.memory_space<hbm>> -> memref<320x128xf32, #tpu.memory_space<hbm>>
      tpu.enqueue_dma source(%arg8 : memref<320x128xf32, #tpu.memory_space<vmem>>) target(%dma_start3A_19 : memref<320x128xf32, #tpu.memory_space<hbm>>) target_semaphore(%run_scoped3A : memref<!tpu.dma_semaphore, #tpu.memory_space<semaphore_mem>>)
      %dma_wait3A = arith.constant 0 : i32
      %dma_wait3A_20 = tpu.memref_slice %arg7[%mul3A_2, %dma_wait3A] : memref<10240x128xf32, #tpu.memory_space<hbm>> -> memref<320x128xf32, #tpu.memory_space<hbm>>
      %dma_wait3A_21 = arith.constant 0 : i32
      %dma_wait3A_22 = tpu.memref_slice %arg7[%mul3A_2, %dma_wait3A_21] : memref<10240x128xf32, #tpu.memory_space<hbm>> -> memref<320x128xf32, #tpu.memory_space<hbm>>
      tpu.wait_dma2 semaphore(%run_scoped3A : memref<!tpu.dma_semaphore, #tpu.memory_space<semaphore_mem>>) src(%arg8 : memref<320x128xf32, #tpu.memory_space<vmem>>) dst(%dma_wait3A_22 : memref<320x128xf32, #tpu.memory_space<hbm>>)
      tpu.yield
    }) : () -> ()
    return
  }
}

#map = affine_map<(d0, d1) -> (0)>
module attributes {stable_mosaic.version = 14 : i64} {
  func.func @_bin_kernel(%arg0: i32, %arg1: i32, %arg2: memref<320000xi32, #tpu.memory_space<hbm>>, %arg3: memref<320000xi32, #tpu.memory_space<hbm>>, %arg4: memref<327808xi32, #tpu.memory_space<hbm>>, %arg5: memref<1024xi32, #tpu.memory_space<hbm>>, %arg6: memref<1024xi32, #tpu.memory_space<hbm>>, %arg7: memref<10000xi32, #tpu.memory_space<vmem>>, %arg8: memref<10000xi32, #tpu.memory_space<vmem>>, %arg9: memref<10240xi32, #tpu.memory_space<vmem>>, %arg10: memref<512xi32, #tpu.memory_space<vmem>>, %arg11: memref<512xi32, #tpu.memory_space<vmem>>, %arg12: memref<512xi32, #tpu.memory_space<vmem>>, %arg13: memref<32xi32, #tpu.memory_space<vmem>>, %arg14: memref<32xi32, #tpu.memory_space<vmem>>) attributes {dimension_semantics = [#tpu.dimension_semantics<core_parallel>, #tpu.dimension_semantics<subcore_parallel>], iteration_bounds = array<i64: 2, 16>, scalar_prefetch = 0 : i64, scratch_operands = 8 : i64, tpu.core_type = #tpu.core_type<sc_vector_subcore>, window_params = [{transform_indices = #map}, {transform_indices = #map}, {transform_indices = #map}, {transform_indices = #map}, {transform_indices = #map}]} {
    %mul3A = arith.constant 2 : i32
    %mul3A_0 = arith.muli %arg1, %mul3A : i32
    %add3A = arith.addi %mul3A_0, %arg0 : i32
    %mul3A_1 = arith.constant 10000 : i32
    %mul3A_2 = arith.muli %add3A, %mul3A_1 : i32
    "tpu.region"() ({
      %run_scoped3A = tpu.sem_alloc : memref<!tpu.dma_semaphore, #tpu.memory_space<semaphore_mem>>
      %dma_start3A = tpu.memref_slice %arg2[%mul3A_2] : memref<320000xi32, #tpu.memory_space<hbm>> -> memref<10000xi32, #tpu.memory_space<hbm>>
      %dma_start3A_662 = tpu.memref_slice %arg2[%mul3A_2] : memref<320000xi32, #tpu.memory_space<hbm>> -> memref<10000xi32, #tpu.memory_space<hbm>>
      tpu.enqueue_dma source(%dma_start3A_662 : memref<10000xi32, #tpu.memory_space<hbm>>) target(%arg7 : memref<10000xi32, #tpu.memory_space<vmem>>) target_semaphore(%run_scoped3A : memref<!tpu.dma_semaphore, #tpu.memory_space<semaphore_mem>>)
      %dma_wait3A = tpu.memref_slice %arg2[%mul3A_2] : memref<320000xi32, #tpu.memory_space<hbm>> -> memref<10000xi32, #tpu.memory_space<hbm>>
      %dma_wait3A_663 = tpu.memref_slice %arg2[%mul3A_2] : memref<320000xi32, #tpu.memory_space<hbm>> -> memref<10000xi32, #tpu.memory_space<hbm>>
      tpu.wait_dma2 semaphore(%run_scoped3A : memref<!tpu.dma_semaphore, #tpu.memory_space<semaphore_mem>>) src(%dma_wait3A_663 : memref<10000xi32, #tpu.memory_space<hbm>>) dst(%arg7 : memref<10000xi32, #tpu.memory_space<vmem>>)
      tpu.yield
    }) : () -> ()
    "tpu.region"() ({
      %run_scoped3A = tpu.sem_alloc : memref<!tpu.dma_semaphore, #tpu.memory_space<semaphore_mem>>
      %dma_start3A = tpu.memref_slice %arg3[%mul3A_2] : memref<320000xi32, #tpu.memory_space<hbm>> -> memref<10000xi32, #tpu.memory_space<hbm>>
      %dma_start3A_662 = tpu.memref_slice %arg3[%mul3A_2] : memref<320000xi32, #tpu.memory_space<hbm>> -> memref<10000xi32, #tpu.memory_space<hbm>>
      tpu.enqueue_dma source(%dma_start3A_662 : memref<10000xi32, #tpu.memory_space<hbm>>) target(%arg8 : memref<10000xi32, #tpu.memory_space<vmem>>) target_semaphore(%run_scoped3A : memref<!tpu.dma_semaphore, #tpu.memory_space<semaphore_mem>>)
      %dma_wait3A = tpu.memref_slice %arg3[%mul3A_2] : memref<320000xi32, #tpu.memory_space<hbm>> -> memref<10000xi32, #tpu.memory_space<hbm>>
      %dma_wait3A_663 = tpu.memref_slice %arg3[%mul3A_2] : memref<320000xi32, #tpu.memory_space<hbm>> -> memref<10000xi32, #tpu.memory_space<hbm>>
      tpu.wait_dma2 semaphore(%run_scoped3A : memref<!tpu.dma_semaphore, #tpu.memory_space<semaphore_mem>>) src(%dma_wait3A_663 : memref<10000xi32, #tpu.memory_space<hbm>>) dst(%arg8 : memref<10000xi32, #tpu.memory_space<vmem>>)
      tpu.yield
    }) : () -> ()
    %broadcast_in_dim3A = arith.constant 0 : i32
    %broadcast_in_dim3A_3 = vector.broadcast %broadcast_in_dim3A : i32 to vector<16xi32>
    %iota3A = tpu.iota {dimensions = array<i32: 0>} : vector<16xi32>
    %broadcast_in_dim3A_4 = arith.constant 1 : i32
    %broadcast_in_dim3A_5 = vector.broadcast %broadcast_in_dim3A_4 : i32 to vector<16xi32>
    %swap3A = arith.constant 0 : index
    %swap3A_6 = tpu.vector_load %arg10[%swap3A] {strides = array<i32>} : memref<512xi32, #tpu.memory_space<vmem>>, vector<16xi32>,
    tpu.vector_store %arg10[%swap3A], %broadcast_in_dim3A_3 {strides = array<i32>} : memref<512xi32, #tpu.memory_space<vmem>>, vector<16xi32>,
    %swap3A_7 = arith.constant 0 : index
    %swap3A_8 = tpu.vector_load %arg11[%swap3A_7] {strides = array<i32>} : memref<512xi32, #tpu.memory_space<vmem>>, vector<16xi32>,
    tpu.vector_store %arg11[%swap3A_7], %broadcast_in_dim3A_3 {strides = array<i32>} : memref<512xi32, #tpu.memory_space<vmem>>, vector<16xi32>,
    %swap3A_9 = arith.constant 16 : index
    %swap3A_10 = tpu.vector_load %arg10[%swap3A_9] {strides = array<i32>} : memref<512xi32, #tpu.memory_space<vmem>>, vector<16xi32>,
    tpu.vector_store %arg10[%swap3A_9], %broadcast_in_dim3A_3 {strides = array<i32>} : memref<512xi32, #tpu.memory_space<vmem>>, vector<16xi32>,
    %swap3A_11 = arith.constant 16 : index
    %swap3A_12 = tpu.vector_load %arg11[%swap3A_11] {strides = array<i32>} : memref<512xi32, #tpu.memory_space<vmem>>, vector<16xi32>,
    tpu.vector_store %arg11[%swap3A_11], %broadcast_in_dim3A_3 {strides = array<i32>} : memref<512xi32, #tpu.memory_space<vmem>>, vector<16xi32>,
    %swap3A_13 = arith.constant 32 : index
    %swap3A_14 = tpu.vector_load %arg10[%swap3A_13] {strides = array<i32>} : memref<512xi32, #tpu.memory_space<vmem>>, vector<16xi32>,
    tpu.vector_store %arg10[%swap3A_13], %broadcast_in_dim3A_3 {strides = array<i32>} : memref<512xi32, #tpu.memory_space<vmem>>, vector<16xi32>,
    %swap3A_15 = arith.constant 32 : index
    %swap3A_16 = tpu.vector_load %arg11[%swap3A_15] {strides = array<i32>} : memref<512xi32, #tpu.memory_space<vmem>>, vector<16xi32>,
    tpu.vector_store %arg11[%swap3A_15], %broadcast_in_dim3A_3 {strides = array<i32>} : memref<512xi32, #tpu.memory_space<vmem>>, vector<16xi32>,
    %swap3A_17 = arith.constant 48 : index
    %swap3A_18 = tpu.vector_load %arg10[%swap3A_17] {strides = array<i32>} : memref<512xi32, #tpu.memory_space<vmem>>, vector<16xi32>,
    tpu.vector_store %arg10[%swap3A_17], %broadcast_in_dim3A_3 {strides = array<i32>} : memref<512xi32, #tpu.memory_space<vmem>>, vector<16xi32>,
    %swap3A_19 = arith.constant 48 : index
    %swap3A_20 = tpu.vector_load %arg11[%swap3A_19] {strides = array<i32>} : memref<512xi32, #tpu.memory_space<vmem>>, vector<16xi32>,
    tpu.vector_store %arg11[%swap3A_19], %broadcast_in_dim3A_3 {strides = array<i32>} : memref<512xi32, #tpu.memory_space<vmem>>, vector<16xi32>,
    %swap3A_21 = arith.constant 64 : index
    %swap3A_22 = tpu.vector_load %arg10[%swap3A_21] {strides = array<i32>} : memref<512xi32, #tpu.memory_space<vmem>>, vector<16xi32>,
    tpu.vector_store %arg10[%swap3A_21], %broadcast_in_dim3A_3 {strides = array<i32>} : memref<512xi32, #tpu.memory_space<vmem>>, vector<16xi32>,
    %swap3A_23 = arith.constant 64 : index
    %swap3A_24 = tpu.vector_load %arg11[%swap3A_23] {strides = array<i32>} : memref<512xi32, #tpu.memory_space<vmem>>, vector<16xi32>,
    tpu.vector_store %arg11[%swap3A_23], %broadcast_in_dim3A_3 {strides = array<i32>} : memref<512xi32, #tpu.memory_space<vmem>>, vector<16xi32>,
    %swap3A_25 = arith.constant 80 : index
    %swap3A_26 = tpu.vector_load %arg10[%swap3A_25] {strides = array<i32>} : memref<512xi32, #tpu.memory_space<vmem>>, vector<16xi32>,
    tpu.vector_store %arg10[%swap3A_25], %broadcast_in_dim3A_3 {strides = array<i32>} : memref<512xi32, #tpu.memory_space<vmem>>, vector<16xi32>,
    %swap3A_27 = arith.constant 80 : index
    %swap3A_28 = tpu.vector_load %arg11[%swap3A_27] {strides = array<i32>} : memref<512xi32, #tpu.memory_space<vmem>>, vector<16xi32>,
    tpu.vector_store %arg11[%swap3A_27], %broadcast_in_dim3A_3 {strides = array<i32>} : memref<512xi32, #tpu.memory_space<vmem>>, vector<16xi32>,
    %swap3A_29 = arith.constant 96 : index
    %swap3A_30 = tpu.vector_load %arg10[%swap3A_29] {strides = array<i32>} : memref<512xi32, #tpu.memory_space<vmem>>, vector<16xi32>,
    tpu.vector_store %arg10[%swap3A_29], %broadcast_in_dim3A_3 {strides = array<i32>} : memref<512xi32, #tpu.memory_space<vmem>>, vector<16xi32>,
    %swap3A_31 = arith.constant 96 : index
    %swap3A_32 = tpu.vector_load %arg11[%swap3A_31] {strides = array<i32>} : memref<512xi32, #tpu.memory_space<vmem>>, vector<16xi32>,
    tpu.vector_store %arg11[%swap3A_31], %broadcast_in_dim3A_3 {strides = array<i32>} : memref<512xi32, #tpu.memory_space<vmem>>, vector<16xi32>,
    %swap3A_33 = arith.constant 112 : index
    %swap3A_34 = tpu.vector_load %arg10[%swap3A_33] {strides = array<i32>} : memref<512xi32, #tpu.memory_space<vmem>>, vector<16xi32>,
    tpu.vector_store %arg10[%swap3A_33], %broadcast_in_dim3A_3 {strides = array<i32>} : memref<512xi32, #tpu.memory_space<vmem>>, vector<16xi32>,
    %swap3A_35 = arith.constant 112 : index
    %swap3A_36 = tpu.vector_load %arg11[%swap3A_35] {strides = array<i32>} : memref<512xi32, #tpu.memory_space<vmem>>, vector<16xi32>,
    tpu.vector_store %arg11[%swap3A_35], %broadcast_in_dim3A_3 {strides = array<i32>} : memref<512xi32, #tpu.memory_space<vmem>>, vector<16xi32>,
    %swap3A_37 = arith.constant 128 : index
    %swap3A_38 = tpu.vector_load %arg10[%swap3A_37] {strides = array<i32>} : memref<512xi32, #tpu.memory_space<vmem>>, vector<16xi32>,
    tpu.vector_store %arg10[%swap3A_37], %broadcast_in_dim3A_3 {strides = array<i32>} : memref<512xi32, #tpu.memory_space<vmem>>, vector<16xi32>,
    %swap3A_39 = arith.constant 128 : index
    %swap3A_40 = tpu.vector_load %arg11[%swap3A_39] {strides = array<i32>} : memref<512xi32, #tpu.memory_space<vmem>>, vector<16xi32>,
    tpu.vector_store %arg11[%swap3A_39], %broadcast_in_dim3A_3 {strides = array<i32>} : memref<512xi32, #tpu.memory_space<vmem>>, vector<16xi32>,
    %swap3A_41 = arith.constant 144 : index
    %swap3A_42 = tpu.vector_load %arg10[%swap3A_41] {strides = array<i32>} : memref<512xi32, #tpu.memory_space<vmem>>, vector<16xi32>,
    tpu.vector_store %arg10[%swap3A_41], %broadcast_in_dim3A_3 {strides = array<i32>} : memref<512xi32, #tpu.memory_space<vmem>>, vector<16xi32>,
    %swap3A_43 = arith.constant 144 : index
    %swap3A_44 = tpu.vector_load %arg11[%swap3A_43] {strides = array<i32>} : memref<512xi32, #tpu.memory_space<vmem>>, vector<16xi32>,
    tpu.vector_store %arg11[%swap3A_43], %broadcast_in_dim3A_3 {strides = array<i32>} : memref<512xi32, #tpu.memory_space<vmem>>, vector<16xi32>,
    %swap3A_45 = arith.constant 160 : index
    %swap3A_46 = tpu.vector_load %arg10[%swap3A_45] {strides = array<i32>} : memref<512xi32, #tpu.memory_space<vmem>>, vector<16xi32>,
    tpu.vector_store %arg10[%swap3A_45], %broadcast_in_dim3A_3 {strides = array<i32>} : memref<512xi32, #tpu.memory_space<vmem>>, vector<16xi32>,
    %swap3A_47 = arith.constant 160 : index
    %swap3A_48 = tpu.vector_load %arg11[%swap3A_47] {strides = array<i32>} : memref<512xi32, #tpu.memory_space<vmem>>, vector<16xi32>,
    tpu.vector_store %arg11[%swap3A_47], %broadcast_in_dim3A_3 {strides = array<i32>} : memref<512xi32, #tpu.memory_space<vmem>>, vector<16xi32>,
    %swap3A_49 = arith.constant 176 : index
    %swap3A_50 = tpu.vector_load %arg10[%swap3A_49] {strides = array<i32>} : memref<512xi32, #tpu.memory_space<vmem>>, vector<16xi32>,
    tpu.vector_store %arg10[%swap3A_49], %broadcast_in_dim3A_3 {strides = array<i32>} : memref<512xi32, #tpu.memory_space<vmem>>, vector<16xi32>,
    %swap3A_51 = arith.constant 176 : index
    %swap3A_52 = tpu.vector_load %arg11[%swap3A_51] {strides = array<i32>} : memref<512xi32, #tpu.memory_space<vmem>>, vector<16xi32>,
    tpu.vector_store %arg11[%swap3A_51], %broadcast_in_dim3A_3 {strides = array<i32>} : memref<512xi32, #tpu.memory_space<vmem>>, vector<16xi32>,
    %swap3A_53 = arith.constant 192 : index
    %swap3A_54 = tpu.vector_load %arg10[%swap3A_53] {strides = array<i32>} : memref<512xi32, #tpu.memory_space<vmem>>, vector<16xi32>,
    tpu.vector_store %arg10[%swap3A_53], %broadcast_in_dim3A_3 {strides = array<i32>} : memref<512xi32, #tpu.memory_space<vmem>>, vector<16xi32>,
    %swap3A_55 = arith.constant 192 : index
    %swap3A_56 = tpu.vector_load %arg11[%swap3A_55] {strides = array<i32>} : memref<512xi32, #tpu.memory_space<vmem>>, vector<16xi32>,
    tpu.vector_store %arg11[%swap3A_55], %broadcast_in_dim3A_3 {strides = array<i32>} : memref<512xi32, #tpu.memory_space<vmem>>, vector<16xi32>,
    %swap3A_57 = arith.constant 208 : index
    %swap3A_58 = tpu.vector_load %arg10[%swap3A_57] {strides = array<i32>} : memref<512xi32, #tpu.memory_space<vmem>>, vector<16xi32>,
    tpu.vector_store %arg10[%swap3A_57], %broadcast_in_dim3A_3 {strides = array<i32>} : memref<512xi32, #tpu.memory_space<vmem>>, vector<16xi32>,
    %swap3A_59 = arith.constant 208 : index
    %swap3A_60 = tpu.vector_load %arg11[%swap3A_59] {strides = array<i32>} : memref<512xi32, #tpu.memory_space<vmem>>, vector<16xi32>,
    tpu.vector_store %arg11[%swap3A_59], %broadcast_in_dim3A_3 {strides = array<i32>} : memref<512xi32, #tpu.memory_space<vmem>>, vector<16xi32>,
    %swap3A_61 = arith.constant 224 : index
    %swap3A_62 = tpu.vector_load %arg10[%swap3A_61] {strides = array<i32>} : memref<512xi32, #tpu.memory_space<vmem>>, vector<16xi32>,
    tpu.vector_store %arg10[%swap3A_61], %broadcast_in_dim3A_3 {strides = array<i32>} : memref<512xi32, #tpu.memory_space<vmem>>, vector<16xi32>,
    %swap3A_63 = arith.constant 224 : index
    %swap3A_64 = tpu.vector_load %arg11[%swap3A_63] {strides = array<i32>} : memref<512xi32, #tpu.memory_space<vmem>>, vector<16xi32>,
    tpu.vector_store %arg11[%swap3A_63], %broadcast_in_dim3A_3 {strides = array<i32>} : memref<512xi32, #tpu.memory_space<vmem>>, vector<16xi32>,
    %swap3A_65 = arith.constant 240 : index
    %swap3A_66 = tpu.vector_load %arg10[%swap3A_65] {strides = array<i32>} : memref<512xi32, #tpu.memory_space<vmem>>, vector<16xi32>,
    tpu.vector_store %arg10[%swap3A_65], %broadcast_in_dim3A_3 {strides = array<i32>} : memref<512xi32, #tpu.memory_space<vmem>>, vector<16xi32>,
    %swap3A_67 = arith.constant 240 : index
    %swap3A_68 = tpu.vector_load %arg11[%swap3A_67] {strides = array<i32>} : memref<512xi32, #tpu.memory_space<vmem>>, vector<16xi32>,
    tpu.vector_store %arg11[%swap3A_67], %broadcast_in_dim3A_3 {strides = array<i32>} : memref<512xi32, #tpu.memory_space<vmem>>, vector<16xi32>,
    %swap3A_69 = arith.constant 256 : index
    %swap3A_70 = tpu.vector_load %arg10[%swap3A_69] {strides = array<i32>} : memref<512xi32, #tpu.memory_space<vmem>>, vector<16xi32>,
    tpu.vector_store %arg10[%swap3A_69], %broadcast_in_dim3A_3 {strides = array<i32>} : memref<512xi32, #tpu.memory_space<vmem>>, vector<16xi32>,
    %swap3A_71 = arith.constant 256 : index
    %swap3A_72 = tpu.vector_load %arg11[%swap3A_71] {strides = array<i32>} : memref<512xi32, #tpu.memory_space<vmem>>, vector<16xi32>,
    tpu.vector_store %arg11[%swap3A_71], %broadcast_in_dim3A_3 {strides = array<i32>} : memref<512xi32, #tpu.memory_space<vmem>>, vector<16xi32>,
    %swap3A_73 = arith.constant 272 : index
    %swap3A_74 = tpu.vector_load %arg10[%swap3A_73] {strides = array<i32>} : memref<512xi32, #tpu.memory_space<vmem>>, vector<16xi32>,
    tpu.vector_store %arg10[%swap3A_73], %broadcast_in_dim3A_3 {strides = array<i32>} : memref<512xi32, #tpu.memory_space<vmem>>, vector<16xi32>,
    %swap3A_75 = arith.constant 272 : index
    %swap3A_76 = tpu.vector_load %arg11[%swap3A_75] {strides = array<i32>} : memref<512xi32, #tpu.memory_space<vmem>>, vector<16xi32>,
    tpu.vector_store %arg11[%swap3A_75], %broadcast_in_dim3A_3 {strides = array<i32>} : memref<512xi32, #tpu.memory_space<vmem>>, vector<16xi32>,
    %swap3A_77 = arith.constant 288 : index
    %swap3A_78 = tpu.vector_load %arg10[%swap3A_77] {strides = array<i32>} : memref<512xi32, #tpu.memory_space<vmem>>, vector<16xi32>,
    tpu.vector_store %arg10[%swap3A_77], %broadcast_in_dim3A_3 {strides = array<i32>} : memref<512xi32, #tpu.memory_space<vmem>>, vector<16xi32>,
    %swap3A_79 = arith.constant 288 : index
    %swap3A_80 = tpu.vector_load %arg11[%swap3A_79] {strides = array<i32>} : memref<512xi32, #tpu.memory_space<vmem>>, vector<16xi32>,
    tpu.vector_store %arg11[%swap3A_79], %broadcast_in_dim3A_3 {strides = array<i32>} : memref<512xi32, #tpu.memory_space<vmem>>, vector<16xi32>,
    %swap3A_81 = arith.constant 304 : index
    %swap3A_82 = tpu.vector_load %arg10[%swap3A_81] {strides = array<i32>} : memref<512xi32, #tpu.memory_space<vmem>>, vector<16xi32>,
    tpu.vector_store %arg10[%swap3A_81], %broadcast_in_dim3A_3 {strides = array<i32>} : memref<512xi32, #tpu.memory_space<vmem>>, vector<16xi32>,
    %swap3A_83 = arith.constant 304 : index
    %swap3A_84 = tpu.vector_load %arg11[%swap3A_83] {strides = array<i32>} : memref<512xi32, #tpu.memory_space<vmem>>, vector<16xi32>,
    tpu.vector_store %arg11[%swap3A_83], %broadcast_in_dim3A_3 {strides = array<i32>} : memref<512xi32, #tpu.memory_space<vmem>>, vector<16xi32>,
    %swap3A_85 = arith.constant 320 : index
    %swap3A_86 = tpu.vector_load %arg10[%swap3A_85] {strides = array<i32>} : memref<512xi32, #tpu.memory_space<vmem>>, vector<16xi32>,
    tpu.vector_store %arg10[%swap3A_85], %broadcast_in_dim3A_3 {strides = array<i32>} : memref<512xi32, #tpu.memory_space<vmem>>, vector<16xi32>,
    %swap3A_87 = arith.constant 320 : index
    %swap3A_88 = tpu.vector_load %arg11[%swap3A_87] {strides = array<i32>} : memref<512xi32, #tpu.memory_space<vmem>>, vector<16xi32>,
    tpu.vector_store %arg11[%swap3A_87], %broadcast_in_dim3A_3 {strides = array<i32>} : memref<512xi32, #tpu.memory_space<vmem>>, vector<16xi32>,
    %swap3A_89 = arith.constant 336 : index
    %swap3A_90 = tpu.vector_load %arg10[%swap3A_89] {strides = array<i32>} : memref<512xi32, #tpu.memory_space<vmem>>, vector<16xi32>,
    tpu.vector_store %arg10[%swap3A_89], %broadcast_in_dim3A_3 {strides = array<i32>} : memref<512xi32, #tpu.memory_space<vmem>>, vector<16xi32>,
    %swap3A_91 = arith.constant 336 : index
    %swap3A_92 = tpu.vector_load %arg11[%swap3A_91] {strides = array<i32>} : memref<512xi32, #tpu.memory_space<vmem>>, vector<16xi32>,
    tpu.vector_store %arg11[%swap3A_91], %broadcast_in_dim3A_3 {strides = array<i32>} : memref<512xi32, #tpu.memory_space<vmem>>, vector<16xi32>,
    %swap3A_93 = arith.constant 352 : index
    %swap3A_94 = tpu.vector_load %arg10[%swap3A_93] {strides = array<i32>} : memref<512xi32, #tpu.memory_space<vmem>>, vector<16xi32>,
    tpu.vector_store %arg10[%swap3A_93], %broadcast_in_dim3A_3 {strides = array<i32>} : memref<512xi32, #tpu.memory_space<vmem>>, vector<16xi32>,
    %swap3A_95 = arith.constant 352 : index
    %swap3A_96 = tpu.vector_load %arg11[%swap3A_95] {strides = array<i32>} : memref<512xi32, #tpu.memory_space<vmem>>, vector<16xi32>,
    tpu.vector_store %arg11[%swap3A_95], %broadcast_in_dim3A_3 {strides = array<i32>} : memref<512xi32, #tpu.memory_space<vmem>>, vector<16xi32>,
    %swap3A_97 = arith.constant 368 : index
    %swap3A_98 = tpu.vector_load %arg10[%swap3A_97] {strides = array<i32>} : memref<512xi32, #tpu.memory_space<vmem>>, vector<16xi32>,
    tpu.vector_store %arg10[%swap3A_97], %broadcast_in_dim3A_3 {strides = array<i32>} : memref<512xi32, #tpu.memory_space<vmem>>, vector<16xi32>,
    %swap3A_99 = arith.constant 368 : index
    %swap3A_100 = tpu.vector_load %arg11[%swap3A_99] {strides = array<i32>} : memref<512xi32, #tpu.memory_space<vmem>>, vector<16xi32>,
    tpu.vector_store %arg11[%swap3A_99], %broadcast_in_dim3A_3 {strides = array<i32>} : memref<512xi32, #tpu.memory_space<vmem>>, vector<16xi32>,
    %swap3A_101 = arith.constant 384 : index
    %swap3A_102 = tpu.vector_load %arg10[%swap3A_101] {strides = array<i32>} : memref<512xi32, #tpu.memory_space<vmem>>, vector<16xi32>,
    tpu.vector_store %arg10[%swap3A_101], %broadcast_in_dim3A_3 {strides = array<i32>} : memref<512xi32, #tpu.memory_space<vmem>>, vector<16xi32>,
    %swap3A_103 = arith.constant 384 : index
    %swap3A_104 = tpu.vector_load %arg11[%swap3A_103] {strides = array<i32>} : memref<512xi32, #tpu.memory_space<vmem>>, vector<16xi32>,
    tpu.vector_store %arg11[%swap3A_103], %broadcast_in_dim3A_3 {strides = array<i32>} : memref<512xi32, #tpu.memory_space<vmem>>, vector<16xi32>,
    %swap3A_105 = arith.constant 400 : index
    %swap3A_106 = tpu.vector_load %arg10[%swap3A_105] {strides = array<i32>} : memref<512xi32, #tpu.memory_space<vmem>>, vector<16xi32>,
    tpu.vector_store %arg10[%swap3A_105], %broadcast_in_dim3A_3 {strides = array<i32>} : memref<512xi32, #tpu.memory_space<vmem>>, vector<16xi32>,
    %swap3A_107 = arith.constant 400 : index
    %swap3A_108 = tpu.vector_load %arg11[%swap3A_107] {strides = array<i32>} : memref<512xi32, #tpu.memory_space<vmem>>, vector<16xi32>,
    tpu.vector_store %arg11[%swap3A_107], %broadcast_in_dim3A_3 {strides = array<i32>} : memref<512xi32, #tpu.memory_space<vmem>>, vector<16xi32>,
    %swap3A_109 = arith.constant 416 : index
    %swap3A_110 = tpu.vector_load %arg10[%swap3A_109] {strides = array<i32>} : memref<512xi32, #tpu.memory_space<vmem>>, vector<16xi32>,
    tpu.vector_store %arg10[%swap3A_109], %broadcast_in_dim3A_3 {strides = array<i32>} : memref<512xi32, #tpu.memory_space<vmem>>, vector<16xi32>,
    %swap3A_111 = arith.constant 416 : index
    %swap3A_112 = tpu.vector_load %arg11[%swap3A_111] {strides = array<i32>} : memref<512xi32, #tpu.memory_space<vmem>>, vector<16xi32>,
    tpu.vector_store %arg11[%swap3A_111], %broadcast_in_dim3A_3 {strides = array<i32>} : memref<512xi32, #tpu.memory_space<vmem>>, vector<16xi32>,
    %swap3A_113 = arith.constant 432 : index
    %swap3A_114 = tpu.vector_load %arg10[%swap3A_113] {strides = array<i32>} : memref<512xi32, #tpu.memory_space<vmem>>, vector<16xi32>,
    tpu.vector_store %arg10[%swap3A_113], %broadcast_in_dim3A_3 {strides = array<i32>} : memref<512xi32, #tpu.memory_space<vmem>>, vector<16xi32>,
    %swap3A_115 = arith.constant 432 : index
    %swap3A_116 = tpu.vector_load %arg11[%swap3A_115] {strides = array<i32>} : memref<512xi32, #tpu.memory_space<vmem>>, vector<16xi32>,
    tpu.vector_store %arg11[%swap3A_115], %broadcast_in_dim3A_3 {strides = array<i32>} : memref<512xi32, #tpu.memory_space<vmem>>, vector<16xi32>,
    %swap3A_117 = arith.constant 448 : index
    %swap3A_118 = tpu.vector_load %arg10[%swap3A_117] {strides = array<i32>} : memref<512xi32, #tpu.memory_space<vmem>>, vector<16xi32>,
    tpu.vector_store %arg10[%swap3A_117], %broadcast_in_dim3A_3 {strides = array<i32>} : memref<512xi32, #tpu.memory_space<vmem>>, vector<16xi32>,
    %swap3A_119 = arith.constant 448 : index
    %swap3A_120 = tpu.vector_load %arg11[%swap3A_119] {strides = array<i32>} : memref<512xi32, #tpu.memory_space<vmem>>, vector<16xi32>,
    tpu.vector_store %arg11[%swap3A_119], %broadcast_in_dim3A_3 {strides = array<i32>} : memref<512xi32, #tpu.memory_space<vmem>>, vector<16xi32>,
    %swap3A_121 = arith.constant 464 : index
    %swap3A_122 = tpu.vector_load %arg10[%swap3A_121] {strides = array<i32>} : memref<512xi32, #tpu.memory_space<vmem>>, vector<16xi32>,
    tpu.vector_store %arg10[%swap3A_121], %broadcast_in_dim3A_3 {strides = array<i32>} : memref<512xi32, #tpu.memory_space<vmem>>, vector<16xi32>,
    %swap3A_123 = arith.constant 464 : index
    %swap3A_124 = tpu.vector_load %arg11[%swap3A_123] {strides = array<i32>} : memref<512xi32, #tpu.memory_space<vmem>>, vector<16xi32>,
    tpu.vector_store %arg11[%swap3A_123], %broadcast_in_dim3A_3 {strides = array<i32>} : memref<512xi32, #tpu.memory_space<vmem>>, vector<16xi32>,
    %swap3A_125 = arith.constant 480 : index
    %swap3A_126 = tpu.vector_load %arg10[%swap3A_125] {strides = array<i32>} : memref<512xi32, #tpu.memory_space<vmem>>, vector<16xi32>,
    tpu.vector_store %arg10[%swap3A_125], %broadcast_in_dim3A_3 {strides = array<i32>} : memref<512xi32, #tpu.memory_space<vmem>>, vector<16xi32>,
    %swap3A_127 = arith.constant 480 : index
    %swap3A_128 = tpu.vector_load %arg11[%swap3A_127] {strides = array<i32>} : memref<512xi32, #tpu.memory_space<vmem>>, vector<16xi32>,
    tpu.vector_store %arg11[%swap3A_127], %broadcast_in_dim3A_3 {strides = array<i32>} : memref<512xi32, #tpu.memory_space<vmem>>, vector<16xi32>,
    %swap3A_129 = arith.constant 496 : index
    %swap3A_130 = tpu.vector_load %arg10[%swap3A_129] {strides = array<i32>} : memref<512xi32, #tpu.memory_space<vmem>>, vector<16xi32>,
    tpu.vector_store %arg10[%swap3A_129], %broadcast_in_dim3A_3 {strides = array<i32>} : memref<512xi32, #tpu.memory_space<vmem>>, vector<16xi32>,
    %swap3A_131 = arith.constant 496 : index
    %swap3A_132 = tpu.vector_load %arg11[%swap3A_131] {strides = array<i32>} : memref<512xi32, #tpu.memory_space<vmem>>, vector<16xi32>,
    tpu.vector_store %arg11[%swap3A_131], %broadcast_in_dim3A_3 {strides = array<i32>} : memref<512xi32, #tpu.memory_space<vmem>>, vector<16xi32>,
    %scan3A = arith.constant 0 : i32
    %scan3A_133 = arith.constant 0 : i32
    %scan3A_134 = arith.constant 640 : i32
    %scan3A_135 = arith.addi %scan3A_133, %scan3A_134 : i32
    %scan3A_136 = arith.constant 1 : i32
    scf.for %scan3A_662 = %scan3A_133 to %scan3A_135 step %scan3A_136  : i32 {
      %mul3A_663 = arith.constant 16 : i32
      %mul3A_664 = arith.muli %scan3A_662, %mul3A_663 : i32
      %swap3A_665 = arith.index_cast %mul3A_664 : i32 to index
      %swap3A_666 = tpu.vector_load %arg9[%swap3A_665] {strides = array<i32>} : memref<10240xi32, #tpu.memory_space<vmem>>, vector<16xi32>,
      tpu.vector_store %arg9[%swap3A_665], %broadcast_in_dim3A_3 {strides = array<i32>} : memref<10240xi32, #tpu.memory_space<vmem>>, vector<16xi32>,
    }
    %scan3A_137 = arith.constant 640 : i32
    %scan3A_138 = arith.constant 0 : i32
    %scan3A_139 = arith.constant 0 : i32
    %scan3A_140 = arith.constant 625 : i32
    %scan3A_141 = arith.addi %scan3A_139, %scan3A_140 : i32
    %scan3A_142 = arith.constant 1 : i32
    scf.for %scan3A_662 = %scan3A_139 to %scan3A_141 step %scan3A_142  : i32 {
      %mul3A_663 = arith.constant 16 : i32
      %mul3A_664 = arith.muli %scan3A_662, %mul3A_663 : i32
      %get3A_665 = arith.index_cast %mul3A_664 : i32 to index
      %get3A_666 = tpu.vector_load %arg8[%get3A_665] {strides = array<i32>} : memref<10000xi32, #tpu.memory_space<vmem>>, vector<16xi32>,
      %shift_right_arithmetic3A = arith.constant 6 : i32
      %shift_right_arithmetic3A_667 = vector.broadcast %shift_right_arithmetic3A : i32 to vector<16xi32>
      %shift_right_arithmetic3A_668 = arith.shrsi %get3A_666, %shift_right_arithmetic3A_667 : vector<16xi32>
      %mul3A_669 = arith.constant 13108 : i32
      %mul3A_670 = vector.broadcast %mul3A_669 : i32 to vector<16xi32>
      %mul3A_671 = arith.muli %shift_right_arithmetic3A_668, %mul3A_670 : vector<16xi32>
      %shift_right_arithmetic3A_672 = arith.constant 16 : i32
      %shift_right_arithmetic3A_673 = vector.broadcast %shift_right_arithmetic3A_672 : i32 to vector<16xi32>
      %shift_right_arithmetic3A_674 = arith.shrsi %mul3A_671, %shift_right_arithmetic3A_673 : vector<16xi32>
      %mul3A_675 = arith.constant 16 : i32
      %mul3A_676 = vector.broadcast %mul3A_675 : i32 to vector<16xi32>
      %mul3A_677 = arith.muli %shift_right_arithmetic3A_674, %mul3A_676 : vector<16xi32>
      %add3A_678 = arith.addi %mul3A_677, %iota3A : vector<16xi32>
      tpu.vector_store_idx %arg10[%add3A_678], %broadcast_in_dim3A_5 {add = true} : memref<512xi32, #tpu.memory_space<vmem>>[vector<16xi32>], vector<16xi32>,
      %mul3A_679 = arith.constant 32 : i32
      %mul3A_680 = vector.broadcast %mul3A_679 : i32 to vector<16xi32>
      %mul3A_681 = arith.muli %iota3A, %mul3A_680 : vector<16xi32>
      %add3A_682 = arith.addi %mul3A_681, %shift_right_arithmetic3A_674 : vector<16xi32>
      tpu.vector_store_idx %arg11[%add3A_682], %broadcast_in_dim3A_5 {add = true} : memref<512xi32, #tpu.memory_space<vmem>>[vector<16xi32>], vector<16xi32>,
    }
    %scan3A_143 = arith.constant 625 : i32
    %get3A = arith.constant 0 : index
    %get3A_144 = tpu.vector_load %arg11[%get3A] {strides = array<i32>} : memref<512xi32, #tpu.memory_space<vmem>>, vector<16xi32>,
    %add3A_145 = arith.addi %broadcast_in_dim3A_3, %get3A_144 : vector<16xi32>
    %get3A_146 = arith.constant 16 : index
    %get3A_147 = tpu.vector_load %arg11[%get3A_146] {strides = array<i32>} : memref<512xi32, #tpu.memory_space<vmem>>, vector<16xi32>,
    %add3A_148 = arith.addi %broadcast_in_dim3A_3, %get3A_147 : vector<16xi32>
    %get3A_149 = arith.constant 32 : index
    %get3A_150 = tpu.vector_load %arg11[%get3A_149] {strides = array<i32>} : memref<512xi32, #tpu.memory_space<vmem>>, vector<16xi32>,
    %add3A_151 = arith.addi %add3A_145, %get3A_150 : vector<16xi32>
    %get3A_152 = arith.constant 48 : index
    %get3A_153 = tpu.vector_load %arg11[%get3A_152] {strides = array<i32>} : memref<512xi32, #tpu.memory_space<vmem>>, vector<16xi32>,
    %add3A_154 = arith.addi %add3A_148, %get3A_153 : vector<16xi32>
    %get3A_155 = arith.constant 64 : index
    %get3A_156 = tpu.vector_load %arg11[%get3A_155] {strides = array<i32>} : memref<512xi32, #tpu.memory_space<vmem>>, vector<16xi32>,
    %add3A_157 = arith.addi %add3A_151, %get3A_156 : vector<16xi32>
    %get3A_158 = arith.constant 80 : index
    %get3A_159 = tpu.vector_load %arg11[%get3A_158] {strides = array<i32>} : memref<512xi32, #tpu.memory_space<vmem>>, vector<16xi32>,
    %add3A_160 = arith.addi %add3A_154, %get3A_159 : vector<16xi32>
    %get3A_161 = arith.constant 96 : index
    %get3A_162 = tpu.vector_load %arg11[%get3A_161] {strides = array<i32>} : memref<512xi32, #tpu.memory_space<vmem>>, vector<16xi32>,
    %add3A_163 = arith.addi %add3A_157, %get3A_162 : vector<16xi32>
    %get3A_164 = arith.constant 112 : index
    %get3A_165 = tpu.vector_load %arg11[%get3A_164] {strides = array<i32>} : memref<512xi32, #tpu.memory_space<vmem>>, vector<16xi32>,
    %add3A_166 = arith.addi %add3A_160, %get3A_165 : vector<16xi32>
    %get3A_167 = arith.constant 128 : index
    %get3A_168 = tpu.vector_load %arg11[%get3A_167] {strides = array<i32>} : memref<512xi32, #tpu.memory_space<vmem>>, vector<16xi32>,
    %add3A_169 = arith.addi %add3A_163, %get3A_168 : vector<16xi32>
    %get3A_170 = arith.constant 144 : index
    %get3A_171 = tpu.vector_load %arg11[%get3A_170] {strides = array<i32>} : memref<512xi32, #tpu.memory_space<vmem>>, vector<16xi32>,
    %add3A_172 = arith.addi %add3A_166, %get3A_171 : vector<16xi32>
    %get3A_173 = arith.constant 160 : index
    %get3A_174 = tpu.vector_load %arg11[%get3A_173] {strides = array<i32>} : memref<512xi32, #tpu.memory_space<vmem>>, vector<16xi32>,
    %add3A_175 = arith.addi %add3A_169, %get3A_174 : vector<16xi32>
    %get3A_176 = arith.constant 176 : index
    %get3A_177 = tpu.vector_load %arg11[%get3A_176] {strides = array<i32>} : memref<512xi32, #tpu.memory_space<vmem>>, vector<16xi32>,
    %add3A_178 = arith.addi %add3A_172, %get3A_177 : vector<16xi32>
    %get3A_179 = arith.constant 192 : index
    %get3A_180 = tpu.vector_load %arg11[%get3A_179] {strides = array<i32>} : memref<512xi32, #tpu.memory_space<vmem>>, vector<16xi32>,
    %add3A_181 = arith.addi %add3A_175, %get3A_180 : vector<16xi32>
    %get3A_182 = arith.constant 208 : index
    %get3A_183 = tpu.vector_load %arg11[%get3A_182] {strides = array<i32>} : memref<512xi32, #tpu.memory_space<vmem>>, vector<16xi32>,
    %add3A_184 = arith.addi %add3A_178, %get3A_183 : vector<16xi32>
    %get3A_185 = arith.constant 224 : index
    %get3A_186 = tpu.vector_load %arg11[%get3A_185] {strides = array<i32>} : memref<512xi32, #tpu.memory_space<vmem>>, vector<16xi32>,
    %add3A_187 = arith.addi %add3A_181, %get3A_186 : vector<16xi32>
    %get3A_188 = arith.constant 240 : index
    %get3A_189 = tpu.vector_load %arg11[%get3A_188] {strides = array<i32>} : memref<512xi32, #tpu.memory_space<vmem>>, vector<16xi32>,
    %add3A_190 = arith.addi %add3A_184, %get3A_189 : vector<16xi32>
    %get3A_191 = arith.constant 256 : index
    %get3A_192 = tpu.vector_load %arg11[%get3A_191] {strides = array<i32>} : memref<512xi32, #tpu.memory_space<vmem>>, vector<16xi32>,
    %add3A_193 = arith.addi %add3A_187, %get3A_192 : vector<16xi32>
    %get3A_194 = arith.constant 272 : index
    %get3A_195 = tpu.vector_load %arg11[%get3A_194] {strides = array<i32>} : memref<512xi32, #tpu.memory_space<vmem>>, vector<16xi32>,
    %add3A_196 = arith.addi %add3A_190, %get3A_195 : vector<16xi32>
    %get3A_197 = arith.constant 288 : index
    %get3A_198 = tpu.vector_load %arg11[%get3A_197] {strides = array<i32>} : memref<512xi32, #tpu.memory_space<vmem>>, vector<16xi32>,
    %add3A_199 = arith.addi %add3A_193, %get3A_198 : vector<16xi32>
    %get3A_200 = arith.constant 304 : index
    %get3A_201 = tpu.vector_load %arg11[%get3A_200] {strides = array<i32>} : memref<512xi32, #tpu.memory_space<vmem>>, vector<16xi32>,
    %add3A_202 = arith.addi %add3A_196, %get3A_201 : vector<16xi32>
    %get3A_203 = arith.constant 320 : index
    %get3A_204 = tpu.vector_load %arg11[%get3A_203] {strides = array<i32>} : memref<512xi32, #tpu.memory_space<vmem>>, vector<16xi32>,
    %add3A_205 = arith.addi %add3A_199, %get3A_204 : vector<16xi32>
    %get3A_206 = arith.constant 336 : index
    %get3A_207 = tpu.vector_load %arg11[%get3A_206] {strides = array<i32>} : memref<512xi32, #tpu.memory_space<vmem>>, vector<16xi32>,
    %add3A_208 = arith.addi %add3A_202, %get3A_207 : vector<16xi32>
    %get3A_209 = arith.constant 352 : index
    %get3A_210 = tpu.vector_load %arg11[%get3A_209] {strides = array<i32>} : memref<512xi32, #tpu.memory_space<vmem>>, vector<16xi32>,
    %add3A_211 = arith.addi %add3A_205, %get3A_210 : vector<16xi32>
    %get3A_212 = arith.constant 368 : index
    %get3A_213 = tpu.vector_load %arg11[%get3A_212] {strides = array<i32>} : memref<512xi32, #tpu.memory_space<vmem>>, vector<16xi32>,
    %add3A_214 = arith.addi %add3A_208, %get3A_213 : vector<16xi32>
    %get3A_215 = arith.constant 384 : index
    %get3A_216 = tpu.vector_load %arg11[%get3A_215] {strides = array<i32>} : memref<512xi32, #tpu.memory_space<vmem>>, vector<16xi32>,
    %add3A_217 = arith.addi %add3A_211, %get3A_216 : vector<16xi32>
    %get3A_218 = arith.constant 400 : index
    %get3A_219 = tpu.vector_load %arg11[%get3A_218] {strides = array<i32>} : memref<512xi32, #tpu.memory_space<vmem>>, vector<16xi32>,
    %add3A_220 = arith.addi %add3A_214, %get3A_219 : vector<16xi32>
    %get3A_221 = arith.constant 416 : index
    %get3A_222 = tpu.vector_load %arg11[%get3A_221] {strides = array<i32>} : memref<512xi32, #tpu.memory_space<vmem>>, vector<16xi32>,
    %add3A_223 = arith.addi %add3A_217, %get3A_222 : vector<16xi32>
    %get3A_224 = arith.constant 432 : index
    %get3A_225 = tpu.vector_load %arg11[%get3A_224] {strides = array<i32>} : memref<512xi32, #tpu.memory_space<vmem>>, vector<16xi32>,
    %add3A_226 = arith.addi %add3A_220, %get3A_225 : vector<16xi32>
    %get3A_227 = arith.constant 448 : index
    %get3A_228 = tpu.vector_load %arg11[%get3A_227] {strides = array<i32>} : memref<512xi32, #tpu.memory_space<vmem>>, vector<16xi32>,
    %add3A_229 = arith.addi %add3A_223, %get3A_228 : vector<16xi32>
    %get3A_230 = arith.constant 464 : index
    %get3A_231 = tpu.vector_load %arg11[%get3A_230] {strides = array<i32>} : memref<512xi32, #tpu.memory_space<vmem>>, vector<16xi32>,
    %add3A_232 = arith.addi %add3A_226, %get3A_231 : vector<16xi32>
    %get3A_233 = arith.constant 480 : index
    %get3A_234 = tpu.vector_load %arg11[%get3A_233] {strides = array<i32>} : memref<512xi32, #tpu.memory_space<vmem>>, vector<16xi32>,
    %add3A_235 = arith.addi %add3A_229, %get3A_234 : vector<16xi32>
    %get3A_236 = arith.constant 496 : index
    %get3A_237 = tpu.vector_load %arg11[%get3A_236] {strides = array<i32>} : memref<512xi32, #tpu.memory_space<vmem>>, vector<16xi32>,
    %add3A_238 = arith.addi %add3A_232, %get3A_237 : vector<16xi32>
    %add3A_239 = arith.constant 7 : i32
    %add3A_240 = vector.broadcast %add3A_239 : i32 to vector<16xi32>
    %add3A_241 = arith.addi %add3A_235, %add3A_240 : vector<16xi32>
    %and3A = arith.constant -8 : i32
    %and3A_242 = vector.broadcast %and3A : i32 to vector<16xi32>
    %and3A_243 = arith.andi %add3A_241, %and3A_242 : vector<16xi32>
    %add3A_244 = arith.constant 7 : i32
    %add3A_245 = vector.broadcast %add3A_244 : i32 to vector<16xi32>
    %add3A_246 = arith.addi %add3A_238, %add3A_245 : vector<16xi32>
    %and3A_247 = arith.constant -8 : i32
    %and3A_248 = vector.broadcast %and3A_247 : i32 to vector<16xi32>
    %and3A_249 = arith.andi %add3A_246, %and3A_248 : vector<16xi32>
    %broadcast_in_dim3A_250 = arith.constant true
    %broadcast_in_dim3A_251 = vector.broadcast %broadcast_in_dim3A_250 : i1 to vector<16xi1>
    %masked_cumsum3A = tpu.scan <sum>, %and3A_243 masked %broadcast_in_dim3A_251 : vector<16xi32>, vector<16xi1> -> vector<16xi32>
    %sub3A = arith.subi %masked_cumsum3A, %and3A_243 : vector<16xi32>
    %broadcast_in_dim3A_252 = arith.constant true
    %broadcast_in_dim3A_253 = vector.broadcast %broadcast_in_dim3A_252 : i1 to vector<16xi1>
    %masked_cumsum3A_254 = tpu.scan <sum>, %and3A_249 masked %broadcast_in_dim3A_253 : vector<16xi32>, vector<16xi1> -> vector<16xi32>
    %sub3A_255 = arith.subi %masked_cumsum3A_254, %and3A_249 : vector<16xi32>
    %slice3A = vector.extract_strided_slice %masked_cumsum3A {offsets = [15], sizes = [1], strides = [1]} : vector<16xi32> to vector<1xi32>
    %squeeze3A = vector.extract %slice3A[0] : i32 from vector<1xi32>
    %add3A_256 = vector.broadcast %squeeze3A : i32 to vector<16xi32>
    %add3A_257 = arith.addi %sub3A_255, %add3A_256 : vector<16xi32>
    %swap3A_258 = arith.constant 0 : index
    %swap3A_259 = tpu.vector_load %arg13[%swap3A_258] {strides = array<i32>} : memref<32xi32, #tpu.memory_space<vmem>>, vector<16xi32>,
    tpu.vector_store %arg13[%swap3A_258], %add3A_235 {strides = array<i32>} : memref<32xi32, #tpu.memory_space<vmem>>, vector<16xi32>,
    %swap3A_260 = arith.constant 16 : index
    %swap3A_261 = tpu.vector_load %arg13[%swap3A_260] {strides = array<i32>} : memref<32xi32, #tpu.memory_space<vmem>>, vector<16xi32>,
    tpu.vector_store %arg13[%swap3A_260], %add3A_238 {strides = array<i32>} : memref<32xi32, #tpu.memory_space<vmem>>, vector<16xi32>,
    %swap3A_262 = arith.constant 0 : index
    %swap3A_263 = tpu.vector_load %arg14[%swap3A_262] {strides = array<i32>} : memref<32xi32, #tpu.memory_space<vmem>>, vector<16xi32>,
    tpu.vector_store %arg14[%swap3A_262], %sub3A {strides = array<i32>} : memref<32xi32, #tpu.memory_space<vmem>>, vector<16xi32>,
    %swap3A_264 = arith.constant 16 : index
    %swap3A_265 = tpu.vector_load %arg14[%swap3A_264] {strides = array<i32>} : memref<32xi32, #tpu.memory_space<vmem>>, vector<16xi32>,
    tpu.vector_store %arg14[%swap3A_264], %add3A_257 {strides = array<i32>} : memref<32xi32, #tpu.memory_space<vmem>>, vector<16xi32>,
    %get3A_266 = arith.constant 0 : index
    %get3A_267 = tpu.vector_load %arg10[%get3A_266] {strides = array<i32>} : memref<512xi32, #tpu.memory_space<vmem>>, vector<16xi32>,
    %broadcast_in_dim3A_268 = arith.constant true
    %broadcast_in_dim3A_269 = vector.broadcast %broadcast_in_dim3A_268 : i1 to vector<16xi1>
    %masked_cumsum3A_270 = tpu.scan <sum>, %get3A_267 masked %broadcast_in_dim3A_269 : vector<16xi32>, vector<16xi1> -> vector<16xi32>
    %sub3A_271 = arith.subi %masked_cumsum3A_270, %get3A_267 : vector<16xi32>
    %slice3A_272 = vector.extract_strided_slice %sub3A {offsets = [0], sizes = [1], strides = [1]} : vector<16xi32> to vector<1xi32>
    %squeeze3A_273 = vector.extract %slice3A_272[0] : i32 from vector<1xi32>
    %add3A_274 = vector.broadcast %squeeze3A_273 : i32 to vector<16xi32>
    %add3A_275 = arith.addi %sub3A_271, %add3A_274 : vector<16xi32>
    %swap3A_276 = arith.constant 0 : index
    %swap3A_277 = tpu.vector_load %arg12[%swap3A_276] {strides = array<i32>} : memref<512xi32, #tpu.memory_space<vmem>>, vector<16xi32>,
    tpu.vector_store %arg12[%swap3A_276], %add3A_275 {strides = array<i32>} : memref<512xi32, #tpu.memory_space<vmem>>, vector<16xi32>,
    %get3A_278 = arith.constant 16 : index
    %get3A_279 = tpu.vector_load %arg10[%get3A_278] {strides = array<i32>} : memref<512xi32, #tpu.memory_space<vmem>>, vector<16xi32>,
    %broadcast_in_dim3A_280 = arith.constant true
    %broadcast_in_dim3A_281 = vector.broadcast %broadcast_in_dim3A_280 : i1 to vector<16xi1>
    %masked_cumsum3A_282 = tpu.scan <sum>, %get3A_279 masked %broadcast_in_dim3A_281 : vector<16xi32>, vector<16xi1> -> vector<16xi32>
    %sub3A_283 = arith.subi %masked_cumsum3A_282, %get3A_279 : vector<16xi32>
    %slice3A_284 = vector.extract_strided_slice %sub3A {offsets = [1], sizes = [1], strides = [1]} : vector<16xi32> to vector<1xi32>
    %squeeze3A_285 = vector.extract %slice3A_284[0] : i32 from vector<1xi32>
    %add3A_286 = vector.broadcast %squeeze3A_285 : i32 to vector<16xi32>
    %add3A_287 = arith.addi %sub3A_283, %add3A_286 : vector<16xi32>
    %swap3A_288 = arith.constant 16 : index
    %swap3A_289 = tpu.vector_load %arg12[%swap3A_288] {strides = array<i32>} : memref<512xi32, #tpu.memory_space<vmem>>, vector<16xi32>,
    tpu.vector_store %arg12[%swap3A_288], %add3A_287 {strides = array<i32>} : memref<512xi32, #tpu.memory_space<vmem>>, vector<16xi32>,
    %get3A_290 = arith.constant 32 : index
    %get3A_291 = tpu.vector_load %arg10[%get3A_290] {strides = array<i32>} : memref<512xi32, #tpu.memory_space<vmem>>, vector<16xi32>,
    %broadcast_in_dim3A_292 = arith.constant true
    %broadcast_in_dim3A_293 = vector.broadcast %broadcast_in_dim3A_292 : i1 to vector<16xi1>
    %masked_cumsum3A_294 = tpu.scan <sum>, %get3A_291 masked %broadcast_in_dim3A_293 : vector<16xi32>, vector<16xi1> -> vector<16xi32>
    %sub3A_295 = arith.subi %masked_cumsum3A_294, %get3A_291 : vector<16xi32>
    %slice3A_296 = vector.extract_strided_slice %sub3A {offsets = [2], sizes = [1], strides = [1]} : vector<16xi32> to vector<1xi32>
    %squeeze3A_297 = vector.extract %slice3A_296[0] : i32 from vector<1xi32>
    %add3A_298 = vector.broadcast %squeeze3A_297 : i32 to vector<16xi32>
    %add3A_299 = arith.addi %sub3A_295, %add3A_298 : vector<16xi32>
    %swap3A_300 = arith.constant 32 : index
    %swap3A_301 = tpu.vector_load %arg12[%swap3A_300] {strides = array<i32>} : memref<512xi32, #tpu.memory_space<vmem>>, vector<16xi32>,
    tpu.vector_store %arg12[%swap3A_300], %add3A_299 {strides = array<i32>} : memref<512xi32, #tpu.memory_space<vmem>>, vector<16xi32>,
    %get3A_302 = arith.constant 48 : index
    %get3A_303 = tpu.vector_load %arg10[%get3A_302] {strides = array<i32>} : memref<512xi32, #tpu.memory_space<vmem>>, vector<16xi32>,
    %broadcast_in_dim3A_304 = arith.constant true
    %broadcast_in_dim3A_305 = vector.broadcast %broadcast_in_dim3A_304 : i1 to vector<16xi1>
    %masked_cumsum3A_306 = tpu.scan <sum>, %get3A_303 masked %broadcast_in_dim3A_305 : vector<16xi32>, vector<16xi1> -> vector<16xi32>
    %sub3A_307 = arith.subi %masked_cumsum3A_306, %get3A_303 : vector<16xi32>
    %slice3A_308 = vector.extract_strided_slice %sub3A {offsets = [3], sizes = [1], strides = [1]} : vector<16xi32> to vector<1xi32>
    %squeeze3A_309 = vector.extract %slice3A_308[0] : i32 from vector<1xi32>
    %add3A_310 = vector.broadcast %squeeze3A_309 : i32 to vector<16xi32>
    %add3A_311 = arith.addi %sub3A_307, %add3A_310 : vector<16xi32>
    %swap3A_312 = arith.constant 48 : index
    %swap3A_313 = tpu.vector_load %arg12[%swap3A_312] {strides = array<i32>} : memref<512xi32, #tpu.memory_space<vmem>>, vector<16xi32>,
    tpu.vector_store %arg12[%swap3A_312], %add3A_311 {strides = array<i32>} : memref<512xi32, #tpu.memory_space<vmem>>, vector<16xi32>,
    %get3A_314 = arith.constant 64 : index
    %get3A_315 = tpu.vector_load %arg10[%get3A_314] {strides = array<i32>} : memref<512xi32, #tpu.memory_space<vmem>>, vector<16xi32>,
    %broadcast_in_dim3A_316 = arith.constant true
    %broadcast_in_dim3A_317 = vector.broadcast %broadcast_in_dim3A_316 : i1 to vector<16xi1>
    %masked_cumsum3A_318 = tpu.scan <sum>, %get3A_315 masked %broadcast_in_dim3A_317 : vector<16xi32>, vector<16xi1> -> vector<16xi32>
    %sub3A_319 = arith.subi %masked_cumsum3A_318, %get3A_315 : vector<16xi32>
    %slice3A_320 = vector.extract_strided_slice %sub3A {offsets = [4], sizes = [1], strides = [1]} : vector<16xi32> to vector<1xi32>
    %squeeze3A_321 = vector.extract %slice3A_320[0] : i32 from vector<1xi32>
    %add3A_322 = vector.broadcast %squeeze3A_321 : i32 to vector<16xi32>
    %add3A_323 = arith.addi %sub3A_319, %add3A_322 : vector<16xi32>
    %swap3A_324 = arith.constant 64 : index
    %swap3A_325 = tpu.vector_load %arg12[%swap3A_324] {strides = array<i32>} : memref<512xi32, #tpu.memory_space<vmem>>, vector<16xi32>,
    tpu.vector_store %arg12[%swap3A_324], %add3A_323 {strides = array<i32>} : memref<512xi32, #tpu.memory_space<vmem>>, vector<16xi32>,
    %get3A_326 = arith.constant 80 : index
    %get3A_327 = tpu.vector_load %arg10[%get3A_326] {strides = array<i32>} : memref<512xi32, #tpu.memory_space<vmem>>, vector<16xi32>,
    %broadcast_in_dim3A_328 = arith.constant true
    %broadcast_in_dim3A_329 = vector.broadcast %broadcast_in_dim3A_328 : i1 to vector<16xi1>
    %masked_cumsum3A_330 = tpu.scan <sum>, %get3A_327 masked %broadcast_in_dim3A_329 : vector<16xi32>, vector<16xi1> -> vector<16xi32>
    %sub3A_331 = arith.subi %masked_cumsum3A_330, %get3A_327 : vector<16xi32>
    %slice3A_332 = vector.extract_strided_slice %sub3A {offsets = [5], sizes = [1], strides = [1]} : vector<16xi32> to vector<1xi32>
    %squeeze3A_333 = vector.extract %slice3A_332[0] : i32 from vector<1xi32>
    %add3A_334 = vector.broadcast %squeeze3A_333 : i32 to vector<16xi32>
    %add3A_335 = arith.addi %sub3A_331, %add3A_334 : vector<16xi32>
    %swap3A_336 = arith.constant 80 : index
    %swap3A_337 = tpu.vector_load %arg12[%swap3A_336] {strides = array<i32>} : memref<512xi32, #tpu.memory_space<vmem>>, vector<16xi32>,
    tpu.vector_store %arg12[%swap3A_336], %add3A_335 {strides = array<i32>} : memref<512xi32, #tpu.memory_space<vmem>>, vector<16xi32>,
    %get3A_338 = arith.constant 96 : index
    %get3A_339 = tpu.vector_load %arg10[%get3A_338] {strides = array<i32>} : memref<512xi32, #tpu.memory_space<vmem>>, vector<16xi32>,
    %broadcast_in_dim3A_340 = arith.constant true
    %broadcast_in_dim3A_341 = vector.broadcast %broadcast_in_dim3A_340 : i1 to vector<16xi1>
    %masked_cumsum3A_342 = tpu.scan <sum>, %get3A_339 masked %broadcast_in_dim3A_341 : vector<16xi32>, vector<16xi1> -> vector<16xi32>
    %sub3A_343 = arith.subi %masked_cumsum3A_342, %get3A_339 : vector<16xi32>
    %slice3A_344 = vector.extract_strided_slice %sub3A {offsets = [6], sizes = [1], strides = [1]} : vector<16xi32> to vector<1xi32>
    %squeeze3A_345 = vector.extract %slice3A_344[0] : i32 from vector<1xi32>
    %add3A_346 = vector.broadcast %squeeze3A_345 : i32 to vector<16xi32>
    %add3A_347 = arith.addi %sub3A_343, %add3A_346 : vector<16xi32>
    %swap3A_348 = arith.constant 96 : index
    %swap3A_349 = tpu.vector_load %arg12[%swap3A_348] {strides = array<i32>} : memref<512xi32, #tpu.memory_space<vmem>>, vector<16xi32>,
    tpu.vector_store %arg12[%swap3A_348], %add3A_347 {strides = array<i32>} : memref<512xi32, #tpu.memory_space<vmem>>, vector<16xi32>,
    %get3A_350 = arith.constant 112 : index
    %get3A_351 = tpu.vector_load %arg10[%get3A_350] {strides = array<i32>} : memref<512xi32, #tpu.memory_space<vmem>>, vector<16xi32>,
    %broadcast_in_dim3A_352 = arith.constant true
    %broadcast_in_dim3A_353 = vector.broadcast %broadcast_in_dim3A_352 : i1 to vector<16xi1>
    %masked_cumsum3A_354 = tpu.scan <sum>, %get3A_351 masked %broadcast_in_dim3A_353 : vector<16xi32>, vector<16xi1> -> vector<16xi32>
    %sub3A_355 = arith.subi %masked_cumsum3A_354, %get3A_351 : vector<16xi32>
    %slice3A_356 = vector.extract_strided_slice %sub3A {offsets = [7], sizes = [1], strides = [1]} : vector<16xi32> to vector<1xi32>
    %squeeze3A_357 = vector.extract %slice3A_356[0] : i32 from vector<1xi32>
    %add3A_358 = vector.broadcast %squeeze3A_357 : i32 to vector<16xi32>
    %add3A_359 = arith.addi %sub3A_355, %add3A_358 : vector<16xi32>
    %swap3A_360 = arith.constant 112 : index
    %swap3A_361 = tpu.vector_load %arg12[%swap3A_360] {strides = array<i32>} : memref<512xi32, #tpu.memory_space<vmem>>, vector<16xi32>,
    tpu.vector_store %arg12[%swap3A_360], %add3A_359 {strides = array<i32>} : memref<512xi32, #tpu.memory_space<vmem>>, vector<16xi32>,
    %get3A_362 = arith.constant 128 : index
    %get3A_363 = tpu.vector_load %arg10[%get3A_362] {strides = array<i32>} : memref<512xi32, #tpu.memory_space<vmem>>, vector<16xi32>,
    %broadcast_in_dim3A_364 = arith.constant true
    %broadcast_in_dim3A_365 = vector.broadcast %broadcast_in_dim3A_364 : i1 to vector<16xi1>
    %masked_cumsum3A_366 = tpu.scan <sum>, %get3A_363 masked %broadcast_in_dim3A_365 : vector<16xi32>, vector<16xi1> -> vector<16xi32>
    %sub3A_367 = arith.subi %masked_cumsum3A_366, %get3A_363 : vector<16xi32>
    %slice3A_368 = vector.extract_strided_slice %sub3A {offsets = [8], sizes = [1], strides = [1]} : vector<16xi32> to vector<1xi32>
    %squeeze3A_369 = vector.extract %slice3A_368[0] : i32 from vector<1xi32>
    %add3A_370 = vector.broadcast %squeeze3A_369 : i32 to vector<16xi32>
    %add3A_371 = arith.addi %sub3A_367, %add3A_370 : vector<16xi32>
    %swap3A_372 = arith.constant 128 : index
    %swap3A_373 = tpu.vector_load %arg12[%swap3A_372] {strides = array<i32>} : memref<512xi32, #tpu.memory_space<vmem>>, vector<16xi32>,
    tpu.vector_store %arg12[%swap3A_372], %add3A_371 {strides = array<i32>} : memref<512xi32, #tpu.memory_space<vmem>>, vector<16xi32>,
    %get3A_374 = arith.constant 144 : index
    %get3A_375 = tpu.vector_load %arg10[%get3A_374] {strides = array<i32>} : memref<512xi32, #tpu.memory_space<vmem>>, vector<16xi32>,
    %broadcast_in_dim3A_376 = arith.constant true
    %broadcast_in_dim3A_377 = vector.broadcast %broadcast_in_dim3A_376 : i1 to vector<16xi1>
    %masked_cumsum3A_378 = tpu.scan <sum>, %get3A_375 masked %broadcast_in_dim3A_377 : vector<16xi32>, vector<16xi1> -> vector<16xi32>
    %sub3A_379 = arith.subi %masked_cumsum3A_378, %get3A_375 : vector<16xi32>
    %slice3A_380 = vector.extract_strided_slice %sub3A {offsets = [9], sizes = [1], strides = [1]} : vector<16xi32> to vector<1xi32>
    %squeeze3A_381 = vector.extract %slice3A_380[0] : i32 from vector<1xi32>
    %add3A_382 = vector.broadcast %squeeze3A_381 : i32 to vector<16xi32>
    %add3A_383 = arith.addi %sub3A_379, %add3A_382 : vector<16xi32>
    %swap3A_384 = arith.constant 144 : index
    %swap3A_385 = tpu.vector_load %arg12[%swap3A_384] {strides = array<i32>} : memref<512xi32, #tpu.memory_space<vmem>>, vector<16xi32>,
    tpu.vector_store %arg12[%swap3A_384], %add3A_383 {strides = array<i32>} : memref<512xi32, #tpu.memory_space<vmem>>, vector<16xi32>,
    %get3A_386 = arith.constant 160 : index
    %get3A_387 = tpu.vector_load %arg10[%get3A_386] {strides = array<i32>} : memref<512xi32, #tpu.memory_space<vmem>>, vector<16xi32>,
    %broadcast_in_dim3A_388 = arith.constant true
    %broadcast_in_dim3A_389 = vector.broadcast %broadcast_in_dim3A_388 : i1 to vector<16xi1>
    %masked_cumsum3A_390 = tpu.scan <sum>, %get3A_387 masked %broadcast_in_dim3A_389 : vector<16xi32>, vector<16xi1> -> vector<16xi32>
    %sub3A_391 = arith.subi %masked_cumsum3A_390, %get3A_387 : vector<16xi32>
    %slice3A_392 = vector.extract_strided_slice %sub3A {offsets = [10], sizes = [1], strides = [1]} : vector<16xi32> to vector<1xi32>
    %squeeze3A_393 = vector.extract %slice3A_392[0] : i32 from vector<1xi32>
    %add3A_394 = vector.broadcast %squeeze3A_393 : i32 to vector<16xi32>
    %add3A_395 = arith.addi %sub3A_391, %add3A_394 : vector<16xi32>
    %swap3A_396 = arith.constant 160 : index
    %swap3A_397 = tpu.vector_load %arg12[%swap3A_396] {strides = array<i32>} : memref<512xi32, #tpu.memory_space<vmem>>, vector<16xi32>,
    tpu.vector_store %arg12[%swap3A_396], %add3A_395 {strides = array<i32>} : memref<512xi32, #tpu.memory_space<vmem>>, vector<16xi32>,
    %get3A_398 = arith.constant 176 : index
    %get3A_399 = tpu.vector_load %arg10[%get3A_398] {strides = array<i32>} : memref<512xi32, #tpu.memory_space<vmem>>, vector<16xi32>,
    %broadcast_in_dim3A_400 = arith.constant true
    %broadcast_in_dim3A_401 = vector.broadcast %broadcast_in_dim3A_400 : i1 to vector<16xi1>
    %masked_cumsum3A_402 = tpu.scan <sum>, %get3A_399 masked %broadcast_in_dim3A_401 : vector<16xi32>, vector<16xi1> -> vector<16xi32>
    %sub3A_403 = arith.subi %masked_cumsum3A_402, %get3A_399 : vector<16xi32>
    %slice3A_404 = vector.extract_strided_slice %sub3A {offsets = [11], sizes = [1], strides = [1]} : vector<16xi32> to vector<1xi32>
    %squeeze3A_405 = vector.extract %slice3A_404[0] : i32 from vector<1xi32>
    %add3A_406 = vector.broadcast %squeeze3A_405 : i32 to vector<16xi32>
    %add3A_407 = arith.addi %sub3A_403, %add3A_406 : vector<16xi32>
    %swap3A_408 = arith.constant 176 : index
    %swap3A_409 = tpu.vector_load %arg12[%swap3A_408] {strides = array<i32>} : memref<512xi32, #tpu.memory_space<vmem>>, vector<16xi32>,
    tpu.vector_store %arg12[%swap3A_408], %add3A_407 {strides = array<i32>} : memref<512xi32, #tpu.memory_space<vmem>>, vector<16xi32>,
    %get3A_410 = arith.constant 192 : index
    %get3A_411 = tpu.vector_load %arg10[%get3A_410] {strides = array<i32>} : memref<512xi32, #tpu.memory_space<vmem>>, vector<16xi32>,
    %broadcast_in_dim3A_412 = arith.constant true
    %broadcast_in_dim3A_413 = vector.broadcast %broadcast_in_dim3A_412 : i1 to vector<16xi1>
    %masked_cumsum3A_414 = tpu.scan <sum>, %get3A_411 masked %broadcast_in_dim3A_413 : vector<16xi32>, vector<16xi1> -> vector<16xi32>
    %sub3A_415 = arith.subi %masked_cumsum3A_414, %get3A_411 : vector<16xi32>
    %slice3A_416 = vector.extract_strided_slice %sub3A {offsets = [12], sizes = [1], strides = [1]} : vector<16xi32> to vector<1xi32>
    %squeeze3A_417 = vector.extract %slice3A_416[0] : i32 from vector<1xi32>
    %add3A_418 = vector.broadcast %squeeze3A_417 : i32 to vector<16xi32>
    %add3A_419 = arith.addi %sub3A_415, %add3A_418 : vector<16xi32>
    %swap3A_420 = arith.constant 192 : index
    %swap3A_421 = tpu.vector_load %arg12[%swap3A_420] {strides = array<i32>} : memref<512xi32, #tpu.memory_space<vmem>>, vector<16xi32>,
    tpu.vector_store %arg12[%swap3A_420], %add3A_419 {strides = array<i32>} : memref<512xi32, #tpu.memory_space<vmem>>, vector<16xi32>,
    %get3A_422 = arith.constant 208 : index
    %get3A_423 = tpu.vector_load %arg10[%get3A_422] {strides = array<i32>} : memref<512xi32, #tpu.memory_space<vmem>>, vector<16xi32>,
    %broadcast_in_dim3A_424 = arith.constant true
    %broadcast_in_dim3A_425 = vector.broadcast %broadcast_in_dim3A_424 : i1 to vector<16xi1>
    %masked_cumsum3A_426 = tpu.scan <sum>, %get3A_423 masked %broadcast_in_dim3A_425 : vector<16xi32>, vector<16xi1> -> vector<16xi32>
    %sub3A_427 = arith.subi %masked_cumsum3A_426, %get3A_423 : vector<16xi32>
    %slice3A_428 = vector.extract_strided_slice %sub3A {offsets = [13], sizes = [1], strides = [1]} : vector<16xi32> to vector<1xi32>
    %squeeze3A_429 = vector.extract %slice3A_428[0] : i32 from vector<1xi32>
    %add3A_430 = vector.broadcast %squeeze3A_429 : i32 to vector<16xi32>
    %add3A_431 = arith.addi %sub3A_427, %add3A_430 : vector<16xi32>
    %swap3A_432 = arith.constant 208 : index
    %swap3A_433 = tpu.vector_load %arg12[%swap3A_432] {strides = array<i32>} : memref<512xi32, #tpu.memory_space<vmem>>, vector<16xi32>,
    tpu.vector_store %arg12[%swap3A_432], %add3A_431 {strides = array<i32>} : memref<512xi32, #tpu.memory_space<vmem>>, vector<16xi32>,
    %get3A_434 = arith.constant 224 : index
    %get3A_435 = tpu.vector_load %arg10[%get3A_434] {strides = array<i32>} : memref<512xi32, #tpu.memory_space<vmem>>, vector<16xi32>,
    %broadcast_in_dim3A_436 = arith.constant true
    %broadcast_in_dim3A_437 = vector.broadcast %broadcast_in_dim3A_436 : i1 to vector<16xi1>
    %masked_cumsum3A_438 = tpu.scan <sum>, %get3A_435 masked %broadcast_in_dim3A_437 : vector<16xi32>, vector<16xi1> -> vector<16xi32>
    %sub3A_439 = arith.subi %masked_cumsum3A_438, %get3A_435 : vector<16xi32>
    %slice3A_440 = vector.extract_strided_slice %sub3A {offsets = [14], sizes = [1], strides = [1]} : vector<16xi32> to vector<1xi32>
    %squeeze3A_441 = vector.extract %slice3A_440[0] : i32 from vector<1xi32>
    %add3A_442 = vector.broadcast %squeeze3A_441 : i32 to vector<16xi32>
    %add3A_443 = arith.addi %sub3A_439, %add3A_442 : vector<16xi32>
    %swap3A_444 = arith.constant 224 : index
    %swap3A_445 = tpu.vector_load %arg12[%swap3A_444] {strides = array<i32>} : memref<512xi32, #tpu.memory_space<vmem>>, vector<16xi32>,
    tpu.vector_store %arg12[%swap3A_444], %add3A_443 {strides = array<i32>} : memref<512xi32, #tpu.memory_space<vmem>>, vector<16xi32>,
    %get3A_446 = arith.constant 240 : index
    %get3A_447 = tpu.vector_load %arg10[%get3A_446] {strides = array<i32>} : memref<512xi32, #tpu.memory_space<vmem>>, vector<16xi32>,
    %broadcast_in_dim3A_448 = arith.constant true
    %broadcast_in_dim3A_449 = vector.broadcast %broadcast_in_dim3A_448 : i1 to vector<16xi1>
    %masked_cumsum3A_450 = tpu.scan <sum>, %get3A_447 masked %broadcast_in_dim3A_449 : vector<16xi32>, vector<16xi1> -> vector<16xi32>
    %sub3A_451 = arith.subi %masked_cumsum3A_450, %get3A_447 : vector<16xi32>
    %slice3A_452 = vector.extract_strided_slice %sub3A {offsets = [15], sizes = [1], strides = [1]} : vector<16xi32> to vector<1xi32>
    %squeeze3A_453 = vector.extract %slice3A_452[0] : i32 from vector<1xi32>
    %add3A_454 = vector.broadcast %squeeze3A_453 : i32 to vector<16xi32>
    %add3A_455 = arith.addi %sub3A_451, %add3A_454 : vector<16xi32>
    %swap3A_456 = arith.constant 240 : index
    %swap3A_457 = tpu.vector_load %arg12[%swap3A_456] {strides = array<i32>} : memref<512xi32, #tpu.memory_space<vmem>>, vector<16xi32>,
    tpu.vector_store %arg12[%swap3A_456], %add3A_455 {strides = array<i32>} : memref<512xi32, #tpu.memory_space<vmem>>, vector<16xi32>,
    %get3A_458 = arith.constant 256 : index
    %get3A_459 = tpu.vector_load %arg10[%get3A_458] {strides = array<i32>} : memref<512xi32, #tpu.memory_space<vmem>>, vector<16xi32>,
    %broadcast_in_dim3A_460 = arith.constant true
    %broadcast_in_dim3A_461 = vector.broadcast %broadcast_in_dim3A_460 : i1 to vector<16xi1>
    %masked_cumsum3A_462 = tpu.scan <sum>, %get3A_459 masked %broadcast_in_dim3A_461 : vector<16xi32>, vector<16xi1> -> vector<16xi32>
    %sub3A_463 = arith.subi %masked_cumsum3A_462, %get3A_459 : vector<16xi32>
    %slice3A_464 = vector.extract_strided_slice %add3A_257 {offsets = [0], sizes = [1], strides = [1]} : vector<16xi32> to vector<1xi32>
    %squeeze3A_465 = vector.extract %slice3A_464[0] : i32 from vector<1xi32>
    %add3A_466 = vector.broadcast %squeeze3A_465 : i32 to vector<16xi32>
    %add3A_467 = arith.addi %sub3A_463, %add3A_466 : vector<16xi32>
    %swap3A_468 = arith.constant 256 : index
    %swap3A_469 = tpu.vector_load %arg12[%swap3A_468] {strides = array<i32>} : memref<512xi32, #tpu.memory_space<vmem>>, vector<16xi32>,
    tpu.vector_store %arg12[%swap3A_468], %add3A_467 {strides = array<i32>} : memref<512xi32, #tpu.memory_space<vmem>>, vector<16xi32>,
    %get3A_470 = arith.constant 272 : index
    %get3A_471 = tpu.vector_load %arg10[%get3A_470] {strides = array<i32>} : memref<512xi32, #tpu.memory_space<vmem>>, vector<16xi32>,
    %broadcast_in_dim3A_472 = arith.constant true
    %broadcast_in_dim3A_473 = vector.broadcast %broadcast_in_dim3A_472 : i1 to vector<16xi1>
    %masked_cumsum3A_474 = tpu.scan <sum>, %get3A_471 masked %broadcast_in_dim3A_473 : vector<16xi32>, vector<16xi1> -> vector<16xi32>
    %sub3A_475 = arith.subi %masked_cumsum3A_474, %get3A_471 : vector<16xi32>
    %slice3A_476 = vector.extract_strided_slice %add3A_257 {offsets = [1], sizes = [1], strides = [1]} : vector<16xi32> to vector<1xi32>
    %squeeze3A_477 = vector.extract %slice3A_476[0] : i32 from vector<1xi32>
    %add3A_478 = vector.broadcast %squeeze3A_477 : i32 to vector<16xi32>
    %add3A_479 = arith.addi %sub3A_475, %add3A_478 : vector<16xi32>
    %swap3A_480 = arith.constant 272 : index
    %swap3A_481 = tpu.vector_load %arg12[%swap3A_480] {strides = array<i32>} : memref<512xi32, #tpu.memory_space<vmem>>, vector<16xi32>,
    tpu.vector_store %arg12[%swap3A_480], %add3A_479 {strides = array<i32>} : memref<512xi32, #tpu.memory_space<vmem>>, vector<16xi32>,
    %get3A_482 = arith.constant 288 : index
    %get3A_483 = tpu.vector_load %arg10[%get3A_482] {strides = array<i32>} : memref<512xi32, #tpu.memory_space<vmem>>, vector<16xi32>,
    %broadcast_in_dim3A_484 = arith.constant true
    %broadcast_in_dim3A_485 = vector.broadcast %broadcast_in_dim3A_484 : i1 to vector<16xi1>
    %masked_cumsum3A_486 = tpu.scan <sum>, %get3A_483 masked %broadcast_in_dim3A_485 : vector<16xi32>, vector<16xi1> -> vector<16xi32>
    %sub3A_487 = arith.subi %masked_cumsum3A_486, %get3A_483 : vector<16xi32>
    %slice3A_488 = vector.extract_strided_slice %add3A_257 {offsets = [2], sizes = [1], strides = [1]} : vector<16xi32> to vector<1xi32>
    %squeeze3A_489 = vector.extract %slice3A_488[0] : i32 from vector<1xi32>
    %add3A_490 = vector.broadcast %squeeze3A_489 : i32 to vector<16xi32>
    %add3A_491 = arith.addi %sub3A_487, %add3A_490 : vector<16xi32>
    %swap3A_492 = arith.constant 288 : index
    %swap3A_493 = tpu.vector_load %arg12[%swap3A_492] {strides = array<i32>} : memref<512xi32, #tpu.memory_space<vmem>>, vector<16xi32>,
    tpu.vector_store %arg12[%swap3A_492], %add3A_491 {strides = array<i32>} : memref<512xi32, #tpu.memory_space<vmem>>, vector<16xi32>,
    %get3A_494 = arith.constant 304 : index
    %get3A_495 = tpu.vector_load %arg10[%get3A_494] {strides = array<i32>} : memref<512xi32, #tpu.memory_space<vmem>>, vector<16xi32>,
    %broadcast_in_dim3A_496 = arith.constant true
    %broadcast_in_dim3A_497 = vector.broadcast %broadcast_in_dim3A_496 : i1 to vector<16xi1>
    %masked_cumsum3A_498 = tpu.scan <sum>, %get3A_495 masked %broadcast_in_dim3A_497 : vector<16xi32>, vector<16xi1> -> vector<16xi32>
    %sub3A_499 = arith.subi %masked_cumsum3A_498, %get3A_495 : vector<16xi32>
    %slice3A_500 = vector.extract_strided_slice %add3A_257 {offsets = [3], sizes = [1], strides = [1]} : vector<16xi32> to vector<1xi32>
    %squeeze3A_501 = vector.extract %slice3A_500[0] : i32 from vector<1xi32>
    %add3A_502 = vector.broadcast %squeeze3A_501 : i32 to vector<16xi32>
    %add3A_503 = arith.addi %sub3A_499, %add3A_502 : vector<16xi32>
    %swap3A_504 = arith.constant 304 : index
    %swap3A_505 = tpu.vector_load %arg12[%swap3A_504] {strides = array<i32>} : memref<512xi32, #tpu.memory_space<vmem>>, vector<16xi32>,
    tpu.vector_store %arg12[%swap3A_504], %add3A_503 {strides = array<i32>} : memref<512xi32, #tpu.memory_space<vmem>>, vector<16xi32>,
    %get3A_506 = arith.constant 320 : index
    %get3A_507 = tpu.vector_load %arg10[%get3A_506] {strides = array<i32>} : memref<512xi32, #tpu.memory_space<vmem>>, vector<16xi32>,
    %broadcast_in_dim3A_508 = arith.constant true
    %broadcast_in_dim3A_509 = vector.broadcast %broadcast_in_dim3A_508 : i1 to vector<16xi1>
    %masked_cumsum3A_510 = tpu.scan <sum>, %get3A_507 masked %broadcast_in_dim3A_509 : vector<16xi32>, vector<16xi1> -> vector<16xi32>
    %sub3A_511 = arith.subi %masked_cumsum3A_510, %get3A_507 : vector<16xi32>
    %slice3A_512 = vector.extract_strided_slice %add3A_257 {offsets = [4], sizes = [1], strides = [1]} : vector<16xi32> to vector<1xi32>
    %squeeze3A_513 = vector.extract %slice3A_512[0] : i32 from vector<1xi32>
    %add3A_514 = vector.broadcast %squeeze3A_513 : i32 to vector<16xi32>
    %add3A_515 = arith.addi %sub3A_511, %add3A_514 : vector<16xi32>
    %swap3A_516 = arith.constant 320 : index
    %swap3A_517 = tpu.vector_load %arg12[%swap3A_516] {strides = array<i32>} : memref<512xi32, #tpu.memory_space<vmem>>, vector<16xi32>,
    tpu.vector_store %arg12[%swap3A_516], %add3A_515 {strides = array<i32>} : memref<512xi32, #tpu.memory_space<vmem>>, vector<16xi32>,
    %get3A_518 = arith.constant 336 : index
    %get3A_519 = tpu.vector_load %arg10[%get3A_518] {strides = array<i32>} : memref<512xi32, #tpu.memory_space<vmem>>, vector<16xi32>,
    %broadcast_in_dim3A_520 = arith.constant true
    %broadcast_in_dim3A_521 = vector.broadcast %broadcast_in_dim3A_520 : i1 to vector<16xi1>
    %masked_cumsum3A_522 = tpu.scan <sum>, %get3A_519 masked %broadcast_in_dim3A_521 : vector<16xi32>, vector<16xi1> -> vector<16xi32>
    %sub3A_523 = arith.subi %masked_cumsum3A_522, %get3A_519 : vector<16xi32>
    %slice3A_524 = vector.extract_strided_slice %add3A_257 {offsets = [5], sizes = [1], strides = [1]} : vector<16xi32> to vector<1xi32>
    %squeeze3A_525 = vector.extract %slice3A_524[0] : i32 from vector<1xi32>
    %add3A_526 = vector.broadcast %squeeze3A_525 : i32 to vector<16xi32>
    %add3A_527 = arith.addi %sub3A_523, %add3A_526 : vector<16xi32>
    %swap3A_528 = arith.constant 336 : index
    %swap3A_529 = tpu.vector_load %arg12[%swap3A_528] {strides = array<i32>} : memref<512xi32, #tpu.memory_space<vmem>>, vector<16xi32>,
    tpu.vector_store %arg12[%swap3A_528], %add3A_527 {strides = array<i32>} : memref<512xi32, #tpu.memory_space<vmem>>, vector<16xi32>,
    %get3A_530 = arith.constant 352 : index
    %get3A_531 = tpu.vector_load %arg10[%get3A_530] {strides = array<i32>} : memref<512xi32, #tpu.memory_space<vmem>>, vector<16xi32>,
    %broadcast_in_dim3A_532 = arith.constant true
    %broadcast_in_dim3A_533 = vector.broadcast %broadcast_in_dim3A_532 : i1 to vector<16xi1>
    %masked_cumsum3A_534 = tpu.scan <sum>, %get3A_531 masked %broadcast_in_dim3A_533 : vector<16xi32>, vector<16xi1> -> vector<16xi32>
    %sub3A_535 = arith.subi %masked_cumsum3A_534, %get3A_531 : vector<16xi32>
    %slice3A_536 = vector.extract_strided_slice %add3A_257 {offsets = [6], sizes = [1], strides = [1]} : vector<16xi32> to vector<1xi32>
    %squeeze3A_537 = vector.extract %slice3A_536[0] : i32 from vector<1xi32>
    %add3A_538 = vector.broadcast %squeeze3A_537 : i32 to vector<16xi32>
    %add3A_539 = arith.addi %sub3A_535, %add3A_538 : vector<16xi32>
    %swap3A_540 = arith.constant 352 : index
    %swap3A_541 = tpu.vector_load %arg12[%swap3A_540] {strides = array<i32>} : memref<512xi32, #tpu.memory_space<vmem>>, vector<16xi32>,
    tpu.vector_store %arg12[%swap3A_540], %add3A_539 {strides = array<i32>} : memref<512xi32, #tpu.memory_space<vmem>>, vector<16xi32>,
    %get3A_542 = arith.constant 368 : index
    %get3A_543 = tpu.vector_load %arg10[%get3A_542] {strides = array<i32>} : memref<512xi32, #tpu.memory_space<vmem>>, vector<16xi32>,
    %broadcast_in_dim3A_544 = arith.constant true
    %broadcast_in_dim3A_545 = vector.broadcast %broadcast_in_dim3A_544 : i1 to vector<16xi1>
    %masked_cumsum3A_546 = tpu.scan <sum>, %get3A_543 masked %broadcast_in_dim3A_545 : vector<16xi32>, vector<16xi1> -> vector<16xi32>
    %sub3A_547 = arith.subi %masked_cumsum3A_546, %get3A_543 : vector<16xi32>
    %slice3A_548 = vector.extract_strided_slice %add3A_257 {offsets = [7], sizes = [1], strides = [1]} : vector<16xi32> to vector<1xi32>
    %squeeze3A_549 = vector.extract %slice3A_548[0] : i32 from vector<1xi32>
    %add3A_550 = vector.broadcast %squeeze3A_549 : i32 to vector<16xi32>
    %add3A_551 = arith.addi %sub3A_547, %add3A_550 : vector<16xi32>
    %swap3A_552 = arith.constant 368 : index
    %swap3A_553 = tpu.vector_load %arg12[%swap3A_552] {strides = array<i32>} : memref<512xi32, #tpu.memory_space<vmem>>, vector<16xi32>,
    tpu.vector_store %arg12[%swap3A_552], %add3A_551 {strides = array<i32>} : memref<512xi32, #tpu.memory_space<vmem>>, vector<16xi32>,
    %get3A_554 = arith.constant 384 : index
    %get3A_555 = tpu.vector_load %arg10[%get3A_554] {strides = array<i32>} : memref<512xi32, #tpu.memory_space<vmem>>, vector<16xi32>,
    %broadcast_in_dim3A_556 = arith.constant true
    %broadcast_in_dim3A_557 = vector.broadcast %broadcast_in_dim3A_556 : i1 to vector<16xi1>
    %masked_cumsum3A_558 = tpu.scan <sum>, %get3A_555 masked %broadcast_in_dim3A_557 : vector<16xi32>, vector<16xi1> -> vector<16xi32>
    %sub3A_559 = arith.subi %masked_cumsum3A_558, %get3A_555 : vector<16xi32>
    %slice3A_560 = vector.extract_strided_slice %add3A_257 {offsets = [8], sizes = [1], strides = [1]} : vector<16xi32> to vector<1xi32>
    %squeeze3A_561 = vector.extract %slice3A_560[0] : i32 from vector<1xi32>
    %add3A_562 = vector.broadcast %squeeze3A_561 : i32 to vector<16xi32>
    %add3A_563 = arith.addi %sub3A_559, %add3A_562 : vector<16xi32>
    %swap3A_564 = arith.constant 384 : index
    %swap3A_565 = tpu.vector_load %arg12[%swap3A_564] {strides = array<i32>} : memref<512xi32, #tpu.memory_space<vmem>>, vector<16xi32>,
    tpu.vector_store %arg12[%swap3A_564], %add3A_563 {strides = array<i32>} : memref<512xi32, #tpu.memory_space<vmem>>, vector<16xi32>,
    %get3A_566 = arith.constant 400 : index
    %get3A_567 = tpu.vector_load %arg10[%get3A_566] {strides = array<i32>} : memref<512xi32, #tpu.memory_space<vmem>>, vector<16xi32>,
    %broadcast_in_dim3A_568 = arith.constant true
    %broadcast_in_dim3A_569 = vector.broadcast %broadcast_in_dim3A_568 : i1 to vector<16xi1>
    %masked_cumsum3A_570 = tpu.scan <sum>, %get3A_567 masked %broadcast_in_dim3A_569 : vector<16xi32>, vector<16xi1> -> vector<16xi32>
    %sub3A_571 = arith.subi %masked_cumsum3A_570, %get3A_567 : vector<16xi32>
    %slice3A_572 = vector.extract_strided_slice %add3A_257 {offsets = [9], sizes = [1], strides = [1]} : vector<16xi32> to vector<1xi32>
    %squeeze3A_573 = vector.extract %slice3A_572[0] : i32 from vector<1xi32>
    %add3A_574 = vector.broadcast %squeeze3A_573 : i32 to vector<16xi32>
    %add3A_575 = arith.addi %sub3A_571, %add3A_574 : vector<16xi32>
    %swap3A_576 = arith.constant 400 : index
    %swap3A_577 = tpu.vector_load %arg12[%swap3A_576] {strides = array<i32>} : memref<512xi32, #tpu.memory_space<vmem>>, vector<16xi32>,
    tpu.vector_store %arg12[%swap3A_576], %add3A_575 {strides = array<i32>} : memref<512xi32, #tpu.memory_space<vmem>>, vector<16xi32>,
    %get3A_578 = arith.constant 416 : index
    %get3A_579 = tpu.vector_load %arg10[%get3A_578] {strides = array<i32>} : memref<512xi32, #tpu.memory_space<vmem>>, vector<16xi32>,
    %broadcast_in_dim3A_580 = arith.constant true
    %broadcast_in_dim3A_581 = vector.broadcast %broadcast_in_dim3A_580 : i1 to vector<16xi1>
    %masked_cumsum3A_582 = tpu.scan <sum>, %get3A_579 masked %broadcast_in_dim3A_581 : vector<16xi32>, vector<16xi1> -> vector<16xi32>
    %sub3A_583 = arith.subi %masked_cumsum3A_582, %get3A_579 : vector<16xi32>
    %slice3A_584 = vector.extract_strided_slice %add3A_257 {offsets = [10], sizes = [1], strides = [1]} : vector<16xi32> to vector<1xi32>
    %squeeze3A_585 = vector.extract %slice3A_584[0] : i32 from vector<1xi32>
    %add3A_586 = vector.broadcast %squeeze3A_585 : i32 to vector<16xi32>
    %add3A_587 = arith.addi %sub3A_583, %add3A_586 : vector<16xi32>
    %swap3A_588 = arith.constant 416 : index
    %swap3A_589 = tpu.vector_load %arg12[%swap3A_588] {strides = array<i32>} : memref<512xi32, #tpu.memory_space<vmem>>, vector<16xi32>,
    tpu.vector_store %arg12[%swap3A_588], %add3A_587 {strides = array<i32>} : memref<512xi32, #tpu.memory_space<vmem>>, vector<16xi32>,
    %get3A_590 = arith.constant 432 : index
    %get3A_591 = tpu.vector_load %arg10[%get3A_590] {strides = array<i32>} : memref<512xi32, #tpu.memory_space<vmem>>, vector<16xi32>,
    %broadcast_in_dim3A_592 = arith.constant true
    %broadcast_in_dim3A_593 = vector.broadcast %broadcast_in_dim3A_592 : i1 to vector<16xi1>
    %masked_cumsum3A_594 = tpu.scan <sum>, %get3A_591 masked %broadcast_in_dim3A_593 : vector<16xi32>, vector<16xi1> -> vector<16xi32>
    %sub3A_595 = arith.subi %masked_cumsum3A_594, %get3A_591 : vector<16xi32>
    %slice3A_596 = vector.extract_strided_slice %add3A_257 {offsets = [11], sizes = [1], strides = [1]} : vector<16xi32> to vector<1xi32>
    %squeeze3A_597 = vector.extract %slice3A_596[0] : i32 from vector<1xi32>
    %add3A_598 = vector.broadcast %squeeze3A_597 : i32 to vector<16xi32>
    %add3A_599 = arith.addi %sub3A_595, %add3A_598 : vector<16xi32>
    %swap3A_600 = arith.constant 432 : index
    %swap3A_601 = tpu.vector_load %arg12[%swap3A_600] {strides = array<i32>} : memref<512xi32, #tpu.memory_space<vmem>>, vector<16xi32>,
    tpu.vector_store %arg12[%swap3A_600], %add3A_599 {strides = array<i32>} : memref<512xi32, #tpu.memory_space<vmem>>, vector<16xi32>,
    %get3A_602 = arith.constant 448 : index
    %get3A_603 = tpu.vector_load %arg10[%get3A_602] {strides = array<i32>} : memref<512xi32, #tpu.memory_space<vmem>>, vector<16xi32>,
    %broadcast_in_dim3A_604 = arith.constant true
    %broadcast_in_dim3A_605 = vector.broadcast %broadcast_in_dim3A_604 : i1 to vector<16xi1>
    %masked_cumsum3A_606 = tpu.scan <sum>, %get3A_603 masked %broadcast_in_dim3A_605 : vector<16xi32>, vector<16xi1> -> vector<16xi32>
    %sub3A_607 = arith.subi %masked_cumsum3A_606, %get3A_603 : vector<16xi32>
    %slice3A_608 = vector.extract_strided_slice %add3A_257 {offsets = [12], sizes = [1], strides = [1]} : vector<16xi32> to vector<1xi32>
    %squeeze3A_609 = vector.extract %slice3A_608[0] : i32 from vector<1xi32>
    %add3A_610 = vector.broadcast %squeeze3A_609 : i32 to vector<16xi32>
    %add3A_611 = arith.addi %sub3A_607, %add3A_610 : vector<16xi32>
    %swap3A_612 = arith.constant 448 : index
    %swap3A_613 = tpu.vector_load %arg12[%swap3A_612] {strides = array<i32>} : memref<512xi32, #tpu.memory_space<vmem>>, vector<16xi32>,
    tpu.vector_store %arg12[%swap3A_612], %add3A_611 {strides = array<i32>} : memref<512xi32, #tpu.memory_space<vmem>>, vector<16xi32>,
    %get3A_614 = arith.constant 464 : index
    %get3A_615 = tpu.vector_load %arg10[%get3A_614] {strides = array<i32>} : memref<512xi32, #tpu.memory_space<vmem>>, vector<16xi32>,
    %broadcast_in_dim3A_616 = arith.constant true
    %broadcast_in_dim3A_617 = vector.broadcast %broadcast_in_dim3A_616 : i1 to vector<16xi1>
    %masked_cumsum3A_618 = tpu.scan <sum>, %get3A_615 masked %broadcast_in_dim3A_617 : vector<16xi32>, vector<16xi1> -> vector<16xi32>
    %sub3A_619 = arith.subi %masked_cumsum3A_618, %get3A_615 : vector<16xi32>
    %slice3A_620 = vector.extract_strided_slice %add3A_257 {offsets = [13], sizes = [1], strides = [1]} : vector<16xi32> to vector<1xi32>
    %squeeze3A_621 = vector.extract %slice3A_620[0] : i32 from vector<1xi32>
    %add3A_622 = vector.broadcast %squeeze3A_621 : i32 to vector<16xi32>
    %add3A_623 = arith.addi %sub3A_619, %add3A_622 : vector<16xi32>
    %swap3A_624 = arith.constant 464 : index
    %swap3A_625 = tpu.vector_load %arg12[%swap3A_624] {strides = array<i32>} : memref<512xi32, #tpu.memory_space<vmem>>, vector<16xi32>,
    tpu.vector_store %arg12[%swap3A_624], %add3A_623 {strides = array<i32>} : memref<512xi32, #tpu.memory_space<vmem>>, vector<16xi32>,
    %get3A_626 = arith.constant 480 : index
    %get3A_627 = tpu.vector_load %arg10[%get3A_626] {strides = array<i32>} : memref<512xi32, #tpu.memory_space<vmem>>, vector<16xi32>,
    %broadcast_in_dim3A_628 = arith.constant true
    %broadcast_in_dim3A_629 = vector.broadcast %broadcast_in_dim3A_628 : i1 to vector<16xi1>
    %masked_cumsum3A_630 = tpu.scan <sum>, %get3A_627 masked %broadcast_in_dim3A_629 : vector<16xi32>, vector<16xi1> -> vector<16xi32>
    %sub3A_631 = arith.subi %masked_cumsum3A_630, %get3A_627 : vector<16xi32>
    %slice3A_632 = vector.extract_strided_slice %add3A_257 {offsets = [14], sizes = [1], strides = [1]} : vector<16xi32> to vector<1xi32>
    %squeeze3A_633 = vector.extract %slice3A_632[0] : i32 from vector<1xi32>
    %add3A_634 = vector.broadcast %squeeze3A_633 : i32 to vector<16xi32>
    %add3A_635 = arith.addi %sub3A_631, %add3A_634 : vector<16xi32>
    %swap3A_636 = arith.constant 480 : index
    %swap3A_637 = tpu.vector_load %arg12[%swap3A_636] {strides = array<i32>} : memref<512xi32, #tpu.memory_space<vmem>>, vector<16xi32>,
    tpu.vector_store %arg12[%swap3A_636], %add3A_635 {strides = array<i32>} : memref<512xi32, #tpu.memory_space<vmem>>, vector<16xi32>,
    %get3A_638 = arith.constant 496 : index
    %get3A_639 = tpu.vector_load %arg10[%get3A_638] {strides = array<i32>} : memref<512xi32, #tpu.memory_space<vmem>>, vector<16xi32>,
    %broadcast_in_dim3A_640 = arith.constant true
    %broadcast_in_dim3A_641 = vector.broadcast %broadcast_in_dim3A_640 : i1 to vector<16xi1>
    %masked_cumsum3A_642 = tpu.scan <sum>, %get3A_639 masked %broadcast_in_dim3A_641 : vector<16xi32>, vector<16xi1> -> vector<16xi32>
    %sub3A_643 = arith.subi %masked_cumsum3A_642, %get3A_639 : vector<16xi32>
    %slice3A_644 = vector.extract_strided_slice %add3A_257 {offsets = [15], sizes = [1], strides = [1]} : vector<16xi32> to vector<1xi32>
    %squeeze3A_645 = vector.extract %slice3A_644[0] : i32 from vector<1xi32>
    %add3A_646 = vector.broadcast %squeeze3A_645 : i32 to vector<16xi32>
    %add3A_647 = arith.addi %sub3A_643, %add3A_646 : vector<16xi32>
    %swap3A_648 = arith.constant 496 : index
    %swap3A_649 = tpu.vector_load %arg12[%swap3A_648] {strides = array<i32>} : memref<512xi32, #tpu.memory_space<vmem>>, vector<16xi32>,
    tpu.vector_store %arg12[%swap3A_648], %add3A_647 {strides = array<i32>} : memref<512xi32, #tpu.memory_space<vmem>>, vector<16xi32>,
    %scan3A_650 = arith.constant 0 : i32
    %scan3A_651 = arith.constant 0 : i32
    %scan3A_652 = arith.constant 625 : i32
    %scan3A_653 = arith.addi %scan3A_651, %scan3A_652 : i32
    %scan3A_654 = arith.constant 1 : i32
    scf.for %scan3A_662 = %scan3A_651 to %scan3A_653 step %scan3A_654  : i32 {
      %mul3A_663 = arith.constant 16 : i32
      %mul3A_664 = arith.muli %scan3A_662, %mul3A_663 : i32
      %get3A_665 = arith.index_cast %mul3A_664 : i32 to index
      %get3A_666 = tpu.vector_load %arg7[%get3A_665] {strides = array<i32>} : memref<10000xi32, #tpu.memory_space<vmem>>, vector<16xi32>,
      %mul3A_667 = arith.constant 16 : i32
      %mul3A_668 = arith.muli %scan3A_662, %mul3A_667 : i32
      %get3A_669 = arith.index_cast %mul3A_668 : i32 to index
      %get3A_670 = tpu.vector_load %arg8[%get3A_669] {strides = array<i32>} : memref<10000xi32, #tpu.memory_space<vmem>>, vector<16xi32>,
      %shift_right_arithmetic3A = arith.constant 6 : i32
      %shift_right_arithmetic3A_671 = vector.broadcast %shift_right_arithmetic3A : i32 to vector<16xi32>
      %shift_right_arithmetic3A_672 = arith.shrsi %get3A_670, %shift_right_arithmetic3A_671 : vector<16xi32>
      %mul3A_673 = arith.constant 13108 : i32
      %mul3A_674 = vector.broadcast %mul3A_673 : i32 to vector<16xi32>
      %mul3A_675 = arith.muli %shift_right_arithmetic3A_672, %mul3A_674 : vector<16xi32>
      %shift_right_arithmetic3A_676 = arith.constant 16 : i32
      %shift_right_arithmetic3A_677 = vector.broadcast %shift_right_arithmetic3A_676 : i32 to vector<16xi32>
      %shift_right_arithmetic3A_678 = arith.shrsi %mul3A_675, %shift_right_arithmetic3A_677 : vector<16xi32>
      %mul3A_679 = arith.constant 16 : i32
      %mul3A_680 = vector.broadcast %mul3A_679 : i32 to vector<16xi32>
      %mul3A_681 = arith.muli %shift_right_arithmetic3A_678, %mul3A_680 : vector<16xi32>
      %add3A_682 = arith.addi %mul3A_681, %iota3A : vector<16xi32>
      %gather3A = tpu.vector_load_idx %arg12[%add3A_682] : memref<512xi32, #tpu.memory_space<vmem>>[vector<16xi32>], vector<16xi32>,
      %mul3A_683 = arith.constant 16384 : i32
      %mul3A_684 = vector.broadcast %mul3A_683 : i32 to vector<16xi32>
      %mul3A_685 = arith.muli %get3A_666, %mul3A_684 : vector<16xi32>
      %add3A_686 = arith.addi %mul3A_685, %get3A_670 : vector<16xi32>
      tpu.vector_store_idx %arg9[%gather3A], %add3A_686 : memref<10240xi32, #tpu.memory_space<vmem>>[vector<16xi32>], vector<16xi32>,
      %add3A_687 = arith.constant 1 : i32
      %add3A_688 = vector.broadcast %add3A_687 : i32 to vector<16xi32>
      %add3A_689 = arith.addi %gather3A, %add3A_688 : vector<16xi32>
      tpu.vector_store_idx %arg12[%add3A_682], %add3A_689 : memref<512xi32, #tpu.memory_space<vmem>>[vector<16xi32>], vector<16xi32>,
    }
    %scan3A_655 = arith.constant 625 : i32
    %mul3A_656 = arith.constant 10240 : i32
    %mul3A_657 = arith.muli %add3A, %mul3A_656 : i32
    "tpu.region"() ({
      %run_scoped3A = tpu.sem_alloc : memref<!tpu.dma_semaphore, #tpu.memory_space<semaphore_mem>>
      %dma_start3A = tpu.memref_slice %arg4[%mul3A_657] : memref<327808xi32, #tpu.memory_space<hbm>> -> memref<10240xi32, #tpu.memory_space<hbm>>
      %dma_start3A_662 = tpu.memref_slice %arg4[%mul3A_657] : memref<327808xi32, #tpu.memory_space<hbm>> -> memref<10240xi32, #tpu.memory_space<hbm>>
      tpu.enqueue_dma source(%arg9 : memref<10240xi32, #tpu.memory_space<vmem>>) target(%dma_start3A_662 : memref<10240xi32, #tpu.memory_space<hbm>>) target_semaphore(%run_scoped3A : memref<!tpu.dma_semaphore, #tpu.memory_space<semaphore_mem>>)
      %dma_wait3A = tpu.memref_slice %arg4[%mul3A_657] : memref<327808xi32, #tpu.memory_space<hbm>> -> memref<10240xi32, #tpu.memory_space<hbm>>
      %dma_wait3A_663 = tpu.memref_slice %arg4[%mul3A_657] : memref<327808xi32, #tpu.memory_space<hbm>> -> memref<10240xi32, #tpu.memory_space<hbm>>
      tpu.wait_dma2 semaphore(%run_scoped3A : memref<!tpu.dma_semaphore, #tpu.memory_space<semaphore_mem>>) src(%arg9 : memref<10240xi32, #tpu.memory_space<vmem>>) dst(%dma_wait3A_663 : memref<10240xi32, #tpu.memory_space<hbm>>)
      tpu.yield
    }) : () -> ()
    %mul3A_658 = arith.constant 32 : i32
    %mul3A_659 = arith.muli %add3A, %mul3A_658 : i32
    "tpu.region"() ({
      %run_scoped3A = tpu.sem_alloc : memref<!tpu.dma_semaphore, #tpu.memory_space<semaphore_mem>>
      %dma_start3A = tpu.memref_slice %arg5[%mul3A_659] : memref<1024xi32, #tpu.memory_space<hbm>> -> memref<32xi32, #tpu.memory_space<hbm>>
      %dma_start3A_662 = tpu.memref_slice %arg5[%mul3A_659] : memref<1024xi32, #tpu.memory_space<hbm>> -> memref<32xi32, #tpu.memory_space<hbm>>
      tpu.enqueue_dma source(%arg13 : memref<32xi32, #tpu.memory_space<vmem>>) target(%dma_start3A_662 : memref<32xi32, #tpu.memory_space<hbm>>) target_semaphore(%run_scoped3A : memref<!tpu.dma_semaphore, #tpu.memory_space<semaphore_mem>>)
      %dma_wait3A = tpu.memref_slice %arg5[%mul3A_659] : memref<1024xi32, #tpu.memory_space<hbm>> -> memref<32xi32, #tpu.memory_space<hbm>>
      %dma_wait3A_663 = tpu.memref_slice %arg5[%mul3A_659] : memref<1024xi32, #tpu.memory_space<hbm>> -> memref<32xi32, #tpu.memory_space<hbm>>
      tpu.wait_dma2 semaphore(%run_scoped3A : memref<!tpu.dma_semaphore, #tpu.memory_space<semaphore_mem>>) src(%arg13 : memref<32xi32, #tpu.memory_space<vmem>>) dst(%dma_wait3A_663 : memref<32xi32, #tpu.memory_space<hbm>>)
      tpu.yield
    }) : () -> ()
    %mul3A_660 = arith.constant 32 : i32
    %mul3A_661 = arith.muli %add3A, %mul3A_660 : i32
    "tpu.region"() ({
      %run_scoped3A = tpu.sem_alloc : memref<!tpu.dma_semaphore, #tpu.memory_space<semaphore_mem>>
      %dma_start3A = tpu.memref_slice %arg6[%mul3A_661] : memref<1024xi32, #tpu.memory_space<hbm>> -> memref<32xi32, #tpu.memory_space<hbm>>
      %dma_start3A_662 = tpu.memref_slice %arg6[%mul3A_661] : memref<1024xi32, #tpu.memory_space<hbm>> -> memref<32xi32, #tpu.memory_space<hbm>>
      tpu.enqueue_dma source(%arg14 : memref<32xi32, #tpu.memory_space<vmem>>) target(%dma_start3A_662 : memref<32xi32, #tpu.memory_space<hbm>>) target_semaphore(%run_scoped3A : memref<!tpu.dma_semaphore, #tpu.memory_space<semaphore_mem>>)
      %dma_wait3A = tpu.memref_slice %arg6[%mul3A_661] : memref<1024xi32, #tpu.memory_space<hbm>> -> memref<32xi32, #tpu.memory_space<hbm>>
      %dma_wait3A_663 = tpu.memref_slice %arg6[%mul3A_661] : memref<1024xi32, #tpu.memory_space<hbm>> -> memref<32xi32, #tpu.memory_space<hbm>>
      tpu.wait_dma2 semaphore(%run_scoped3A : memref<!tpu.dma_semaphore, #tpu.memory_space<semaphore_mem>>) src(%arg14 : memref<32xi32, #tpu.memory_space<vmem>>) dst(%dma_wait3A_663 : memref<32xi32, #tpu.memory_space<hbm>>)
      tpu.yield
    }) : () -> ()
    return
  }
}

#map = affine_map<(d0, d1) -> (0)>
#map1 = affine_map<(d0, d1) -> (0, 0)>
module attributes {stable_mosaic.version = 14 : i64} {
  func.func @_passa_kernel(%arg0: i32, %arg1: i32, %arg2: memref<327808xi32, #tpu.memory_space<hbm>>, %arg3: memref<1024xi32, #tpu.memory_space<hbm>>, %arg4: memref<1024xi32, #tpu.memory_space<hbm>>, %arg5: memref<10240x128xf32, #tpu.memory_space<hbm>>, %arg6: memref<163840xf32, #tpu.memory_space<hbm>>, %arg7: memref<163840xf32, #tpu.memory_space<hbm>>, %arg8: memref<163840xf32, #tpu.memory_space<hbm>>, %arg9: memref<655360xf32, #tpu.memory_space<hbm>>, %arg10: memref<5120xf32, #tpu.memory_space<vmem>>, %arg11: memref<5120xf32, #tpu.memory_space<vmem>>, %arg12: memref<20480xf32, #tpu.memory_space<vmem>>, %arg13: memref<5120xf32, #tpu.memory_space<vmem>>, %arg14: memref<1040xi32, #tpu.memory_space<vmem>>, %arg15: memref<1040xi32, #tpu.memory_space<vmem>>, %arg16: memref<128xi32, #tpu.memory_space<vmem>>, %arg17: memref<128xi32, #tpu.memory_space<vmem>>, %arg18: memref<144xi32, #tpu.memory_space<vmem>>, %arg19: memref<128x128xf32, #tpu.memory_space<vmem>>, %arg20: memref<!tpu.dma_semaphore, #tpu.memory_space<semaphore_mem>>) attributes {dimension_semantics = [#tpu.dimension_semantics<core_parallel>, #tpu.dimension_semantics<subcore_parallel>], iteration_bounds = array<i64: 2, 16>, scalar_prefetch = 0 : i64, scratch_operands = 11 : i64, tpu.core_type = #tpu.core_type<sc_vector_subcore>, window_params = [{transform_indices = #map}, {transform_indices = #map}, {transform_indices = #map}, {transform_indices = #map1}, {transform_indices = #map}, {transform_indices = #map}, {transform_indices = #map}, {transform_indices = #map}]} {
    %mul3A = arith.constant 2 : i32
    %mul3A_0 = arith.muli %arg1, %mul3A : i32
    %add3A = arith.addi %mul3A_0, %arg0 : i32
    %mul3A_1 = arith.constant 320 : i32
    %mul3A_2 = arith.muli %add3A, %mul3A_1 : i32
    "tpu.region"() ({
      %run_scoped3A = tpu.sem_alloc : memref<!tpu.dma_semaphore, #tpu.memory_space<semaphore_mem>>
      %dma_start3A = arith.constant 0 : i32
      %dma_start3A_35 = tpu.memref_slice %arg14[%dma_start3A] : memref<1040xi32, #tpu.memory_space<vmem>> -> memref<1024xi32, #tpu.memory_space<vmem>>
      %dma_start3A_36 = arith.constant 0 : i32
      %dma_start3A_37 = tpu.memref_slice %arg14[%dma_start3A_36] : memref<1040xi32, #tpu.memory_space<vmem>> -> memref<1024xi32, #tpu.memory_space<vmem>>
      tpu.enqueue_dma source(%arg3 : memref<1024xi32, #tpu.memory_space<hbm>>) target(%dma_start3A_37 : memref<1024xi32, #tpu.memory_space<vmem>>) target_semaphore(%run_scoped3A : memref<!tpu.dma_semaphore, #tpu.memory_space<semaphore_mem>>)
      %dma_wait3A = arith.constant 0 : i32
      %dma_wait3A_38 = tpu.memref_slice %arg14[%dma_wait3A] : memref<1040xi32, #tpu.memory_space<vmem>> -> memref<1024xi32, #tpu.memory_space<vmem>>
      %dma_wait3A_39 = arith.constant 0 : i32
      %dma_wait3A_40 = tpu.memref_slice %arg14[%dma_wait3A_39] : memref<1040xi32, #tpu.memory_space<vmem>> -> memref<1024xi32, #tpu.memory_space<vmem>>
      tpu.wait_dma2 semaphore(%run_scoped3A : memref<!tpu.dma_semaphore, #tpu.memory_space<semaphore_mem>>) src(%arg3 : memref<1024xi32, #tpu.memory_space<hbm>>) dst(%dma_wait3A_40 : memref<1024xi32, #tpu.memory_space<vmem>>)
      tpu.yield
    }) : () -> ()
    "tpu.region"() ({
      %run_scoped3A = tpu.sem_alloc : memref<!tpu.dma_semaphore, #tpu.memory_space<semaphore_mem>>
      %dma_start3A = arith.constant 0 : i32
      %dma_start3A_35 = tpu.memref_slice %arg15[%dma_start3A] : memref<1040xi32, #tpu.memory_space<vmem>> -> memref<1024xi32, #tpu.memory_space<vmem>>
      %dma_start3A_36 = arith.constant 0 : i32
      %dma_start3A_37 = tpu.memref_slice %arg15[%dma_start3A_36] : memref<1040xi32, #tpu.memory_space<vmem>> -> memref<1024xi32, #tpu.memory_space<vmem>>
      tpu.enqueue_dma source(%arg4 : memref<1024xi32, #tpu.memory_space<hbm>>) target(%dma_start3A_37 : memref<1024xi32, #tpu.memory_space<vmem>>) target_semaphore(%run_scoped3A : memref<!tpu.dma_semaphore, #tpu.memory_space<semaphore_mem>>)
      %dma_wait3A = arith.constant 0 : i32
      %dma_wait3A_38 = tpu.memref_slice %arg15[%dma_wait3A] : memref<1040xi32, #tpu.memory_space<vmem>> -> memref<1024xi32, #tpu.memory_space<vmem>>
      %dma_wait3A_39 = arith.constant 0 : i32
      %dma_wait3A_40 = tpu.memref_slice %arg15[%dma_wait3A_39] : memref<1040xi32, #tpu.memory_space<vmem>> -> memref<1024xi32, #tpu.memory_space<vmem>>
      tpu.wait_dma2 semaphore(%run_scoped3A : memref<!tpu.dma_semaphore, #tpu.memory_space<semaphore_mem>>) src(%arg4 : memref<1024xi32, #tpu.memory_space<hbm>>) dst(%dma_wait3A_40 : memref<1024xi32, #tpu.memory_space<vmem>>)
      tpu.yield
    }) : () -> ()
    %mul3A_3 = arith.constant 16 : i32
    %mul3A_4 = arith.muli %mul3A_2, %mul3A_3 : i32
    %multiple_of3A = tpu.assume_multiple %mul3A_4, 8 : i32
    "tpu.region"() ({
      %run_scoped3A = tpu.sem_alloc : memref<!tpu.dma_semaphore, #tpu.memory_space<semaphore_mem>>
      %dma_start3A = tpu.memref_slice %arg6[%multiple_of3A] : memref<163840xf32, #tpu.memory_space<hbm>> -> memref<5120xf32, #tpu.memory_space<hbm>>
      %dma_start3A_35 = tpu.memref_slice %arg6[%multiple_of3A] : memref<163840xf32, #tpu.memory_space<hbm>> -> memref<5120xf32, #tpu.memory_space<hbm>>
      tpu.enqueue_dma source(%dma_start3A_35 : memref<5120xf32, #tpu.memory_space<hbm>>) target(%arg13 : memref<5120xf32, #tpu.memory_space<vmem>>) target_semaphore(%run_scoped3A : memref<!tpu.dma_semaphore, #tpu.memory_space<semaphore_mem>>)
      %dma_wait3A = tpu.memref_slice %arg6[%multiple_of3A] : memref<163840xf32, #tpu.memory_space<hbm>> -> memref<5120xf32, #tpu.memory_space<hbm>>
      %dma_wait3A_36 = tpu.memref_slice %arg6[%multiple_of3A] : memref<163840xf32, #tpu.memory_space<hbm>> -> memref<5120xf32, #tpu.memory_space<hbm>>
      tpu.wait_dma2 semaphore(%run_scoped3A : memref<!tpu.dma_semaphore, #tpu.memory_space<semaphore_mem>>) src(%dma_wait3A_36 : memref<5120xf32, #tpu.memory_space<hbm>>) dst(%arg13 : memref<5120xf32, #tpu.memory_space<vmem>>)
      tpu.yield
    }) : () -> ()
    %broadcast_in_dim3A = arith.constant 0.000000e+00 : f32
    %broadcast_in_dim3A_5 = vector.broadcast %broadcast_in_dim3A : f32 to vector<16xf32>
    %broadcast_in_dim3A_6 = arith.constant -1.000000e+30 : f32
    %broadcast_in_dim3A_7 = vector.broadcast %broadcast_in_dim3A_6 : f32 to vector<16xf32>
    %scan3A = arith.constant 0 : i32
    %scan3A_8 = arith.constant 0 : i32
    %scan3A_9 = arith.constant 320 : i32
    %scan3A_10 = arith.addi %scan3A_8, %scan3A_9 : i32
    %scan3A_11 = arith.constant 1 : i32
    scf.for %scan3A_35 = %scan3A_8 to %scan3A_10 step %scan3A_11  : i32 {
      %mul3A_36 = arith.constant 16 : i32
      %mul3A_37 = arith.muli %scan3A_35, %mul3A_36 : i32
      %swap3A = arith.index_cast %mul3A_37 : i32 to index
      %swap3A_38 = tpu.vector_load %arg10[%swap3A] {strides = array<i32>} : memref<5120xf32, #tpu.memory_space<vmem>>, vector<16xf32>,
      tpu.vector_store %arg10[%swap3A], %broadcast_in_dim3A_5 {strides = array<i32>} : memref<5120xf32, #tpu.memory_space<vmem>>, vector<16xf32>,
      %mul3A_39 = arith.constant 16 : i32
      %mul3A_40 = arith.muli %scan3A_35, %mul3A_39 : i32
      %swap3A_41 = arith.index_cast %mul3A_40 : i32 to index
      %swap3A_42 = tpu.vector_load %arg11[%swap3A_41] {strides = array<i32>} : memref<5120xf32, #tpu.memory_space<vmem>>, vector<16xf32>,
      tpu.vector_store %arg11[%swap3A_41], %broadcast_in_dim3A_5 {strides = array<i32>} : memref<5120xf32, #tpu.memory_space<vmem>>, vector<16xf32>,
    }
    %scan3A_12 = arith.constant 320 : i32
    %scan3A_13 = arith.constant 0 : i32
    %scan3A_14 = arith.constant 0 : i32
    %scan3A_15 = arith.constant 1280 : i32
    %scan3A_16 = arith.addi %scan3A_14, %scan3A_15 : i32
    %scan3A_17 = arith.constant 1 : i32
    scf.for %scan3A_35 = %scan3A_14 to %scan3A_16 step %scan3A_17  : i32 {
      %mul3A_36 = arith.constant 16 : i32
      %mul3A_37 = arith.muli %scan3A_35, %mul3A_36 : i32
      %swap3A = arith.index_cast %mul3A_37 : i32 to index
      %swap3A_38 = tpu.vector_load %arg12[%swap3A] {strides = array<i32>} : memref<20480xf32, #tpu.memory_space<vmem>>, vector<16xf32>,
      tpu.vector_store %arg12[%swap3A], %broadcast_in_dim3A_7 {strides = array<i32>} : memref<20480xf32, #tpu.memory_space<vmem>>, vector<16xf32>,
    }
    %scan3A_18 = arith.constant 1280 : i32
    %iota3A = tpu.iota {dimensions = array<i32: 0>} : vector<16xi32>
    %lt3A = arith.constant 8 : i32
    %lt3A_19 = vector.broadcast %lt3A : i32 to vector<16xi32>
    %lt3A_20 = arith.cmpi slt, %iota3A, %lt3A_19 : vector<16xi32>
    %broadcast_in_dim3A_21 = arith.constant 1.000000e+00 : f32
    %broadcast_in_dim3A_22 = vector.broadcast %broadcast_in_dim3A_21 : f32 to vector<16xf32>
    %scan3A_23 = arith.constant 0 : i32
    %scan3A_24 = arith.constant 0 : i32
    %scan3A_25 = arith.constant 32 : i32
    %scan3A_26 = arith.addi %scan3A_24, %scan3A_25 : i32
    %scan3A_27 = arith.constant 1 : i32
    scf.for %scan3A_35 = %scan3A_24 to %scan3A_26 step %scan3A_27  : i32 {
      %mul3A_36 = arith.constant 32 : i32
      %mul3A_37 = arith.muli %scan3A_35, %mul3A_36 : i32
      %add3A_38 = arith.addi %mul3A_37, %add3A : i32
      %get3A = arith.index_cast %add3A_38 : i32 to index
      %get3A_39 = tpu.vector_load %arg14[%get3A] {strides = array<i32>} : memref<1040xi32, #tpu.memory_space<vmem>>, vector<16xi32>,
      %slice3A = vector.extract_strided_slice %get3A_39 {offsets = [0], sizes = [1], strides = [1]} : vector<16xi32> to vector<1xi32>
      %squeeze3A = vector.extract %slice3A[0] : i32 from vector<1xi32>
      %mul3A_40 = arith.constant 32 : i32
      %mul3A_41 = arith.muli %scan3A_35, %mul3A_40 : i32
      %add3A_42 = arith.addi %mul3A_41, %add3A : i32
      %get3A_43 = arith.index_cast %add3A_42 : i32 to index
      %get3A_44 = tpu.vector_load %arg15[%get3A_43] {strides = array<i32>} : memref<1040xi32, #tpu.memory_space<vmem>>, vector<16xi32>,
      %slice3A_45 = vector.extract_strided_slice %get3A_44 {offsets = [0], sizes = [1], strides = [1]} : vector<16xi32> to vector<1xi32>
      %squeeze3A_46 = vector.extract %slice3A_45[0] : i32 from vector<1xi32>
      %mul3A_47 = arith.constant 10240 : i32
      %mul3A_48 = arith.muli %scan3A_35, %mul3A_47 : i32
      %add3A_49 = arith.addi %mul3A_48, %squeeze3A_46 : i32
      %add3A_50 = arith.constant 127 : i32
      %add3A_51 = arith.addi %squeeze3A, %add3A_50 : i32
      %shift_right_arithmetic3A = arith.constant 7 : i32
      %shift_right_arithmetic3A_52 = arith.shrsi %add3A_51, %shift_right_arithmetic3A : i32
      %while3A = arith.constant 0 : i32
      %while3A_53 = arith.constant 0 : i32
      %while3A_54 = arith.subi %shift_right_arithmetic3A_52, %while3A_53 : i32
      %while3A_55 = arith.addi %while3A_53, %while3A_54 : i32
      %while3A_56 = arith.constant 1 : i32
      %while3A_57 = arith.divsi %while3A_54, %while3A_56 : i32
      %while3A_58 = arith.muli %while3A_57, %while3A_56 : i32
      %while3A_59 = arith.addi %while3A_53, %while3A_58 : i32
      %while3A_60 = arith.constant 1 : i32
      scf.for %while3A_62 = %while3A_53 to %while3A_59 step %while3A_60  : i32 {
        %mul3A_63 = arith.constant 128 : i32
        %mul3A_64 = arith.muli %while3A_62, %mul3A_63 : i32
        %add3A_65 = arith.addi %add3A_49, %mul3A_64 : i32
        %multiple_of3A_66 = tpu.assume_multiple %add3A_65, 8 : i32
        "tpu.region"() ({
          %run_scoped3A = tpu.sem_alloc : memref<!tpu.dma_semaphore, #tpu.memory_space<semaphore_mem>>
          %dma_start3A_240 = tpu.memref_slice %arg2[%multiple_of3A_66] : memref<327808xi32, #tpu.memory_space<hbm>> -> memref<128xi32, #tpu.memory_space<hbm>>
          %dma_start3A_241 = tpu.memref_slice %arg2[%multiple_of3A_66] : memref<327808xi32, #tpu.memory_space<hbm>> -> memref<128xi32, #tpu.memory_space<hbm>>
          tpu.enqueue_dma source(%dma_start3A_241 : memref<128xi32, #tpu.memory_space<hbm>>) target(%arg16 : memref<128xi32, #tpu.memory_space<vmem>>) target_semaphore(%run_scoped3A : memref<!tpu.dma_semaphore, #tpu.memory_space<semaphore_mem>>)
          %dma_wait3A_242 = tpu.memref_slice %arg2[%multiple_of3A_66] : memref<327808xi32, #tpu.memory_space<hbm>> -> memref<128xi32, #tpu.memory_space<hbm>>
          %dma_wait3A_243 = tpu.memref_slice %arg2[%multiple_of3A_66] : memref<327808xi32, #tpu.memory_space<hbm>> -> memref<128xi32, #tpu.memory_space<hbm>>
          tpu.wait_dma2 semaphore(%run_scoped3A : memref<!tpu.dma_semaphore, #tpu.memory_space<semaphore_mem>>) src(%dma_wait3A_243 : memref<128xi32, #tpu.memory_space<hbm>>) dst(%arg16 : memref<128xi32, #tpu.memory_space<vmem>>)
          tpu.yield
        }) : () -> ()
        %get3A_67 = arith.constant 0 : index
        %get3A_68 = tpu.vector_load %arg16[%get3A_67] {strides = array<i32>} : memref<128xi32, #tpu.memory_space<vmem>>, vector<16xi32>,
        %shift_right_arithmetic3A_69 = arith.constant 14 : i32
        %shift_right_arithmetic3A_70 = vector.broadcast %shift_right_arithmetic3A_69 : i32 to vector<16xi32>
        %shift_right_arithmetic3A_71 = arith.shrsi %get3A_68, %shift_right_arithmetic3A_70 : vector<16xi32>
        %jit3A = arith.constant 0 : i32
        %jit3A_72 = arith.constant 10239 : i32
        %max3A = vector.broadcast %jit3A : i32 to vector<16xi32>
        %max3A_73 = arith.maxsi %max3A, %shift_right_arithmetic3A_71 : vector<16xi32>
        %min3A = vector.broadcast %jit3A_72 : i32 to vector<16xi32>
        %min3A_74 = arith.minsi %min3A, %max3A_73 : vector<16xi32>
        %swap3A = arith.constant 0 : index
        %swap3A_75 = tpu.vector_load %arg17[%swap3A] {strides = array<i32>} : memref<128xi32, #tpu.memory_space<vmem>>, vector<16xi32>,
        tpu.vector_store %arg17[%swap3A], %min3A_74 {strides = array<i32>} : memref<128xi32, #tpu.memory_space<vmem>>, vector<16xi32>,
        %and3A = arith.constant 16383 : i32
        %and3A_76 = vector.broadcast %and3A : i32 to vector<16xi32>
        %and3A_77 = arith.andi %get3A_68, %and3A_76 : vector<16xi32>
        %sub3A = vector.broadcast %mul3A_2 : i32 to vector<16xi32>
        %sub3A_78 = arith.subi %and3A_77, %sub3A : vector<16xi32>
        %swap3A_79 = arith.constant 0 : index
        %swap3A_80 = tpu.vector_load %arg18[%swap3A_79] {strides = array<i32>} : memref<144xi32, #tpu.memory_space<vmem>>, vector<16xi32>,
        tpu.vector_store %arg18[%swap3A_79], %sub3A_78 {strides = array<i32>} : memref<144xi32, #tpu.memory_space<vmem>>, vector<16xi32>,
        %get3A_81 = arith.constant 16 : index
        %get3A_82 = tpu.vector_load %arg16[%get3A_81] {strides = array<i32>} : memref<128xi32, #tpu.memory_space<vmem>>, vector<16xi32>,
        %shift_right_arithmetic3A_83 = arith.constant 14 : i32
        %shift_right_arithmetic3A_84 = vector.broadcast %shift_right_arithmetic3A_83 : i32 to vector<16xi32>
        %shift_right_arithmetic3A_85 = arith.shrsi %get3A_82, %shift_right_arithmetic3A_84 : vector<16xi32>
        %jit3A_86 = arith.constant 0 : i32
        %jit3A_87 = arith.constant 10239 : i32
        %max3A_88 = vector.broadcast %jit3A_86 : i32 to vector<16xi32>
        %max3A_89 = arith.maxsi %max3A_88, %shift_right_arithmetic3A_85 : vector<16xi32>
        %min3A_90 = vector.broadcast %jit3A_87 : i32 to vector<16xi32>
        %min3A_91 = arith.minsi %min3A_90, %max3A_89 : vector<16xi32>
        %swap3A_92 = arith.constant 16 : index
        %swap3A_93 = tpu.vector_load %arg17[%swap3A_92] {strides = array<i32>} : memref<128xi32, #tpu.memory_space<vmem>>, vector<16xi32>,
        tpu.vector_store %arg17[%swap3A_92], %min3A_91 {strides = array<i32>} : memref<128xi32, #tpu.memory_space<vmem>>, vector<16xi32>,
        %and3A_94 = arith.constant 16383 : i32
        %and3A_95 = vector.broadcast %and3A_94 : i32 to vector<16xi32>
        %and3A_96 = arith.andi %get3A_82, %and3A_95 : vector<16xi32>
        %sub3A_97 = vector.broadcast %mul3A_2 : i32 to vector<16xi32>
        %sub3A_98 = arith.subi %and3A_96, %sub3A_97 : vector<16xi32>
        %swap3A_99 = arith.constant 16 : index
        %swap3A_100 = tpu.vector_load %arg18[%swap3A_99] {strides = array<i32>} : memref<144xi32, #tpu.memory_space<vmem>>, vector<16xi32>,
        tpu.vector_store %arg18[%swap3A_99], %sub3A_98 {strides = array<i32>} : memref<144xi32, #tpu.memory_space<vmem>>, vector<16xi32>,
        %get3A_101 = arith.constant 32 : index
        %get3A_102 = tpu.vector_load %arg16[%get3A_101] {strides = array<i32>} : memref<128xi32, #tpu.memory_space<vmem>>, vector<16xi32>,
        %shift_right_arithmetic3A_103 = arith.constant 14 : i32
        %shift_right_arithmetic3A_104 = vector.broadcast %shift_right_arithmetic3A_103 : i32 to vector<16xi32>
        %shift_right_arithmetic3A_105 = arith.shrsi %get3A_102, %shift_right_arithmetic3A_104 : vector<16xi32>
        %jit3A_106 = arith.constant 0 : i32
        %jit3A_107 = arith.constant 10239 : i32
        %max3A_108 = vector.broadcast %jit3A_106 : i32 to vector<16xi32>
        %max3A_109 = arith.maxsi %max3A_108, %shift_right_arithmetic3A_105 : vector<16xi32>
        %min3A_110 = vector.broadcast %jit3A_107 : i32 to vector<16xi32>
        %min3A_111 = arith.minsi %min3A_110, %max3A_109 : vector<16xi32>
        %swap3A_112 = arith.constant 32 : index
        %swap3A_113 = tpu.vector_load %arg17[%swap3A_112] {strides = array<i32>} : memref<128xi32, #tpu.memory_space<vmem>>, vector<16xi32>,
        tpu.vector_store %arg17[%swap3A_112], %min3A_111 {strides = array<i32>} : memref<128xi32, #tpu.memory_space<vmem>>, vector<16xi32>,
        %and3A_114 = arith.constant 16383 : i32
        %and3A_115 = vector.broadcast %and3A_114 : i32 to vector<16xi32>
        %and3A_116 = arith.andi %get3A_102, %and3A_115 : vector<16xi32>
        %sub3A_117 = vector.broadcast %mul3A_2 : i32 to vector<16xi32>
        %sub3A_118 = arith.subi %and3A_116, %sub3A_117 : vector<16xi32>
        %swap3A_119 = arith.constant 32 : index
        %swap3A_120 = tpu.vector_load %arg18[%swap3A_119] {strides = array<i32>} : memref<144xi32, #tpu.memory_space<vmem>>, vector<16xi32>,
        tpu.vector_store %arg18[%swap3A_119], %sub3A_118 {strides = array<i32>} : memref<144xi32, #tpu.memory_space<vmem>>, vector<16xi32>,
        %get3A_121 = arith.constant 48 : index
        %get3A_122 = tpu.vector_load %arg16[%get3A_121] {strides = array<i32>} : memref<128xi32, #tpu.memory_space<vmem>>, vector<16xi32>,
        %shift_right_arithmetic3A_123 = arith.constant 14 : i32
        %shift_right_arithmetic3A_124 = vector.broadcast %shift_right_arithmetic3A_123 : i32 to vector<16xi32>
        %shift_right_arithmetic3A_125 = arith.shrsi %get3A_122, %shift_right_arithmetic3A_124 : vector<16xi32>
        %jit3A_126 = arith.constant 0 : i32
        %jit3A_127 = arith.constant 10239 : i32
        %max3A_128 = vector.broadcast %jit3A_126 : i32 to vector<16xi32>
        %max3A_129 = arith.maxsi %max3A_128, %shift_right_arithmetic3A_125 : vector<16xi32>
        %min3A_130 = vector.broadcast %jit3A_127 : i32 to vector<16xi32>
        %min3A_131 = arith.minsi %min3A_130, %max3A_129 : vector<16xi32>
        %swap3A_132 = arith.constant 48 : index
        %swap3A_133 = tpu.vector_load %arg17[%swap3A_132] {strides = array<i32>} : memref<128xi32, #tpu.memory_space<vmem>>, vector<16xi32>,
        tpu.vector_store %arg17[%swap3A_132], %min3A_131 {strides = array<i32>} : memref<128xi32, #tpu.memory_space<vmem>>, vector<16xi32>,
        %and3A_134 = arith.constant 16383 : i32
        %and3A_135 = vector.broadcast %and3A_134 : i32 to vector<16xi32>
        %and3A_136 = arith.andi %get3A_122, %and3A_135 : vector<16xi32>
        %sub3A_137 = vector.broadcast %mul3A_2 : i32 to vector<16xi32>
        %sub3A_138 = arith.subi %and3A_136, %sub3A_137 : vector<16xi32>
        %swap3A_139 = arith.constant 48 : index
        %swap3A_140 = tpu.vector_load %arg18[%swap3A_139] {strides = array<i32>} : memref<144xi32, #tpu.memory_space<vmem>>, vector<16xi32>,
        tpu.vector_store %arg18[%swap3A_139], %sub3A_138 {strides = array<i32>} : memref<144xi32, #tpu.memory_space<vmem>>, vector<16xi32>,
        %get3A_141 = arith.constant 64 : index
        %get3A_142 = tpu.vector_load %arg16[%get3A_141] {strides = array<i32>} : memref<128xi32, #tpu.memory_space<vmem>>, vector<16xi32>,
        %shift_right_arithmetic3A_143 = arith.constant 14 : i32
        %shift_right_arithmetic3A_144 = vector.broadcast %shift_right_arithmetic3A_143 : i32 to vector<16xi32>
        %shift_right_arithmetic3A_145 = arith.shrsi %get3A_142, %shift_right_arithmetic3A_144 : vector<16xi32>
        %jit3A_146 = arith.constant 0 : i32
        %jit3A_147 = arith.constant 10239 : i32
        %max3A_148 = vector.broadcast %jit3A_146 : i32 to vector<16xi32>
        %max3A_149 = arith.maxsi %max3A_148, %shift_right_arithmetic3A_145 : vector<16xi32>
        %min3A_150 = vector.broadcast %jit3A_147 : i32 to vector<16xi32>
        %min3A_151 = arith.minsi %min3A_150, %max3A_149 : vector<16xi32>
        %swap3A_152 = arith.constant 64 : index
        %swap3A_153 = tpu.vector_load %arg17[%swap3A_152] {strides = array<i32>} : memref<128xi32, #tpu.memory_space<vmem>>, vector<16xi32>,
        tpu.vector_store %arg17[%swap3A_152], %min3A_151 {strides = array<i32>} : memref<128xi32, #tpu.memory_space<vmem>>, vector<16xi32>,
        %and3A_154 = arith.constant 16383 : i32
        %and3A_155 = vector.broadcast %and3A_154 : i32 to vector<16xi32>
        %and3A_156 = arith.andi %get3A_142, %and3A_155 : vector<16xi32>
        %sub3A_157 = vector.broadcast %mul3A_2 : i32 to vector<16xi32>
        %sub3A_158 = arith.subi %and3A_156, %sub3A_157 : vector<16xi32>
        %swap3A_159 = arith.constant 64 : index
        %swap3A_160 = tpu.vector_load %arg18[%swap3A_159] {strides = array<i32>} : memref<144xi32, #tpu.memory_space<vmem>>, vector<16xi32>,
        tpu.vector_store %arg18[%swap3A_159], %sub3A_158 {strides = array<i32>} : memref<144xi32, #tpu.memory_space<vmem>>, vector<16xi32>,
        %get3A_161 = arith.constant 80 : index
        %get3A_162 = tpu.vector_load %arg16[%get3A_161] {strides = array<i32>} : memref<128xi32, #tpu.memory_space<vmem>>, vector<16xi32>,
        %shift_right_arithmetic3A_163 = arith.constant 14 : i32
        %shift_right_arithmetic3A_164 = vector.broadcast %shift_right_arithmetic3A_163 : i32 to vector<16xi32>
        %shift_right_arithmetic3A_165 = arith.shrsi %get3A_162, %shift_right_arithmetic3A_164 : vector<16xi32>
        %jit3A_166 = arith.constant 0 : i32
        %jit3A_167 = arith.constant 10239 : i32
        %max3A_168 = vector.broadcast %jit3A_166 : i32 to vector<16xi32>
        %max3A_169 = arith.maxsi %max3A_168, %shift_right_arithmetic3A_165 : vector<16xi32>
        %min3A_170 = vector.broadcast %jit3A_167 : i32 to vector<16xi32>
        %min3A_171 = arith.minsi %min3A_170, %max3A_169 : vector<16xi32>
        %swap3A_172 = arith.constant 80 : index
        %swap3A_173 = tpu.vector_load %arg17[%swap3A_172] {strides = array<i32>} : memref<128xi32, #tpu.memory_space<vmem>>, vector<16xi32>,
        tpu.vector_store %arg17[%swap3A_172], %min3A_171 {strides = array<i32>} : memref<128xi32, #tpu.memory_space<vmem>>, vector<16xi32>,
        %and3A_174 = arith.constant 16383 : i32
        %and3A_175 = vector.broadcast %and3A_174 : i32 to vector<16xi32>
        %and3A_176 = arith.andi %get3A_162, %and3A_175 : vector<16xi32>
        %sub3A_177 = vector.broadcast %mul3A_2 : i32 to vector<16xi32>
        %sub3A_178 = arith.subi %and3A_176, %sub3A_177 : vector<16xi32>
        %swap3A_179 = arith.constant 80 : index
        %swap3A_180 = tpu.vector_load %arg18[%swap3A_179] {strides = array<i32>} : memref<144xi32, #tpu.memory_space<vmem>>, vector<16xi32>,
        tpu.vector_store %arg18[%swap3A_179], %sub3A_178 {strides = array<i32>} : memref<144xi32, #tpu.memory_space<vmem>>, vector<16xi32>,
        %get3A_181 = arith.constant 96 : index
        %get3A_182 = tpu.vector_load %arg16[%get3A_181] {strides = array<i32>} : memref<128xi32, #tpu.memory_space<vmem>>, vector<16xi32>,
        %shift_right_arithmetic3A_183 = arith.constant 14 : i32
        %shift_right_arithmetic3A_184 = vector.broadcast %shift_right_arithmetic3A_183 : i32 to vector<16xi32>
        %shift_right_arithmetic3A_185 = arith.shrsi %get3A_182, %shift_right_arithmetic3A_184 : vector<16xi32>
        %jit3A_186 = arith.constant 0 : i32
        %jit3A_187 = arith.constant 10239 : i32
        %max3A_188 = vector.broadcast %jit3A_186 : i32 to vector<16xi32>
        %max3A_189 = arith.maxsi %max3A_188, %shift_right_arithmetic3A_185 : vector<16xi32>
        %min3A_190 = vector.broadcast %jit3A_187 : i32 to vector<16xi32>
        %min3A_191 = arith.minsi %min3A_190, %max3A_189 : vector<16xi32>
        %swap3A_192 = arith.constant 96 : index
        %swap3A_193 = tpu.vector_load %arg17[%swap3A_192] {strides = array<i32>} : memref<128xi32, #tpu.memory_space<vmem>>, vector<16xi32>,
        tpu.vector_store %arg17[%swap3A_192], %min3A_191 {strides = array<i32>} : memref<128xi32, #tpu.memory_space<vmem>>, vector<16xi32>,
        %and3A_194 = arith.constant 16383 : i32
        %and3A_195 = vector.broadcast %and3A_194 : i32 to vector<16xi32>
        %and3A_196 = arith.andi %get3A_182, %and3A_195 : vector<16xi32>
        %sub3A_197 = vector.broadcast %mul3A_2 : i32 to vector<16xi32>
        %sub3A_198 = arith.subi %and3A_196, %sub3A_197 : vector<16xi32>
        %swap3A_199 = arith.constant 96 : index
        %swap3A_200 = tpu.vector_load %arg18[%swap3A_199] {strides = array<i32>} : memref<144xi32, #tpu.memory_space<vmem>>, vector<16xi32>,
        tpu.vector_store %arg18[%swap3A_199], %sub3A_198 {strides = array<i32>} : memref<144xi32, #tpu.memory_space<vmem>>, vector<16xi32>,
        %get3A_201 = arith.constant 112 : index
        %get3A_202 = tpu.vector_load %arg16[%get3A_201] {strides = array<i32>} : memref<128xi32, #tpu.memory_space<vmem>>, vector<16xi32>,
        %shift_right_arithmetic3A_203 = arith.constant 14 : i32
        %shift_right_arithmetic3A_204 = vector.broadcast %shift_right_arithmetic3A_203 : i32 to vector<16xi32>
        %shift_right_arithmetic3A_205 = arith.shrsi %get3A_202, %shift_right_arithmetic3A_204 : vector<16xi32>
        %jit3A_206 = arith.constant 0 : i32
        %jit3A_207 = arith.constant 10239 : i32
        %max3A_208 = vector.broadcast %jit3A_206 : i32 to vector<16xi32>
        %max3A_209 = arith.maxsi %max3A_208, %shift_right_arithmetic3A_205 : vector<16xi32>
        %min3A_210 = vector.broadcast %jit3A_207 : i32 to vector<16xi32>
        %min3A_211 = arith.minsi %min3A_210, %max3A_209 : vector<16xi32>
        %swap3A_212 = arith.constant 112 : index
        %swap3A_213 = tpu.vector_load %arg17[%swap3A_212] {strides = array<i32>} : memref<128xi32, #tpu.memory_space<vmem>>, vector<16xi32>,
        tpu.vector_store %arg17[%swap3A_212], %min3A_211 {strides = array<i32>} : memref<128xi32, #tpu.memory_space<vmem>>, vector<16xi32>,
        %and3A_214 = arith.constant 16383 : i32
        %and3A_215 = vector.broadcast %and3A_214 : i32 to vector<16xi32>
        %and3A_216 = arith.andi %get3A_202, %and3A_215 : vector<16xi32>
        %sub3A_217 = vector.broadcast %mul3A_2 : i32 to vector<16xi32>
        %sub3A_218 = arith.subi %and3A_216, %sub3A_217 : vector<16xi32>
        %swap3A_219 = arith.constant 112 : index
        %swap3A_220 = tpu.vector_load %arg18[%swap3A_219] {strides = array<i32>} : memref<144xi32, #tpu.memory_space<vmem>>, vector<16xi32>,
        tpu.vector_store %arg18[%swap3A_219], %sub3A_218 {strides = array<i32>} : memref<144xi32, #tpu.memory_space<vmem>>, vector<16xi32>,
        %dma_start3A = arith.constant 0 : i32
        %dma_start3A_221 = arith.constant 0 : i32
        %dma_start3A_222 = tpu.memref_slice %arg5[%dma_start3A, %dma_start3A_221] : memref<10240x128xf32, #tpu.memory_space<hbm>> -> memref<10240x128xf32, #tpu.memory_space<hbm>>
        tpu.enqueue_indirect_dma source(%dma_start3A_222 : memref<10240x128xf32, #tpu.memory_space<hbm>>) target(%arg19 : memref<128x128xf32, #tpu.memory_space<vmem>>) offsets(%arg17 : memref<128xi32, #tpu.memory_space<vmem>>) semaphore(%arg20 : memref<!tpu.dma_semaphore, #tpu.memory_space<semaphore_mem>>)
        %dma_wait3A = arith.constant 0 : i32
        %dma_wait3A_223 = arith.constant 0 : i32
        %dma_wait3A_224 = tpu.memref_slice %arg5[%dma_wait3A, %dma_wait3A_223] : memref<10240x128xf32, #tpu.memory_space<hbm>> -> memref<10240x128xf32, #tpu.memory_space<hbm>>
        tpu.wait_indirect_dma semaphore(%arg20 : memref<!tpu.dma_semaphore, #tpu.memory_space<semaphore_mem>>) src(%dma_wait3A_224 : memref<10240x128xf32, #tpu.memory_space<hbm>>) dst(%arg19 : memref<128x128xf32, #tpu.memory_space<vmem>>)
        %mul3A_225 = arith.constant 128 : i32
        %mul3A_226 = arith.muli %while3A_62, %mul3A_225 : i32
        %sub3A_227 = arith.subi %squeeze3A, %mul3A_226 : i32
        %min3A_228 = arith.constant 128 : i32
        %min3A_229 = arith.minsi %min3A_228, %sub3A_227 : i32
        %while3A_230 = arith.constant 0 : i32
        %while3A_231 = arith.constant 0 : i32
        %while3A_232 = arith.subi %min3A_229, %while3A_231 : i32
        %while3A_233 = arith.addi %while3A_231, %while3A_232 : i32
        %while3A_234 = arith.constant 1 : i32
        %while3A_235 = arith.divsi %while3A_232, %while3A_234 : i32
        %while3A_236 = arith.muli %while3A_235, %while3A_234 : i32
        %while3A_237 = arith.addi %while3A_231, %while3A_236 : i32
        %while3A_238 = arith.constant 1 : i32
        scf.for %while3A_240 = %while3A_231 to %while3A_237 step %while3A_238  : i32 {
          %get3A_241 = arith.index_cast %while3A_240 : i32 to index
          %get3A_242 = tpu.vector_load %arg18[%get3A_241] {strides = array<i32>} : memref<144xi32, #tpu.memory_space<vmem>>, vector<16xi32>,
          %slice3A_243 = vector.extract_strided_slice %get3A_242 {offsets = [0], sizes = [1], strides = [1]} : vector<16xi32> to vector<1xi32>
          %squeeze3A_244 = vector.extract %slice3A_243[0] : i32 from vector<1xi32>
          %get3A_245 = arith.index_cast %while3A_240 : i32 to index
          %get3A_246 = arith.constant 64 : index
          %get3A_247 = tpu.vector_load %arg19[%get3A_245, %get3A_246] {strides = array<i32>} : memref<128x128xf32, #tpu.memory_space<vmem>>, vector<16xf32>,
          %mul3A_248 = arith.constant 16 : i32
          %mul3A_249 = arith.muli %squeeze3A_244, %mul3A_248 : i32
          %get3A_250 = arith.index_cast %mul3A_249 : i32 to index
          %get3A_251 = tpu.vector_load %arg13[%get3A_250] {strides = array<i32>} : memref<5120xf32, #tpu.memory_space<vmem>>, vector<16xf32>,
          %add3A_252 = arith.addf %get3A_247, %get3A_251 : vector<16xf32>
          %mul3A_253 = arith.constant 2.000000e-01 : f32
          %mul3A_254 = vector.broadcast %mul3A_253 : f32 to vector<16xf32>
          %mul3A_255 = arith.mulf %mul3A_254, %add3A_252 : vector<16xf32>
          %max3A_256 = arith.maximumf %add3A_252, %mul3A_255 : vector<16xf32>
          %exp3A = math.exp %max3A_256 : vector<16xf32>
          %mul3A_257 = arith.constant 16 : i32
          %mul3A_258 = arith.muli %squeeze3A_244, %mul3A_257 : i32
          %get3A_259 = arith.index_cast %mul3A_258 : i32 to index
          %get3A_260 = tpu.vector_load %arg10[%get3A_259] {strides = array<i32>} : memref<5120xf32, #tpu.memory_space<vmem>>, vector<16xf32>,
          %select_n3A = arith.select %lt3A_20, %add3A_252, %exp3A : vector<16xi1>, vector<16xf32>
          %add3A_261 = arith.addf %get3A_260, %select_n3A : vector<16xf32>
          %swap3A_262 = arith.index_cast %mul3A_258 : i32 to index
          %swap3A_263 = tpu.vector_load %arg10[%swap3A_262] {strides = array<i32>} : memref<5120xf32, #tpu.memory_space<vmem>>, vector<16xf32>,
          tpu.vector_store %arg10[%swap3A_262], %add3A_261 {strides = array<i32>} : memref<5120xf32, #tpu.memory_space<vmem>>, vector<16xf32>,
          %get3A_264 = arith.index_cast %mul3A_258 : i32 to index
          %get3A_265 = tpu.vector_load %arg11[%get3A_264] {strides = array<i32>} : memref<5120xf32, #tpu.memory_space<vmem>>, vector<16xf32>,
          %add3A_266 = arith.addf %get3A_265, %broadcast_in_dim3A_22 : vector<16xf32>
          %swap3A_267 = arith.index_cast %mul3A_258 : i32 to index
          %swap3A_268 = tpu.vector_load %arg11[%swap3A_267] {strides = array<i32>} : memref<5120xf32, #tpu.memory_space<vmem>>, vector<16xf32>,
          tpu.vector_store %arg11[%swap3A_267], %add3A_266 {strides = array<i32>} : memref<5120xf32, #tpu.memory_space<vmem>>, vector<16xf32>,
          %mul3A_269 = arith.constant 64 : i32
          %mul3A_270 = arith.muli %squeeze3A_244, %mul3A_269 : i32
          %add3A_271 = arith.constant 0 : i32
          %add3A_272 = arith.addi %mul3A_270, %add3A_271 : i32
          %get3A_273 = arith.index_cast %add3A_272 : i32 to index
          %get3A_274 = tpu.vector_load %arg12[%get3A_273] {strides = array<i32>} : memref<20480xf32, #tpu.memory_space<vmem>>, vector<16xf32>,
          %get3A_275 = arith.index_cast %while3A_240 : i32 to index
          %get3A_276 = arith.constant 0 : index
          %get3A_277 = tpu.vector_load %arg19[%get3A_275, %get3A_276] {strides = array<i32>} : memref<128x128xf32, #tpu.memory_space<vmem>>, vector<16xf32>,
          %max3A_278 = arith.maximumf %get3A_274, %get3A_277 : vector<16xf32>
          %swap3A_279 = arith.index_cast %add3A_272 : i32 to index
          %swap3A_280 = tpu.vector_load %arg12[%swap3A_279] {strides = array<i32>} : memref<20480xf32, #tpu.memory_space<vmem>>, vector<16xf32>,
          tpu.vector_store %arg12[%swap3A_279], %max3A_278 {strides = array<i32>} : memref<20480xf32, #tpu.memory_space<vmem>>, vector<16xf32>,
          %mul3A_281 = arith.constant 64 : i32
          %mul3A_282 = arith.muli %squeeze3A_244, %mul3A_281 : i32
          %add3A_283 = arith.constant 16 : i32
          %add3A_284 = arith.addi %mul3A_282, %add3A_283 : i32
          %get3A_285 = arith.index_cast %add3A_284 : i32 to index
          %get3A_286 = tpu.vector_load %arg12[%get3A_285] {strides = array<i32>} : memref<20480xf32, #tpu.memory_space<vmem>>, vector<16xf32>,
          %get3A_287 = arith.index_cast %while3A_240 : i32 to index
          %get3A_288 = arith.constant 16 : index
          %get3A_289 = tpu.vector_load %arg19[%get3A_287, %get3A_288] {strides = array<i32>} : memref<128x128xf32, #tpu.memory_space<vmem>>, vector<16xf32>,
          %max3A_290 = arith.maximumf %get3A_286, %get3A_289 : vector<16xf32>
          %swap3A_291 = arith.index_cast %add3A_284 : i32 to index
          %swap3A_292 = tpu.vector_load %arg12[%swap3A_291] {strides = array<i32>} : memref<20480xf32, #tpu.memory_space<vmem>>, vector<16xf32>,
          tpu.vector_store %arg12[%swap3A_291], %max3A_290 {strides = array<i32>} : memref<20480xf32, #tpu.memory_space<vmem>>, vector<16xf32>,
          %mul3A_293 = arith.constant 64 : i32
          %mul3A_294 = arith.muli %squeeze3A_244, %mul3A_293 : i32
          %add3A_295 = arith.constant 32 : i32
          %add3A_296 = arith.addi %mul3A_294, %add3A_295 : i32
          %get3A_297 = arith.index_cast %add3A_296 : i32 to index
          %get3A_298 = tpu.vector_load %arg12[%get3A_297] {strides = array<i32>} : memref<20480xf32, #tpu.memory_space<vmem>>, vector<16xf32>,
          %get3A_299 = arith.index_cast %while3A_240 : i32 to index
          %get3A_300 = arith.constant 32 : index
          %get3A_301 = tpu.vector_load %arg19[%get3A_299, %get3A_300] {strides = array<i32>} : memref<128x128xf32, #tpu.memory_space<vmem>>, vector<16xf32>,
          %max3A_302 = arith.maximumf %get3A_298, %get3A_301 : vector<16xf32>
          %swap3A_303 = arith.index_cast %add3A_296 : i32 to index
          %swap3A_304 = tpu.vector_load %arg12[%swap3A_303] {strides = array<i32>} : memref<20480xf32, #tpu.memory_space<vmem>>, vector<16xf32>,
          tpu.vector_store %arg12[%swap3A_303], %max3A_302 {strides = array<i32>} : memref<20480xf32, #tpu.memory_space<vmem>>, vector<16xf32>,
          %mul3A_305 = arith.constant 64 : i32
          %mul3A_306 = arith.muli %squeeze3A_244, %mul3A_305 : i32
          %add3A_307 = arith.constant 48 : i32
          %add3A_308 = arith.addi %mul3A_306, %add3A_307 : i32
          %get3A_309 = arith.index_cast %add3A_308 : i32 to index
          %get3A_310 = tpu.vector_load %arg12[%get3A_309] {strides = array<i32>} : memref<20480xf32, #tpu.memory_space<vmem>>, vector<16xf32>,
          %get3A_311 = arith.index_cast %while3A_240 : i32 to index
          %get3A_312 = arith.constant 48 : index
          %get3A_313 = tpu.vector_load %arg19[%get3A_311, %get3A_312] {strides = array<i32>} : memref<128x128xf32, #tpu.memory_space<vmem>>, vector<16xf32>,
          %max3A_314 = arith.maximumf %get3A_310, %get3A_313 : vector<16xf32>
          %swap3A_315 = arith.index_cast %add3A_308 : i32 to index
          %swap3A_316 = tpu.vector_load %arg12[%swap3A_315] {strides = array<i32>} : memref<20480xf32, #tpu.memory_space<vmem>>, vector<16xf32>,
          tpu.vector_store %arg12[%swap3A_315], %max3A_314 {strides = array<i32>} : memref<20480xf32, #tpu.memory_space<vmem>>, vector<16xf32>,
        }
        %while3A_239 = arith.constant 1 : i32
        scf.for %while3A_240 = %while3A_237 to %while3A_233 step %while3A_239  : i32 {
          %get3A_241 = arith.index_cast %while3A_240 : i32 to index
          %get3A_242 = tpu.vector_load %arg18[%get3A_241] {strides = array<i32>} : memref<144xi32, #tpu.memory_space<vmem>>, vector<16xi32>,
          %slice3A_243 = vector.extract_strided_slice %get3A_242 {offsets = [0], sizes = [1], strides = [1]} : vector<16xi32> to vector<1xi32>
          %squeeze3A_244 = vector.extract %slice3A_243[0] : i32 from vector<1xi32>
          %get3A_245 = arith.index_cast %while3A_240 : i32 to index
          %get3A_246 = arith.constant 64 : index
          %get3A_247 = tpu.vector_load %arg19[%get3A_245, %get3A_246] {strides = array<i32>} : memref<128x128xf32, #tpu.memory_space<vmem>>, vector<16xf32>,
          %mul3A_248 = arith.constant 16 : i32
          %mul3A_249 = arith.muli %squeeze3A_244, %mul3A_248 : i32
          %get3A_250 = arith.index_cast %mul3A_249 : i32 to index
          %get3A_251 = tpu.vector_load %arg13[%get3A_250] {strides = array<i32>} : memref<5120xf32, #tpu.memory_space<vmem>>, vector<16xf32>,
          %add3A_252 = arith.addf %get3A_247, %get3A_251 : vector<16xf32>
          %mul3A_253 = arith.constant 2.000000e-01 : f32
          %mul3A_254 = vector.broadcast %mul3A_253 : f32 to vector<16xf32>
          %mul3A_255 = arith.mulf %mul3A_254, %add3A_252 : vector<16xf32>
          %max3A_256 = arith.maximumf %add3A_252, %mul3A_255 : vector<16xf32>
          %exp3A = math.exp %max3A_256 : vector<16xf32>
          %mul3A_257 = arith.constant 16 : i32
          %mul3A_258 = arith.muli %squeeze3A_244, %mul3A_257 : i32
          %get3A_259 = arith.index_cast %mul3A_258 : i32 to index
          %get3A_260 = tpu.vector_load %arg10[%get3A_259] {strides = array<i32>} : memref<5120xf32, #tpu.memory_space<vmem>>, vector<16xf32>,
          %select_n3A = arith.select %lt3A_20, %add3A_252, %exp3A : vector<16xi1>, vector<16xf32>
          %add3A_261 = arith.addf %get3A_260, %select_n3A : vector<16xf32>
          %swap3A_262 = arith.index_cast %mul3A_258 : i32 to index
          %swap3A_263 = tpu.vector_load %arg10[%swap3A_262] {strides = array<i32>} : memref<5120xf32, #tpu.memory_space<vmem>>, vector<16xf32>,
          tpu.vector_store %arg10[%swap3A_262], %add3A_261 {strides = array<i32>} : memref<5120xf32, #tpu.memory_space<vmem>>, vector<16xf32>,
          %get3A_264 = arith.index_cast %mul3A_258 : i32 to index
          %get3A_265 = tpu.vector_load %arg11[%get3A_264] {strides = array<i32>} : memref<5120xf32, #tpu.memory_space<vmem>>, vector<16xf32>,
          %add3A_266 = arith.addf %get3A_265, %broadcast_in_dim3A_22 : vector<16xf32>
          %swap3A_267 = arith.index_cast %mul3A_258 : i32 to index
          %swap3A_268 = tpu.vector_load %arg11[%swap3A_267] {strides = array<i32>} : memref<5120xf32, #tpu.memory_space<vmem>>, vector<16xf32>,
          tpu.vector_store %arg11[%swap3A_267], %add3A_266 {strides = array<i32>} : memref<5120xf32, #tpu.memory_space<vmem>>, vector<16xf32>,
          %mul3A_269 = arith.constant 64 : i32
          %mul3A_270 = arith.muli %squeeze3A_244, %mul3A_269 : i32
          %add3A_271 = arith.constant 0 : i32
          %add3A_272 = arith.addi %mul3A_270, %add3A_271 : i32
          %get3A_273 = arith.index_cast %add3A_272 : i32 to index
          %get3A_274 = tpu.vector_load %arg12[%get3A_273] {strides = array<i32>} : memref<20480xf32, #tpu.memory_space<vmem>>, vector<16xf32>,
          %get3A_275 = arith.index_cast %while3A_240 : i32 to index
          %get3A_276 = arith.constant 0 : index
          %get3A_277 = tpu.vector_load %arg19[%get3A_275, %get3A_276] {strides = array<i32>} : memref<128x128xf32, #tpu.memory_space<vmem>>, vector<16xf32>,
          %max3A_278 = arith.maximumf %get3A_274, %get3A_277 : vector<16xf32>
          %swap3A_279 = arith.index_cast %add3A_272 : i32 to index
          %swap3A_280 = tpu.vector_load %arg12[%swap3A_279] {strides = array<i32>} : memref<20480xf32, #tpu.memory_space<vmem>>, vector<16xf32>,
          tpu.vector_store %arg12[%swap3A_279], %max3A_278 {strides = array<i32>} : memref<20480xf32, #tpu.memory_space<vmem>>, vector<16xf32>,
          %mul3A_281 = arith.constant 64 : i32
          %mul3A_282 = arith.muli %squeeze3A_244, %mul3A_281 : i32
          %add3A_283 = arith.constant 16 : i32
          %add3A_284 = arith.addi %mul3A_282, %add3A_283 : i32
          %get3A_285 = arith.index_cast %add3A_284 : i32 to index
          %get3A_286 = tpu.vector_load %arg12[%get3A_285] {strides = array<i32>} : memref<20480xf32, #tpu.memory_space<vmem>>, vector<16xf32>,
          %get3A_287 = arith.index_cast %while3A_240 : i32 to index
          %get3A_288 = arith.constant 16 : index
          %get3A_289 = tpu.vector_load %arg19[%get3A_287, %get3A_288] {strides = array<i32>} : memref<128x128xf32, #tpu.memory_space<vmem>>, vector<16xf32>,
          %max3A_290 = arith.maximumf %get3A_286, %get3A_289 : vector<16xf32>
          %swap3A_291 = arith.index_cast %add3A_284 : i32 to index
          %swap3A_292 = tpu.vector_load %arg12[%swap3A_291] {strides = array<i32>} : memref<20480xf32, #tpu.memory_space<vmem>>, vector<16xf32>,
          tpu.vector_store %arg12[%swap3A_291], %max3A_290 {strides = array<i32>} : memref<20480xf32, #tpu.memory_space<vmem>>, vector<16xf32>,
          %mul3A_293 = arith.constant 64 : i32
          %mul3A_294 = arith.muli %squeeze3A_244, %mul3A_293 : i32
          %add3A_295 = arith.constant 32 : i32
          %add3A_296 = arith.addi %mul3A_294, %add3A_295 : i32
          %get3A_297 = arith.index_cast %add3A_296 : i32 to index
          %get3A_298 = tpu.vector_load %arg12[%get3A_297] {strides = array<i32>} : memref<20480xf32, #tpu.memory_space<vmem>>, vector<16xf32>,
          %get3A_299 = arith.index_cast %while3A_240 : i32 to index
          %get3A_300 = arith.constant 32 : index
          %get3A_301 = tpu.vector_load %arg19[%get3A_299, %get3A_300] {strides = array<i32>} : memref<128x128xf32, #tpu.memory_space<vmem>>, vector<16xf32>,
          %max3A_302 = arith.maximumf %get3A_298, %get3A_301 : vector<16xf32>
          %swap3A_303 = arith.index_cast %add3A_296 : i32 to index
          %swap3A_304 = tpu.vector_load %arg12[%swap3A_303] {strides = array<i32>} : memref<20480xf32, #tpu.memory_space<vmem>>, vector<16xf32>,
          tpu.vector_store %arg12[%swap3A_303], %max3A_302 {strides = array<i32>} : memref<20480xf32, #tpu.memory_space<vmem>>, vector<16xf32>,
          %mul3A_305 = arith.constant 64 : i32
          %mul3A_306 = arith.muli %squeeze3A_244, %mul3A_305 : i32
          %add3A_307 = arith.constant 48 : i32
          %add3A_308 = arith.addi %mul3A_306, %add3A_307 : i32
          %get3A_309 = arith.index_cast %add3A_308 : i32 to index
          %get3A_310 = tpu.vector_load %arg12[%get3A_309] {strides = array<i32>} : memref<20480xf32, #tpu.memory_space<vmem>>, vector<16xf32>,
          %get3A_311 = arith.index_cast %while3A_240 : i32 to index
          %get3A_312 = arith.constant 48 : index
          %get3A_313 = tpu.vector_load %arg19[%get3A_311, %get3A_312] {strides = array<i32>} : memref<128x128xf32, #tpu.memory_space<vmem>>, vector<16xf32>,
          %max3A_314 = arith.maximumf %get3A_310, %get3A_313 : vector<16xf32>
          %swap3A_315 = arith.index_cast %add3A_308 : i32 to index
          %swap3A_316 = tpu.vector_load %arg12[%swap3A_315] {strides = array<i32>} : memref<20480xf32, #tpu.memory_space<vmem>>, vector<16xf32>,
          tpu.vector_store %arg12[%swap3A_315], %max3A_314 {strides = array<i32>} : memref<20480xf32, #tpu.memory_space<vmem>>, vector<16xf32>,
        }
      }
      %while3A_61 = arith.constant 1 : i32
      scf.for %while3A_62 = %while3A_59 to %while3A_55 step %while3A_61  : i32 {
        %mul3A_63 = arith.constant 128 : i32
        %mul3A_64 = arith.muli %while3A_62, %mul3A_63 : i32
        %add3A_65 = arith.addi %add3A_49, %mul3A_64 : i32
        %multiple_of3A_66 = tpu.assume_multiple %add3A_65, 8 : i32
        "tpu.region"() ({
          %run_scoped3A = tpu.sem_alloc : memref<!tpu.dma_semaphore, #tpu.memory_space<semaphore_mem>>
          %dma_start3A_240 = tpu.memref_slice %arg2[%multiple_of3A_66] : memref<327808xi32, #tpu.memory_space<hbm>> -> memref<128xi32, #tpu.memory_space<hbm>>
          %dma_start3A_241 = tpu.memref_slice %arg2[%multiple_of3A_66] : memref<327808xi32, #tpu.memory_space<hbm>> -> memref<128xi32, #tpu.memory_space<hbm>>
          tpu.enqueue_dma source(%dma_start3A_241 : memref<128xi32, #tpu.memory_space<hbm>>) target(%arg16 : memref<128xi32, #tpu.memory_space<vmem>>) target_semaphore(%run_scoped3A : memref<!tpu.dma_semaphore, #tpu.memory_space<semaphore_mem>>)
          %dma_wait3A_242 = tpu.memref_slice %arg2[%multiple_of3A_66] : memref<327808xi32, #tpu.memory_space<hbm>> -> memref<128xi32, #tpu.memory_space<hbm>>
          %dma_wait3A_243 = tpu.memref_slice %arg2[%multiple_of3A_66] : memref<327808xi32, #tpu.memory_space<hbm>> -> memref<128xi32, #tpu.memory_space<hbm>>
          tpu.wait_dma2 semaphore(%run_scoped3A : memref<!tpu.dma_semaphore, #tpu.memory_space<semaphore_mem>>) src(%dma_wait3A_243 : memref<128xi32, #tpu.memory_space<hbm>>) dst(%arg16 : memref<128xi32, #tpu.memory_space<vmem>>)
          tpu.yield
        }) : () -> ()
        %get3A_67 = arith.constant 0 : index
        %get3A_68 = tpu.vector_load %arg16[%get3A_67] {strides = array<i32>} : memref<128xi32, #tpu.memory_space<vmem>>, vector<16xi32>,
        %shift_right_arithmetic3A_69 = arith.constant 14 : i32
        %shift_right_arithmetic3A_70 = vector.broadcast %shift_right_arithmetic3A_69 : i32 to vector<16xi32>
        %shift_right_arithmetic3A_71 = arith.shrsi %get3A_68, %shift_right_arithmetic3A_70 : vector<16xi32>
        %jit3A = arith.constant 0 : i32
        %jit3A_72 = arith.constant 10239 : i32
        %max3A = vector.broadcast %jit3A : i32 to vector<16xi32>
        %max3A_73 = arith.maxsi %max3A, %shift_right_arithmetic3A_71 : vector<16xi32>
        %min3A = vector.broadcast %jit3A_72 : i32 to vector<16xi32>
        %min3A_74 = arith.minsi %min3A, %max3A_73 : vector<16xi32>
        %swap3A = arith.constant 0 : index
        %swap3A_75 = tpu.vector_load %arg17[%swap3A] {strides = array<i32>} : memref<128xi32, #tpu.memory_space<vmem>>, vector<16xi32>,
        tpu.vector_store %arg17[%swap3A], %min3A_74 {strides = array<i32>} : memref<128xi32, #tpu.memory_space<vmem>>, vector<16xi32>,
        %and3A = arith.constant 16383 : i32
        %and3A_76 = vector.broadcast %and3A : i32 to vector<16xi32>
        %and3A_77 = arith.andi %get3A_68, %and3A_76 : vector<16xi32>
        %sub3A = vector.broadcast %mul3A_2 : i32 to vector<16xi32>
        %sub3A_78 = arith.subi %and3A_77, %sub3A : vector<16xi32>
        %swap3A_79 = arith.constant 0 : index
        %swap3A_80 = tpu.vector_load %arg18[%swap3A_79] {strides = array<i32>} : memref<144xi32, #tpu.memory_space<vmem>>, vector<16xi32>,
        tpu.vector_store %arg18[%swap3A_79], %sub3A_78 {strides = array<i32>} : memref<144xi32, #tpu.memory_space<vmem>>, vector<16xi32>,
        %get3A_81 = arith.constant 16 : index
        %get3A_82 = tpu.vector_load %arg16[%get3A_81] {strides = array<i32>} : memref<128xi32, #tpu.memory_space<vmem>>, vector<16xi32>,
        %shift_right_arithmetic3A_83 = arith.constant 14 : i32
        %shift_right_arithmetic3A_84 = vector.broadcast %shift_right_arithmetic3A_83 : i32 to vector<16xi32>
        %shift_right_arithmetic3A_85 = arith.shrsi %get3A_82, %shift_right_arithmetic3A_84 : vector<16xi32>
        %jit3A_86 = arith.constant 0 : i32
        %jit3A_87 = arith.constant 10239 : i32
        %max3A_88 = vector.broadcast %jit3A_86 : i32 to vector<16xi32>
        %max3A_89 = arith.maxsi %max3A_88, %shift_right_arithmetic3A_85 : vector<16xi32>
        %min3A_90 = vector.broadcast %jit3A_87 : i32 to vector<16xi32>
        %min3A_91 = arith.minsi %min3A_90, %max3A_89 : vector<16xi32>
        %swap3A_92 = arith.constant 16 : index
        %swap3A_93 = tpu.vector_load %arg17[%swap3A_92] {strides = array<i32>} : memref<128xi32, #tpu.memory_space<vmem>>, vector<16xi32>,
        tpu.vector_store %arg17[%swap3A_92], %min3A_91 {strides = array<i32>} : memref<128xi32, #tpu.memory_space<vmem>>, vector<16xi32>,
        %and3A_94 = arith.constant 16383 : i32
        %and3A_95 = vector.broadcast %and3A_94 : i32 to vector<16xi32>
        %and3A_96 = arith.andi %get3A_82, %and3A_95 : vector<16xi32>
        %sub3A_97 = vector.broadcast %mul3A_2 : i32 to vector<16xi32>
        %sub3A_98 = arith.subi %and3A_96, %sub3A_97 : vector<16xi32>
        %swap3A_99 = arith.constant 16 : index
        %swap3A_100 = tpu.vector_load %arg18[%swap3A_99] {strides = array<i32>} : memref<144xi32, #tpu.memory_space<vmem>>, vector<16xi32>,
        tpu.vector_store %arg18[%swap3A_99], %sub3A_98 {strides = array<i32>} : memref<144xi32, #tpu.memory_space<vmem>>, vector<16xi32>,
        %get3A_101 = arith.constant 32 : index
        %get3A_102 = tpu.vector_load %arg16[%get3A_101] {strides = array<i32>} : memref<128xi32, #tpu.memory_space<vmem>>, vector<16xi32>,
        %shift_right_arithmetic3A_103 = arith.constant 14 : i32
        %shift_right_arithmetic3A_104 = vector.broadcast %shift_right_arithmetic3A_103 : i32 to vector<16xi32>
        %shift_right_arithmetic3A_105 = arith.shrsi %get3A_102, %shift_right_arithmetic3A_104 : vector<16xi32>
        %jit3A_106 = arith.constant 0 : i32
        %jit3A_107 = arith.constant 10239 : i32
        %max3A_108 = vector.broadcast %jit3A_106 : i32 to vector<16xi32>
        %max3A_109 = arith.maxsi %max3A_108, %shift_right_arithmetic3A_105 : vector<16xi32>
        %min3A_110 = vector.broadcast %jit3A_107 : i32 to vector<16xi32>
        %min3A_111 = arith.minsi %min3A_110, %max3A_109 : vector<16xi32>
        %swap3A_112 = arith.constant 32 : index
        %swap3A_113 = tpu.vector_load %arg17[%swap3A_112] {strides = array<i32>} : memref<128xi32, #tpu.memory_space<vmem>>, vector<16xi32>,
        tpu.vector_store %arg17[%swap3A_112], %min3A_111 {strides = array<i32>} : memref<128xi32, #tpu.memory_space<vmem>>, vector<16xi32>,
        %and3A_114 = arith.constant 16383 : i32
        %and3A_115 = vector.broadcast %and3A_114 : i32 to vector<16xi32>
        %and3A_116 = arith.andi %get3A_102, %and3A_115 : vector<16xi32>
        %sub3A_117 = vector.broadcast %mul3A_2 : i32 to vector<16xi32>
        %sub3A_118 = arith.subi %and3A_116, %sub3A_117 : vector<16xi32>
        %swap3A_119 = arith.constant 32 : index
        %swap3A_120 = tpu.vector_load %arg18[%swap3A_119] {strides = array<i32>} : memref<144xi32, #tpu.memory_space<vmem>>, vector<16xi32>,
        tpu.vector_store %arg18[%swap3A_119], %sub3A_118 {strides = array<i32>} : memref<144xi32, #tpu.memory_space<vmem>>, vector<16xi32>,
        %get3A_121 = arith.constant 48 : index
        %get3A_122 = tpu.vector_load %arg16[%get3A_121] {strides = array<i32>} : memref<128xi32, #tpu.memory_space<vmem>>, vector<16xi32>,
        %shift_right_arithmetic3A_123 = arith.constant 14 : i32
        %shift_right_arithmetic3A_124 = vector.broadcast %shift_right_arithmetic3A_123 : i32 to vector<16xi32>
        %shift_right_arithmetic3A_125 = arith.shrsi %get3A_122, %shift_right_arithmetic3A_124 : vector<16xi32>
        %jit3A_126 = arith.constant 0 : i32
        %jit3A_127 = arith.constant 10239 : i32
        %max3A_128 = vector.broadcast %jit3A_126 : i32 to vector<16xi32>
        %max3A_129 = arith.maxsi %max3A_128, %shift_right_arithmetic3A_125 : vector<16xi32>
        %min3A_130 = vector.broadcast %jit3A_127 : i32 to vector<16xi32>
        %min3A_131 = arith.minsi %min3A_130, %max3A_129 : vector<16xi32>
        %swap3A_132 = arith.constant 48 : index
        %swap3A_133 = tpu.vector_load %arg17[%swap3A_132] {strides = array<i32>} : memref<128xi32, #tpu.memory_space<vmem>>, vector<16xi32>,
        tpu.vector_store %arg17[%swap3A_132], %min3A_131 {strides = array<i32>} : memref<128xi32, #tpu.memory_space<vmem>>, vector<16xi32>,
        %and3A_134 = arith.constant 16383 : i32
        %and3A_135 = vector.broadcast %and3A_134 : i32 to vector<16xi32>
        %and3A_136 = arith.andi %get3A_122, %and3A_135 : vector<16xi32>
        %sub3A_137 = vector.broadcast %mul3A_2 : i32 to vector<16xi32>
        %sub3A_138 = arith.subi %and3A_136, %sub3A_137 : vector<16xi32>
        %swap3A_139 = arith.constant 48 : index
        %swap3A_140 = tpu.vector_load %arg18[%swap3A_139] {strides = array<i32>} : memref<144xi32, #tpu.memory_space<vmem>>, vector<16xi32>,
        tpu.vector_store %arg18[%swap3A_139], %sub3A_138 {strides = array<i32>} : memref<144xi32, #tpu.memory_space<vmem>>, vector<16xi32>,
        %get3A_141 = arith.constant 64 : index
        %get3A_142 = tpu.vector_load %arg16[%get3A_141] {strides = array<i32>} : memref<128xi32, #tpu.memory_space<vmem>>, vector<16xi32>,
        %shift_right_arithmetic3A_143 = arith.constant 14 : i32
        %shift_right_arithmetic3A_144 = vector.broadcast %shift_right_arithmetic3A_143 : i32 to vector<16xi32>
        %shift_right_arithmetic3A_145 = arith.shrsi %get3A_142, %shift_right_arithmetic3A_144 : vector<16xi32>
        %jit3A_146 = arith.constant 0 : i32
        %jit3A_147 = arith.constant 10239 : i32
        %max3A_148 = vector.broadcast %jit3A_146 : i32 to vector<16xi32>
        %max3A_149 = arith.maxsi %max3A_148, %shift_right_arithmetic3A_145 : vector<16xi32>
        %min3A_150 = vector.broadcast %jit3A_147 : i32 to vector<16xi32>
        %min3A_151 = arith.minsi %min3A_150, %max3A_149 : vector<16xi32>
        %swap3A_152 = arith.constant 64 : index
        %swap3A_153 = tpu.vector_load %arg17[%swap3A_152] {strides = array<i32>} : memref<128xi32, #tpu.memory_space<vmem>>, vector<16xi32>,
        tpu.vector_store %arg17[%swap3A_152], %min3A_151 {strides = array<i32>} : memref<128xi32, #tpu.memory_space<vmem>>, vector<16xi32>,
        %and3A_154 = arith.constant 16383 : i32
        %and3A_155 = vector.broadcast %and3A_154 : i32 to vector<16xi32>
        %and3A_156 = arith.andi %get3A_142, %and3A_155 : vector<16xi32>
        %sub3A_157 = vector.broadcast %mul3A_2 : i32 to vector<16xi32>
        %sub3A_158 = arith.subi %and3A_156, %sub3A_157 : vector<16xi32>
        %swap3A_159 = arith.constant 64 : index
        %swap3A_160 = tpu.vector_load %arg18[%swap3A_159] {strides = array<i32>} : memref<144xi32, #tpu.memory_space<vmem>>, vector<16xi32>,
        tpu.vector_store %arg18[%swap3A_159], %sub3A_158 {strides = array<i32>} : memref<144xi32, #tpu.memory_space<vmem>>, vector<16xi32>,
        %get3A_161 = arith.constant 80 : index
        %get3A_162 = tpu.vector_load %arg16[%get3A_161] {strides = array<i32>} : memref<128xi32, #tpu.memory_space<vmem>>, vector<16xi32>,
        %shift_right_arithmetic3A_163 = arith.constant 14 : i32
        %shift_right_arithmetic3A_164 = vector.broadcast %shift_right_arithmetic3A_163 : i32 to vector<16xi32>
        %shift_right_arithmetic3A_165 = arith.shrsi %get3A_162, %shift_right_arithmetic3A_164 : vector<16xi32>
        %jit3A_166 = arith.constant 0 : i32
        %jit3A_167 = arith.constant 10239 : i32
        %max3A_168 = vector.broadcast %jit3A_166 : i32 to vector<16xi32>
        %max3A_169 = arith.maxsi %max3A_168, %shift_right_arithmetic3A_165 : vector<16xi32>
        %min3A_170 = vector.broadcast %jit3A_167 : i32 to vector<16xi32>
        %min3A_171 = arith.minsi %min3A_170, %max3A_169 : vector<16xi32>
        %swap3A_172 = arith.constant 80 : index
        %swap3A_173 = tpu.vector_load %arg17[%swap3A_172] {strides = array<i32>} : memref<128xi32, #tpu.memory_space<vmem>>, vector<16xi32>,
        tpu.vector_store %arg17[%swap3A_172], %min3A_171 {strides = array<i32>} : memref<128xi32, #tpu.memory_space<vmem>>, vector<16xi32>,
        %and3A_174 = arith.constant 16383 : i32
        %and3A_175 = vector.broadcast %and3A_174 : i32 to vector<16xi32>
        %and3A_176 = arith.andi %get3A_162, %and3A_175 : vector<16xi32>
        %sub3A_177 = vector.broadcast %mul3A_2 : i32 to vector<16xi32>
        %sub3A_178 = arith.subi %and3A_176, %sub3A_177 : vector<16xi32>
        %swap3A_179 = arith.constant 80 : index
        %swap3A_180 = tpu.vector_load %arg18[%swap3A_179] {strides = array<i32>} : memref<144xi32, #tpu.memory_space<vmem>>, vector<16xi32>,
        tpu.vector_store %arg18[%swap3A_179], %sub3A_178 {strides = array<i32>} : memref<144xi32, #tpu.memory_space<vmem>>, vector<16xi32>,
        %get3A_181 = arith.constant 96 : index
        %get3A_182 = tpu.vector_load %arg16[%get3A_181] {strides = array<i32>} : memref<128xi32, #tpu.memory_space<vmem>>, vector<16xi32>,
        %shift_right_arithmetic3A_183 = arith.constant 14 : i32
        %shift_right_arithmetic3A_184 = vector.broadcast %shift_right_arithmetic3A_183 : i32 to vector<16xi32>
        %shift_right_arithmetic3A_185 = arith.shrsi %get3A_182, %shift_right_arithmetic3A_184 : vector<16xi32>
        %jit3A_186 = arith.constant 0 : i32
        %jit3A_187 = arith.constant 10239 : i32
        %max3A_188 = vector.broadcast %jit3A_186 : i32 to vector<16xi32>
        %max3A_189 = arith.maxsi %max3A_188, %shift_right_arithmetic3A_185 : vector<16xi32>
        %min3A_190 = vector.broadcast %jit3A_187 : i32 to vector<16xi32>
        %min3A_191 = arith.minsi %min3A_190, %max3A_189 : vector<16xi32>
        %swap3A_192 = arith.constant 96 : index
        %swap3A_193 = tpu.vector_load %arg17[%swap3A_192] {strides = array<i32>} : memref<128xi32, #tpu.memory_space<vmem>>, vector<16xi32>,
        tpu.vector_store %arg17[%swap3A_192], %min3A_191 {strides = array<i32>} : memref<128xi32, #tpu.memory_space<vmem>>, vector<16xi32>,
        %and3A_194 = arith.constant 16383 : i32
        %and3A_195 = vector.broadcast %and3A_194 : i32 to vector<16xi32>
        %and3A_196 = arith.andi %get3A_182, %and3A_195 : vector<16xi32>
        %sub3A_197 = vector.broadcast %mul3A_2 : i32 to vector<16xi32>
        %sub3A_198 = arith.subi %and3A_196, %sub3A_197 : vector<16xi32>
        %swap3A_199 = arith.constant 96 : index
        %swap3A_200 = tpu.vector_load %arg18[%swap3A_199] {strides = array<i32>} : memref<144xi32, #tpu.memory_space<vmem>>, vector<16xi32>,
        tpu.vector_store %arg18[%swap3A_199], %sub3A_198 {strides = array<i32>} : memref<144xi32, #tpu.memory_space<vmem>>, vector<16xi32>,
        %get3A_201 = arith.constant 112 : index
        %get3A_202 = tpu.vector_load %arg16[%get3A_201] {strides = array<i32>} : memref<128xi32, #tpu.memory_space<vmem>>, vector<16xi32>,
        %shift_right_arithmetic3A_203 = arith.constant 14 : i32
        %shift_right_arithmetic3A_204 = vector.broadcast %shift_right_arithmetic3A_203 : i32 to vector<16xi32>
        %shift_right_arithmetic3A_205 = arith.shrsi %get3A_202, %shift_right_arithmetic3A_204 : vector<16xi32>
        %jit3A_206 = arith.constant 0 : i32
        %jit3A_207 = arith.constant 10239 : i32
        %max3A_208 = vector.broadcast %jit3A_206 : i32 to vector<16xi32>
        %max3A_209 = arith.maxsi %max3A_208, %shift_right_arithmetic3A_205 : vector<16xi32>
        %min3A_210 = vector.broadcast %jit3A_207 : i32 to vector<16xi32>
        %min3A_211 = arith.minsi %min3A_210, %max3A_209 : vector<16xi32>
        %swap3A_212 = arith.constant 112 : index
        %swap3A_213 = tpu.vector_load %arg17[%swap3A_212] {strides = array<i32>} : memref<128xi32, #tpu.memory_space<vmem>>, vector<16xi32>,
        tpu.vector_store %arg17[%swap3A_212], %min3A_211 {strides = array<i32>} : memref<128xi32, #tpu.memory_space<vmem>>, vector<16xi32>,
        %and3A_214 = arith.constant 16383 : i32
        %and3A_215 = vector.broadcast %and3A_214 : i32 to vector<16xi32>
        %and3A_216 = arith.andi %get3A_202, %and3A_215 : vector<16xi32>
        %sub3A_217 = vector.broadcast %mul3A_2 : i32 to vector<16xi32>
        %sub3A_218 = arith.subi %and3A_216, %sub3A_217 : vector<16xi32>
        %swap3A_219 = arith.constant 112 : index
        %swap3A_220 = tpu.vector_load %arg18[%swap3A_219] {strides = array<i32>} : memref<144xi32, #tpu.memory_space<vmem>>, vector<16xi32>,
        tpu.vector_store %arg18[%swap3A_219], %sub3A_218 {strides = array<i32>} : memref<144xi32, #tpu.memory_space<vmem>>, vector<16xi32>,
        %dma_start3A = arith.constant 0 : i32
        %dma_start3A_221 = arith.constant 0 : i32
        %dma_start3A_222 = tpu.memref_slice %arg5[%dma_start3A, %dma_start3A_221] : memref<10240x128xf32, #tpu.memory_space<hbm>> -> memref<10240x128xf32, #tpu.memory_space<hbm>>
        tpu.enqueue_indirect_dma source(%dma_start3A_222 : memref<10240x128xf32, #tpu.memory_space<hbm>>) target(%arg19 : memref<128x128xf32, #tpu.memory_space<vmem>>) offsets(%arg17 : memref<128xi32, #tpu.memory_space<vmem>>) semaphore(%arg20 : memref<!tpu.dma_semaphore, #tpu.memory_space<semaphore_mem>>)
        %dma_wait3A = arith.constant 0 : i32
        %dma_wait3A_223 = arith.constant 0 : i32
        %dma_wait3A_224 = tpu.memref_slice %arg5[%dma_wait3A, %dma_wait3A_223] : memref<10240x128xf32, #tpu.memory_space<hbm>> -> memref<10240x128xf32, #tpu.memory_space<hbm>>
        tpu.wait_indirect_dma semaphore(%arg20 : memref<!tpu.dma_semaphore, #tpu.memory_space<semaphore_mem>>) src(%dma_wait3A_224 : memref<10240x128xf32, #tpu.memory_space<hbm>>) dst(%arg19 : memref<128x128xf32, #tpu.memory_space<vmem>>)
        %mul3A_225 = arith.constant 128 : i32
        %mul3A_226 = arith.muli %while3A_62, %mul3A_225 : i32
        %sub3A_227 = arith.subi %squeeze3A, %mul3A_226 : i32
        %min3A_228 = arith.constant 128 : i32
        %min3A_229 = arith.minsi %min3A_228, %sub3A_227 : i32
        %while3A_230 = arith.constant 0 : i32
        %while3A_231 = arith.constant 0 : i32
        %while3A_232 = arith.subi %min3A_229, %while3A_231 : i32
        %while3A_233 = arith.addi %while3A_231, %while3A_232 : i32
        %while3A_234 = arith.constant 1 : i32
        %while3A_235 = arith.divsi %while3A_232, %while3A_234 : i32
        %while3A_236 = arith.muli %while3A_235, %while3A_234 : i32
        %while3A_237 = arith.addi %while3A_231, %while3A_236 : i32
        %while3A_238 = arith.constant 1 : i32
        scf.for %while3A_240 = %while3A_231 to %while3A_237 step %while3A_238  : i32 {
          %get3A_241 = arith.index_cast %while3A_240 : i32 to index
          %get3A_242 = tpu.vector_load %arg18[%get3A_241] {strides = array<i32>} : memref<144xi32, #tpu.memory_space<vmem>>, vector<16xi32>,
          %slice3A_243 = vector.extract_strided_slice %get3A_242 {offsets = [0], sizes = [1], strides = [1]} : vector<16xi32> to vector<1xi32>
          %squeeze3A_244 = vector.extract %slice3A_243[0] : i32 from vector<1xi32>
          %get3A_245 = arith.index_cast %while3A_240 : i32 to index
          %get3A_246 = arith.constant 64 : index
          %get3A_247 = tpu.vector_load %arg19[%get3A_245, %get3A_246] {strides = array<i32>} : memref<128x128xf32, #tpu.memory_space<vmem>>, vector<16xf32>,
          %mul3A_248 = arith.constant 16 : i32
          %mul3A_249 = arith.muli %squeeze3A_244, %mul3A_248 : i32
          %get3A_250 = arith.index_cast %mul3A_249 : i32 to index
          %get3A_251 = tpu.vector_load %arg13[%get3A_250] {strides = array<i32>} : memref<5120xf32, #tpu.memory_space<vmem>>, vector<16xf32>,
          %add3A_252 = arith.addf %get3A_247, %get3A_251 : vector<16xf32>
          %mul3A_253 = arith.constant 2.000000e-01 : f32
          %mul3A_254 = vector.broadcast %mul3A_253 : f32 to vector<16xf32>
          %mul3A_255 = arith.mulf %mul3A_254, %add3A_252 : vector<16xf32>
          %max3A_256 = arith.maximumf %add3A_252, %mul3A_255 : vector<16xf32>
          %exp3A = math.exp %max3A_256 : vector<16xf32>
          %mul3A_257 = arith.constant 16 : i32
          %mul3A_258 = arith.muli %squeeze3A_244, %mul3A_257 : i32
          %get3A_259 = arith.index_cast %mul3A_258 : i32 to index
          %get3A_260 = tpu.vector_load %arg10[%get3A_259] {strides = array<i32>} : memref<5120xf32, #tpu.memory_space<vmem>>, vector<16xf32>,
          %select_n3A = arith.select %lt3A_20, %add3A_252, %exp3A : vector<16xi1>, vector<16xf32>
          %add3A_261 = arith.addf %get3A_260, %select_n3A : vector<16xf32>
          %swap3A_262 = arith.index_cast %mul3A_258 : i32 to index
          %swap3A_263 = tpu.vector_load %arg10[%swap3A_262] {strides = array<i32>} : memref<5120xf32, #tpu.memory_space<vmem>>, vector<16xf32>,
          tpu.vector_store %arg10[%swap3A_262], %add3A_261 {strides = array<i32>} : memref<5120xf32, #tpu.memory_space<vmem>>, vector<16xf32>,
          %get3A_264 = arith.index_cast %mul3A_258 : i32 to index
          %get3A_265 = tpu.vector_load %arg11[%get3A_264] {strides = array<i32>} : memref<5120xf32, #tpu.memory_space<vmem>>, vector<16xf32>,
          %add3A_266 = arith.addf %get3A_265, %broadcast_in_dim3A_22 : vector<16xf32>
          %swap3A_267 = arith.index_cast %mul3A_258 : i32 to index
          %swap3A_268 = tpu.vector_load %arg11[%swap3A_267] {strides = array<i32>} : memref<5120xf32, #tpu.memory_space<vmem>>, vector<16xf32>,
          tpu.vector_store %arg11[%swap3A_267], %add3A_266 {strides = array<i32>} : memref<5120xf32, #tpu.memory_space<vmem>>, vector<16xf32>,
          %mul3A_269 = arith.constant 64 : i32
          %mul3A_270 = arith.muli %squeeze3A_244, %mul3A_269 : i32
          %add3A_271 = arith.constant 0 : i32
          %add3A_272 = arith.addi %mul3A_270, %add3A_271 : i32
          %get3A_273 = arith.index_cast %add3A_272 : i32 to index
          %get3A_274 = tpu.vector_load %arg12[%get3A_273] {strides = array<i32>} : memref<20480xf32, #tpu.memory_space<vmem>>, vector<16xf32>,
          %get3A_275 = arith.index_cast %while3A_240 : i32 to index
          %get3A_276 = arith.constant 0 : index
          %get3A_277 = tpu.vector_load %arg19[%get3A_275, %get3A_276] {strides = array<i32>} : memref<128x128xf32, #tpu.memory_space<vmem>>, vector<16xf32>,
          %max3A_278 = arith.maximumf %get3A_274, %get3A_277 : vector<16xf32>
          %swap3A_279 = arith.index_cast %add3A_272 : i32 to index
          %swap3A_280 = tpu.vector_load %arg12[%swap3A_279] {strides = array<i32>} : memref<20480xf32, #tpu.memory_space<vmem>>, vector<16xf32>,
          tpu.vector_store %arg12[%swap3A_279], %max3A_278 {strides = array<i32>} : memref<20480xf32, #tpu.memory_space<vmem>>, vector<16xf32>,
          %mul3A_281 = arith.constant 64 : i32
          %mul3A_282 = arith.muli %squeeze3A_244, %mul3A_281 : i32
          %add3A_283 = arith.constant 16 : i32
          %add3A_284 = arith.addi %mul3A_282, %add3A_283 : i32
          %get3A_285 = arith.index_cast %add3A_284 : i32 to index
          %get3A_286 = tpu.vector_load %arg12[%get3A_285] {strides = array<i32>} : memref<20480xf32, #tpu.memory_space<vmem>>, vector<16xf32>,
          %get3A_287 = arith.index_cast %while3A_240 : i32 to index
          %get3A_288 = arith.constant 16 : index
          %get3A_289 = tpu.vector_load %arg19[%get3A_287, %get3A_288] {strides = array<i32>} : memref<128x128xf32, #tpu.memory_space<vmem>>, vector<16xf32>,
          %max3A_290 = arith.maximumf %get3A_286, %get3A_289 : vector<16xf32>
          %swap3A_291 = arith.index_cast %add3A_284 : i32 to index
          %swap3A_292 = tpu.vector_load %arg12[%swap3A_291] {strides = array<i32>} : memref<20480xf32, #tpu.memory_space<vmem>>, vector<16xf32>,
          tpu.vector_store %arg12[%swap3A_291], %max3A_290 {strides = array<i32>} : memref<20480xf32, #tpu.memory_space<vmem>>, vector<16xf32>,
          %mul3A_293 = arith.constant 64 : i32
          %mul3A_294 = arith.muli %squeeze3A_244, %mul3A_293 : i32
          %add3A_295 = arith.constant 32 : i32
          %add3A_296 = arith.addi %mul3A_294, %add3A_295 : i32
          %get3A_297 = arith.index_cast %add3A_296 : i32 to index
          %get3A_298 = tpu.vector_load %arg12[%get3A_297] {strides = array<i32>} : memref<20480xf32, #tpu.memory_space<vmem>>, vector<16xf32>,
          %get3A_299 = arith.index_cast %while3A_240 : i32 to index
          %get3A_300 = arith.constant 32 : index
          %get3A_301 = tpu.vector_load %arg19[%get3A_299, %get3A_300] {strides = array<i32>} : memref<128x128xf32, #tpu.memory_space<vmem>>, vector<16xf32>,
          %max3A_302 = arith.maximumf %get3A_298, %get3A_301 : vector<16xf32>
          %swap3A_303 = arith.index_cast %add3A_296 : i32 to index
          %swap3A_304 = tpu.vector_load %arg12[%swap3A_303] {strides = array<i32>} : memref<20480xf32, #tpu.memory_space<vmem>>, vector<16xf32>,
          tpu.vector_store %arg12[%swap3A_303], %max3A_302 {strides = array<i32>} : memref<20480xf32, #tpu.memory_space<vmem>>, vector<16xf32>,
          %mul3A_305 = arith.constant 64 : i32
          %mul3A_306 = arith.muli %squeeze3A_244, %mul3A_305 : i32
          %add3A_307 = arith.constant 48 : i32
          %add3A_308 = arith.addi %mul3A_306, %add3A_307 : i32
          %get3A_309 = arith.index_cast %add3A_308 : i32 to index
          %get3A_310 = tpu.vector_load %arg12[%get3A_309] {strides = array<i32>} : memref<20480xf32, #tpu.memory_space<vmem>>, vector<16xf32>,
          %get3A_311 = arith.index_cast %while3A_240 : i32 to index
          %get3A_312 = arith.constant 48 : index
          %get3A_313 = tpu.vector_load %arg19[%get3A_311, %get3A_312] {strides = array<i32>} : memref<128x128xf32, #tpu.memory_space<vmem>>, vector<16xf32>,
          %max3A_314 = arith.maximumf %get3A_310, %get3A_313 : vector<16xf32>
          %swap3A_315 = arith.index_cast %add3A_308 : i32 to index
          %swap3A_316 = tpu.vector_load %arg12[%swap3A_315] {strides = array<i32>} : memref<20480xf32, #tpu.memory_space<vmem>>, vector<16xf32>,
          tpu.vector_store %arg12[%swap3A_315], %max3A_314 {strides = array<i32>} : memref<20480xf32, #tpu.memory_space<vmem>>, vector<16xf32>,
        }
        %while3A_239 = arith.constant 1 : i32
        scf.for %while3A_240 = %while3A_237 to %while3A_233 step %while3A_239  : i32 {
          %get3A_241 = arith.index_cast %while3A_240 : i32 to index
          %get3A_242 = tpu.vector_load %arg18[%get3A_241] {strides = array<i32>} : memref<144xi32, #tpu.memory_space<vmem>>, vector<16xi32>,
          %slice3A_243 = vector.extract_strided_slice %get3A_242 {offsets = [0], sizes = [1], strides = [1]} : vector<16xi32> to vector<1xi32>
          %squeeze3A_244 = vector.extract %slice3A_243[0] : i32 from vector<1xi32>
          %get3A_245 = arith.index_cast %while3A_240 : i32 to index
          %get3A_246 = arith.constant 64 : index
          %get3A_247 = tpu.vector_load %arg19[%get3A_245, %get3A_246] {strides = array<i32>} : memref<128x128xf32, #tpu.memory_space<vmem>>, vector<16xf32>,
          %mul3A_248 = arith.constant 16 : i32
          %mul3A_249 = arith.muli %squeeze3A_244, %mul3A_248 : i32
          %get3A_250 = arith.index_cast %mul3A_249 : i32 to index
          %get3A_251 = tpu.vector_load %arg13[%get3A_250] {strides = array<i32>} : memref<5120xf32, #tpu.memory_space<vmem>>, vector<16xf32>,
          %add3A_252 = arith.addf %get3A_247, %get3A_251 : vector<16xf32>
          %mul3A_253 = arith.constant 2.000000e-01 : f32
          %mul3A_254 = vector.broadcast %mul3A_253 : f32 to vector<16xf32>
          %mul3A_255 = arith.mulf %mul3A_254, %add3A_252 : vector<16xf32>
          %max3A_256 = arith.maximumf %add3A_252, %mul3A_255 : vector<16xf32>
          %exp3A = math.exp %max3A_256 : vector<16xf32>
          %mul3A_257 = arith.constant 16 : i32
          %mul3A_258 = arith.muli %squeeze3A_244, %mul3A_257 : i32
          %get3A_259 = arith.index_cast %mul3A_258 : i32 to index
          %get3A_260 = tpu.vector_load %arg10[%get3A_259] {strides = array<i32>} : memref<5120xf32, #tpu.memory_space<vmem>>, vector<16xf32>,
          %select_n3A = arith.select %lt3A_20, %add3A_252, %exp3A : vector<16xi1>, vector<16xf32>
          %add3A_261 = arith.addf %get3A_260, %select_n3A : vector<16xf32>
          %swap3A_262 = arith.index_cast %mul3A_258 : i32 to index
          %swap3A_263 = tpu.vector_load %arg10[%swap3A_262] {strides = array<i32>} : memref<5120xf32, #tpu.memory_space<vmem>>, vector<16xf32>,
          tpu.vector_store %arg10[%swap3A_262], %add3A_261 {strides = array<i32>} : memref<5120xf32, #tpu.memory_space<vmem>>, vector<16xf32>,
          %get3A_264 = arith.index_cast %mul3A_258 : i32 to index
          %get3A_265 = tpu.vector_load %arg11[%get3A_264] {strides = array<i32>} : memref<5120xf32, #tpu.memory_space<vmem>>, vector<16xf32>,
          %add3A_266 = arith.addf %get3A_265, %broadcast_in_dim3A_22 : vector<16xf32>
          %swap3A_267 = arith.index_cast %mul3A_258 : i32 to index
          %swap3A_268 = tpu.vector_load %arg11[%swap3A_267] {strides = array<i32>} : memref<5120xf32, #tpu.memory_space<vmem>>, vector<16xf32>,
          tpu.vector_store %arg11[%swap3A_267], %add3A_266 {strides = array<i32>} : memref<5120xf32, #tpu.memory_space<vmem>>, vector<16xf32>,
          %mul3A_269 = arith.constant 64 : i32
          %mul3A_270 = arith.muli %squeeze3A_244, %mul3A_269 : i32
          %add3A_271 = arith.constant 0 : i32
          %add3A_272 = arith.addi %mul3A_270, %add3A_271 : i32
          %get3A_273 = arith.index_cast %add3A_272 : i32 to index
          %get3A_274 = tpu.vector_load %arg12[%get3A_273] {strides = array<i32>} : memref<20480xf32, #tpu.memory_space<vmem>>, vector<16xf32>,
          %get3A_275 = arith.index_cast %while3A_240 : i32 to index
          %get3A_276 = arith.constant 0 : index
          %get3A_277 = tpu.vector_load %arg19[%get3A_275, %get3A_276] {strides = array<i32>} : memref<128x128xf32, #tpu.memory_space<vmem>>, vector<16xf32>,
          %max3A_278 = arith.maximumf %get3A_274, %get3A_277 : vector<16xf32>
          %swap3A_279 = arith.index_cast %add3A_272 : i32 to index
          %swap3A_280 = tpu.vector_load %arg12[%swap3A_279] {strides = array<i32>} : memref<20480xf32, #tpu.memory_space<vmem>>, vector<16xf32>,
          tpu.vector_store %arg12[%swap3A_279], %max3A_278 {strides = array<i32>} : memref<20480xf32, #tpu.memory_space<vmem>>, vector<16xf32>,
          %mul3A_281 = arith.constant 64 : i32
          %mul3A_282 = arith.muli %squeeze3A_244, %mul3A_281 : i32
          %add3A_283 = arith.constant 16 : i32
          %add3A_284 = arith.addi %mul3A_282, %add3A_283 : i32
          %get3A_285 = arith.index_cast %add3A_284 : i32 to index
          %get3A_286 = tpu.vector_load %arg12[%get3A_285] {strides = array<i32>} : memref<20480xf32, #tpu.memory_space<vmem>>, vector<16xf32>,
          %get3A_287 = arith.index_cast %while3A_240 : i32 to index
          %get3A_288 = arith.constant 16 : index
          %get3A_289 = tpu.vector_load %arg19[%get3A_287, %get3A_288] {strides = array<i32>} : memref<128x128xf32, #tpu.memory_space<vmem>>, vector<16xf32>,
          %max3A_290 = arith.maximumf %get3A_286, %get3A_289 : vector<16xf32>
          %swap3A_291 = arith.index_cast %add3A_284 : i32 to index
          %swap3A_292 = tpu.vector_load %arg12[%swap3A_291] {strides = array<i32>} : memref<20480xf32, #tpu.memory_space<vmem>>, vector<16xf32>,
          tpu.vector_store %arg12[%swap3A_291], %max3A_290 {strides = array<i32>} : memref<20480xf32, #tpu.memory_space<vmem>>, vector<16xf32>,
          %mul3A_293 = arith.constant 64 : i32
          %mul3A_294 = arith.muli %squeeze3A_244, %mul3A_293 : i32
          %add3A_295 = arith.constant 32 : i32
          %add3A_296 = arith.addi %mul3A_294, %add3A_295 : i32
          %get3A_297 = arith.index_cast %add3A_296 : i32 to index
          %get3A_298 = tpu.vector_load %arg12[%get3A_297] {strides = array<i32>} : memref<20480xf32, #tpu.memory_space<vmem>>, vector<16xf32>,
          %get3A_299 = arith.index_cast %while3A_240 : i32 to index
          %get3A_300 = arith.constant 32 : index
          %get3A_301 = tpu.vector_load %arg19[%get3A_299, %get3A_300] {strides = array<i32>} : memref<128x128xf32, #tpu.memory_space<vmem>>, vector<16xf32>,
          %max3A_302 = arith.maximumf %get3A_298, %get3A_301 : vector<16xf32>
          %swap3A_303 = arith.index_cast %add3A_296 : i32 to index
          %swap3A_304 = tpu.vector_load %arg12[%swap3A_303] {strides = array<i32>} : memref<20480xf32, #tpu.memory_space<vmem>>, vector<16xf32>,
          tpu.vector_store %arg12[%swap3A_303], %max3A_302 {strides = array<i32>} : memref<20480xf32, #tpu.memory_space<vmem>>, vector<16xf32>,
          %mul3A_305 = arith.constant 64 : i32
          %mul3A_306 = arith.muli %squeeze3A_244, %mul3A_305 : i32
          %add3A_307 = arith.constant 48 : i32
          %add3A_308 = arith.addi %mul3A_306, %add3A_307 : i32
          %get3A_309 = arith.index_cast %add3A_308 : i32 to index
          %get3A_310 = tpu.vector_load %arg12[%get3A_309] {strides = array<i32>} : memref<20480xf32, #tpu.memory_space<vmem>>, vector<16xf32>,
          %get3A_311 = arith.index_cast %while3A_240 : i32 to index
          %get3A_312 = arith.constant 48 : index
          %get3A_313 = tpu.vector_load %arg19[%get3A_311, %get3A_312] {strides = array<i32>} : memref<128x128xf32, #tpu.memory_space<vmem>>, vector<16xf32>,
          %max3A_314 = arith.maximumf %get3A_310, %get3A_313 : vector<16xf32>
          %swap3A_315 = arith.index_cast %add3A_308 : i32 to index
          %swap3A_316 = tpu.vector_load %arg12[%swap3A_315] {strides = array<i32>} : memref<20480xf32, #tpu.memory_space<vmem>>, vector<16xf32>,
          tpu.vector_store %arg12[%swap3A_315], %max3A_314 {strides = array<i32>} : memref<20480xf32, #tpu.memory_space<vmem>>, vector<16xf32>,
        }
      }
    }
    %scan3A_28 = arith.constant 32 : i32
    %mul3A_29 = arith.constant 16 : i32
    %mul3A_30 = arith.muli %mul3A_2, %mul3A_29 : i32
    %multiple_of3A_31 = tpu.assume_multiple %mul3A_30, 8 : i32
    "tpu.region"() ({
      %run_scoped3A = tpu.sem_alloc : memref<!tpu.dma_semaphore, #tpu.memory_space<semaphore_mem>>
      %dma_start3A = tpu.memref_slice %arg7[%multiple_of3A_31] : memref<163840xf32, #tpu.memory_space<hbm>> -> memref<5120xf32, #tpu.memory_space<hbm>>
      %dma_start3A_35 = tpu.memref_slice %arg7[%multiple_of3A_31] : memref<163840xf32, #tpu.memory_space<hbm>> -> memref<5120xf32, #tpu.memory_space<hbm>>
      tpu.enqueue_dma source(%arg10 : memref<5120xf32, #tpu.memory_space<vmem>>) target(%dma_start3A_35 : memref<5120xf32, #tpu.memory_space<hbm>>) target_semaphore(%run_scoped3A : memref<!tpu.dma_semaphore, #tpu.memory_space<semaphore_mem>>)
      %dma_wait3A = tpu.memref_slice %arg7[%multiple_of3A_31] : memref<163840xf32, #tpu.memory_space<hbm>> -> memref<5120xf32, #tpu.memory_space<hbm>>
      %dma_wait3A_36 = tpu.memref_slice %arg7[%multiple_of3A_31] : memref<163840xf32, #tpu.memory_space<hbm>> -> memref<5120xf32, #tpu.memory_space<hbm>>
      tpu.wait_dma2 semaphore(%run_scoped3A : memref<!tpu.dma_semaphore, #tpu.memory_space<semaphore_mem>>) src(%arg10 : memref<5120xf32, #tpu.memory_space<vmem>>) dst(%dma_wait3A_36 : memref<5120xf32, #tpu.memory_space<hbm>>)
      tpu.yield
    }) : () -> ()
    "tpu.region"() ({
      %run_scoped3A = tpu.sem_alloc : memref<!tpu.dma_semaphore, #tpu.memory_space<semaphore_mem>>
      %dma_start3A = tpu.memref_slice %arg8[%multiple_of3A_31] : memref<163840xf32, #tpu.memory_space<hbm>> -> memref<5120xf32, #tpu.memory_space<hbm>>
      %dma_start3A_35 = tpu.memref_slice %arg8[%multiple_of3A_31] : memref<163840xf32, #tpu.memory_space<hbm>> -> memref<5120xf32, #tpu.memory_space<hbm>>
      tpu.enqueue_dma source(%arg11 : memref<5120xf32, #tpu.memory_space<vmem>>) target(%dma_start3A_35 : memref<5120xf32, #tpu.memory_space<hbm>>) target_semaphore(%run_scoped3A : memref<!tpu.dma_semaphore, #tpu.memory_space<semaphore_mem>>)
      %dma_wait3A = tpu.memref_slice %arg8[%multiple_of3A_31] : memref<163840xf32, #tpu.memory_space<hbm>> -> memref<5120xf32, #tpu.memory_space<hbm>>
      %dma_wait3A_36 = tpu.memref_slice %arg8[%multiple_of3A_31] : memref<163840xf32, #tpu.memory_space<hbm>> -> memref<5120xf32, #tpu.memory_space<hbm>>
      tpu.wait_dma2 semaphore(%run_scoped3A : memref<!tpu.dma_semaphore, #tpu.memory_space<semaphore_mem>>) src(%arg11 : memref<5120xf32, #tpu.memory_space<vmem>>) dst(%dma_wait3A_36 : memref<5120xf32, #tpu.memory_space<hbm>>)
      tpu.yield
    }) : () -> ()
    %mul3A_32 = arith.constant 64 : i32
    %mul3A_33 = arith.muli %mul3A_2, %mul3A_32 : i32
    %multiple_of3A_34 = tpu.assume_multiple %mul3A_33, 8 : i32
    "tpu.region"() ({
      %run_scoped3A = tpu.sem_alloc : memref<!tpu.dma_semaphore, #tpu.memory_space<semaphore_mem>>
      %dma_start3A = tpu.memref_slice %arg9[%multiple_of3A_34] : memref<655360xf32, #tpu.memory_space<hbm>> -> memref<20480xf32, #tpu.memory_space<hbm>>
      %dma_start3A_35 = tpu.memref_slice %arg9[%multiple_of3A_34] : memref<655360xf32, #tpu.memory_space<hbm>> -> memref<20480xf32, #tpu.memory_space<hbm>>
      tpu.enqueue_dma source(%arg12 : memref<20480xf32, #tpu.memory_space<vmem>>) target(%dma_start3A_35 : memref<20480xf32, #tpu.memory_space<hbm>>) target_semaphore(%run_scoped3A : memref<!tpu.dma_semaphore, #tpu.memory_space<semaphore_mem>>)
      %dma_wait3A = tpu.memref_slice %arg9[%multiple_of3A_34] : memref<655360xf32, #tpu.memory_space<hbm>> -> memref<20480xf32, #tpu.memory_space<hbm>>
      %dma_wait3A_36 = tpu.memref_slice %arg9[%multiple_of3A_34] : memref<655360xf32, #tpu.memory_space<hbm>> -> memref<20480xf32, #tpu.memory_space<hbm>>
      tpu.wait_dma2 semaphore(%run_scoped3A : memref<!tpu.dma_semaphore, #tpu.memory_space<semaphore_mem>>) src(%arg12 : memref<20480xf32, #tpu.memory_space<vmem>>) dst(%dma_wait3A_36 : memref<20480xf32, #tpu.memory_space<hbm>>)
      tpu.yield
    }) : () -> ()
    return
  }
}

module attributes {stable_mosaic.version = 14 : i64} {
  func.func @body(%arg0: i32, %arg1: memref<256x128xf32, #tpu.memory_space<vmem>>, %arg2: memref<128x128xf32, #tpu.memory_space<vmem>>, %arg3: memref<1x128xf32, #tpu.memory_space<vmem>>, %arg4: memref<128x16xf32, #tpu.memory_space<vmem>>, %arg5: memref<128x1152xf32, #tpu.memory_space<vmem>>, %arg6: memref<256x128xf32, #tpu.memory_space<vmem>>, %arg7: memref<256x16xf32, #tpu.memory_space<vmem>>, %arg8: memref<256x1152xf32, #tpu.memory_space<vmem>>) attributes {dimension_semantics = [#tpu.dimension_semantics<arbitrary>], iteration_bounds = array<i64: 40>, scalar_prefetch = 0 : i64, scratch_operands = 0 : i64, tpu.core_type = #tpu.core_type<tc>, window_params = [{transform_indices = @transform_0, window_bounds = array<i64: 256, 128>}, {pipeline_mode = #tpu.pipeline_mode<synchronous>, transform_indices = @transform_1, window_bounds = array<i64: 128, 128>}, {pipeline_mode = #tpu.pipeline_mode<synchronous>, transform_indices = @transform_2, window_bounds = array<i64: 1, 128>}, {pipeline_mode = #tpu.pipeline_mode<synchronous>, transform_indices = @transform_3, window_bounds = array<i64: 128, 16>}, {pipeline_mode = #tpu.pipeline_mode<synchronous>, transform_indices = @transform_4, window_bounds = array<i64: 128, 1152>}, {transform_indices = @transform_5, window_bounds = array<i64: 256, 128>}, {transform_indices = @transform_6, window_bounds = array<i64: 256, 16>}, {transform_indices = @transform_7, window_bounds = array<i64: 256, 1152>}]} {
    %get3A = arith.constant 0 : index
    %get3A_0 = arith.constant 0 : index
    %get3A_1 = vector.load %arg1[%get3A, %get3A_0] : memref<256x128xf32, #tpu.memory_space<vmem>>, vector<256x128xf32>
    %get3A_2 = arith.constant 0 : index
    %get3A_3 = arith.constant 0 : index
    %get3A_4 = vector.load %arg2[%get3A_2, %get3A_3] : memref<128x128xf32, #tpu.memory_space<vmem>>, vector<128x128xf32>
    %dot_general3A = arith.constant dense<0.000000e+00> : vector<256x128xf32>
    %dot_general3A_5 = tpu.matmul %get3A_1, %get3A_4, %dot_general3A {dimension_numbers = #tpu.dot_dimension_numbers<[1], [0], [0], [1], [0, 0, 1, 1], [], []>, transpose_lhs_hint = false} : vector<256x128xf32>, vector<128x128xf32>, vector<256x128xf32> -> vector<256x128xf32>
    %get3A_6 = arith.constant 0 : index
    %get3A_7 = arith.constant 0 : index
    %get3A_8 = vector.load %arg3[%get3A_6, %get3A_7] : memref<1x128xf32, #tpu.memory_space<vmem>>, vector<1x128xf32>
    %add3A = vector.broadcast %get3A_8 : vector<1x128xf32> to vector<256x128xf32>
    %add3A_9 = arith.addf %dot_general3A_5, %add3A : vector<256x128xf32>
    %swap3A = arith.constant 0 : index
    %swap3A_10 = arith.constant 0 : index
    %swap3A_11 = vector.load %arg6[%swap3A, %swap3A_10] : memref<256x128xf32, #tpu.memory_space<vmem>>, vector<256x128xf32>
    tpu.vector_store %arg6[%swap3A, %swap3A_10], %add3A_9 {strides = array<i32>} : memref<256x128xf32, #tpu.memory_space<vmem>>, vector<256x128xf32>,
    %get3A_12 = arith.constant 0 : index
    %get3A_13 = arith.constant 0 : index
    %get3A_14 = vector.load %arg4[%get3A_12, %get3A_13] : memref<128x16xf32, #tpu.memory_space<vmem>>, vector<128x16xf32>
    %dot_general3A_15 = arith.constant dense<0.000000e+00> : vector<256x16xf32>
    %dot_general3A_16 = tpu.matmul %get3A_1, %get3A_14, %dot_general3A_15 {dimension_numbers = #tpu.dot_dimension_numbers<[1], [0], [0], [1], [0, 0, 1, 1], [], []>, transpose_lhs_hint = false} : vector<256x128xf32>, vector<128x16xf32>, vector<256x16xf32> -> vector<256x16xf32>
    %swap3A_17 = arith.constant 0 : index
    %swap3A_18 = arith.constant 0 : index
    %swap3A_19 = vector.load %arg7[%swap3A_17, %swap3A_18] : memref<256x16xf32, #tpu.memory_space<vmem>>, vector<256x16xf32>
    tpu.vector_store %arg7[%swap3A_17, %swap3A_18], %dot_general3A_16 {strides = array<i32>} : memref<256x16xf32, #tpu.memory_space<vmem>>, vector<256x16xf32>,
    %get3A_20 = arith.constant 0 : index
    %get3A_21 = arith.constant 0 : index
    %get3A_22 = vector.load %arg5[%get3A_20, %get3A_21] : memref<128x1152xf32, #tpu.memory_space<vmem>>, vector<128x1152xf32>
    %dot_general3A_23 = arith.constant dense<0.000000e+00> : vector<256x1152xf32>
    %dot_general3A_24 = tpu.matmul %get3A_1, %get3A_22, %dot_general3A_23 {dimension_numbers = #tpu.dot_dimension_numbers<[1], [0], [0], [1], [0, 0, 1, 1], [], []>, transpose_lhs_hint = false} : vector<256x128xf32>, vector<128x1152xf32>, vector<256x1152xf32> -> vector<256x1152xf32>
    %swap3A_25 = arith.constant 0 : index
    %swap3A_26 = arith.constant 0 : index
    %swap3A_27 = vector.load %arg8[%swap3A_25, %swap3A_26] : memref<256x1152xf32, #tpu.memory_space<vmem>>, vector<256x1152xf32>
    tpu.vector_store %arg8[%swap3A_25, %swap3A_26], %dot_general3A_24 {strides = array<i32>} : memref<256x1152xf32, #tpu.memory_space<vmem>>, vector<256x1152xf32>,
    return
  }
  func.func @transform_0(%arg0: i32) -> (i32, i32) {
    %c0_i32 = arith.constant 0 : i32
    %c0_i32_0 = arith.constant 0 : i32
    return %arg0, %c0_i32 : i32, i32
  }
  func.func @transform_1(%arg0: i32) -> (i32, i32) {
    %c0_i32 = arith.constant 0 : i32
    %c0_i32_0 = arith.constant 0 : i32
    %c0_i32_1 = arith.constant 0 : i32
    return %c0_i32, %c0_i32_0 : i32, i32
  }
  func.func @transform_2(%arg0: i32) -> (i32, i32) {
    %c0_i32 = arith.constant 0 : i32
    %c0_i32_0 = arith.constant 0 : i32
    %c0_i32_1 = arith.constant 0 : i32
    return %c0_i32, %c0_i32_0 : i32, i32
  }
  func.func @transform_3(%arg0: i32) -> (i32, i32) {
    %c0_i32 = arith.constant 0 : i32
    %c0_i32_0 = arith.constant 0 : i32
    %c0_i32_1 = arith.constant 0 : i32
    return %c0_i32, %c0_i32_0 : i32, i32
  }
  func.func @transform_4(%arg0: i32) -> (i32, i32) {
    %c0_i32 = arith.constant 0 : i32
    %c0_i32_0 = arith.constant 0 : i32
    %c0_i32_1 = arith.constant 0 : i32
    return %c0_i32, %c0_i32_0 : i32, i32
  }
  func.func @transform_5(%arg0: i32) -> (i32, i32) {
    %c0_i32 = arith.constant 0 : i32
    %c0_i32_0 = arith.constant 0 : i32
    return %arg0, %c0_i32 : i32, i32
  }
  func.func @transform_6(%arg0: i32) -> (i32, i32) {
    %c0_i32 = arith.constant 0 : i32
    %c0_i32_0 = arith.constant 0 : i32
    return %arg0, %c0_i32 : i32, i32
  }
  func.func @transform_7(%arg0: i32) -> (i32, i32) {
    %c0_i32 = arith.constant 0 : i32
    %c0_i32_0 = arith.constant 0 : i32
    return %arg0, %c0_i32 : i32, i32
  }
}

module attributes {stable_mosaic.version = 14 : i64} {
  func.func @body(%arg0: i32, %arg1: memref<256x128xf32, #tpu.memory_space<vmem>>, %arg2: memref<256x16xf32, #tpu.memory_space<vmem>>, %arg3: memref<256x16xf32, #tpu.memory_space<vmem>>, %arg4: memref<256x64xf32, #tpu.memory_space<vmem>>, %arg5: memref<256x16xf32, #tpu.memory_space<vmem>>, %arg6: memref<128x8xf32, #tpu.memory_space<vmem>>, %arg7: memref<64x8xf32, #tpu.memory_space<vmem>>, %arg8: memref<1x8xf32, #tpu.memory_space<vmem>>, %arg9: memref<256x32xf32, #tpu.memory_space<vmem>>) attributes {dimension_semantics = [#tpu.dimension_semantics<arbitrary>], iteration_bounds = array<i64: 40>, scalar_prefetch = 0 : i64, scratch_operands = 0 : i64, tpu.core_type = #tpu.core_type<tc>, window_params = [{transform_indices = @transform_0, window_bounds = array<i64: 256, 128>}, {transform_indices = @transform_1, window_bounds = array<i64: 256, 16>}, {transform_indices = @transform_2, window_bounds = array<i64: 256, 16>}, {transform_indices = @transform_3, window_bounds = array<i64: 256, 64>}, {transform_indices = @transform_4, window_bounds = array<i64: 256, 16>}, {pipeline_mode = #tpu.pipeline_mode<synchronous>, transform_indices = @transform_5, window_bounds = array<i64: 128, 8>}, {pipeline_mode = #tpu.pipeline_mode<synchronous>, transform_indices = @transform_6, window_bounds = array<i64: 64, 8>}, {pipeline_mode = #tpu.pipeline_mode<synchronous>, transform_indices = @transform_7, window_bounds = array<i64: 1, 8>}, {transform_indices = @transform_8, window_bounds = array<i64: 256, 32>}]} {
    %get3A = arith.constant 0 : index
    %get3A_0 = arith.constant 0 : index
    %get3A_1 = vector.load %arg3[%get3A, %get3A_0] : memref<256x16xf32, #tpu.memory_space<vmem>>, vector<256x16xf32>
    %slice3A = vector.extract_strided_slice %get3A_1 {offsets = [0, 0], sizes = [256, 1], strides = [1, 1]} : vector<256x16xf32> to vector<256x1xf32>
    %get3A_2 = arith.constant 0 : index
    %get3A_3 = arith.constant 0 : index
    %get3A_4 = vector.load %arg2[%get3A_2, %get3A_3] : memref<256x16xf32, #tpu.memory_space<vmem>>, vector<256x16xf32>
    %slice3A_5 = vector.extract_strided_slice %get3A_4 {offsets = [0, 0], sizes = [256, 8], strides = [1, 1]} : vector<256x16xf32> to vector<256x8xf32>
    %max3A = arith.constant 1.000000e+00 : f32
    %max3A_6 = vector.broadcast %max3A : f32 to vector<256x1xf32>
    %max3A_7 = arith.maximumf %slice3A, %max3A_6 : vector<256x1xf32>
    %div3A = vector.broadcast %max3A_7 : vector<256x1xf32> to vector<256x8xf32>
    %div3A_8 = arith.divf %slice3A_5, %div3A : vector<256x8xf32>
    %slice3A_9 = vector.extract_strided_slice %get3A_4 {offsets = [0, 8], sizes = [256, 8], strides = [1, 1]} : vector<256x16xf32> to vector<256x8xf32>
    %gt3A = arith.constant 0.000000e+00 : f32
    %gt3A_10 = vector.broadcast %gt3A : f32 to vector<256x1xf32>
    %gt3A_11 = arith.cmpf ogt, %slice3A, %gt3A_10 : vector<256x1xf32>
    %get3A_12 = arith.constant 0 : index
    %get3A_13 = arith.constant 0 : index
    %get3A_14 = vector.load %arg4[%get3A_12, %get3A_13] : memref<256x64xf32, #tpu.memory_space<vmem>>, vector<256x64xf32>
    %jit3A = arith.constant 0.000000e+00 : f32
    %broadcast_in_dim3A = vector.shape_cast %gt3A_11 : vector<256x1xi1> to vector<256x1xi1>
    %broadcast_in_dim3A_15 = vector.broadcast %broadcast_in_dim3A : vector<256x1xi1> to vector<256x64xi1>
    %broadcast_in_dim3A_16 = vector.broadcast %jit3A : f32 to vector<256x64xf32>
    %select_n3A = arith.select %broadcast_in_dim3A_15, %get3A_14, %broadcast_in_dim3A_16 : vector<256x64xi1>, vector<256x64xf32>
    %get3A_17 = arith.constant 0 : index
    %get3A_18 = arith.constant 0 : index
    %get3A_19 = vector.load %arg1[%get3A_17, %get3A_18] : memref<256x128xf32, #tpu.memory_space<vmem>>, vector<256x128xf32>
    %get3A_20 = arith.constant 0 : index
    %get3A_21 = arith.constant 0 : index
    %get3A_22 = vector.load %arg6[%get3A_20, %get3A_21] : memref<128x8xf32, #tpu.memory_space<vmem>>, vector<128x8xf32>
    %dot_general3A = arith.constant dense<0.000000e+00> : vector<256x8xf32>
    %dot_general3A_23 = tpu.matmul %get3A_19, %get3A_22, %dot_general3A {dimension_numbers = #tpu.dot_dimension_numbers<[1], [0], [0], [1], [0, 0, 1, 1], [], []>, transpose_lhs_hint = false} : vector<256x128xf32>, vector<128x8xf32>, vector<256x8xf32> -> vector<256x8xf32>
    %get3A_24 = arith.constant 0 : index
    %get3A_25 = arith.constant 0 : index
    %get3A_26 = vector.load %arg7[%get3A_24, %get3A_25] : memref<64x8xf32, #tpu.memory_space<vmem>>, vector<64x8xf32>
    %dot_general3A_27 = arith.constant dense<0.000000e+00> : vector<256x8xf32>
    %dot_general3A_28 = tpu.matmul %select_n3A, %get3A_26, %dot_general3A_27 {dimension_numbers = #tpu.dot_dimension_numbers<[1], [0], [0], [1], [0, 0, 1, 1], [], []>, transpose_lhs_hint = false} : vector<256x64xf32>, vector<64x8xf32>, vector<256x8xf32> -> vector<256x8xf32>
    %add3A = arith.addf %dot_general3A_23, %dot_general3A_28 : vector<256x8xf32>
    %add3A_29 = arith.addf %add3A, %div3A_8 : vector<256x8xf32>
    %get3A_30 = arith.constant 0 : index
    %get3A_31 = arith.constant 0 : index
    %get3A_32 = vector.load %arg8[%get3A_30, %get3A_31] : memref<1x8xf32, #tpu.memory_space<vmem>>, vector<1x8xf32>
    %add3A_33 = vector.broadcast %get3A_32 : vector<1x8xf32> to vector<256x8xf32>
    %add3A_34 = arith.addf %add3A_29, %add3A_33 : vector<256x8xf32>
    %neg3A = arith.constant 0.000000e+00 : f32
    %neg3A_35 = vector.broadcast %neg3A : f32 to vector<256x8xf32>
    %neg3A_36 = arith.subf %neg3A_35, %add3A_34 : vector<256x8xf32>
    %exp3A = math.exp %neg3A_36 : vector<256x8xf32>
    %add3A_37 = arith.constant 1.000000e+00 : f32
    %add3A_38 = vector.broadcast %add3A_37 : f32 to vector<256x8xf32>
    %add3A_39 = arith.addf %add3A_38, %exp3A : vector<256x8xf32>
    %div3A_40 = arith.constant 1.000000e+00 : f32
    %div3A_41 = vector.broadcast %div3A_40 : f32 to vector<256x8xf32>
    %div3A_42 = arith.divf %div3A_41, %add3A_39 : vector<256x8xf32>
    %add3A_43 = arith.constant 9.99999971E-10 : f32
    %add3A_44 = vector.broadcast %add3A_43 : f32 to vector<256x8xf32>
    %add3A_45 = arith.addf %slice3A_9, %add3A_44 : vector<256x8xf32>
    %mul3A = arith.constant 8.000000e+00 : f32
    %mul3A_46 = vector.broadcast %mul3A : f32 to vector<256x8xf32>
    %mul3A_47 = arith.mulf %mul3A_46, %add3A_45 : vector<256x8xf32>
    %div3A_48 = arith.divf %div3A_42, %mul3A_47 : vector<256x8xf32>
    %get3A_49 = arith.constant 0 : index
    %get3A_50 = arith.constant 0 : index
    %get3A_51 = vector.load %arg5[%get3A_49, %get3A_50] : memref<256x16xf32, #tpu.memory_space<vmem>>, vector<256x16xf32>
    %slice3A_52 = vector.extract_strided_slice %get3A_51 {offsets = [0, 8], sizes = [256, 8], strides = [1, 1]} : vector<256x16xf32> to vector<256x8xf32>
    %swap3A = arith.constant 0 : index
    %swap3A_53 = arith.constant 0 : index
    %swap3A_54 = vector.load %arg9[%swap3A, %swap3A_53] : memref<256x32xf32, #tpu.memory_space<vmem>>, vector<256x8xf32>
    tpu.vector_store %arg9[%swap3A, %swap3A_53], %slice3A_52 {strides = array<i32>} : memref<256x32xf32, #tpu.memory_space<vmem>>, vector<256x8xf32>,
    %broadcast_in_dim3A_55 = arith.constant -1.000000e+30 : f32
    %broadcast_in_dim3A_56 = vector.broadcast %broadcast_in_dim3A_55 : f32 to vector<256x8xf32>
    %swap3A_57 = arith.constant 0 : index
    %swap3A_58 = arith.constant 8 : index
    %swap3A_59 = vector.load %arg9[%swap3A_57, %swap3A_58] : memref<256x32xf32, #tpu.memory_space<vmem>>, vector<256x8xf32>
    tpu.vector_store %arg9[%swap3A_57, %swap3A_58], %broadcast_in_dim3A_56 {strides = array<i32>} : memref<256x32xf32, #tpu.memory_space<vmem>>, vector<256x8xf32>,
    %swap3A_60 = arith.constant 0 : index
    %swap3A_61 = arith.constant 16 : index
    %swap3A_62 = vector.load %arg9[%swap3A_60, %swap3A_61] : memref<256x32xf32, #tpu.memory_space<vmem>>, vector<256x8xf32>
    tpu.vector_store %arg9[%swap3A_60, %swap3A_61], %div3A_48 {strides = array<i32>} : memref<256x32xf32, #tpu.memory_space<vmem>>, vector<256x8xf32>,
    %broadcast_in_dim3A_63 = arith.constant 0.000000e+00 : f32
    %broadcast_in_dim3A_64 = vector.broadcast %broadcast_in_dim3A_63 : f32 to vector<256x8xf32>
    %swap3A_65 = arith.constant 0 : index
    %swap3A_66 = arith.constant 24 : index
    %swap3A_67 = vector.load %arg9[%swap3A_65, %swap3A_66] : memref<256x32xf32, #tpu.memory_space<vmem>>, vector<256x8xf32>
    tpu.vector_store %arg9[%swap3A_65, %swap3A_66], %broadcast_in_dim3A_64 {strides = array<i32>} : memref<256x32xf32, #tpu.memory_space<vmem>>, vector<256x8xf32>,
    return
  }
  func.func @transform_0(%arg0: i32) -> (i32, i32) {
    %c0_i32 = arith.constant 0 : i32
    %c0_i32_0 = arith.constant 0 : i32
    return %arg0, %c0_i32 : i32, i32
  }
  func.func @transform_1(%arg0: i32) -> (i32, i32) {
    %c0_i32 = arith.constant 0 : i32
    %c0_i32_0 = arith.constant 0 : i32
    return %arg0, %c0_i32 : i32, i32
  }
  func.func @transform_2(%arg0: i32) -> (i32, i32) {
    %c0_i32 = arith.constant 0 : i32
    %c0_i32_0 = arith.constant 0 : i32
    return %arg0, %c0_i32 : i32, i32
  }
  func.func @transform_3(%arg0: i32) -> (i32, i32) {
    %c0_i32 = arith.constant 0 : i32
    %c0_i32_0 = arith.constant 0 : i32
    return %arg0, %c0_i32 : i32, i32
  }
  func.func @transform_4(%arg0: i32) -> (i32, i32) {
    %c0_i32 = arith.constant 0 : i32
    %c0_i32_0 = arith.constant 0 : i32
    return %arg0, %c0_i32 : i32, i32
  }
  func.func @transform_5(%arg0: i32) -> (i32, i32) {
    %c0_i32 = arith.constant 0 : i32
    %c0_i32_0 = arith.constant 0 : i32
    %c0_i32_1 = arith.constant 0 : i32
    return %c0_i32, %c0_i32_0 : i32, i32
  }
  func.func @transform_6(%arg0: i32) -> (i32, i32) {
    %c0_i32 = arith.constant 0 : i32
    %c0_i32_0 = arith.constant 0 : i32
    %c0_i32_1 = arith.constant 0 : i32
    return %c0_i32, %c0_i32_0 : i32, i32
  }
  func.func @transform_7(%arg0: i32) -> (i32, i32) {
    %c0_i32 = arith.constant 0 : i32
    %c0_i32_0 = arith.constant 0 : i32
    %c0_i32_1 = arith.constant 0 : i32
    return %c0_i32, %c0_i32_0 : i32, i32
  }
  func.func @transform_8(%arg0: i32) -> (i32, i32) {
    %c0_i32 = arith.constant 0 : i32
    %c0_i32_0 = arith.constant 0 : i32
    return %arg0, %c0_i32 : i32, i32
  }
}

module attributes {stable_mosaic.version = 14 : i64} {
  func.func @body(%arg0: i32, %arg1: memref<256x128xf32, #tpu.memory_space<vmem>>, %arg2: memref<256x128xf32, #tpu.memory_space<vmem>>, %arg3: memref<128x128xf32, #tpu.memory_space<vmem>>, %arg4: memref<128x128xf32, #tpu.memory_space<vmem>>, %arg5: memref<1x128xf32, #tpu.memory_space<vmem>>, %arg6: memref<256x128xf32, #tpu.memory_space<vmem>>) attributes {dimension_semantics = [#tpu.dimension_semantics<arbitrary>], iteration_bounds = array<i64: 40>, scalar_prefetch = 0 : i64, scratch_operands = 0 : i64, tpu.core_type = #tpu.core_type<tc>, window_params = [{transform_indices = @transform_0, window_bounds = array<i64: 256, 128>}, {transform_indices = @transform_1, window_bounds = array<i64: 256, 128>}, {pipeline_mode = #tpu.pipeline_mode<synchronous>, transform_indices = @transform_2, window_bounds = array<i64: 128, 128>}, {pipeline_mode = #tpu.pipeline_mode<synchronous>, transform_indices = @transform_3, window_bounds = array<i64: 128, 128>}, {pipeline_mode = #tpu.pipeline_mode<synchronous>, transform_indices = @transform_4, window_bounds = array<i64: 1, 128>}, {transform_indices = @transform_5, window_bounds = array<i64: 256, 128>}]} {
    %get3A = arith.constant 0 : index
    %get3A_0 = arith.constant 0 : index
    %get3A_1 = vector.load %arg1[%get3A, %get3A_0] : memref<256x128xf32, #tpu.memory_space<vmem>>, vector<256x128xf32>
    %get3A_2 = arith.constant 0 : index
    %get3A_3 = arith.constant 0 : index
    %get3A_4 = vector.load %arg3[%get3A_2, %get3A_3] : memref<128x128xf32, #tpu.memory_space<vmem>>, vector<128x128xf32>
    %dot_general3A = arith.constant dense<0.000000e+00> : vector<256x128xf32>
    %dot_general3A_5 = tpu.matmul %get3A_1, %get3A_4, %dot_general3A {dimension_numbers = #tpu.dot_dimension_numbers<[1], [0], [0], [1], [0, 0, 1, 1], [], []>, transpose_lhs_hint = false} : vector<256x128xf32>, vector<128x128xf32>, vector<256x128xf32> -> vector<256x128xf32>
    %get3A_6 = arith.constant 0 : index
    %get3A_7 = arith.constant 0 : index
    %get3A_8 = vector.load %arg2[%get3A_6, %get3A_7] : memref<256x128xf32, #tpu.memory_space<vmem>>, vector<256x128xf32>
    %get3A_9 = arith.constant 0 : index
    %get3A_10 = arith.constant 0 : index
    %get3A_11 = vector.load %arg4[%get3A_9, %get3A_10] : memref<128x128xf32, #tpu.memory_space<vmem>>, vector<128x128xf32>
    %dot_general3A_12 = arith.constant dense<0.000000e+00> : vector<256x128xf32>
    %dot_general3A_13 = tpu.matmul %get3A_8, %get3A_11, %dot_general3A_12 {dimension_numbers = #tpu.dot_dimension_numbers<[1], [0], [0], [1], [0, 0, 1, 1], [], []>, transpose_lhs_hint = false} : vector<256x128xf32>, vector<128x128xf32>, vector<256x128xf32> -> vector<256x128xf32>
    %add3A = arith.addf %dot_general3A_5, %dot_general3A_13 : vector<256x128xf32>
    %get3A_14 = arith.constant 0 : index
    %get3A_15 = arith.constant 0 : index
    %get3A_16 = vector.load %arg5[%get3A_14, %get3A_15] : memref<1x128xf32, #tpu.memory_space<vmem>>, vector<1x128xf32>
    %add3A_17 = vector.broadcast %get3A_16 : vector<1x128xf32> to vector<256x128xf32>
    %add3A_18 = arith.addf %add3A, %add3A_17 : vector<256x128xf32>
    %swap3A = arith.constant 0 : index
    %swap3A_19 = arith.constant 0 : index
    %swap3A_20 = vector.load %arg6[%swap3A, %swap3A_19] : memref<256x128xf32, #tpu.memory_space<vmem>>, vector<256x128xf32>
    tpu.vector_store %arg6[%swap3A, %swap3A_19], %add3A_18 {strides = array<i32>} : memref<256x128xf32, #tpu.memory_space<vmem>>, vector<256x128xf32>,
    return
  }
  func.func @transform_0(%arg0: i32) -> (i32, i32) {
    %c0_i32 = arith.constant 0 : i32
    %c0_i32_0 = arith.constant 0 : i32
    return %arg0, %c0_i32 : i32, i32
  }
  func.func @transform_1(%arg0: i32) -> (i32, i32) {
    %c0_i32 = arith.constant 0 : i32
    %c0_i32_0 = arith.constant 0 : i32
    return %arg0, %c0_i32 : i32, i32
  }
  func.func @transform_2(%arg0: i32) -> (i32, i32) {
    %c0_i32 = arith.constant 0 : i32
    %c0_i32_0 = arith.constant 0 : i32
    %c0_i32_1 = arith.constant 0 : i32
    return %c0_i32, %c0_i32_0 : i32, i32
  }
  func.func @transform_3(%arg0: i32) -> (i32, i32) {
    %c0_i32 = arith.constant 0 : i32
    %c0_i32_0 = arith.constant 0 : i32
    %c0_i32_1 = arith.constant 0 : i32
    return %c0_i32, %c0_i32_0 : i32, i32
  }
  func.func @transform_4(%arg0: i32) -> (i32, i32) {
    %c0_i32 = arith.constant 0 : i32
    %c0_i32_0 = arith.constant 0 : i32
    %c0_i32_1 = arith.constant 0 : i32
    return %c0_i32, %c0_i32_0 : i32, i32
  }
  func.func @transform_5(%arg0: i32) -> (i32, i32) {
    %c0_i32 = arith.constant 0 : i32
    %c0_i32_0 = arith.constant 0 : i32
    return %arg0, %c0_i32 : i32, i32
  }
}

</mosaic_0001>

<sc_bundles>
// kernel: kernel.11.cloned.1.call-start
scs
__scs_entry_jumppad:
0x0: {  	(pc) =	sbr.rel $0x88, $3  }
0x1: {  	(tag) =	ssettag $0x0;
	lr =	simm.s32 $0x1  }
0x2: {  	[smem:$0x3F96] =	sst lr;
	_ =	strace $0xD0000000  }
0x3: {  	_ = 	snop  }
0x4: {  	_ = 	snop  }
0x5: {  	_ = 	snop  }
0x6: {  	_ = 	snop  }
0x7: {  	_ = 	snop  }
__scs_overlays_trampoline_lowered:
0x8: {  	[smem:$0x3FA5] =	sst s0  }
0x9: {  	[smem:$0x3FA6] =	sst s1  }
0xa: {  	[smem:$0x3FA7] =	sst s2  }
0xb: {  	[smem:$0x3FA8] =	sst s3  }
0xc: {  	[smem:$0x3FA9] =	sst s4  }
0xd: {  	[smem:$0x3FAA] =	sst s5  }
0xe: {  	[smem:$0x3FAB] =	sst s6  }
0xf: {  	[smem:$0x3FAC] =	sst s7  }
0x10: {  	[smem:$0x3FAD] =	sst s8  }
0x11: {  	[smem:$0x3FAE] =	sst s9;
	s0 =	simm.s32 @!p0 $0x0  }
0x12: {  	s1 =	sld [smem:$0x3F94];
	s0 =	simm.s32 @p0 $0x1  }
0x13: {  	[smem:$0x3FAF] =	sst s0;
	s0 =	simm.s32 @!p1 $0x0  }
0x14: {  	s2 =	sld [smem:$0x3F93];
	s0 =	simm.s32 @p1 $0x1  }
0x15: {  	[smem:$0x3FB0] =	sst s0;
	s0 =	simm.s32 @!p2 $0x0  }
0x16: {  	s3 =	sld [smem:$0x3FDB];
	s0 =	simm.s32 @p2 $0x1  }
0x17: {  	s4 =	simm.s32 $0x1BF5;
	[smem:$0x3FB2] =	sst s0  }
0x18: {  	s0 =	sld [smem:$0x3F95];
	_ =	swait.ge [sflag:s4], $0x0  }
0x19: {  	s7 =	sld [smem:$0x3F96]  }
0x1a: {  	s8 =	sadd.s32 $0xFFFFE003, lr  }
0x1b: {  	s9 =	sadd.s32 $0xFFFFFEF7, lr;
	s5 =	simm.s32 $0xFFFFFFFF;
	p2 =	slt.u32 s8, $0xFFFFF086  }
0x1c: {  	p1 =	slt.u32 s9, $0xF7A;
	s5 =	simm.s32 @!p2 $0x0  }
0x1d: {  	s5 =	simm.s32 @p1 $0x1;
	p0 =	seq.s32 s7, s2  }
0x1e: {  	s7 =	smul.u32 @!p0 $0xF7A, s2;
	p2 =	seq.s32 @!p0 s5, $0x0  }
0x1f: {  	s9 =	smul.u32 $0xF7A, s1;
	s8 =	simm.s32 @!p0 $0x1BF5;
	p2 =	por !p2, p0  }
0x20: {  	[sflag:s8] =	ssyncset.s32 @!p0 $0xFFFFF086;
	s6 =	sadd.s32 @!p0 s3, s7;
	s7 =	simm.s32 @!p0 $0x108  }
0x21: {  	s3 =	sadd.s32 s3, s9;
	s6 =	sadd.s32 @!p0 $0x88, s6;
	s7 =	simm.s32 @p2 $0x1082  }
0x22: {  	[simem:s7], [sflag:s8] =	dma.local @!p0 [hbm:s6], $0xF7A  }
0x23: {  	s9 =	sor.u32 $0xD0000000, s2;
	s6 =	simm.s32 $0x108;
	_ =	swait.ge @!p0 [sflag:s8], $0x0  }
0x24: {  	s3 =	sadd.s32 $0x88, s3;
	s6 =	simm.s32 @!p1 $0x1082;
	[sflag:s4] =	ssyncset.s32 $0xFFFFF086  }
0x25: {  	[simem:s6], [sflag:s4] =	dma.local [hbm:s3], $0xF7A  }
0x26: {  	[smem:$0x3F96] =	sst s1;
	(tag) =	ssettag s2;
	_ =	strace s9  }
0x27: {  	s1 =	sld [smem:$0x3FA6]  }
0x28: {  	s2 =	sld [smem:$0x3FA7]  }
0x29: {  	s4 =	sld [smem:$0x3FA9]  }
0x2a: {  	p0 =	seq.s32 s5, $0x0;
	s5 =	sld [smem:$0x3FAA]  }
0x2b: {  	s6 =	sld [smem:$0x3FAB]  }
0x2c: {  	s7 =	sld [smem:$0x3FAC]  }
0x2d: {  	s3 =	simm.s32 $0x108;
	s8 =	sld [smem:$0x3FAD]  }
0x2e: {  	s3 =	simm.s32 @!p0 $0x1082;
	s9 =	sld [smem:$0x3FAE]  }
0x2f: {  	lr =	sadd.s32 s0, s3;
	s0 =	sld [smem:$0x3FA5]  }
0x30: {  	s3 =	sld [smem:$0x3FA8]  }
0x31: {  	[smem:$0x3FB1] =	sst s10  }
0x32: {  	s10 =	sld [smem:$0x3FAF];
	_ =	sdelay $0x3  }
0x33: {  	p0 =	seq.s32 s10, $0x1;
	s10 =	sld [smem:$0x3FB1];
	_ =	sdelay $0x3  }
0x34: {  	[smem:$0x3FB1] =	sst s10  }
0x35: {  	s10 =	sld [smem:$0x3FB0];
	_ =	sdelay $0x3  }
0x36: {  	p1 =	seq.s32 s10, $0x1;
	s10 =	sld [smem:$0x3FB1];
	_ =	sdelay $0x3  }
0x37: {  	[smem:$0x3FB1] =	sst s10  }
0x38: {  	s10 =	sld [smem:$0x3FB2]  }
0x39: {  	_ = 	snop;
	(pc) =	sbr.ind lr, $3  }
0x3a: {  	_ = 	snop  }
0x3b: {  	_ = 	snop  }
0x3c: {  	p2 =	seq.s32 s10, $0x1;
	s10 =	sld [smem:$0x3FB1]  }
0x3d: {  	_ =	shalt  }
0x3e: {  	_ =	shalt  }
0x3f: {  	_ =	shalt  }
0x40: {  	_ =	shalt  }
0x41: {  	_ =	shalt  }
0x42: {  	_ =	shalt  }
0x43: {  	_ =	shalt  }
0x44: {  	_ =	shalt  }
0x45: {  	_ =	shalt  }
0x46: {  	_ =	shalt  }
0x47: {  	_ =	shalt  }
0x48: {  	_ =	shalt  }
0x49: {  	_ =	shalt  }
0x4a: {  	_ =	shalt  }
0x4b: {  	_ =	shalt  }
0x4c: {  	_ =	shalt  }
0x4d: {  	_ =	shalt  }
0x4e: {  	_ =	shalt  }
0x4f: {  	_ =	shalt  }
0x50: {  	_ =	shalt  }
0x51: {  	_ =	shalt  }
0x52: {  	_ =	shalt  }
0x53: {  	_ =	shalt  }
0x54: {  	_ =	shalt  }
0x55: {  	_ =	shalt  }
0x56: {  	_ =	shalt  }
0x57: {  	_ =	shalt  }
0x58: {  	_ =	shalt  }
0x59: {  	_ =	shalt  }
0x5a: {  	_ =	shalt  }
0x5b: {  	_ =	shalt  }
0x5c: {  	_ =	shalt  }
0x5d: {  	_ =	shalt  }
0x5e: {  	_ =	shalt  }
0x5f: {  	_ =	shalt  }
0x60: {  	_ =	shalt  }
0x61: {  	_ =	shalt  }
0x62: {  	_ =	shalt  }
0x63: {  	_ =	shalt  }
0x64: {  	_ =	shalt  }
0x65: {  	_ =	shalt  }
0x66: {  	_ =	shalt  }
0x67: {  	_ =	shalt  }
0x68: {  	_ =	shalt  }
0x69: {  	_ =	shalt  }
0x6a: {  	_ =	shalt  }
0x6b: {  	_ =	shalt  }
0x6c: {  	_ =	shalt  }
0x6d: {  	_ =	shalt  }
0x6e: {  	_ =	shalt  }
0x6f: {  	_ =	shalt  }
0x70: {  	_ =	shalt  }
0x71: {  	_ =	shalt  }
0x72: {  	_ =	shalt  }
0x73: {  	_ =	shalt  }
0x74: {  	_ =	shalt  }
0x75: {  	_ =	shalt  }
0x76: {  	_ =	shalt  }
0x77: {  	_ =	shalt  }
0x78: {  	_ =	shalt  }
0x79: {  	_ =	shalt  }
0x7a: {  	_ =	shalt  }
0x7b: {  	_ =	shalt  }
0x7c: {  	_ =	shalt  }
0x7d: {  	_ =	shalt  }
0x7e: {  	_ =	shalt  }
0x7f: {  	_ =	shalt  }
0x80: {  	_ =	shalt  }
0x81: {  	_ =	shalt  }
0x82: {  	_ =	shalt  }
0x83: {  	_ =	shalt  }
0x84: {  	_ =	shalt  }
0x85: {  	_ =	shalt  }
0x86: {  	_ =	shalt  }
0x87: {  	_ =	shalt  }
.Lfunc_end0:
.L_simem_size_0:
called_computation.1_lowered:
.L_overlay_start_0:
0x88: {  	s2 =	sld [smem:$0x3FD9]  }
0x89: {  	s3 =	sld [smem:$0x3FFE];
	_ =	sdelay $0x1  }
0x8a: {  	s1 =	srdreg.scid  }
0x8b: {  	s0 =	sand.u32 $0x1, s1  }
0x8c: {  	s17 =	sshll.u32 s0, $0xA;
	s2 =	sadd.s32 s3, s2  }
0x8d: {  	s2 =	sadd.s32 s2, s17  }
0x8e: {  	[smem:$0x3FBD] =	sst s2  }
0x8f: {  	_ = 	snop  }
0x90: {  	s2 =	sld [smem:$0x3FD0];
	(tm) =	ssettm $0x1  }
0x91: {  	s18 =	sld [smem:$0x3FFB];
	_ =	sdelay $0x3  }
0x92: {  	_ =	strace s18  }
0x93: {  	s3 =	sld [smem:$0x3FFC];
	_ =	sdelay $0x3  }
0x94: {  	_ =	strace s3  }
0x95: {  	s3 =	sld [smem:$0x3FFD];
	_ =	sdelay $0x3  }
0x96: {  	_ =	strace s3  }
0x97: {  	_ =	strace $0x8FFFFFFF  }
0x98: {  	s19 =	sld [smem:$0x3FDB];
	_ =	sdelay $0x1  }
0x99: {  	s4 =	simm.s32 $_scs_section_size  }
0x9a: {  	s5 =	simm.s32 $_size__tile_overlayer_lowered;
	s6 =	simm.s32 $_tile_overlayer_lowered  }
0x9b: {  	s22 =	simm.s32 $0x1BFF;
	s21 =	sshll.u32 s6, $0x1;
	s3 =	sadd.s32 s4, s19  }
0x9c: {  	s7 =	simm.s32 $0x0;
	s20 =	sshll.u32 s5, $0x1;
	s5 =	sadd.s32 s21, s3  }
0x9d: {  	[timem:s7], [sflag:s22] =	dma.local [hbm:s5], s20  }
0x9e: {  	_ =	swait.ge [sflag:s22], s20  }
0x9f: {  	s4 =	ssub.s32 $0x0, s20;
	[sflag:s22] =	ssyncset.done $0x0  }
0xa0: {  	[sflag:s22] =	ssyncadd.s32 s4;
	_ =	sdelay $0x1  }
0xa1: {  	s23 =	simm.s32 $0x1B8B  }
0xa2: {  	_ =	swait.ge [sflag:s23], $0x1  }
0xa3: {  	[sflag:s23] =	ssyncset.done $0x0  }
0xa4: {  	s25 =	simm.s32 $0x1B8E;
	s24 =	sld [smem:$0x3FFE];
	[sflag:s23] =	ssyncadd.s32 $0xFFFFFFFF  }
0xa5: {  	s26 =	simm.s32 $execute0_lowered;
	[smem:$0x3FD2] =	sst s25  }
0xa6: {  	s5 =	sshll.u32 s26, $0x1;
	_ =	strace $0x80000049;
	[dreg:$0x1] =	wrdreg $0xFFFFFFFF  }
0xa7: {  	s28 =	simm.s32 $_size_execute0_lowered;
	s3 =	sadd.s32 s3, s5;
	[dreg:$0x0] =	wrdreg $0x0  }
0xa8: {  	s5 =	sshll.u32 s28, $0x1;
	[dreg:$0x2] =	wrdreg s3  }
0xa9: {  	[dreg:$0x3] =	wrdreg s5  }
0xaa: {  	[dreg:$0x4] =	wrdreg $0xC0  }
0xab: {  	_ =	task [dreg:s7], $0x5FFFF  }
0xac: {  	[dreg:$0x1] =	wrdreg $0xFFFFFFFF  }
0xad: {  	[dreg:$0x0] =	wrdreg $0x60  }
0xae: {  	[dreg:$0x2] =	wrdreg s24  }
0xaf: {  	[dreg:$0x3] =	wrdreg s2  }
0xb0: {  	[dreg:$0x4] =	wrdreg $0x9  }
0xb1: {  	_ =	task.clear_ibuf [dreg:s7], $0x5FFFF;
	_ =	strace $0x90000049  }
0xb2: {  	s29 =	simm.s32 $0x9;
	_ =	strace $0x8000004B  }
0xb3: {  	_ =	swait.ge [sflag:s29], $0x1  }
0xb4: {  	[sflag:s29] =	ssyncadd.s32 $0xFFFFFFFF  }
0xb5: {  	_ =	strace $0x9000004B  }
0xb6: {  	_ =	sfence  }
0xb7: {  	s30 =	sld [smem:$0x0];
	_ =	sdelay $0x2  }
0xb8: {  	s31 =	sshll.u32 s1, $0xD;
	s1 =	sshrl.u32 s1, $0x2  }
0xb9: {  	s3 =	sand.u32 $0x4000, s31;
	s1 =	sadd.s32 s1, s30  }
0xba: {  	s0 =	sor.u32 s3, s0;
	s1 =	sshll.u32 s1, $0x11  }
0xbb: {  	s0 =	sor.u32 s1, s0  }
0xbc: {  	s0 =	sadd.s32 $0x8F2B, s0  }
0xbd: {  	[sflag:s0] =	ssyncadd.remote.s32 $0x1  }
0xbe: {  	_ =	sfence.sel $0xFFFF  }
0xbf: {  	[dreg:$0x0] =	wrdreg $0xFFFFFFFF;
	(pc) =	sbr.abs _section_cstart, $3  }
0xc0: {  	[dreg:$0x1] =	wrdreg $0xFFFFFFFF  }
0xc1: {  	_ =	task.clear_ibuf [dreg:s7], $0x2FFFF;
	_ =	strace $0x9FFFFFFF  }
0xc2: {  	(tm) =	ssettm $0x7FFFFFFF  }
0xc3: {  	_ =	shalt  }
tec
execute0_lowered:
.L_overlay_start_1:
0x0: {  	(tag) =	ssettag $0x1  }
0x1: {  	s0 =	rddreg [dreg:$0x0]  }
0x2: {  	s1 =	rddreg [dreg:$0x1];
	s2 =	simm.s32 $0x0  }
0x3: {  	s3 =	srdreg.scid;
	s4 =	stileid.u32;
	s14 =	simm.s32 $0x2  }
0x4: {  	s17 =	simm.s32 $0x9500;
	s18 =	simm.s32 $0x80;
	s19 =	simm.s32 $0x9580  }
0x5: {  	s20 =	simm.s32 $0x9700;
	s21 =	simm.s32 $0x1;
	s22 =	simm.s32 $0x1400  }
0x6: {  	s23 =	simm.s32 $0x2800;
	s6 =	sand.u32 $0x1, s3;
	s4 =	sshll.u32 s4, $0x1  }
0x7: {  	s24 =	simm.s32 $0x0;
	[smem:$0x7FF] =	sst s2;
	s4 =	sor.u32 s6, s4  }
0x8: {  	s3 =	sadd.s32 $0xCE00, s0;
	s7 =	sadd.s32 $0x17F400, s0;
	s8 =	smul.u32 $0x280, s4  }
.Ltmp0:
0x9: {  	s5 =	sadd.s32 $0x17000, s0;
	_ =	strace $0x8000004A;
	(pc) =	sbr.rel .LBB2_1-.Ltmp0, $4  }
0xa: {  	s9 =	ssub.s32 $0x2, s6;
	s6 =	sadd.s32 $0x17200, s0;
	s11 =	smul.u32 $0xA00, s4  }
0xb: {  	s10 =	sshrl.u32 s9, $0x1;
	s13 =	smul.u32 $0x140, s4;
	s0 =	sadd.s32 s8, s0  }
0xc: {  	v1 =	vimm.f32 $0.0e+00;
	s12 =	ssub.s32 s9, s10;
	s11 =	sadd.s32 s1, s11;
	s8 =	sadd.s32 $0x1CF400, s0  }
0xd: {  	v2 =	vimm.f32 $-1.000000020e+30;
	vm0 =	vmmov $0xff;
	s12 =	smax.u32 s12, $0x1;
	v0 =	vmov s13;
	s9 =	sadd.s32 $0x3000, s0;
	s10 =	sadd.s32 $0x1D4400, s0  }
.LBB2_14:
0xe: {  	[hbm4b:s9+s2] =	stream.linear.scatter [tilespmem:s2], [sflag:$0x2], $0x1400, $0x38;
	[tilespmem:$0xD700] =	vst v63  }
0xf: {  	_ =	swait.ge [sflag:s14], $0x1400  }
0x10: {  	[sflag:s14] =	ssyncset.done $0x0  }
0x11: {  	[sflag:s14] =	ssyncadd.s32 $0xFFFFEC00  }
0x12: {  	[hbm4b:s10+s2] =	stream.linear.scatter [tilespmem:s22], [sflag:$0x2], $0x1400, $0x38;
	[tilespmem:$0xD700] =	vst v63  }
0x13: {  	s24 =	sadd.s32 $0x1, s24;
	_ =	swait.ge [sflag:s14], $0x1400  }
0x14: {  	p0 =	sne.s32 s24, s12;
	[sflag:s14] =	ssyncset.done $0x0  }
.Ltmp1:
0x15: {  	[sflag:s14] =	ssyncadd.s32 $0xFFFFEC00;
	(pc) =	sbr.rel @!p0 .LBB2_15-.Ltmp1, $4  }
0x16: {  	[hbm4b:s11+s2] =	stream.linear.scatter [tilespmem:s23], [sflag:$0x2], $0x5000, $0x38;
	[tilespmem:$0xD700] =	vst v63  }
0x17: {  	_ =	swait.ge [sflag:s14], $0x5000  }
0x18: {  	[sflag:s14] =	ssyncset.done $0x0  }
0x19: {  	[sflag:s14] =	ssyncadd.s32 $0xFFFFB000  }
.LBB2_1:
0x1a: {  	s0 =	simm.s32 $0x8C00  }
0x1b: {  	[tilespmem:s0], [sflag:$0x2] =	stream.linear.gather [hbm4b:s5+s2], $0x400, $0x38;
	[tilespmem:$0xD700] =	vst v63  }
0x1c: {  	_ =	swait.ge [sflag:s14], $0x400  }
0x1d: {  	[sflag:s14] =	ssyncset.done $0x0  }
0x1e: {  	s30 =	simm.s32 $0x9080;
	[sflag:s14] =	ssyncadd.s32 $0xFFFFFC00  }
0x1f: {  	[tilespmem:s30], [sflag:$0x2] =	stream.linear.gather [hbm4b:s6+s2], $0x400, $0x38;
	[tilespmem:$0xD700] =	vst v63  }
0x20: {  	_ =	swait.ge [sflag:s14], $0x400  }
0x21: {  	[sflag:s14] =	ssyncset.done $0x0  }
0x22: {  	s31 =	simm.s32 $0x7800;
	[sflag:s14] =	ssyncadd.s32 $0xFFFFFC00  }
0x23: {  	[tilespmem:s31], [sflag:$0x2] =	stream.linear.gather [hbm4b:s8+s2], $0x1400, $0x38;
	[tilespmem:$0xD700] =	vst v63  }
0x24: {  	_ =	swait.ge [sflag:s14], $0x1400  }
0x25: {  	[sflag:s14] =	ssyncset.done $0x0  }
0x26: {  	s1 =	simm.s32 $0x0;
	s0 =	simm.s32 $0x40;
	[sflag:s14] =	ssyncadd.s32 $0xFFFFEC00  }
.LBB2_2:
0x27: {  	p0 =	sne.s32 s0, $0x4FC0;
	[tilespmem:s1+$0x0] =	vst v1;
	s13 =	smov.u32 s0;
	s0 =	sadd.s32 $0x40, s0  }
.Ltmp2:
0x28: {  	[tilespmem:s1+$0x1400] =	vst v1;
	(pc) =	sbr.rel @p0 .LBB2_2-.Ltmp2, $2  }
0x29: {  	_ =	sdelay $0x2  }
0x2a: {  	s1 =	sshra.s32 s13, $0x2  }
0x2b: {  	[tilespmem:s1+$0x0] =	vst v1  }
0x2c: {  	s25 =	simm.s32 $0x0;
	[tilespmem:s1+$0x1400] =	vst v1;
	s0 =	simm.s32 $0x40;
	s1 =	simm.s32 $0x0  }
.LBB2_4:
0x2d: {  	p0 =	sne.s32 s0, $0x13FC0;
	[tilespmem:s1+$0x2800] =	vst v2;
	s1 =	smov.u32 s0;
	s0 =	sadd.s32 $0x40, s0  }
.Ltmp3:
0x2e: {  	(pc) =	sbr.rel @p0 .LBB2_4-.Ltmp3, $2  }
0x2f: {  	_ =	sdelay $0x2  }
0x30: {  	s1 =	sshra.s32 s1, $0x2  }
.Ltmp4:
0x31: {  	(pc) =	sbr.rel .LBB2_6-.Ltmp4, $2  }
0x32: {  	_ =	sdelay $0x2  }
0x33: {  	[tilespmem:s1+$0x2800] =	vst v2  }
.LBB2_13:
0x34: {  	s25 =	sadd.s32 $0x1, s25  }
0x35: {  	p0 =	sne.s32 s25, $0x20  }
.Ltmp5:
0x36: {  	_ = 	snop;
	(pc) =	sbr.rel @!p0 .LBB2_14-.Ltmp5, $1  }
0x37: {  	_ =	sdelay $0x3  }
.LBB2_6:
0x38: {  	s0 =	sshll.u32 s25, $0x5  }
0x39: {  	s0 =	sor.u32 s4, s0  }
0x3a: {  	v3 =	vld [tilespmem:s0+$0x8C00];
	_ =	sdelay $0x4  }
0x3b: {  	(v2sf) =	vpush v3, $0x0;
	_ =	sdelay $0x2  }
0x3c: {  	v4 =	vld [tilespmem:s0+$0x9080];
	_ =	sdelay $0x4  }
0x3d: {  	(v2sf) =	vpush v4, $0x0;
	_ =	sdelay $0x6  }
0x3e: {  	s26 =	spop (v2sf)  }
0x3f: {  	s31 =	sadd.s32 $0x7F, s26  }
0x40: {  	s28 =	sshra.s32 s31, $0x7  }
0x41: {  	p0 =	slt.s32 s28, $0x1  }
.Ltmp6:
0x42: {  	_ = 	snop;
	(pc) =	sbr.rel @p0 .LBB2_13-.Ltmp6, $2  }
0x43: {  	_ =	sdelay $0x2  }
0x44: {  	s0 =	spop (v2sf)  }
.Ltmp7:
0x45: {  	(pc) =	sbr.rel .LBB2_8-.Ltmp7, $3  }
0x46: {  	_ = 	snop  }
0x47: {  	s1 =	smul.u32 $0x2800, s25;
	_ =	sdelay $0x1  }
0x48: {  	s30 =	simm.s32 $0x0;
	s31 =	smov.u32 s26;
	s29 =	sadd.s32 s1, s0  }
.LBB2_11:
0x49: {  	v3 =	vmax.f32 v3, v4  }
0x4a: {  	[tilespmem:s15+$0x2830] =	vst v3  }
.LBB2_12:
0x4b: {  	s30 =	sadd.s32 $0x1, s30  }
0x4c: {  	p0 =	sne.s32 s30, s28  }
.Ltmp8:
0x4d: {  	_ = 	snop;
	(pc) =	sbr.rel @!p0 .LBB2_13-.Ltmp8, $2  }
0x4e: {  	_ =	sdelay $0x2  }
0x4f: {  	s31 =	sadd.s32 $0xFFFFFF80, s31  }
.LBB2_8:
0x50: {  	s0 =	sshll.u32 s30, $0x7  }
0x51: {  	s1 =	sadd.s32 s0, s29  }
0x52: {  	s1 =	sshrl.u32 s1, $0x3  }
0x53: {  	s1 =	sadd.s32 s3, s1  }
0x54: {  	[tilespmem:s17], [sflag:$0x2] =	stream.linear.gather [hbm4b:s1+s2], $0x80, $0x38;
	[tilespmem:$0xD700] =	vst v63  }
0x55: {  	_ =	swait.ge [sflag:s14], $0x80  }
0x56: {  	[sflag:s14] =	ssyncset.done $0x0  }
0x57: {  	[sflag:s14] =	ssyncadd.s32 $0xFFFFFF80  }
0x58: {  	v3 =	vld [tilespmem:$0x9500]  }
0x59: {  	v4 =	vld [tilespmem:$0x9510];
	_ =	sdelay $0x1  }
0x5a: {  	v5 =	vld [tilespmem:$0x9520];
	_ =	sdelay $0x1  }
0x5b: {  	v7 =	vld [tilespmem:$0x9530];
	v6 =	vshra.s32 v3, $0xE  }
0x5c: {  	v8 =	vshra.s32 v4, $0xE;
	v3 =	vand.u32 $0x3FFF, v3;
	vm1 =	vgt.s32 v6, $0x0  }
0x5d: {  	v9 =	vld [tilespmem:$0x9540];
	v3 =	vsub.s32 v3, v0;
	v6 =	vnsel vm1, $0x0, v6;
	vm1 =	vgt.s32 v8, $0x0  }
0x5e: {  	v44 =	vshra.s32 v5, $0xE;
	[tilespmem:$0x9600] =	vst v3;
	v6 =	vmin.u32 v6, $0x27FF;
	v43 =	vnsel vm1, $0x0, v8  }
0x5f: {  	v45 =	vld [tilespmem:$0x9550];
	v4 =	vand.u32 $0x3FFF, v4;
	vm1 =	vgt.s32 v44, $0x0;
	[tilespmem:$0x9580] =	vst v6;
	v3 =	vmin.u32 v43, $0x27FF  }
0x60: {  	v47 =	vshra.s32 v7, $0xE;
	v46 =	vnsel vm1, $0x0, v44;
	[tilespmem:$0x9590] =	vst v3;
	v3 =	vsub.s32 v4, v0  }
0x61: {  	v49 =	vld [tilespmem:$0x9560];
	v48 =	vand.u32 $0x3FFF, v5;
	vm1 =	vgt.s32 v47, $0x0;
	[tilespmem:$0x9610] =	vst v3;
	v3 =	vmin.u32 v46, $0x27FF  }
0x62: {  	v51 =	vshra.s32 v9, $0xE;
	v50 =	vnsel vm1, $0x0, v47;
	[tilespmem:$0x95A0] =	vst v3;
	v3 =	vsub.s32 v48, v0  }
0x63: {  	v53 =	vld [tilespmem:$0x9570];
	v52 =	vand.u32 $0x3FFF, v7;
	vm1 =	vgt.s32 v51, $0x0;
	[tilespmem:$0x9620] =	vst v3;
	v3 =	vmin.u32 v50, $0x27FF  }
0x64: {  	v55 =	vshra.s32 v45, $0xE;
	v54 =	vnsel vm1, $0x0, v51;
	[tilespmem:$0x95B0] =	vst v3;
	v3 =	vsub.s32 v52, v0  }
0x65: {  	v56 =	vand.u32 $0x3FFF, v9;
	vm1 =	vgt.s32 v55, $0x0;
	[tilespmem:$0x9630] =	vst v3;
	v3 =	vmin.u32 v54, $0x27FF  }
0x66: {  	v58 =	vshra.s32 v49, $0xE;
	v57 =	vnsel vm1, $0x0, v55;
	[tilespmem:$0x95C0] =	vst v3;
	v3 =	vsub.s32 v56, v0  }
0x67: {  	v59 =	vand.u32 $0x3FFF, v45;
	vm1 =	vgt.s32 v58, $0x0;
	[tilespmem:$0x9640] =	vst v3;
	v3 =	vmin.u32 v57, $0x27FF  }
0x68: {  	v61 =	vshra.s32 v53, $0xE;
	v60 =	vnsel vm1, $0x0, v58;
	[tilespmem:$0x95D0] =	vst v3;
	v3 =	vsub.s32 v59, v0  }
0x69: {  	v62 =	vand.u32 $0x3FFF, v49;
	vm1 =	vgt.s32 v61, $0x0;
	[tilespmem:$0x9650] =	vst v3;
	v3 =	vmin.u32 v60, $0x27FF  }
0x6a: {  	v4 =	vsub.s32 v62, v0;
	[tilespmem:$0x95E0] =	vst v3;
	v3 =	vnsel vm1, $0x0, v61  }
0x6b: {  	s0 =	ssub.s32 s26, s0;
	v63 =	vand.u32 $0x3FFF, v53;
	[tilespmem:$0x9660] =	vst v4;
	v3 =	vmin.u32 v3, $0x27FF  }
0x6c: {  	p0 =	slt.s32 s0, $0x1;
	[tilespmem:$0x95F0] =	vst v3;
	v3 =	vsub.s32 v63, v0  }
.Ltmp9:
0x6d: {  	[tilespmem:$0x9670] =	vst v3;
	(pc) =	sbr.rel @p0 .LBB2_12-.Ltmp9, $4  }
0x6e: {  	[tilespmem:s20], [sflag:$0x1] =	stream.indirect.gather [hbm4b:s7+s18], $0x80, s19, s18, $0xb8;
	[tilespmem:$0xD700] =	vst v63  }
0x6f: {  	_ =	swait.ge [sflag:s21], $0x4000  }
0x70: {  	[sflag:s21] =	ssyncset.done $0x0  }
0x71: {  	[sflag:s21] =	ssyncadd.s32 $0xFFFFC000  }
0x72: {  	s0 =	simm.s32 $0x9600  }
0x73: {  	v3 =	vld [tilespmem:s0+$0x0];
	_ =	sdelay $0x4  }
0x74: {  	(v2sf) =	vpush v3, $0x0;
	_ =	sdelay $0xe  }
0x75: {  	s1 =	simm.s32 $0x9720;
	s13 =	spop (v2sf)  }
0x76: {  	v3 =	vld [tilespmem:s1+$0x20];
	s15 =	sshll.u32 s13, $0x4  }
0x77: {  	v4 =	vld [tilespmem:s15+$0x7800];
	_ =	sdelay $0x4  }
0x78: {  	v3 =	vadd.f32 v4, v3;
	_ =	sdelay $0x1  }
0x79: {  	v4 =	vmul.f32 $2.000000030e-01, v3;
	_ =	sdelay $0x1  }
0x7a: {  	v4 =	vmax.f32 v3, v4  }
0x7b: {  	v4 =	vmul.f32 $1.442695020e+00, v4;
	_ =	sdelay $0x1  }
0x7c: {  	(erf) = vpow2.f32 v4;
	_ =	sdelay $0x4  }
0x7d: {  	v4 =	vld [tilespmem:s15+$0x1400]  }
0x7e: {  	v5 =	vld [tilespmem:s15+$0x0];
	_ =	sdelay $0x2  }
0x7f: {  	v6 =	vpop (erf)  }
0x80: {  	v4 =	vadd.f32 $1.000000000e+00, v4;
	v3 =	vsel vm0, v3, v6  }
0x81: {  	v3 =	vadd.f32 v3, v5  }
0x82: {  	s13 =	sshll.u32 s13, $0x8;
	[tilespmem:s15+$0x1400] =	vst v4  }
0x83: {  	[tilespmem:s15+$0x0] =	vst v3;
	s15 =	sshra.s32 s13, $0x2  }
0x84: {  	v3 =	vld [tilespmem:s15+$0x2800]  }
0x85: {  	v4 =	vld [tilespmem:s1+$0xFFFFFFE0];
	_ =	sdelay $0x4  }
0x86: {  	v3 =	vmax.f32 v3, v4  }
0x87: {  	[tilespmem:s15+$0x2800] =	vst v3;
	v3 =	vld [tilespmem:s15+$0x2810]  }
0x88: {  	v4 =	vld [tilespmem:s1+$0xFFFFFFF0];
	_ =	sdelay $0x4  }
0x89: {  	v3 =	vmax.f32 v3, v4  }
0x8a: {  	[tilespmem:s15+$0x2810] =	vst v3;
	v3 =	vld [tilespmem:s15+$0x2820]  }
0x8b: {  	v4 =	vld [tilespmem:s1+$0x0];
	_ =	sdelay $0x2  }
0x8c: {  	p0 =	sgt.s32 s31, $0x1;
	s13 =	smov.u32 s31  }
0x8d: {  	s13 =	simm.s32 @!p0 $0x1  }
0x8e: {  	s13 =	smin.u32 s13, $0x80;
	v3 =	vmax.f32 v3, v4  }
0x8f: {  	p0 =	sne.s32 s13, $0x1;
	[tilespmem:s15+$0x2820] =	vst v3;
	v3 =	vld [tilespmem:s15+$0x2830]  }
.Ltmp10:
0x90: {  	v4 =	vld [tilespmem:s1+$0x10];
	(pc) =	sbr.rel @!p0 .LBB2_11-.Ltmp10, $2  }
0x91: {  	_ =	sdelay $0x2  }
0x92: {  	s13 =	sadd.s32 $0xFFFFFFFF, s13  }
.LBB2_10:
0x93: {  	p0 =	sne.s32 s13, $0x1;
	v3 =	vmax.f32 v3, v4;
	s0 =	sadd.s32 $0x1, s0;
	s1 =	sadd.s32 $0x80, s1  }
0x94: {  	s13 =	sadd.s32 $0xFFFFFFFF, s13;
	[tilespmem:s15+$0x2830] =	vst v3  }
0x95: {  	v3 =	vld [tilespmem:s0+$0x0];
	_ =	sdelay $0x4  }
0x96: {  	(v2sf) =	vpush v3, $0x0;
	_ =	sdelay $0xe  }
0x97: {  	s15 =	spop (v2sf)  }
0x98: {  	v3 =	vld [tilespmem:s1+$0x20];
	s16 =	sshll.u32 s15, $0x4;
	s15 =	sshll.u32 s15, $0x8  }
0x99: {  	v4 =	vld [tilespmem:s16+$0x7800];
	_ =	sdelay $0x4  }
0x9a: {  	v3 =	vadd.f32 v4, v3;
	_ =	sdelay $0x1  }
0x9b: {  	v4 =	vmul.f32 $2.000000030e-01, v3;
	_ =	sdelay $0x1  }
0x9c: {  	v4 =	vmax.f32 v3, v4  }
0x9d: {  	v4 =	vmul.f32 $1.442695020e+00, v4;
	_ =	sdelay $0x1  }
0x9e: {  	(erf) = vpow2.f32 v4;
	_ =	sdelay $0x4  }
0x9f: {  	v4 =	vld [tilespmem:s16+$0x1400]  }
0xa0: {  	v5 =	vld [tilespmem:s16+$0x0];
	_ =	sdelay $0x2  }
0xa1: {  	v6 =	vpop (erf)  }
0xa2: {  	v3 =	vsel vm0, v3, v6;
	v4 =	vadd.f32 $1.000000000e+00, v4  }
0xa3: {  	v3 =	vadd.f32 v3, v5  }
0xa4: {  	[tilespmem:s16+$0x1400] =	vst v4  }
0xa5: {  	s15 =	sshra.s32 s15, $0x2;
	[tilespmem:s16+$0x0] =	vst v3  }
0xa6: {  	v3 =	vld [tilespmem:s15+$0x2800]  }
0xa7: {  	v4 =	vld [tilespmem:s1+$0xFFFFFFE0];
	_ =	sdelay $0x4  }
0xa8: {  	v3 =	vmax.f32 v3, v4  }
0xa9: {  	[tilespmem:s15+$0x2800] =	vst v3;
	v3 =	vld [tilespmem:s15+$0x2810]  }
0xaa: {  	v4 =	vld [tilespmem:s1+$0xFFFFFFF0];
	_ =	sdelay $0x4  }
0xab: {  	v3 =	vmax.f32 v3, v4  }
0xac: {  	[tilespmem:s15+$0x2810] =	vst v3;
	v3 =	vld [tilespmem:s15+$0x2820]  }
0xad: {  	v4 =	vld [tilespmem:s1+$0x0];
	_ =	sdelay $0x2  }
.Ltmp11:
0xae: {  	(pc) =	sbr.rel @p0 .LBB2_10-.Ltmp11, $4  }
0xaf: {  	_ = 	snop  }
0xb0: {  	v3 =	vmax.f32 v3, v4  }
0xb1: {  	[tilespmem:s15+$0x2820] =	vst v3;
	v3 =	vld [tilespmem:s15+$0x2830]  }
0xb2: {  	v4 =	vld [tilespmem:s1+$0x10]  }
.Ltmp12:
0xb3: {  	_ = 	snop;
	(pc) =	sbr.rel .LBB2_11-.Ltmp12, $1  }
0xb4: {  	_ =	sdelay $0x3  }
.LBB2_15:
0xb5: {  	_ =	sfence.sel $0x180000  }
0xb6: {  	[bflag:$0x0] =	sbarrier.arrive $0xFFFF  }
0xb7: {  	_ =	strace $0x9000004A  }
0xb8: {  	s0 =	stileid.u32;
	[bflag:$0x2] =	sbarrier.arrive $0xFFFF  }
0xb9: {  	p0 =	sne.s32 s0, $0x0;
	s0 =	rddreg [dreg:$0x2]  }
0xba: {  	s0 =	sadd.s32 @!p0 $0x100000, s0  }
0xbb: {  	[sflag:s0] =	ssyncadd.tile.s32 @!p0 $0x1;
	_ =	shalt  }
.Lfunc_end2:
_tile_overlayer_lowered:
.L_overlay_start_2:
0xbc: {  	(tag) =	ssettag $0x2  }
0xbd: {  	s0 =	rddreg [dreg:$0x0];
	s2 =	stileid.u32  }
0xbe: {  	s1 =	rddreg [dreg:$0x1];
	p0 =	sne.s32 s2, $0x0  }
0xbf: {  	s3 =	rddreg [dreg:$0x2];
	[bflag:$0x3] =	sbarrier.arrive $0xFFFF;
	s2 =	simm.s32 @!p0 $0x1C02  }
0xc0: {  	[timem:s3], [sflag:s2] =	dma.local @!p0 [hbm:s0], s1  }
0xc1: {  	s0 =	simm.s32 @!p0 $0x2  }
0xc2: {  	_ =	swait.ge @!p0 [sflag:s0], s1  }
0xc3: {  	s1 =	ssub.s32 @!p0 $0x0, s1;
	[sflag:s0] =	ssyncset.done @!p0 $0x0  }
0xc4: {  	[sflag:s0] =	ssyncadd.s32 @!p0 s1  }
0xc5: {  	[bflag:$0x3] =	sbarrier.arrive $0xFFFF  }
0xc6: {  	_ =	shalt  }

// kernel: kernel.14.cloned.1.call-start
scs
__scs_entry_jumppad:
0x0: {  	(pc) =	sbr.rel $0x88, $3  }
0x1: {  	(tag) =	ssettag $0x0;
	lr =	simm.s32 $0x1  }
0x2: {  	[smem:$0x3F96] =	sst lr;
	_ =	strace $0xD0000000  }
0x3: {  	_ = 	snop  }
0x4: {  	_ = 	snop  }
0x5: {  	_ = 	snop  }
0x6: {  	_ = 	snop  }
0x7: {  	_ = 	snop  }
__scs_overlays_trampoline_lowered:
0x8: {  	[smem:$0x3FA5] =	sst s0  }
0x9: {  	[smem:$0x3FA6] =	sst s1  }
0xa: {  	[smem:$0x3FA7] =	sst s2  }
0xb: {  	[smem:$0x3FA8] =	sst s3  }
0xc: {  	[smem:$0x3FA9] =	sst s4  }
0xd: {  	[smem:$0x3FAA] =	sst s5  }
0xe: {  	[smem:$0x3FAB] =	sst s6  }
0xf: {  	[smem:$0x3FAC] =	sst s7  }
0x10: {  	[smem:$0x3FAD] =	sst s8  }
0x11: {  	[smem:$0x3FAE] =	sst s9;
	s0 =	simm.s32 @!p0 $0x0  }
0x12: {  	s1 =	sld [smem:$0x3F94];
	s0 =	simm.s32 @p0 $0x1  }
0x13: {  	[smem:$0x3FAF] =	sst s0;
	s0 =	simm.s32 @!p1 $0x0  }
0x14: {  	s2 =	sld [smem:$0x3F93];
	s0 =	simm.s32 @p1 $0x1  }
0x15: {  	[smem:$0x3FB0] =	sst s0;
	s0 =	simm.s32 @!p2 $0x0  }
0x16: {  	s3 =	sld [smem:$0x3FDB];
	s0 =	simm.s32 @p2 $0x1  }
0x17: {  	s4 =	simm.s32 $0x1BF5;
	[smem:$0x3FB2] =	sst s0  }
0x18: {  	s0 =	sld [smem:$0x3F95];
	_ =	swait.ge [sflag:s4], $0x0  }
0x19: {  	s7 =	sld [smem:$0x3F96]  }
0x1a: {  	s8 =	sadd.s32 $0xFFFFE003, lr  }
0x1b: {  	s9 =	sadd.s32 $0xFFFFFEF7, lr;
	s5 =	simm.s32 $0xFFFFFFFF;
	p2 =	slt.u32 s8, $0xFFFFF086  }
0x1c: {  	p1 =	slt.u32 s9, $0xF7A;
	s5 =	simm.s32 @!p2 $0x0  }
0x1d: {  	s5 =	simm.s32 @p1 $0x1;
	p0 =	seq.s32 s7, s2  }
0x1e: {  	s7 =	smul.u32 @!p0 $0xF7A, s2;
	p2 =	seq.s32 @!p0 s5, $0x0  }
0x1f: {  	s9 =	smul.u32 $0xF7A, s1;
	s8 =	simm.s32 @!p0 $0x1BF5;
	p2 =	por !p2, p0  }
0x20: {  	[sflag:s8] =	ssyncset.s32 @!p0 $0xFFFFF086;
	s6 =	sadd.s32 @!p0 s3, s7;
	s7 =	simm.s32 @!p0 $0x108  }
0x21: {  	s3 =	sadd.s32 s3, s9;
	s6 =	sadd.s32 @!p0 $0x88, s6;
	s7 =	simm.s32 @p2 $0x1082  }
0x22: {  	[simem:s7], [sflag:s8] =	dma.local @!p0 [hbm:s6], $0xF7A  }
0x23: {  	s9 =	sor.u32 $0xD0000000, s2;
	s6 =	simm.s32 $0x108;
	_ =	swait.ge @!p0 [sflag:s8], $0x0  }
0x24: {  	s3 =	sadd.s32 $0x88, s3;
	s6 =	simm.s32 @!p1 $0x1082;
	[sflag:s4] =	ssyncset.s32 $0xFFFFF086  }
0x25: {  	[simem:s6], [sflag:s4] =	dma.local [hbm:s3], $0xF7A  }
0x26: {  	[smem:$0x3F96] =	sst s1;
	(tag) =	ssettag s2;
	_ =	strace s9  }
0x27: {  	s1 =	sld [smem:$0x3FA6]  }
0x28: {  	s2 =	sld [smem:$0x3FA7]  }
0x29: {  	s4 =	sld [smem:$0x3FA9]  }
0x2a: {  	p0 =	seq.s32 s5, $0x0;
	s5 =	sld [smem:$0x3FAA]  }
0x2b: {  	s6 =	sld [smem:$0x3FAB]  }
0x2c: {  	s7 =	sld [smem:$0x3FAC]  }
0x2d: {  	s3 =	simm.s32 $0x108;
	s8 =	sld [smem:$0x3FAD]  }
0x2e: {  	s3 =	simm.s32 @!p0 $0x1082;
	s9 =	sld [smem:$0x3FAE]  }
0x2f: {  	lr =	sadd.s32 s0, s3;
	s0 =	sld [smem:$0x3FA5]  }
0x30: {  	s3 =	sld [smem:$0x3FA8]  }
0x31: {  	[smem:$0x3FB1] =	sst s10  }
0x32: {  	s10 =	sld [smem:$0x3FAF];
	_ =	sdelay $0x3  }
0x33: {  	p0 =	seq.s32 s10, $0x1;
	s10 =	sld [smem:$0x3FB1];
	_ =	sdelay $0x3  }
0x34: {  	[smem:$0x3FB1] =	sst s10  }
0x35: {  	s10 =	sld [smem:$0x3FB0];
	_ =	sdelay $0x3  }
0x36: {  	p1 =	seq.s32 s10, $0x1;
	s10 =	sld [smem:$0x3FB1];
	_ =	sdelay $0x3  }
0x37: {  	[smem:$0x3FB1] =	sst s10  }
0x38: {  	s10 =	sld [smem:$0x3FB2]  }
0x39: {  	_ = 	snop;
	(pc) =	sbr.ind lr, $3  }
0x3a: {  	_ = 	snop  }
0x3b: {  	_ = 	snop  }
0x3c: {  	p2 =	seq.s32 s10, $0x1;
	s10 =	sld [smem:$0x3FB1]  }
0x3d: {  	_ =	shalt  }
0x3e: {  	_ =	shalt  }
0x3f: {  	_ =	shalt  }
0x40: {  	_ =	shalt  }
0x41: {  	_ =	shalt  }
0x42: {  	_ =	shalt  }
0x43: {  	_ =	shalt  }
0x44: {  	_ =	shalt  }
0x45: {  	_ =	shalt  }
0x46: {  	_ =	shalt  }
0x47: {  	_ =	shalt  }
0x48: {  	_ =	shalt  }
0x49: {  	_ =	shalt  }
0x4a: {  	_ =	shalt  }
0x4b: {  	_ =	shalt  }
0x4c: {  	_ =	shalt  }
0x4d: {  	_ =	shalt  }
0x4e: {  	_ =	shalt  }
0x4f: {  	_ =	shalt  }
0x50: {  	_ =	shalt  }
0x51: {  	_ =	shalt  }
0x52: {  	_ =	shalt  }
0x53: {  	_ =	shalt  }
0x54: {  	_ =	shalt  }
0x55: {  	_ =	shalt  }
0x56: {  	_ =	shalt  }
0x57: {  	_ =	shalt  }
0x58: {  	_ =	shalt  }
0x59: {  	_ =	shalt  }
0x5a: {  	_ =	shalt  }
0x5b: {  	_ =	shalt  }
0x5c: {  	_ =	shalt  }
0x5d: {  	_ =	shalt  }
0x5e: {  	_ =	shalt  }
0x5f: {  	_ =	shalt  }
0x60: {  	_ =	shalt  }
0x61: {  	_ =	shalt  }
0x62: {  	_ =	shalt  }
0x63: {  	_ =	shalt  }
0x64: {  	_ =	shalt  }
0x65: {  	_ =	shalt  }
0x66: {  	_ =	shalt  }
0x67: {  	_ =	shalt  }
0x68: {  	_ =	shalt  }
0x69: {  	_ =	shalt  }
0x6a: {  	_ =	shalt  }
0x6b: {  	_ =	shalt  }
0x6c: {  	_ =	shalt  }
0x6d: {  	_ =	shalt  }
0x6e: {  	_ =	shalt  }
0x6f: {  	_ =	shalt  }
0x70: {  	_ =	shalt  }
0x71: {  	_ =	shalt  }
0x72: {  	_ =	shalt  }
0x73: {  	_ =	shalt  }
0x74: {  	_ =	shalt  }
0x75: {  	_ =	shalt  }
0x76: {  	_ =	shalt  }
0x77: {  	_ =	shalt  }
0x78: {  	_ =	shalt  }
0x79: {  	_ =	shalt  }
0x7a: {  	_ =	shalt  }
0x7b: {  	_ =	shalt  }
0x7c: {  	_ =	shalt  }
0x7d: {  	_ =	shalt  }
0x7e: {  	_ =	shalt  }
0x7f: {  	_ =	shalt  }
0x80: {  	_ =	shalt  }
0x81: {  	_ =	shalt  }
0x82: {  	_ =	shalt  }
0x83: {  	_ =	shalt  }
0x84: {  	_ =	shalt  }
0x85: {  	_ =	shalt  }
0x86: {  	_ =	shalt  }
0x87: {  	_ =	shalt  }
.Lfunc_end0:
.L_simem_size_0:
called_computation.2_lowered:
.L_overlay_start_0:
0x88: {  	s2 =	sld [smem:$0x3FD9]  }
0x89: {  	s3 =	sld [smem:$0x3FFE];
	_ =	sdelay $0x1  }
0x8a: {  	s1 =	srdreg.scid  }
0x8b: {  	s0 =	sand.u32 $0x1, s1  }
0x8c: {  	s17 =	sshll.u32 s0, $0xA;
	s2 =	sadd.s32 s3, s2  }
0x8d: {  	s2 =	sadd.s32 s2, s17  }
0x8e: {  	[smem:$0x3FBD] =	sst s2  }
0x8f: {  	_ = 	snop  }
0x90: {  	s2 =	sld [smem:$0x3FD0];
	(tm) =	ssettm $0x1  }
0x91: {  	s18 =	sld [smem:$0x3FFB];
	_ =	sdelay $0x3  }
0x92: {  	_ =	strace s18  }
0x93: {  	s3 =	sld [smem:$0x3FFC];
	_ =	sdelay $0x3  }
0x94: {  	_ =	strace s3  }
0x95: {  	s3 =	sld [smem:$0x3FFD];
	_ =	sdelay $0x3  }
0x96: {  	_ =	strace s3  }
0x97: {  	_ =	strace $0x8FFFFFFF  }
0x98: {  	s19 =	sld [smem:$0x3FDB];
	_ =	sdelay $0x1  }
0x99: {  	s4 =	simm.s32 $_scs_section_size  }
0x9a: {  	s5 =	simm.s32 $_size__tile_overlayer_lowered;
	s6 =	simm.s32 $_tile_overlayer_lowered  }
0x9b: {  	s22 =	simm.s32 $0x1BFF;
	s21 =	sshll.u32 s6, $0x1;
	s3 =	sadd.s32 s4, s19  }
0x9c: {  	s7 =	simm.s32 $0x0;
	s20 =	sshll.u32 s5, $0x1;
	s5 =	sadd.s32 s21, s3  }
0x9d: {  	[timem:s7], [sflag:s22] =	dma.local [hbm:s5], s20  }
0x9e: {  	_ =	swait.ge [sflag:s22], s20  }
0x9f: {  	s4 =	ssub.s32 $0x0, s20;
	[sflag:s22] =	ssyncset.done $0x0  }
0xa0: {  	[sflag:s22] =	ssyncadd.s32 s4;
	_ =	sdelay $0x1  }
0xa1: {  	s23 =	simm.s32 $0x1B8B  }
0xa2: {  	_ =	swait.ge [sflag:s23], $0x1  }
0xa3: {  	[sflag:s23] =	ssyncset.done $0x0  }
0xa4: {  	s25 =	simm.s32 $0x1B8E;
	s24 =	sld [smem:$0x3FFE];
	[sflag:s23] =	ssyncadd.s32 $0xFFFFFFFF  }
0xa5: {  	s26 =	simm.s32 $execute0_lowered;
	[smem:$0x3FD2] =	sst s25  }
0xa6: {  	s5 =	sshll.u32 s26, $0x1;
	_ =	strace $0x8000004C;
	[dreg:$0x1] =	wrdreg $0xFFFFFFFF  }
0xa7: {  	s28 =	simm.s32 $_size_execute0_lowered;
	s3 =	sadd.s32 s3, s5;
	[dreg:$0x0] =	wrdreg $0x0  }
0xa8: {  	s5 =	sshll.u32 s28, $0x1;
	[dreg:$0x2] =	wrdreg s3  }
0xa9: {  	[dreg:$0x3] =	wrdreg s5  }
0xaa: {  	[dreg:$0x4] =	wrdreg $0xC0  }
0xab: {  	_ =	task [dreg:s7], $0x5FFFF  }
0xac: {  	[dreg:$0x1] =	wrdreg $0xFFFFFFFF  }
0xad: {  	[dreg:$0x0] =	wrdreg $0x60  }
0xae: {  	[dreg:$0x2] =	wrdreg s24  }
0xaf: {  	[dreg:$0x3] =	wrdreg s2  }
0xb0: {  	[dreg:$0x4] =	wrdreg $0x9  }
0xb1: {  	_ =	task.clear_ibuf [dreg:s7], $0x5FFFF;
	_ =	strace $0x9000004C  }
0xb2: {  	s29 =	simm.s32 $0x9;
	_ =	strace $0x8000004E  }
0xb3: {  	_ =	swait.ge [sflag:s29], $0x1  }
0xb4: {  	[sflag:s29] =	ssyncadd.s32 $0xFFFFFFFF  }
0xb5: {  	_ =	strace $0x9000004E  }
0xb6: {  	_ =	sfence  }
0xb7: {  	s30 =	sld [smem:$0x0];
	_ =	sdelay $0x2  }
0xb8: {  	s31 =	sshll.u32 s1, $0xD;
	s1 =	sshrl.u32 s1, $0x2  }
0xb9: {  	s3 =	sand.u32 $0x4000, s31;
	s1 =	sadd.s32 s1, s30  }
0xba: {  	s0 =	sor.u32 s3, s0;
	s1 =	sshll.u32 s1, $0x11  }
0xbb: {  	s0 =	sor.u32 s1, s0  }
0xbc: {  	s0 =	sadd.s32 $0x8F2B, s0  }
0xbd: {  	[sflag:s0] =	ssyncadd.remote.s32 $0x1  }
0xbe: {  	_ =	sfence.sel $0xFFFF  }
0xbf: {  	[dreg:$0x0] =	wrdreg $0xFFFFFFFF;
	(pc) =	sbr.abs _section_cstart, $3  }
0xc0: {  	[dreg:$0x1] =	wrdreg $0xFFFFFFFF  }
0xc1: {  	_ =	task.clear_ibuf [dreg:s7], $0x2FFFF;
	_ =	strace $0x9FFFFFFF  }
0xc2: {  	(tm) =	ssettm $0x7FFFFFFF  }
0xc3: {  	_ =	shalt  }
tec
execute0_lowered:
.L_overlay_start_1:
0x0: {  	(tag) =	ssettag $0x1  }
0x1: {  	s0 =	rddreg [dreg:$0x0]  }
0x2: {  	s1 =	rddreg [dreg:$0x1];
	s8 =	simm.s32 $0x0;
	s2 =	srdreg.scid  }
0x3: {  	s3 =	stileid.u32;
	s16 =	simm.s32 $0x2;
	s19 =	simm.s32 $0x1  }
0x4: {  	s14 =	simm.s32 $0x15E80;
	s20 =	simm.s32 $0x17280;
	s21 =	simm.s32 $0x17A80  }
0x5: {  	s22 =	simm.s32 $0x18280;
	s23 =	simm.s32 $0x18680;
	s28 =	simm.s32 $0x1A680  }
0x6: {  	[smem:$0x7FF] =	sst s8;
	s2 =	sand.u32 $0x1, s2;
	s4 =	sshll.u32 s3, $0x1  }
0x7: {  	s3 =	sadd.s32 $0xCE00, s0;
	s24 =	sadd.s32 $0x17000, s0;
	s5 =	sadd.s32 $0x17200, s0  }
0x8: {  	s7 =	sadd.s32 $0x17400, s0;
	s10 =	sadd.s32 $0x17600, s0;
	s11 =	sadd.s32 $0x17700, s0  }
0x9: {  	s12 =	sadd.s32 $0x17800, s0;
	_ =	strace $0x8000004D;
	s9 =	sor.u32 s2, s4  }
0xa: {  	[dreg:$0x4] =	wrdreg s24;
	s2 =	ssub.s32 $0x2, s2;
	s25 =	smul.u32 $0x1400, s9  }
0xb: {  	[dreg:$0x5] =	wrdreg s5;
	s24 =	simm.s32 $0x18E80;
	s6 =	smul.u32 $0x500, s9  }
0xc: {  	s26 =	sshrl.u32 s2, $0x1;
	[dreg:$0x3] =	wrdreg s9;
	s29 =	smul.u32 $0x140, s9  }
.Ltmp0:
0xd: {  	s9 =	sadd.s32 $0x17500, s0;
	s2 =	ssub.s32 s2, s26;
	(pc) =	sbr.rel .LBB2_1-.Ltmp0, $4  }
0xe: {  	s26 =	simm.s32 $0x19E80;
	s4 =	sadd.s32 s25, s0;
	s1 =	sadd.s32 s1, s6  }
0xf: {  	v4 =	vlaneseq.u32;
	v1 =	vimm.f32 $0.0e+00;
	vm0 =	vmmov $0xffff;
	s31 =	smax.u32 s2, $0x1;
	s2 =	simm.s32 $0x16280;
	[dreg:$0x6] =	wrdreg s1  }
0x10: {  	vm1 =	vmmov $0xff;
	v3 =	vshrl.u32 v4, $0x3;
	v2 =	vand.u32 $0x7, v4;
	s25 =	simm.s32 $0x19680;
	s30 =	sadd.s32 $0x17F400, s4;
	[dreg:$0x8] =	wrdreg s31  }
0x11: {  	v4 =	vor.u32 $0x8, v4;
	v3 =	vmul.u32 $0x8, v3;
	v0 =	vmov s29;
	s4 =	simm.s32 $0x16A80;
	s1 =	simm.s32 $0x0;
	[dreg:$0x7] =	wrdreg s30  }
.LBB2_12:
0x12: {  	s8 =	simm.s32 $0x0;
	s0 =	rddreg [dreg:$0x7]  }
0x13: {  	[hbm4b:s0+s8] =	stream.linear.scatter [tilespmem:s8], [sflag:$0x2], $0xA000, $0x38;
	[tilespmem:$0x1AA80] =	vst v63  }
0x14: {  	_ =	swait.ge [sflag:s16], $0xA000  }
0x15: {  	s1 =	rddreg [dreg:$0x9]  }
0x16: {  	s31 =	rddreg [dreg:$0x8];
	s1 =	sadd.s32 $0x1, s1  }
0x17: {  	p0 =	sne.s32 s1, s31  }
.Ltmp1:
0x18: {  	_ = 	snop;
	(pc) =	sbr.rel @!p0 .LBB2_13-.Ltmp1, $3  }
0x19: {  	_ =	sdelay $0x1  }
0x1a: {  	[sflag:s16] =	ssyncset.done $0x0  }
0x1b: {  	[sflag:s16] =	ssyncadd.s32 $0xFFFF6000  }
.LBB2_1:
0x1c: {  	[dreg:$0x9] =	wrdreg s1  }
0x1d: {  	s0 =	rddreg [dreg:$0x4];
	s17 =	simm.s32 $0xC800  }
0x1e: {  	[tilespmem:s17], [sflag:$0x2] =	stream.linear.gather [hbm4b:s0+s8], $0x400, $0x38;
	[tilespmem:$0x1AA80] =	vst v63  }
0x1f: {  	_ =	swait.ge [sflag:s16], $0x400  }
0x20: {  	[sflag:s16] =	ssyncset.done $0x0  }
0x21: {  	s29 =	simm.s32 $0xCC80;
	s18 =	rddreg [dreg:$0x5];
	[sflag:s16] =	ssyncadd.s32 $0xFFFFFC00  }
0x22: {  	[tilespmem:s29], [sflag:$0x2] =	stream.linear.gather [hbm4b:s18+s8], $0x400, $0x38;
	[tilespmem:$0x1AA80] =	vst v63  }
0x23: {  	_ =	swait.ge [sflag:s16], $0x400  }
0x24: {  	[sflag:s16] =	ssyncset.done $0x0  }
0x25: {  	s31 =	simm.s32 $0xA000;
	s30 =	rddreg [dreg:$0x6];
	[sflag:s16] =	ssyncadd.s32 $0xFFFFFC00  }
0x26: {  	[tilespmem:s31], [sflag:$0x2] =	stream.linear.gather [hbm4b:s30+s8], $0x2800, $0x38;
	[tilespmem:$0x1AA80] =	vst v63  }
0x27: {  	_ =	swait.ge [sflag:s16], $0x2800  }
0x28: {  	[sflag:s16] =	ssyncset.done $0x0  }
0x29: {  	s1 =	simm.s32 $0x200;
	s0 =	simm.s32 $0x0;
	[sflag:s16] =	ssyncadd.s32 $0xFFFFD800  }
.LBB2_2:
0x2a: {  	p0 =	sne.s32 s1, $0x27E00;
	[tilespmem:s0+$0x70] =	vst v1  }
0x2b: {  	[tilespmem:s0+$0x0] =	vst v1  }
0x2c: {  	[tilespmem:s0+$0x10] =	vst v1  }
.Ltmp2:
0x2d: {  	[tilespmem:s0+$0x20] =	vst v1;
	(pc) =	sbr.rel @p0 .LBB2_2-.Ltmp2, $4  }
0x2e: {  	[tilespmem:s0+$0x30] =	vst v1  }
0x2f: {  	[tilespmem:s0+$0x40] =	vst v1  }
0x30: {  	[tilespmem:s0+$0x50] =	vst v1  }
0x31: {  	[tilespmem:s0+$0x60] =	vst v1;
	s0 =	sshra.s32 s1, $0x2;
	s1 =	sadd.s32 $0x200, s1  }
0x32: {  	[tilespmem:s0+$0x70] =	vst v1  }
0x33: {  	[tilespmem:s0+$0x0] =	vst v1  }
0x34: {  	[tilespmem:s0+$0x10] =	vst v1  }
.Ltmp3:
0x35: {  	[tilespmem:s0+$0x20] =	vst v1;
	(pc) =	sbr.rel .LBB2_4-.Ltmp3, $4  }
0x36: {  	[tilespmem:s0+$0x30] =	vst v1  }
0x37: {  	[tilespmem:s0+$0x40] =	vst v1  }
0x38: {  	[tilespmem:s0+$0x50] =	vst v1  }
0x39: {  	s1 =	simm.s32 $0x0;
	[tilespmem:s0+$0x60] =	vst v1  }
.LBB2_11:
0x3a: {  	s1 =	rddreg [dreg:$0xa]  }
0x3b: {  	s1 =	sadd.s32 $0x1, s1  }
0x3c: {  	p0 =	sne.s32 s1, $0x20  }
.Ltmp4:
0x3d: {  	_ = 	snop;
	(pc) =	sbr.rel @!p0 .LBB2_12-.Ltmp4, $1  }
0x3e: {  	_ =	sdelay $0x3  }
.LBB2_4:
0x3f: {  	s0 =	sshll.u32 s1, $0x5;
	s29 =	rddreg [dreg:$0x3]  }
0x40: {  	s0 =	sor.u32 s29, s0  }
0x41: {  	v5 =	vld [tilespmem:s0+$0xC800];
	_ =	sdelay $0x4  }
0x42: {  	(v2sf) =	vpush v5, $0x0;
	_ =	sdelay $0xe  }
0x43: {  	v5 =	vld [tilespmem:s0+$0xCC80];
	s0 =	spop (v2sf)  }
0x44: {  	s31 =	sadd.s32 $0x2F, s0  }
0x45: {  	s5 =	smulhi.u32 $0x2AAAAAAB, s31;
	s6 =	sshra.s32 s31, $0x1F  }
0x46: {  	s6 =	smul.u32 $0x2AAAAAAB, s6;
	_ =	sdelay $0x1  }
0x47: {  	(v2sf) =	vpush v5, $0x0;
	s5 =	sadd.s32 s6, s5  }
0x48: {  	s6 =	sshrl.u32 s5, $0x1F;
	s5 =	sshra.s32 s5, $0x3  }
0x49: {  	s5 =	sadd.s32 s6, s5  }
0x4a: {  	s6 =	smul.u32 $0xFFFFFFD0, s5  }
0x4b: {  	s8 =	ssub.s32 $0xFFFFFFD1, s0  }
0x4c: {  	p0 =	slt.s32 s31, $0x1;
	p1 =	sne.s32 s6, s8  }
0x4d: {  	p0 =	por !p0, !p1  }
0x4e: {  	[dreg:$0xa] =	wrdreg s1;
	s1 =	simm.s32 $0x1;
	p0 =	por !p0, !p0  }
0x4f: {  	s1 =	simm.s32 @!p0 $0x0  }
0x50: {  	s30 =	ssub.s32 s5, s1  }
0x51: {  	p0 =	slt.s32 s30, $0x1  }
.Ltmp5:
0x52: {  	_ = 	snop;
	(pc) =	sbr.rel @p0 .LBB2_11-.Ltmp5, $2  }
0x53: {  	_ =	sdelay $0x2  }
0x54: {  	s1 =	spop (v2sf)  }
.Ltmp6:
0x55: {  	(pc) =	sbr.rel .LBB2_6-.Ltmp6, $3  }
0x56: {  	s5 =	rddreg [dreg:$0xa]  }
0x57: {  	s5 =	smul.u32 $0x2800, s5;
	_ =	sdelay $0x1  }
0x58: {  	s29 =	smov.u32 s0;
	s31 =	sadd.s32 s5, s1;
	s1 =	simm.s32 $0x0  }
.LBB2_9:
0x59: {  	[tilespmem:s18+$0x70] =	vst v5  }
.LBB2_10:
0x5a: {  	s1 =	sadd.s32 $0x1, s1  }
0x5b: {  	p0 =	sne.s32 s1, s30  }
.Ltmp7:
0x5c: {  	_ = 	snop;
	(pc) =	sbr.rel @!p0 .LBB2_11-.Ltmp7, $2  }
0x5d: {  	_ =	sdelay $0x2  }
0x5e: {  	s29 =	sadd.s32 $0xFFFFFFD0, s29  }
.LBB2_6:
0x5f: {  	s5 =	smul.u32 $0x30, s1;
	_ =	sdelay $0x1  }
0x60: {  	s6 =	sadd.s32 s5, s31  }
0x61: {  	s6 =	sshrl.u32 s6, $0x3  }
0x62: {  	s15 =	simm.s32 $0x0;
	s8 =	simm.s32 $0xD100;
	s6 =	sadd.s32 s3, s6  }
0x63: {  	[tilespmem:s8], [sflag:$0x2] =	stream.linear.gather [hbm4b:s6+s15], $0x30, $0x38;
	[tilespmem:$0x1AA80] =	vst v63  }
0x64: {  	_ =	swait.ge [sflag:s16], $0x30  }
0x65: {  	[sflag:s16] =	ssyncset.done $0x0  }
0x66: {  	[sflag:s16] =	ssyncadd.s32 $0xFFFFFFD0  }
0x67: {  	v5 =	vld [tilespmem:$0xD100];
	_ =	sdelay $0x4  }
0x68: {  	v6 =	vshra.s32 v5, $0xE  }
0x69: {  	vm2 =	vgt.s32 v6, $0x0  }
0x6a: {  	v6 =	vnsel vm2, $0x0, v6  }
0x6b: {  	v6 =	vmin.u32 v6, $0x27FF  }
0x6c: {  	[tilespmem:$0xD180] =	vst v6  }
0x6d: {  	v6 =	vld [tilespmem:$0xD180];
	_ =	sdelay $0x1  }
0x6e: {  	v7 =	vld [tilespmem:$0xD110]  }
0x6f: {  	v8 =	vld [tilespmem:$0xD120];
	_ =	sdelay $0x1  }
0x70: {  	v9 =	vshrl.u32 v6, $0x3  }
0x71: {  	v9 =	vmul.u32 $0x48, v9  }
0x72: {  	v10 =	vshra.s32 v7, $0xE;
	v6 =	vand.u32 $0x7, v6  }
0x73: {  	v5 =	vand.u32 $0x3FFF, v5;
	v11 =	vshra.s32 v8, $0xE;
	v6 =	vor.u32 v6, v9  }
0x74: {  	v5 =	vsub.s32 v5, v0;
	vm2 =	vgt.s32 v10, $0x0;
	v62 =	vperm.xlane v6, v2  }
0x75: {  	[tilespmem:$0xD200] =	vst v5;
	v5 =	vand.u32 $0x3FFF, v7;
	v61 =	vnsel vm2, $0x0, v10;
	vm2 =	vgt.s32 v11, $0x0  }
0x76: {  	v5 =	vsub.s32 v5, v0;
	v63 =	vnsel vm2, $0x0, v11;
	v7 =	vadd.s32 v3, v62  }
0x77: {  	v8 =	vand.u32 $0x3FFF, v8;
	[tilespmem:$0xD210] =	vst v5;
	v5 =	vmin.u32 v63, $0x27FF  }
0x78: {  	[tilespmem:$0xD1A0] =	vst v5;
	v5 =	vsub.s32 v8, v0  }
0x79: {  	[tilespmem:$0xD220] =	vst v5;
	v9 =	vmin.u32 v61, $0x27FF  }
0x7a: {  	s13 =	simm.s32 $0xD280;
	[tilespmem:$0xD190] =	vst v9  }
0x7b: {  	[tilespmem:s13], [sflag:$0x1] =	stream.indirect_vreg.gather [hbm4b:s7+s15], $0x80, v7, vm0, $0xb8;
	[tilespmem:$0x1AA80] =	vst v63  }
0x7c: {  	s17 =	simm.s32 $0xDA80  }
0x7d: {  	[tilespmem:s17], [sflag:$0x1] =	stream.indirect_vreg.gather [hbm4b:s9+s15], $0x80, v7, vm0, $0xb8;
	[tilespmem:$0x1AA80] =	vst v63  }
0x7e: {  	s18 =	simm.s32 $0xE280;
	v5 =	vperm.xlane v6, v4  }
0x7f: {  	[tilespmem:s18], [sflag:$0x1] =	stream.indirect_vreg.gather [hbm4b:s10+s15], $0x80, v7, vm0, $0xb8;
	[tilespmem:$0x1AA80] =	vst v63  }
0x80: {  	s8 =	simm.s32 $0xEA80;
	v5 =	vadd.s32 v3, v5  }
0x81: {  	[tilespmem:s8], [sflag:$0x1] =	stream.indirect_vreg.gather [hbm4b:s11+s15], $0x80, v7, vm0, $0xb8;
	[tilespmem:$0x1AA80] =	vst v63  }
0x82: {  	s13 =	simm.s32 $0xF280  }
0x83: {  	[tilespmem:s13], [sflag:$0x1] =	stream.indirect_vreg.gather [hbm4b:s12+s15], $0x80, v7, vm1, $0xb8;
	[tilespmem:$0x1AA80] =	vst v63  }
0x84: {  	s17 =	simm.s32 $0xF680  }
0x85: {  	[tilespmem:s17], [sflag:$0x1] =	stream.indirect_vreg.gather [hbm4b:s7+s15], $0x80, v5, vm0, $0xb8;
	[tilespmem:$0x1AA80] =	vst v63  }
0x86: {  	s18 =	simm.s32 $0xFE80  }
0x87: {  	[tilespmem:s18], [sflag:$0x1] =	stream.indirect_vreg.gather [hbm4b:s9+s15], $0x80, v5, vm0, $0xb8;
	[tilespmem:$0x1AA80] =	vst v63  }
0x88: {  	s8 =	simm.s32 $0x10680  }
0x89: {  	[tilespmem:s8], [sflag:$0x1] =	stream.indirect_vreg.gather [hbm4b:s10+s15], $0x80, v5, vm0, $0xb8;
	[tilespmem:$0x1AA80] =	vst v63  }
0x8a: {  	s13 =	simm.s32 $0x10E80  }
0x8b: {  	[tilespmem:s13], [sflag:$0x1] =	stream.indirect_vreg.gather [hbm4b:s11+s15], $0x80, v5, vm0, $0xb8;
	[tilespmem:$0x1AA80] =	vst v63  }
0x8c: {  	s17 =	simm.s32 $0x11680  }
0x8d: {  	[tilespmem:s17], [sflag:$0x1] =	stream.indirect_vreg.gather [hbm4b:s12+s15], $0x80, v5, vm1, $0xb8;
	[tilespmem:$0x1AA80] =	vst v63  }
0x8e: {  	v5 =	vld [tilespmem:$0xD190];
	_ =	sdelay $0x4  }
0x8f: {  	v6 =	vshrl.u32 v5, $0x3  }
0x90: {  	v6 =	vmul.u32 $0x48, v6  }
0x91: {  	v5 =	vand.u32 $0x7, v5  }
0x92: {  	v5 =	vor.u32 v5, v6  }
0x93: {  	v6 =	vperm.xlane v5, v2;
	_ =	sdelay $0x1  }
0x94: {  	v6 =	vadd.s32 v3, v6;
	_ =	sdelay $0x3  }
0x95: {  	s18 =	simm.s32 $0x11A80  }
0x96: {  	[tilespmem:s18], [sflag:$0x1] =	stream.indirect_vreg.gather [hbm4b:s7+s15], $0x80, v6, vm0, $0xb8;
	[tilespmem:$0x1AA80] =	vst v63  }
0x97: {  	s8 =	simm.s32 $0x12280  }
0x98: {  	[tilespmem:s8], [sflag:$0x1] =	stream.indirect_vreg.gather [hbm4b:s9+s15], $0x80, v6, vm0, $0xb8;
	[tilespmem:$0x1AA80] =	vst v63  }
0x99: {  	s13 =	simm.s32 $0x12A80;
	v5 =	vperm.xlane v5, v4  }
0x9a: {  	[tilespmem:s13], [sflag:$0x1] =	stream.indirect_vreg.gather [hbm4b:s10+s15], $0x80, v6, vm0, $0xb8;
	[tilespmem:$0x1AA80] =	vst v63  }
0x9b: {  	s17 =	simm.s32 $0x13280;
	v5 =	vadd.s32 v3, v5  }
0x9c: {  	[tilespmem:s17], [sflag:$0x1] =	stream.indirect_vreg.gather [hbm4b:s11+s15], $0x80, v6, vm0, $0xb8;
	[tilespmem:$0x1AA80] =	vst v63  }
0x9d: {  	s18 =	simm.s32 $0x13A80  }
0x9e: {  	[tilespmem:s18], [sflag:$0x1] =	stream.indirect_vreg.gather [hbm4b:s12+s15], $0x80, v6, vm1, $0xb8;
	[tilespmem:$0x1AA80] =	vst v63  }
0x9f: {  	s8 =	simm.s32 $0x13E80  }
0xa0: {  	[tilespmem:s8], [sflag:$0x1] =	stream.indirect_vreg.gather [hbm4b:s7+s15], $0x80, v5, vm0, $0xb8;
	[tilespmem:$0x1AA80] =	vst v63  }
0xa1: {  	s13 =	simm.s32 $0x14680  }
0xa2: {  	[tilespmem:s13], [sflag:$0x1] =	stream.indirect_vreg.gather [hbm4b:s9+s15], $0x80, v5, vm0, $0xb8;
	[tilespmem:$0x1AA80] =	vst v63  }
0xa3: {  	s17 =	simm.s32 $0x14E80  }
0xa4: {  	[tilespmem:s17], [sflag:$0x1] =	stream.indirect_vreg.gather [hbm4b:s10+s15], $0x80, v5, vm0, $0xb8;
	[tilespmem:$0x1AA80] =	vst v63  }
0xa5: {  	s18 =	simm.s32 $0x15680  }
0xa6: {  	[tilespmem:s18], [sflag:$0x1] =	stream.indirect_vreg.gather [hbm4b:s11+s15], $0x80, v5, vm0, $0xb8;
	[tilespmem:$0x1AA80] =	vst v63  }
0xa7: {  	_ = 	snop  }
0xa8: {  	[tilespmem:s14], [sflag:$0x1] =	stream.indirect_vreg.gather [hbm4b:s12+s15], $0x80, v5, vm1, $0xb8;
	[tilespmem:$0x1AA80] =	vst v63  }
0xa9: {  	v5 =	vld [tilespmem:$0xD1A0];
	_ =	sdelay $0x4  }
0xaa: {  	v6 =	vshrl.u32 v5, $0x3  }
0xab: {  	v6 =	vmul.u32 $0x48, v6  }
0xac: {  	v5 =	vand.u32 $0x7, v5  }
0xad: {  	v5 =	vor.u32 v5, v6  }
0xae: {  	v6 =	vperm.xlane v5, v2;
	_ =	sdelay $0x1  }
0xaf: {  	v6 =	vadd.s32 v3, v6;
	_ =	sdelay $0x4  }
0xb0: {  	[tilespmem:s2], [sflag:$0x1] =	stream.indirect_vreg.gather [hbm4b:s7+s15], $0x80, v6, vm0, $0xb8;
	[tilespmem:$0x1AA80] =	vst v63  }
0xb1: {  	_ = 	snop  }
0xb2: {  	[tilespmem:s4], [sflag:$0x1] =	stream.indirect_vreg.gather [hbm4b:s9+s15], $0x80, v6, vm0, $0xb8;
	[tilespmem:$0x1AA80] =	vst v63  }
0xb3: {  	v5 =	vperm.xlane v5, v4  }
0xb4: {  	[tilespmem:s20], [sflag:$0x1] =	stream.indirect_vreg.gather [hbm4b:s10+s15], $0x80, v6, vm0, $0xb8;
	[tilespmem:$0x1AA80] =	vst v63  }
0xb5: {  	v5 =	vadd.s32 v3, v5  }
0xb6: {  	[tilespmem:s21], [sflag:$0x1] =	stream.indirect_vreg.gather [hbm4b:s11+s15], $0x80, v6, vm0, $0xb8;
	[tilespmem:$0x1AA80] =	vst v63  }
0xb7: {  	_ = 	snop  }
0xb8: {  	[tilespmem:s22], [sflag:$0x1] =	stream.indirect_vreg.gather [hbm4b:s12+s15], $0x80, v6, vm1, $0xb8;
	[tilespmem:$0x1AA80] =	vst v63  }
0xb9: {  	_ = 	snop  }
0xba: {  	[tilespmem:s23], [sflag:$0x1] =	stream.indirect_vreg.gather [hbm4b:s7+s15], $0x80, v5, vm0, $0xb8;
	[tilespmem:$0x1AA80] =	vst v63  }
0xbb: {  	_ = 	snop  }
0xbc: {  	[tilespmem:s24], [sflag:$0x1] =	stream.indirect_vreg.gather [hbm4b:s9+s15], $0x80, v5, vm0, $0xb8;
	[tilespmem:$0x1AA80] =	vst v63  }
0xbd: {  	s5 =	ssub.s32 s0, s5  }
0xbe: {  	[tilespmem:s25], [sflag:$0x1] =	stream.indirect_vreg.gather [hbm4b:s10+s15], $0x80, v5, vm0, $0xb8;
	[tilespmem:$0x1AA80] =	vst v63  }
0xbf: {  	p0 =	slt.s32 s5, $0x1  }
0xc0: {  	[tilespmem:s26], [sflag:$0x1] =	stream.indirect_vreg.gather [hbm4b:s11+s15], $0x80, v5, vm0, $0xb8;
	[tilespmem:$0x1AA80] =	vst v63  }
.Ltmp8:
0xc1: {  	_ = 	snop;
	(pc) =	sbr.rel @p0 .LBB2_10-.Ltmp8, $4  }
0xc2: {  	[tilespmem:s28], [sflag:$0x1] =	stream.indirect_vreg.gather [hbm4b:s12+s15], $0x80, v5, vm1, $0xb8;
	[tilespmem:$0x1AA80] =	vst v63  }
0xc3: {  	_ =	swait.ge [sflag:s19], $0xD800  }
0xc4: {  	[sflag:s19] =	ssyncset.done $0x0  }
0xc5: {  	[sflag:s19] =	ssyncadd.s32 $0xFFFF2800  }
0xc6: {  	s17 =	simm.s32 $0xD200  }
0xc7: {  	v5 =	vld [tilespmem:s17+$0x0];
	_ =	sdelay $0x4  }
0xc8: {  	(v2sf) =	vpush v5, $0x0;
	_ =	sdelay $0xb  }
0xc9: {  	s5 =	simm.s32 $0x0  }
0xca: {  	s5 =	smul.u32 $0x9000, s5;
	_ =	sdelay $0x1  }
0xcb: {  	s6 =	sand.u32 $0x380, s15;
	s5 =	sshra.s32 s5, $0x2;
	s8 =	spop (v2sf)  }
0xcc: {  	s5 =	sor.u32 s6, s5;
	s13 =	sshll.u32 s8, $0x7  }
0xcd: {  	v5 =	vld [tilespmem:s5+$0xD280];
	s6 =	sshra.s32 s13, $0x2  }
0xce: {  	v6 =	vld [tilespmem:s6+$0xA000];
	_ =	sdelay $0x4  }
0xcf: {  	v5 =	vadd.f32 v6, v5;
	_ =	sdelay $0x1  }
0xd0: {  	v6 =	vmul.f32 $2.000000030e-01, v5;
	_ =	sdelay $0x1  }
0xd1: {  	v5 =	vmax.f32 v5, v6  }
0xd2: {  	v5 =	vmul.f32 $1.442695020e+00, v5;
	_ =	sdelay $0x1  }
0xd3: {  	(erf) = vpow2.f32 v5;
	_ =	sdelay $0x4  }
0xd4: {  	v5 =	vld [tilespmem:s6+$0xA010];
	_ =	sdelay $0x3  }
0xd5: {  	v7 =	vld [tilespmem:s5+$0xD290];
	s18 =	sshll.u32 s8, $0x9;
	v6 =	vpop (erf)  }
0xd6: {  	v8 =	vld [tilespmem:s5+$0xD690];
	s18 =	sshra.s32 s18, $0x2;
	v9 =	vmul.f32 v6, v5  }
0xd7: {  	v10 =	vld [tilespmem:s18+$0x0]  }
0xd8: {  	v5 =	vbroadcast v9, $0x0  }
0xd9: {  	v11 =	vld [tilespmem:s5+$0xDA90]  }
0xda: {  	v6 =	vbroadcast v9, $0x1;
	v12 =	vmul.f32 v5, v7  }
0xdb: {  	v13 =	vld [tilespmem:s5+$0xDE90]  }
0xdc: {  	v7 =	vbroadcast v9, $0x2;
	v14 =	vmul.f32 v6, v8;
	v10 =	vadd.f32 v12, v10  }
0xdd: {  	v15 =	vld [tilespmem:s5+$0xE290]  }
0xde: {  	v8 =	vbroadcast v9, $0x3;
	v11 =	vmul.f32 v7, v11;
	v12 =	vadd.f32 v10, v14  }
0xdf: {  	v39 =	vld [tilespmem:s5+$0xE690]  }
0xe0: {  	v13 =	vmul.f32 v8, v13;
	v10 =	vbroadcast v9, $0x4;
	v11 =	vadd.f32 v12, v11  }
0xe1: {  	v16 =	vld [tilespmem:s5+$0xEA90]  }
0xe2: {  	v12 =	vbroadcast v9, $0x5;
	v15 =	vmul.f32 v15, v10;
	v13 =	vadd.f32 v11, v13  }
0xe3: {  	v17 =	vld [tilespmem:s5+$0xEE90]  }
0xe4: {  	v11 =	vbroadcast v9, $0x6;
	v14 =	vmul.f32 v39, v12;
	v13 =	vadd.f32 v13, v15;
	_ =	sdelay $0x1  }
0xe5: {  	v9 =	vbroadcast v9, $0x7;
	v40 =	vmul.f32 v16, v11;
	v13 =	vadd.f32 v13, v14;
	_ =	sdelay $0x1  }
0xe6: {  	v41 =	vmul.f32 v17, v9;
	v13 =	vadd.f32 v13, v40;
	_ =	sdelay $0x1  }
0xe7: {  	v13 =	vadd.f32 v13, v41;
	_ =	sdelay $0x1  }
0xe8: {  	[tilespmem:s18+$0x0] =	vst v13  }
0xe9: {  	v13 =	vld [tilespmem:s5+$0xD2A0]  }
0xea: {  	v42 =	vld [tilespmem:s18+$0x10]  }
0xeb: {  	v43 =	vld [tilespmem:s5+$0xD6A0];
	_ =	sdelay $0x1  }
0xec: {  	v44 =	vld [tilespmem:s5+$0xDAA0]  }
0xed: {  	v13 =	vmul.f32 v13, v5  }
0xee: {  	v45 =	vld [tilespmem:s5+$0xDEA0]  }
0xef: {  	v15 =	vmul.f32 v43, v6;
	v13 =	vadd.f32 v13, v42  }
0xf0: {  	v46 =	vld [tilespmem:s5+$0xE2A0]  }
0xf1: {  	v16 =	vmul.f32 v44, v7;
	v13 =	vadd.f32 v15, v13  }
0xf2: {  	v47 =	vld [tilespmem:s5+$0xE6A0]  }
0xf3: {  	v17 =	vmul.f32 v45, v8;
	v13 =	vadd.f32 v16, v13  }
0xf4: {  	v48 =	vld [tilespmem:s5+$0xEAA0]  }
0xf5: {  	v14 =	vmul.f32 v46, v10;
	v13 =	vadd.f32 v17, v13  }
0xf6: {  	v49 =	vld [tilespmem:s5+$0xEEA0]  }
0xf7: {  	v15 =	vmul.f32 v47, v12;
	v13 =	vadd.f32 v14, v13;
	_ =	sdelay $0x1  }
0xf8: {  	v50 =	vmul.f32 v48, v11;
	v13 =	vadd.f32 v15, v13;
	_ =	sdelay $0x1  }
0xf9: {  	v51 =	vmul.f32 v49, v9;
	v13 =	vadd.f32 v50, v13;
	_ =	sdelay $0x1  }
0xfa: {  	v13 =	vadd.f32 v51, v13;
	_ =	sdelay $0x1  }
0xfb: {  	[tilespmem:s18+$0x10] =	vst v13  }
0xfc: {  	v13 =	vld [tilespmem:s5+$0xD2B0]  }
0xfd: {  	v52 =	vld [tilespmem:s18+$0x20]  }
0xfe: {  	v53 =	vld [tilespmem:s5+$0xD6B0];
	_ =	sdelay $0x1  }
0xff: {  	v54 =	vld [tilespmem:s5+$0xDAB0]  }
0x100: {  	v13 =	vmul.f32 v13, v5  }
0x101: {  	v55 =	vld [tilespmem:s5+$0xDEB0]  }
0x102: {  	v15 =	vmul.f32 v53, v6;
	v13 =	vadd.f32 v13, v52  }
0x103: {  	v56 =	vld [tilespmem:s5+$0xE2B0]  }
0x104: {  	v16 =	vmul.f32 v54, v7;
	v13 =	vadd.f32 v15, v13  }
0x105: {  	v57 =	vld [tilespmem:s5+$0xE6B0]  }
0x106: {  	v17 =	vmul.f32 v55, v8;
	v13 =	vadd.f32 v16, v13  }
0x107: {  	v58 =	vld [tilespmem:s5+$0xEAB0]  }
0x108: {  	v14 =	vmul.f32 v56, v10;
	v13 =	vadd.f32 v17, v13  }
0x109: {  	v59 =	vld [tilespmem:s5+$0xEEB0]  }
0x10a: {  	v15 =	vmul.f32 v57, v12;
	v13 =	vadd.f32 v14, v13;
	_ =	sdelay $0x1  }
0x10b: {  	v60 =	vmul.f32 v58, v11;
	v13 =	vadd.f32 v15, v13;
	_ =	sdelay $0x1  }
0x10c: {  	v61 =	vmul.f32 v59, v9;
	v13 =	vadd.f32 v60, v13;
	_ =	sdelay $0x1  }
0x10d: {  	v13 =	vadd.f32 v61, v13;
	_ =	sdelay $0x1  }
0x10e: {  	[tilespmem:s18+$0x20] =	vst v13  }
0x10f: {  	v13 =	vld [tilespmem:s5+$0xD2C0]  }
0x110: {  	v62 =	vld [tilespmem:s18+$0x30]  }
0x111: {  	v63 =	vld [tilespmem:s5+$0xD6C0];
	_ =	sdelay $0x1  }
0x112: {  	v20 =	vld [tilespmem:s5+$0xDAC0]  }
0x113: {  	v13 =	vmul.f32 v13, v5  }
0x114: {  	v21 =	vld [tilespmem:s5+$0xDEC0]  }
0x115: {  	v15 =	vmul.f32 v63, v6;
	v13 =	vadd.f32 v13, v62  }
0x116: {  	v22 =	vld [tilespmem:s5+$0xE2C0]  }
0x117: {  	v16 =	vmul.f32 v20, v7;
	v13 =	vadd.f32 v15, v13  }
0x118: {  	v23 =	vld [tilespmem:s5+$0xE6C0]  }
0x119: {  	v17 =	vmul.f32 v21, v8;
	v13 =	vadd.f32 v16, v13  }
0x11a: {  	v24 =	vld [tilespmem:s5+$0xEAC0]  }
0x11b: {  	v14 =	vmul.f32 v22, v10;
	v13 =	vadd.f32 v17, v13  }
0x11c: {  	v25 =	vld [tilespmem:s5+$0xEEC0]  }
0x11d: {  	v15 =	vmul.f32 v23, v12;
	v13 =	vadd.f32 v14, v13;
	_ =	sdelay $0x1  }
0x11e: {  	v26 =	vmul.f32 v24, v11;
	v13 =	vadd.f32 v15, v13;
	_ =	sdelay $0x1  }
0x11f: {  	v27 =	vmul.f32 v25, v9;
	v13 =	vadd.f32 v26, v13;
	_ =	sdelay $0x1  }
0x120: {  	v13 =	vadd.f32 v27, v13;
	_ =	sdelay $0x1  }
0x121: {  	[tilespmem:s18+$0x30] =	vst v13  }
0x122: {  	v13 =	vld [tilespmem:s5+$0xD2D0]  }
0x123: {  	v28 =	vld [tilespmem:s18+$0x40]  }
0x124: {  	v29 =	vld [tilespmem:s5+$0xD6D0];
	_ =	sdelay $0x1  }
0x125: {  	v30 =	vld [tilespmem:s5+$0xDAD0]  }
0x126: {  	v13 =	vmul.f32 v13, v5  }
0x127: {  	v31 =	vld [tilespmem:s5+$0xDED0]  }
0x128: {  	v15 =	vmul.f32 v29, v6;
	v13 =	vadd.f32 v13, v28  }
0x129: {  	v32 =	vld [tilespmem:s5+$0xE2D0]  }
0x12a: {  	v16 =	vmul.f32 v30, v7;
	v13 =	vadd.f32 v15, v13  }
0x12b: {  	v33 =	vld [tilespmem:s5+$0xE6D0]  }
0x12c: {  	v17 =	vmul.f32 v31, v8;
	v13 =	vadd.f32 v16, v13  }
0x12d: {  	v34 =	vld [tilespmem:s5+$0xEAD0]  }
0x12e: {  	v14 =	vmul.f32 v32, v10;
	v13 =	vadd.f32 v17, v13  }
0x12f: {  	v35 =	vld [tilespmem:s5+$0xEED0]  }
0x130: {  	v15 =	vmul.f32 v33, v12;
	v13 =	vadd.f32 v14, v13;
	_ =	sdelay $0x1  }
0x131: {  	v36 =	vmul.f32 v34, v11;
	v13 =	vadd.f32 v15, v13;
	_ =	sdelay $0x1  }
0x132: {  	v37 =	vmul.f32 v35, v9;
	v13 =	vadd.f32 v36, v13;
	_ =	sdelay $0x1  }
0x133: {  	v13 =	vadd.f32 v37, v13;
	_ =	sdelay $0x1  }
0x134: {  	[tilespmem:s18+$0x40] =	vst v13  }
0x135: {  	v13 =	vld [tilespmem:s5+$0xD2E0]  }
0x136: {  	v38 =	vld [tilespmem:s18+$0x50]  }
0x137: {  	v39 =	vld [tilespmem:s5+$0xD6E0];
	_ =	sdelay $0x1  }
0x138: {  	v40 =	vld [tilespmem:s5+$0xDAE0]  }
0x139: {  	v13 =	vmul.f32 v13, v5  }
0x13a: {  	v41 =	vld [tilespmem:s5+$0xDEE0]  }
0x13b: {  	v15 =	vmul.f32 v39, v6;
	v13 =	vadd.f32 v13, v38  }
0x13c: {  	v42 =	vld [tilespmem:s5+$0xE2E0]  }
0x13d: {  	v16 =	vmul.f32 v40, v7;
	v13 =	vadd.f32 v15, v13  }
0x13e: {  	v43 =	vld [tilespmem:s5+$0xE6E0]  }
0x13f: {  	v17 =	vmul.f32 v41, v8;
	v13 =	vadd.f32 v16, v13  }
0x140: {  	v44 =	vld [tilespmem:s5+$0xEAE0]  }
0x141: {  	v14 =	vmul.f32 v42, v10;
	v13 =	vadd.f32 v17, v13  }
0x142: {  	v45 =	vld [tilespmem:s5+$0xEEE0]  }
0x143: {  	v15 =	vmul.f32 v43, v12;
	v13 =	vadd.f32 v14, v13;
	_ =	sdelay $0x1  }
0x144: {  	v46 =	vmul.f32 v44, v11;
	v13 =	vadd.f32 v15, v13;
	_ =	sdelay $0x1  }
0x145: {  	v47 =	vmul.f32 v45, v9;
	v13 =	vadd.f32 v46, v13;
	_ =	sdelay $0x1  }
0x146: {  	v13 =	vadd.f32 v47, v13;
	_ =	sdelay $0x1  }
0x147: {  	[tilespmem:s18+$0x50] =	vst v13  }
0x148: {  	v13 =	vld [tilespmem:s5+$0xD2F0]  }
0x149: {  	v48 =	vld [tilespmem:s18+$0x60]  }
0x14a: {  	v49 =	vld [tilespmem:s5+$0xD6F0];
	_ =	sdelay $0x1  }
0x14b: {  	v50 =	vld [tilespmem:s5+$0xDAF0]  }
0x14c: {  	v13 =	vmul.f32 v13, v5  }
0x14d: {  	v51 =	vld [tilespmem:s5+$0xDEF0]  }
0x14e: {  	v15 =	vmul.f32 v49, v6;
	v13 =	vadd.f32 v13, v48  }
0x14f: {  	v52 =	vld [tilespmem:s5+$0xE2F0]  }
0x150: {  	v16 =	vmul.f32 v50, v7;
	v13 =	vadd.f32 v15, v13  }
0x151: {  	v53 =	vld [tilespmem:s5+$0xE6F0]  }
0x152: {  	v17 =	vmul.f32 v51, v8;
	v13 =	vadd.f32 v16, v13  }
0x153: {  	v54 =	vld [tilespmem:s5+$0xEAF0]  }
0x154: {  	v14 =	vmul.f32 v52, v10;
	v13 =	vadd.f32 v17, v13  }
0x155: {  	v55 =	vld [tilespmem:s5+$0xEEF0]  }
0x156: {  	v15 =	vmul.f32 v53, v12;
	v13 =	vadd.f32 v14, v13;
	_ =	sdelay $0x1  }
0x157: {  	v56 =	vmul.f32 v54, v11;
	v13 =	vadd.f32 v15, v13;
	_ =	sdelay $0x1  }
0x158: {  	v57 =	vmul.f32 v55, v9;
	v13 =	vadd.f32 v56, v13;
	_ =	sdelay $0x1  }
0x159: {  	v13 =	vadd.f32 v57, v13;
	_ =	sdelay $0x1  }
0x15a: {  	[tilespmem:s18+$0x60] =	vst v13  }
0x15b: {  	v13 =	vld [tilespmem:s5+$0xD680]  }
0x15c: {  	v58 =	vld [tilespmem:s18+$0x70]  }
0x15d: {  	v59 =	vld [tilespmem:s5+$0xDA80];
	_ =	sdelay $0x1  }
0x15e: {  	v60 =	vld [tilespmem:s5+$0xDE80]  }
0x15f: {  	v5 =	vmul.f32 v13, v5  }
0x160: {  	v61 =	vld [tilespmem:s5+$0xE280]  }
0x161: {  	v6 =	vmul.f32 v59, v6;
	v5 =	vadd.f32 v5, v58  }
0x162: {  	v62 =	vld [tilespmem:s5+$0xE680]  }
0x163: {  	v7 =	vmul.f32 v60, v7;
	v5 =	vadd.f32 v6, v5  }
0x164: {  	v6 =	vld [tilespmem:s5+$0xEA80]  }
0x165: {  	v8 =	vmul.f32 v61, v8;
	v5 =	vadd.f32 v7, v5  }
0x166: {  	v7 =	vld [tilespmem:s5+$0xEE80]  }
0x167: {  	p0 =	sgt.s32 s29, $0x1;
	v63 =	vld [tilespmem:s5+$0xF280];
	v10 =	vmul.f32 v62, v10;
	s5 =	smov.u32 s29;
	v5 =	vadd.f32 v8, v5  }
0x168: {  	s5 =	simm.s32 @!p0 $0x1  }
0x169: {  	s5 =	smin.u32 s5, $0x30;
	v6 =	vmul.f32 v6, v12;
	v5 =	vadd.f32 v10, v5  }
0x16a: {  	s5 =	sshll.u32 s5, $0x7  }
0x16b: {  	p0 =	sne.s32 s5, $0x80;
	v7 =	vmul.f32 v7, v11;
	v5 =	vadd.f32 v6, v5  }
.Ltmp9:
0x16c: {  	_ = 	snop;
	(pc) =	sbr.rel @!p0 .LBB2_9-.Ltmp9, $3  }
0x16d: {  	v6 =	vmul.f32 v63, v9;
	v5 =	vadd.f32 v7, v5;
	_ =	sdelay $0x1  }
0x16e: {  	v5 =	vadd.f32 v6, v5  }
0x16f: {  	s6 =	simm.s32 $0x80  }
.LBB2_8:
0x170: {  	s15 =	sadd.s32 $0x1, s15  }
0x171: {  	s17 =	sadd.s32 $0x1, s17;
	s8 =	smov.u32 s6;
	s6 =	sadd.s32 $0x80, s6  }
0x172: {  	p0 =	sne.s32 s5, s6;
	[tilespmem:s18+$0x70] =	vst v5  }
0x173: {  	v5 =	vld [tilespmem:s17+$0x0];
	_ =	sdelay $0x4  }
0x174: {  	(v2sf) =	vpush v5, $0x0;
	_ =	sdelay $0xb  }
0x175: {  	s18 =	sshrl.u32 s15, $0x3  }
0x176: {  	s18 =	smul.u32 $0x9000, s18;
	_ =	sdelay $0x1  }
0x177: {  	s8 =	sand.u32 $0x380, s8;
	s18 =	sshra.s32 s18, $0x2;
	s13 =	spop (v2sf)  }
0x178: {  	s8 =	sor.u32 s8, s18;
	s18 =	sshll.u32 s13, $0x7;
	s13 =	sshll.u32 s13, $0x9  }
0x179: {  	v5 =	vld [tilespmem:s8+$0xD280];
	s18 =	sshra.s32 s18, $0x2  }
0x17a: {  	v6 =	vld [tilespmem:s18+$0xA000];
	_ =	sdelay $0x4  }
0x17b: {  	v5 =	vadd.f32 v6, v5;
	_ =	sdelay $0x1  }
0x17c: {  	v6 =	vmul.f32 $2.000000030e-01, v5;
	_ =	sdelay $0x1  }
0x17d: {  	v5 =	vmax.f32 v5, v6  }
0x17e: {  	v5 =	vmul.f32 $1.442695020e+00, v5;
	_ =	sdelay $0x1  }
0x17f: {  	(erf) = vpow2.f32 v5;
	_ =	sdelay $0x3  }
0x180: {  	v5 =	vld [tilespmem:s18+$0xA010];
	_ =	sdelay $0x3  }
0x181: {  	v6 =	vld [tilespmem:s8+$0xD290]  }
0x182: {  	s18 =	sshra.s32 s13, $0x2;
	v8 =	vld [tilespmem:s8+$0xD690];
	v7 =	vpop (erf)  }
0x183: {  	v9 =	vmul.f32 v7, v5;
	v11 =	vld [tilespmem:s18+$0x0];
	_ =	sdelay $0x1  }
0x184: {  	v12 =	vbroadcast v9, $0x0;
	v10 =	vbroadcast v9, $0x1;
	v13 =	vld [tilespmem:s8+$0xDA90]  }
0x185: {  	v7 =	vbroadcast v9, $0x2;
	v5 =	vbroadcast v9, $0x3  }
0x186: {  	v14 =	vmul.f32 v12, v6;
	v15 =	vld [tilespmem:s8+$0xDE90];
	v6 =	vbroadcast v9, $0x4  }
0x187: {  	v16 =	vmul.f32 v10, v8;
	v8 =	vbroadcast v9, $0x5  }
0x188: {  	v14 =	vadd.f32 v14, v11;
	v17 =	vld [tilespmem:s8+$0xE290];
	v11 =	vbroadcast v9, $0x6;
	v9 =	vbroadcast v9, $0x7  }
0x189: {  	v13 =	vmul.f32 v7, v13  }
0x18a: {  	v14 =	vadd.f32 v14, v16;
	v16 =	vld [tilespmem:s8+$0xE690]  }
0x18b: {  	v15 =	vmul.f32 v5, v15  }
0x18c: {  	v13 =	vadd.f32 v14, v13;
	v14 =	vld [tilespmem:s8+$0xEA90]  }
0x18d: {  	v17 =	vmul.f32 v17, v6  }
0x18e: {  	v13 =	vadd.f32 v13, v15;
	v15 =	vld [tilespmem:s8+$0xEE90]  }
0x18f: {  	v16 =	vmul.f32 v16, v8  }
0x190: {  	v13 =	vadd.f32 v13, v17  }
0x191: {  	v14 =	vmul.f32 v14, v11  }
0x192: {  	v13 =	vadd.f32 v13, v16  }
0x193: {  	v15 =	vmul.f32 v15, v9  }
0x194: {  	v13 =	vadd.f32 v13, v14;
	_ =	sdelay $0x1  }
0x195: {  	v13 =	vadd.f32 v13, v15;
	_ =	sdelay $0x1  }
0x196: {  	[tilespmem:s18+$0x0] =	vst v13;
	v13 =	vld [tilespmem:s18+$0x10]  }
0x197: {  	v14 =	vld [tilespmem:s8+$0xD2A0]  }
0x198: {  	v15 =	vld [tilespmem:s8+$0xD6A0];
	_ =	sdelay $0x1  }
0x199: {  	v16 =	vld [tilespmem:s8+$0xDAA0];
	_ =	sdelay $0x1  }
0x19a: {  	v14 =	vmul.f32 v14, v12;
	v17 =	vld [tilespmem:s8+$0xDEA0]  }
0x19b: {  	v15 =	vmul.f32 v15, v10  }
0x19c: {  	v13 =	vadd.f32 v14, v13;
	v14 =	vld [tilespmem:s8+$0xE2A0]  }
0x19d: {  	v16 =	vmul.f32 v16, v7  }
0x19e: {  	v13 =	vadd.f32 v15, v13;
	v15 =	vld [tilespmem:s8+$0xE6A0]  }
0x19f: {  	v17 =	vmul.f32 v17, v5  }
0x1a0: {  	v13 =	vadd.f32 v16, v13;
	v16 =	vld [tilespmem:s8+$0xEAA0]  }
0x1a1: {  	v14 =	vmul.f32 v14, v6  }
0x1a2: {  	v13 =	vadd.f32 v17, v13;
	v17 =	vld [tilespmem:s8+$0xEEA0]  }
0x1a3: {  	v15 =	vmul.f32 v15, v8  }
0x1a4: {  	v13 =	vadd.f32 v14, v13  }
0x1a5: {  	v14 =	vmul.f32 v16, v11  }
0x1a6: {  	v13 =	vadd.f32 v15, v13  }
0x1a7: {  	v15 =	vmul.f32 v17, v9  }
0x1a8: {  	v13 =	vadd.f32 v14, v13;
	_ =	sdelay $0x1  }
0x1a9: {  	v13 =	vadd.f32 v15, v13;
	_ =	sdelay $0x1  }
0x1aa: {  	[tilespmem:s18+$0x10] =	vst v13;
	v13 =	vld [tilespmem:s18+$0x20]  }
0x1ab: {  	v14 =	vld [tilespmem:s8+$0xD2B0]  }
0x1ac: {  	v15 =	vld [tilespmem:s8+$0xD6B0];
	_ =	sdelay $0x1  }
0x1ad: {  	v16 =	vld [tilespmem:s8+$0xDAB0];
	_ =	sdelay $0x1  }
0x1ae: {  	v14 =	vmul.f32 v14, v12;
	v17 =	vld [tilespmem:s8+$0xDEB0]  }
0x1af: {  	v15 =	vmul.f32 v15, v10  }
0x1b0: {  	v13 =	vadd.f32 v14, v13;
	v14 =	vld [tilespmem:s8+$0xE2B0]  }
0x1b1: {  	v16 =	vmul.f32 v16, v7  }
0x1b2: {  	v13 =	vadd.f32 v15, v13;
	v15 =	vld [tilespmem:s8+$0xE6B0]  }
0x1b3: {  	v17 =	vmul.f32 v17, v5  }
0x1b4: {  	v13 =	vadd.f32 v16, v13;
	v16 =	vld [tilespmem:s8+$0xEAB0]  }
0x1b5: {  	v14 =	vmul.f32 v14, v6  }
0x1b6: {  	v13 =	vadd.f32 v17, v13;
	v17 =	vld [tilespmem:s8+$0xEEB0]  }
0x1b7: {  	v15 =	vmul.f32 v15, v8  }
0x1b8: {  	v13 =	vadd.f32 v14, v13  }
0x1b9: {  	v14 =	vmul.f32 v16, v11  }
0x1ba: {  	v13 =	vadd.f32 v15, v13  }
0x1bb: {  	v15 =	vmul.f32 v17, v9  }
0x1bc: {  	v13 =	vadd.f32 v14, v13;
	_ =	sdelay $0x1  }
0x1bd: {  	v13 =	vadd.f32 v15, v13;
	_ =	sdelay $0x1  }
0x1be: {  	[tilespmem:s18+$0x20] =	vst v13;
	v13 =	vld [tilespmem:s18+$0x30]  }
0x1bf: {  	v14 =	vld [tilespmem:s8+$0xD2C0]  }
0x1c0: {  	v15 =	vld [tilespmem:s8+$0xD6C0];
	_ =	sdelay $0x1  }
0x1c1: {  	v16 =	vld [tilespmem:s8+$0xDAC0];
	_ =	sdelay $0x1  }
0x1c2: {  	v14 =	vmul.f32 v14, v12;
	v17 =	vld [tilespmem:s8+$0xDEC0]  }
0x1c3: {  	v15 =	vmul.f32 v15, v10  }
0x1c4: {  	v13 =	vadd.f32 v14, v13;
	v14 =	vld [tilespmem:s8+$0xE2C0]  }
0x1c5: {  	v16 =	vmul.f32 v16, v7  }
0x1c6: {  	v13 =	vadd.f32 v15, v13;
	v15 =	vld [tilespmem:s8+$0xE6C0]  }
0x1c7: {  	v17 =	vmul.f32 v17, v5  }
0x1c8: {  	v13 =	vadd.f32 v16, v13;
	v16 =	vld [tilespmem:s8+$0xEAC0]  }
0x1c9: {  	v14 =	vmul.f32 v14, v6  }
0x1ca: {  	v13 =	vadd.f32 v17, v13;
	v17 =	vld [tilespmem:s8+$0xEEC0]  }
0x1cb: {  	v15 =	vmul.f32 v15, v8  }
0x1cc: {  	v13 =	vadd.f32 v14, v13  }
0x1cd: {  	v14 =	vmul.f32 v16, v11  }
0x1ce: {  	v13 =	vadd.f32 v15, v13  }
0x1cf: {  	v15 =	vmul.f32 v17, v9  }
0x1d0: {  	v13 =	vadd.f32 v14, v13;
	_ =	sdelay $0x1  }
0x1d1: {  	v13 =	vadd.f32 v15, v13;
	_ =	sdelay $0x1  }
0x1d2: {  	[tilespmem:s18+$0x30] =	vst v13;
	v13 =	vld [tilespmem:s18+$0x40]  }
0x1d3: {  	v14 =	vld [tilespmem:s8+$0xD2D0]  }
0x1d4: {  	v15 =	vld [tilespmem:s8+$0xD6D0]  }
0x1d5: {  	v16 =	vld [tilespmem:s8+$0xDAD0]  }
0x1d6: {  	v17 =	vld [tilespmem:s8+$0xDED0]  }
0x1d7: {  	v18 =	vld [tilespmem:s8+$0xE2D0]  }
0x1d8: {  	v14 =	vmul.f32 v14, v12;
	v19 =	vld [tilespmem:s8+$0xE6D0]  }
0x1d9: {  	v15 =	vmul.f32 v15, v10;
	v20 =	vld [tilespmem:s8+$0xEAD0]  }
0x1da: {  	v13 =	vadd.f32 v14, v13;
	v14 =	vmul.f32 v16, v7;
	v16 =	vld [tilespmem:s8+$0xEED0]  }
0x1db: {  	v17 =	vmul.f32 v17, v5  }
0x1dc: {  	v13 =	vadd.f32 v15, v13;
	v15 =	vmul.f32 v18, v6  }
0x1dd: {  	v18 =	vmul.f32 v19, v8  }
0x1de: {  	v13 =	vadd.f32 v14, v13;
	v14 =	vmul.f32 v20, v11  }
0x1df: {  	v16 =	vmul.f32 v16, v9  }
0x1e0: {  	v13 =	vadd.f32 v17, v13;
	_ =	sdelay $0x1  }
0x1e1: {  	v13 =	vadd.f32 v15, v13;
	_ =	sdelay $0x1  }
0x1e2: {  	v13 =	vadd.f32 v18, v13;
	_ =	sdelay $0x1  }
0x1e3: {  	v13 =	vadd.f32 v14, v13;
	_ =	sdelay $0x1  }
0x1e4: {  	v13 =	vadd.f32 v16, v13;
	_ =	sdelay $0x1  }
0x1e5: {  	[tilespmem:s18+$0x40] =	vst v13;
	v13 =	vld [tilespmem:s18+$0x50]  }
0x1e6: {  	v14 =	vld [tilespmem:s8+$0xD2E0]  }
0x1e7: {  	v15 =	vld [tilespmem:s8+$0xD6E0]  }
0x1e8: {  	v16 =	vld [tilespmem:s8+$0xDAE0]  }
0x1e9: {  	v17 =	vld [tilespmem:s8+$0xDEE0]  }
0x1ea: {  	v18 =	vld [tilespmem:s8+$0xE2E0]  }
0x1eb: {  	v14 =	vmul.f32 v14, v12;
	v19 =	vld [tilespmem:s8+$0xE6E0]  }
0x1ec: {  	v15 =	vmul.f32 v15, v10;
	v20 =	vld [tilespmem:s8+$0xEAE0]  }
0x1ed: {  	v13 =	vadd.f32 v14, v13;
	v14 =	vmul.f32 v16, v7;
	v16 =	vld [tilespmem:s8+$0xEEE0]  }
0x1ee: {  	v17 =	vmul.f32 v17, v5  }
0x1ef: {  	v13 =	vadd.f32 v15, v13;
	v15 =	vmul.f32 v18, v6  }
0x1f0: {  	v18 =	vmul.f32 v19, v8  }
0x1f1: {  	v13 =	vadd.f32 v14, v13;
	v14 =	vmul.f32 v20, v11  }
0x1f2: {  	v16 =	vmul.f32 v16, v9  }
0x1f3: {  	v13 =	vadd.f32 v17, v13;
	_ =	sdelay $0x1  }
0x1f4: {  	v13 =	vadd.f32 v15, v13;
	_ =	sdelay $0x1  }
0x1f5: {  	v13 =	vadd.f32 v18, v13;
	_ =	sdelay $0x1  }
0x1f6: {  	v13 =	vadd.f32 v14, v13;
	_ =	sdelay $0x1  }
0x1f7: {  	v13 =	vadd.f32 v16, v13;
	_ =	sdelay $0x1  }
0x1f8: {  	[tilespmem:s18+$0x50] =	vst v13;
	v13 =	vld [tilespmem:s18+$0x60]  }
0x1f9: {  	v14 =	vld [tilespmem:s8+$0xD2F0]  }
0x1fa: {  	v15 =	vld [tilespmem:s8+$0xD6F0]  }
0x1fb: {  	v16 =	vld [tilespmem:s8+$0xDAF0]  }
0x1fc: {  	v17 =	vld [tilespmem:s8+$0xDEF0]  }
0x1fd: {  	v18 =	vld [tilespmem:s8+$0xE2F0]  }
0x1fe: {  	v14 =	vmul.f32 v14, v12;
	v19 =	vld [tilespmem:s8+$0xE6F0]  }
0x1ff: {  	v15 =	vmul.f32 v15, v10;
	v20 =	vld [tilespmem:s8+$0xEAF0]  }
0x200: {  	v13 =	vadd.f32 v14, v13;
	v14 =	vmul.f32 v16, v7;
	v16 =	vld [tilespmem:s8+$0xEEF0]  }
0x201: {  	v17 =	vmul.f32 v17, v5  }
0x202: {  	v13 =	vadd.f32 v15, v13;
	v15 =	vmul.f32 v18, v6  }
0x203: {  	v18 =	vmul.f32 v19, v8  }
0x204: {  	v13 =	vadd.f32 v14, v13;
	v14 =	vmul.f32 v20, v11  }
0x205: {  	v16 =	vmul.f32 v16, v9  }
0x206: {  	v13 =	vadd.f32 v17, v13;
	_ =	sdelay $0x1  }
0x207: {  	v13 =	vadd.f32 v15, v13;
	_ =	sdelay $0x1  }
0x208: {  	v13 =	vadd.f32 v18, v13;
	_ =	sdelay $0x1  }
0x209: {  	v13 =	vadd.f32 v14, v13;
	_ =	sdelay $0x1  }
0x20a: {  	v13 =	vadd.f32 v16, v13;
	_ =	sdelay $0x1  }
0x20b: {  	[tilespmem:s18+$0x60] =	vst v13;
	v13 =	vld [tilespmem:s18+$0x70]  }
0x20c: {  	v14 =	vld [tilespmem:s8+$0xD680]  }
0x20d: {  	v15 =	vld [tilespmem:s8+$0xDA80]  }
0x20e: {  	v16 =	vld [tilespmem:s8+$0xDE80]  }
0x20f: {  	v17 =	vld [tilespmem:s8+$0xE280]  }
0x210: {  	v18 =	vld [tilespmem:s8+$0xE680]  }
0x211: {  	v12 =	vmul.f32 v14, v12;
	v14 =	vld [tilespmem:s8+$0xEA80]  }
0x212: {  	v10 =	vmul.f32 v15, v10;
	v15 =	vld [tilespmem:s8+$0xEE80]  }
0x213: {  	v12 =	vadd.f32 v12, v13;
	v7 =	vmul.f32 v16, v7;
	v13 =	vld [tilespmem:s8+$0xF280]  }
0x214: {  	v5 =	vmul.f32 v17, v5  }
0x215: {  	v10 =	vadd.f32 v10, v12;
	v6 =	vmul.f32 v18, v6  }
0x216: {  	v8 =	vmul.f32 v14, v8  }
0x217: {  	v7 =	vadd.f32 v7, v10;
	v10 =	vmul.f32 v15, v11  }
0x218: {  	v9 =	vmul.f32 v13, v9  }
0x219: {  	v5 =	vadd.f32 v5, v7;
	_ =	sdelay $0x1  }
0x21a: {  	v5 =	vadd.f32 v6, v5;
	_ =	sdelay $0x1  }
.Ltmp10:
0x21b: {  	v5 =	vadd.f32 v8, v5;
	(pc) =	sbr.rel @p0 .LBB2_8-.Ltmp10, $3  }
0x21c: {  	_ = 	snop  }
0x21d: {  	v5 =	vadd.f32 v10, v5;
	_ =	sdelay $0x1  }
0x21e: {  	v5 =	vadd.f32 v9, v5  }
.Ltmp11:
0x21f: {  	_ = 	snop;
	(pc) =	sbr.rel .LBB2_9-.Ltmp11, $1  }
0x220: {  	_ =	sdelay $0x3  }
.LBB2_13:
0x221: {  	_ =	sfence.sel $0x180000  }
0x222: {  	[bflag:$0x0] =	sbarrier.arrive $0xFFFF  }
0x223: {  	_ =	strace $0x9000004D  }
0x224: {  	s0 =	stileid.u32;
	[bflag:$0x2] =	sbarrier.arrive $0xFFFF  }
0x225: {  	p0 =	sne.s32 s0, $0x0;
	s0 =	rddreg [dreg:$0x2]  }
0x226: {  	s0 =	sadd.s32 @!p0 $0x100000, s0  }
0x227: {  	[sflag:s0] =	ssyncadd.tile.s32 @!p0 $0x1;
	_ =	shalt  }
.Lfunc_end2:
_tile_overlayer_lowered:
.L_overlay_start_2:
0x228: {  	(tag) =	ssettag $0x2  }
0x229: {  	s0 =	rddreg [dreg:$0x0];
	s2 =	stileid.u32  }
0x22a: {  	s1 =	rddreg [dreg:$0x1];
	p0 =	sne.s32 s2, $0x0  }
0x22b: {  	s3 =	rddreg [dreg:$0x2];
	[bflag:$0x3] =	sbarrier.arrive $0xFFFF;
	s2 =	simm.s32 @!p0 $0x1C02  }
0x22c: {  	[timem:s3], [sflag:s2] =	dma.local @!p0 [hbm:s0], s1  }
0x22d: {  	s0 =	simm.s32 @!p0 $0x2  }
0x22e: {  	_ =	swait.ge @!p0 [sflag:s0], s1  }
0x22f: {  	s1 =	ssub.s32 @!p0 $0x0, s1;
	[sflag:s0] =	ssyncset.done @!p0 $0x0  }
0x230: {  	[sflag:s0] =	ssyncadd.s32 @!p0 s1  }
0x231: {  	[bflag:$0x3] =	sbarrier.arrive $0xFFFF  }
0x232: {  	_ =	shalt  }

// kernel: kernel.8.cloned.1.call-start
scs
__scs_entry_jumppad:
0x0: {  	(pc) =	sbr.rel $0x88, $3  }
0x1: {  	(tag) =	ssettag $0x0;
	lr =	simm.s32 $0x1  }
0x2: {  	[smem:$0x3F96] =	sst lr;
	_ =	strace $0xD0000000  }
0x3: {  	_ = 	snop  }
0x4: {  	_ = 	snop  }
0x5: {  	_ = 	snop  }
0x6: {  	_ = 	snop  }
0x7: {  	_ = 	snop  }
__scs_overlays_trampoline_lowered:
0x8: {  	[smem:$0x3FA5] =	sst s0  }
0x9: {  	[smem:$0x3FA6] =	sst s1  }
0xa: {  	[smem:$0x3FA7] =	sst s2  }
0xb: {  	[smem:$0x3FA8] =	sst s3  }
0xc: {  	[smem:$0x3FA9] =	sst s4  }
0xd: {  	[smem:$0x3FAA] =	sst s5  }
0xe: {  	[smem:$0x3FAB] =	sst s6  }
0xf: {  	[smem:$0x3FAC] =	sst s7  }
0x10: {  	[smem:$0x3FAD] =	sst s8  }
0x11: {  	[smem:$0x3FAE] =	sst s9;
	s0 =	simm.s32 @!p0 $0x0  }
0x12: {  	s1 =	sld [smem:$0x3F94];
	s0 =	simm.s32 @p0 $0x1  }
0x13: {  	[smem:$0x3FAF] =	sst s0;
	s0 =	simm.s32 @!p1 $0x0  }
0x14: {  	s2 =	sld [smem:$0x3F93];
	s0 =	simm.s32 @p1 $0x1  }
0x15: {  	[smem:$0x3FB0] =	sst s0;
	s0 =	simm.s32 @!p2 $0x0  }
0x16: {  	s3 =	sld [smem:$0x3FDB];
	s0 =	simm.s32 @p2 $0x1  }
0x17: {  	s4 =	simm.s32 $0x1BF5;
	[smem:$0x3FB2] =	sst s0  }
0x18: {  	s0 =	sld [smem:$0x3F95];
	_ =	swait.ge [sflag:s4], $0x0  }
0x19: {  	s7 =	sld [smem:$0x3F96]  }
0x1a: {  	s8 =	sadd.s32 $0xFFFFE003, lr  }
0x1b: {  	s9 =	sadd.s32 $0xFFFFFEF7, lr;
	s5 =	simm.s32 $0xFFFFFFFF;
	p2 =	slt.u32 s8, $0xFFFFF086  }
0x1c: {  	p1 =	slt.u32 s9, $0xF7A;
	s5 =	simm.s32 @!p2 $0x0  }
0x1d: {  	s5 =	simm.s32 @p1 $0x1;
	p0 =	seq.s32 s7, s2  }
0x1e: {  	s7 =	smul.u32 @!p0 $0xF7A, s2;
	p2 =	seq.s32 @!p0 s5, $0x0  }
0x1f: {  	s9 =	smul.u32 $0xF7A, s1;
	s8 =	simm.s32 @!p0 $0x1BF5;
	p2 =	por !p2, p0  }
0x20: {  	[sflag:s8] =	ssyncset.s32 @!p0 $0xFFFFF086;
	s6 =	sadd.s32 @!p0 s3, s7;
	s7 =	simm.s32 @!p0 $0x108  }
0x21: {  	s3 =	sadd.s32 s3, s9;
	s6 =	sadd.s32 @!p0 $0x88, s6;
	s7 =	simm.s32 @p2 $0x1082  }
0x22: {  	[simem:s7], [sflag:s8] =	dma.local @!p0 [hbm:s6], $0xF7A  }
0x23: {  	s9 =	sor.u32 $0xD0000000, s2;
	s6 =	simm.s32 $0x108;
	_ =	swait.ge @!p0 [sflag:s8], $0x0  }
0x24: {  	s3 =	sadd.s32 $0x88, s3;
	s6 =	simm.s32 @!p1 $0x1082;
	[sflag:s4] =	ssyncset.s32 $0xFFFFF086  }
0x25: {  	[simem:s6], [sflag:s4] =	dma.local [hbm:s3], $0xF7A  }
0x26: {  	[smem:$0x3F96] =	sst s1;
	(tag) =	ssettag s2;
	_ =	strace s9  }
0x27: {  	s1 =	sld [smem:$0x3FA6]  }
0x28: {  	s2 =	sld [smem:$0x3FA7]  }
0x29: {  	s4 =	sld [smem:$0x3FA9]  }
0x2a: {  	p0 =	seq.s32 s5, $0x0;
	s5 =	sld [smem:$0x3FAA]  }
0x2b: {  	s6 =	sld [smem:$0x3FAB]  }
0x2c: {  	s7 =	sld [smem:$0x3FAC]  }
0x2d: {  	s3 =	simm.s32 $0x108;
	s8 =	sld [smem:$0x3FAD]  }
0x2e: {  	s3 =	simm.s32 @!p0 $0x1082;
	s9 =	sld [smem:$0x3FAE]  }
0x2f: {  	lr =	sadd.s32 s0, s3;
	s0 =	sld [smem:$0x3FA5]  }
0x30: {  	s3 =	sld [smem:$0x3FA8]  }
0x31: {  	[smem:$0x3FB1] =	sst s10  }
0x32: {  	s10 =	sld [smem:$0x3FAF];
	_ =	sdelay $0x3  }
0x33: {  	p0 =	seq.s32 s10, $0x1;
	s10 =	sld [smem:$0x3FB1];
	_ =	sdelay $0x3  }
0x34: {  	[smem:$0x3FB1] =	sst s10  }
0x35: {  	s10 =	sld [smem:$0x3FB0];
	_ =	sdelay $0x3  }
0x36: {  	p1 =	seq.s32 s10, $0x1;
	s10 =	sld [smem:$0x3FB1];
	_ =	sdelay $0x3  }
0x37: {  	[smem:$0x3FB1] =	sst s10  }
0x38: {  	s10 =	sld [smem:$0x3FB2]  }
0x39: {  	_ = 	snop;
	(pc) =	sbr.ind lr, $3  }
0x3a: {  	_ = 	snop  }
0x3b: {  	_ = 	snop  }
0x3c: {  	p2 =	seq.s32 s10, $0x1;
	s10 =	sld [smem:$0x3FB1]  }
0x3d: {  	_ =	shalt  }
0x3e: {  	_ =	shalt  }
0x3f: {  	_ =	shalt  }
0x40: {  	_ =	shalt  }
0x41: {  	_ =	shalt  }
0x42: {  	_ =	shalt  }
0x43: {  	_ =	shalt  }
0x44: {  	_ =	shalt  }
0x45: {  	_ =	shalt  }
0x46: {  	_ =	shalt  }
0x47: {  	_ =	shalt  }
0x48: {  	_ =	shalt  }
0x49: {  	_ =	shalt  }
0x4a: {  	_ =	shalt  }
0x4b: {  	_ =	shalt  }
0x4c: {  	_ =	shalt  }
0x4d: {  	_ =	shalt  }
0x4e: {  	_ =	shalt  }
0x4f: {  	_ =	shalt  }
0x50: {  	_ =	shalt  }
0x51: {  	_ =	shalt  }
0x52: {  	_ =	shalt  }
0x53: {  	_ =	shalt  }
0x54: {  	_ =	shalt  }
0x55: {  	_ =	shalt  }
0x56: {  	_ =	shalt  }
0x57: {  	_ =	shalt  }
0x58: {  	_ =	shalt  }
0x59: {  	_ =	shalt  }
0x5a: {  	_ =	shalt  }
0x5b: {  	_ =	shalt  }
0x5c: {  	_ =	shalt  }
0x5d: {  	_ =	shalt  }
0x5e: {  	_ =	shalt  }
0x5f: {  	_ =	shalt  }
0x60: {  	_ =	shalt  }
0x61: {  	_ =	shalt  }
0x62: {  	_ =	shalt  }
0x63: {  	_ =	shalt  }
0x64: {  	_ =	shalt  }
0x65: {  	_ =	shalt  }
0x66: {  	_ =	shalt  }
0x67: {  	_ =	shalt  }
0x68: {  	_ =	shalt  }
0x69: {  	_ =	shalt  }
0x6a: {  	_ =	shalt  }
0x6b: {  	_ =	shalt  }
0x6c: {  	_ =	shalt  }
0x6d: {  	_ =	shalt  }
0x6e: {  	_ =	shalt  }
0x6f: {  	_ =	shalt  }
0x70: {  	_ =	shalt  }
0x71: {  	_ =	shalt  }
0x72: {  	_ =	shalt  }
0x73: {  	_ =	shalt  }
0x74: {  	_ =	shalt  }
0x75: {  	_ =	shalt  }
0x76: {  	_ =	shalt  }
0x77: {  	_ =	shalt  }
0x78: {  	_ =	shalt  }
0x79: {  	_ =	shalt  }
0x7a: {  	_ =	shalt  }
0x7b: {  	_ =	shalt  }
0x7c: {  	_ =	shalt  }
0x7d: {  	_ =	shalt  }
0x7e: {  	_ =	shalt  }
0x7f: {  	_ =	shalt  }
0x80: {  	_ =	shalt  }
0x81: {  	_ =	shalt  }
0x82: {  	_ =	shalt  }
0x83: {  	_ =	shalt  }
0x84: {  	_ =	shalt  }
0x85: {  	_ =	shalt  }
0x86: {  	_ =	shalt  }
0x87: {  	_ =	shalt  }
.Lfunc_end0:
.L_simem_size_0:
called_computation_lowered:
.L_overlay_start_0:
0x88: {  	s2 =	sld [smem:$0x3FD9]  }
0x89: {  	s3 =	sld [smem:$0x3FFE];
	_ =	sdelay $0x1  }
0x8a: {  	s1 =	srdreg.scid  }
0x8b: {  	s0 =	sand.u32 $0x1, s1  }
0x8c: {  	s17 =	sshll.u32 s0, $0xA;
	s2 =	sadd.s32 s3, s2  }
0x8d: {  	s2 =	sadd.s32 s2, s17  }
0x8e: {  	[smem:$0x3FBD] =	sst s2  }
0x8f: {  	_ = 	snop  }
0x90: {  	s2 =	sld [smem:$0x3FD0];
	(tm) =	ssettm $0x1  }
0x91: {  	s18 =	sld [smem:$0x3FFB];
	_ =	sdelay $0x3  }
0x92: {  	_ =	strace s18  }
0x93: {  	s3 =	sld [smem:$0x3FFC];
	_ =	sdelay $0x3  }
0x94: {  	_ =	strace s3  }
0x95: {  	s3 =	sld [smem:$0x3FFD];
	_ =	sdelay $0x3  }
0x96: {  	_ =	strace s3  }
0x97: {  	_ =	strace $0x8FFFFFFF  }
0x98: {  	s19 =	sld [smem:$0x3FDB];
	_ =	sdelay $0x1  }
0x99: {  	s4 =	simm.s32 $_scs_section_size  }
0x9a: {  	s5 =	simm.s32 $_size__tile_overlayer_lowered;
	s6 =	simm.s32 $_tile_overlayer_lowered  }
0x9b: {  	s22 =	simm.s32 $0x1BFF;
	s21 =	sshll.u32 s6, $0x1;
	s3 =	sadd.s32 s4, s19  }
0x9c: {  	s7 =	simm.s32 $0x0;
	s20 =	sshll.u32 s5, $0x1;
	s5 =	sadd.s32 s21, s3  }
0x9d: {  	[timem:s7], [sflag:s22] =	dma.local [hbm:s5], s20  }
0x9e: {  	_ =	swait.ge [sflag:s22], s20  }
0x9f: {  	s4 =	ssub.s32 $0x0, s20;
	[sflag:s22] =	ssyncset.done $0x0  }
0xa0: {  	[sflag:s22] =	ssyncadd.s32 s4;
	_ =	sdelay $0x1  }
0xa1: {  	s23 =	simm.s32 $0x1B8B  }
0xa2: {  	_ =	swait.ge [sflag:s23], $0x1  }
0xa3: {  	[sflag:s23] =	ssyncset.done $0x0  }
0xa4: {  	s25 =	simm.s32 $0x1B8E;
	s24 =	sld [smem:$0x3FFE];
	[sflag:s23] =	ssyncadd.s32 $0xFFFFFFFF  }
0xa5: {  	s26 =	simm.s32 $execute0_lowered;
	[smem:$0x3FD2] =	sst s25  }
0xa6: {  	s5 =	sshll.u32 s26, $0x1;
	_ =	strace $0x80000046;
	[dreg:$0x1] =	wrdreg $0xFFFFFFFF  }
0xa7: {  	s28 =	simm.s32 $_size_execute0_lowered;
	s3 =	sadd.s32 s3, s5;
	[dreg:$0x0] =	wrdreg $0x0  }
0xa8: {  	s5 =	sshll.u32 s28, $0x1;
	[dreg:$0x2] =	wrdreg s3  }
0xa9: {  	[dreg:$0x3] =	wrdreg s5  }
0xaa: {  	[dreg:$0x4] =	wrdreg $0xC0  }
0xab: {  	_ =	task [dreg:s7], $0x5FFFF  }
0xac: {  	[dreg:$0x1] =	wrdreg $0xFFFFFFFF  }
0xad: {  	[dreg:$0x0] =	wrdreg $0x60  }
0xae: {  	[dreg:$0x2] =	wrdreg s24  }
0xaf: {  	[dreg:$0x3] =	wrdreg s2  }
0xb0: {  	[dreg:$0x4] =	wrdreg $0x9  }
0xb1: {  	_ =	task.clear_ibuf [dreg:s7], $0x5FFFF;
	_ =	strace $0x90000046  }
0xb2: {  	s29 =	simm.s32 $0x9;
	_ =	strace $0x80000048  }
0xb3: {  	_ =	swait.ge [sflag:s29], $0x1  }
0xb4: {  	[sflag:s29] =	ssyncadd.s32 $0xFFFFFFFF  }
0xb5: {  	_ =	strace $0x90000048  }
0xb6: {  	_ =	sfence  }
0xb7: {  	s30 =	sld [smem:$0x0];
	_ =	sdelay $0x2  }
0xb8: {  	s31 =	sshll.u32 s1, $0xD;
	s1 =	sshrl.u32 s1, $0x2  }
0xb9: {  	s3 =	sand.u32 $0x4000, s31;
	s1 =	sadd.s32 s1, s30  }
0xba: {  	s0 =	sor.u32 s3, s0;
	s1 =	sshll.u32 s1, $0x11  }
0xbb: {  	s0 =	sor.u32 s1, s0  }
0xbc: {  	s0 =	sadd.s32 $0x8F2B, s0  }
0xbd: {  	[sflag:s0] =	ssyncadd.remote.s32 $0x1  }
0xbe: {  	_ =	sfence.sel $0xFFFF  }
0xbf: {  	[dreg:$0x0] =	wrdreg $0xFFFFFFFF;
	(pc) =	sbr.abs _section_cstart, $3  }
0xc0: {  	[dreg:$0x1] =	wrdreg $0xFFFFFFFF  }
0xc1: {  	_ =	task.clear_ibuf [dreg:s7], $0x2FFFF;
	_ =	strace $0x9FFFFFFF  }
0xc2: {  	(tm) =	ssettm $0x7FFFFFFF  }
0xc3: {  	_ =	shalt  }
tec
execute0_lowered:
.L_overlay_start_1:
0x0: {  	(tag) =	ssettag $0x1  }
0x1: {  	s3 =	rddreg [dreg:$0x0];
	s1 =	srdreg.scid  }
0x2: {  	s0 =	stileid.u32;
	s4 =	rddreg [dreg:$0x1];
	s2 =	simm.s32 $0x0  }
0x3: {  	s12 =	simm.s32 $0x7900;
	s13 =	simm.s32 $0x7B00;
	s14 =	simm.s32 $0x4F00  }
0x4: {  	s15 =	simm.s32 $0x7D00;
	s5 =	sand.u32 $0x1, s1;
	s6 =	sshll.u32 s0, $0x1  }
0x5: {  	s16 =	simm.s32 $0x7D80;
	s1 =	rddreg [dreg:$0x2];
	s6 =	sor.u32 s5, s6  }
0x6: {  	s17 =	simm.s32 $0x0;
	[smem:$0x7FF] =	sst s2;
	s7 =	smul.u32 $0x4E2, s6  }
0x7: {  	s5 =	ssub.s32 $0x2, s5;
	s8 =	smul.u32 $0x500, s6;
	s6 =	sshll.u32 s6, $0x2  }
0x8: {  	_ =	strace $0x80000047;
	s10 =	sshrl.u32 s5, $0x1;
	s11 =	sadd.s32 s6, s3  }
0x9: {  	s10 =	ssub.s32 s5, s10;
	s9 =	sadd.s32 s7, s3;
	s8 =	sadd.s32 s8, s3  }
0xa: {  	s4 =	sadd.s32 s4, s7;
	s6 =	sadd.s32 $0x17000, s11;
	s7 =	sadd.s32 $0x17200, s11  }
0xb: {  	v0 =	vlaneseq.u32;
	s11 =	simm.s32 $0x7700;
	s3 =	sadd.s32 $0x3000, s9;
	s5 =	sadd.s32 $0xCE00, s8  }
0xc: {  	v1 =	vimm.s32 $0x0;
	v2 =	vimm.s32 $0x1;
	v3 =	vmul.u32 $0x20, v0;
	s8 =	smax.u32 s10, $0x1;
	s9 =	simm.s32 $0x1;
	s10 =	simm.s32 $0x2780  }
.LBB2_1:
0xd: {  	[tilespmem:s2], [sflag:$0x1] =	stream.linear.gather [hbm4b:s3+s2], $0x2710, $0x38;
	[tilespmem:$0x7E00] =	vst v63  }
0xe: {  	_ =	swait.ge [sflag:s9], $0x2710  }
0xf: {  	[sflag:s9] =	ssyncset.done $0x0  }
0x10: {  	[sflag:s9] =	ssyncadd.s32 $0xFFFFD8F0  }
0x11: {  	[tilespmem:s10], [sflag:$0x1] =	stream.linear.gather [hbm4b:s4+s2], $0x2710, $0x38;
	[tilespmem:$0x7E00] =	vst v63  }
0x12: {  	_ =	swait.ge [sflag:s9], $0x2710  }
0x13: {  	[sflag:s9] =	ssyncset.done $0x0  }
0x14: {  	[sflag:s9] =	ssyncadd.s32 $0xFFFFD8F0  }
0x15: {  	[tilespmem:$0x7700] =	vst v1  }
0x16: {  	[tilespmem:$0x7900] =	vst v1  }
0x17: {  	[tilespmem:$0x7710] =	vst v1  }
0x18: {  	[tilespmem:$0x7910] =	vst v1  }
0x19: {  	[tilespmem:$0x7720] =	vst v1  }
0x1a: {  	[tilespmem:$0x7920] =	vst v1  }
0x1b: {  	[tilespmem:$0x7730] =	vst v1  }
0x1c: {  	[tilespmem:$0x7930] =	vst v1  }
0x1d: {  	[tilespmem:$0x7740] =	vst v1  }
0x1e: {  	[tilespmem:$0x7940] =	vst v1  }
0x1f: {  	[tilespmem:$0x7750] =	vst v1  }
0x20: {  	[tilespmem:$0x7950] =	vst v1  }
0x21: {  	[tilespmem:$0x7760] =	vst v1  }
0x22: {  	[tilespmem:$0x7960] =	vst v1  }
0x23: {  	[tilespmem:$0x7770] =	vst v1  }
0x24: {  	[tilespmem:$0x7970] =	vst v1  }
0x25: {  	[tilespmem:$0x7780] =	vst v1  }
0x26: {  	[tilespmem:$0x7980] =	vst v1  }
0x27: {  	[tilespmem:$0x7790] =	vst v1  }
0x28: {  	[tilespmem:$0x7990] =	vst v1  }
0x29: {  	[tilespmem:$0x77A0] =	vst v1  }
0x2a: {  	[tilespmem:$0x79A0] =	vst v1  }
0x2b: {  	[tilespmem:$0x77B0] =	vst v1  }
0x2c: {  	[tilespmem:$0x79B0] =	vst v1  }
0x2d: {  	[tilespmem:$0x77C0] =	vst v1  }
0x2e: {  	[tilespmem:$0x79C0] =	vst v1  }
0x2f: {  	[tilespmem:$0x77D0] =	vst v1  }
0x30: {  	[tilespmem:$0x79D0] =	vst v1  }
0x31: {  	[tilespmem:$0x77E0] =	vst v1  }
0x32: {  	[tilespmem:$0x79E0] =	vst v1  }
0x33: {  	[tilespmem:$0x77F0] =	vst v1  }
0x34: {  	[tilespmem:$0x79F0] =	vst v1  }
0x35: {  	[tilespmem:$0x7800] =	vst v1  }
0x36: {  	[tilespmem:$0x7A00] =	vst v1  }
0x37: {  	[tilespmem:$0x7810] =	vst v1  }
0x38: {  	[tilespmem:$0x7A10] =	vst v1  }
0x39: {  	[tilespmem:$0x7820] =	vst v1  }
0x3a: {  	[tilespmem:$0x7A20] =	vst v1  }
0x3b: {  	[tilespmem:$0x7830] =	vst v1  }
0x3c: {  	[tilespmem:$0x7A30] =	vst v1  }
0x3d: {  	[tilespmem:$0x7840] =	vst v1  }
0x3e: {  	[tilespmem:$0x7A40] =	vst v1  }
0x3f: {  	[tilespmem:$0x7850] =	vst v1  }
0x40: {  	[tilespmem:$0x7A50] =	vst v1  }
0x41: {  	[tilespmem:$0x7860] =	vst v1  }
0x42: {  	[tilespmem:$0x7A60] =	vst v1  }
0x43: {  	[tilespmem:$0x7870] =	vst v1  }
0x44: {  	[tilespmem:$0x7A70] =	vst v1  }
0x45: {  	[tilespmem:$0x7880] =	vst v1  }
0x46: {  	[tilespmem:$0x7A80] =	vst v1  }
0x47: {  	[tilespmem:$0x7890] =	vst v1  }
0x48: {  	[tilespmem:$0x7A90] =	vst v1  }
0x49: {  	[tilespmem:$0x78A0] =	vst v1  }
0x4a: {  	[tilespmem:$0x7AA0] =	vst v1  }
0x4b: {  	[tilespmem:$0x78B0] =	vst v1  }
0x4c: {  	[tilespmem:$0x7AB0] =	vst v1  }
0x4d: {  	[tilespmem:$0x78C0] =	vst v1  }
0x4e: {  	[tilespmem:$0x7AC0] =	vst v1  }
0x4f: {  	[tilespmem:$0x78D0] =	vst v1  }
0x50: {  	[tilespmem:$0x7AD0] =	vst v1  }
0x51: {  	[tilespmem:$0x78E0] =	vst v1  }
0x52: {  	[tilespmem:$0x7AE0] =	vst v1  }
0x53: {  	[tilespmem:$0x78F0] =	vst v1  }
0x54: {  	s18 =	simm.s32 $0x0;
	[tilespmem:$0x7AF0] =	vst v1  }
.LBB2_2:
0x55: {  	p0 =	sne.s32 s18, $0x9FC0  }
.Ltmp0:
0x56: {  	_ = 	snop;
	(pc) =	sbr.rel @p0 .LBB2_2-.Ltmp0, $3  }
0x57: {  	_ =	sdelay $0x1  }
0x58: {  	s19 =	sshra.s32 s18, $0x2  }
0x59: {  	s18 =	sadd.s32 $0x40, s18;
	[tilespmem:s19+$0x4F00] =	vst v1  }
0x5a: {  	s18 =	simm.s32 $0x0  }
0x5b: {  	v4 =	vld [tilespmem:s18+$0x2780];
	s18 =	simm.s32 $0x40  }
.LBB2_4:
0x5c: {  	p0 =	sne.s32 s18, $0x9C00;
	_ =	sdelay $0x3  }
0x5d: {  	v4 =	vshra.s32 v4, $0x6  }
0x5e: {  	v4 =	vmul.u32 $0x3334, v4;
	_ =	sdelay $0x1  }
0x5f: {  	v4 =	vshra.s32 v4, $0x10  }
0x60: {  	v5 =	vshll.u32 v4, $0x4;
	v4 =	vadd.s32 v3, v4  }
0x61: {  	v5 =	vor.u32 v0, v5;
	_ =	sdelay $0x2  }
.Ltmp1:
0x62: {  	(pc) =	sbr.rel @p0 .LBB2_4-.Ltmp1, $4  }
0x63: {  	_ = 	snop  }
0x64: {  	[tilespmem:v5+s11+$0x0] =	vst.idx.add.s32.msk $0xffff, v2  }
0x65: {  	s19 =	sshra.s32 s18, $0x2;
	[tilespmem:v4+s12+$0x0] =	vst.idx.add.s32.msk $0xffff, v2  }
0x66: {  	s18 =	sadd.s32 $0x40, s18;
	v4 =	vld [tilespmem:s19+$0x2780]  }
0x67: {  	_ =	sdelay $0x3  }
0x68: {  	v4 =	vshra.s32 v4, $0x6  }
0x69: {  	v4 =	vmul.u32 $0x3334, v4;
	_ =	sdelay $0x1  }
0x6a: {  	v4 =	vshra.s32 v4, $0x10  }
0x6b: {  	v5 =	vshll.u32 v4, $0x4  }
0x6c: {  	v5 =	vor.u32 v0, v5  }
0x6d: {  	v4 =	vadd.s32 v3, v4;
	_ =	sdelay $0x3  }
0x6e: {  	[tilespmem:v5+s11+$0x0] =	vst.idx.add.s32.msk $0xffff, v2  }
0x6f: {  	[tilespmem:v4+s12+$0x0] =	vst.idx.add.s32.msk $0xffff, v2  }
0x70: {  	v4 =	vld [tilespmem:$0x7900]  }
0x71: {  	v5 =	vld [tilespmem:$0x7910]  }
0x72: {  	v6 =	vld [tilespmem:$0x7920]  }
0x73: {  	v7 =	vld [tilespmem:$0x7930]  }
0x74: {  	v8 =	vld [tilespmem:$0x7940]  }
0x75: {  	v9 =	vld [tilespmem:$0x7950]  }
0x76: {  	v10 =	vld [tilespmem:$0x7960]  }
0x77: {  	v11 =	vld [tilespmem:$0x7970]  }
0x78: {  	v12 =	vld [tilespmem:$0x7980]  }
0x79: {  	v13 =	vld [tilespmem:$0x7990]  }
0x7a: {  	v14 =	vld [tilespmem:$0x79A0]  }
0x7b: {  	v15 =	vld [tilespmem:$0x79B0]  }
0x7c: {  	v16 =	vld [tilespmem:$0x79C0]  }
0x7d: {  	v17 =	vld [tilespmem:$0x79D0]  }
0x7e: {  	v18 =	vld [tilespmem:$0x79E0]  }
0x7f: {  	v19 =	vld [tilespmem:$0x79F0]  }
0x80: {  	v20 =	vld [tilespmem:$0x7A00]  }
0x81: {  	v21 =	vld [tilespmem:$0x7A10]  }
0x82: {  	v22 =	vld [tilespmem:$0x7A20]  }
0x83: {  	v30 =	vld [tilespmem:$0x7A40];
	v4 =	vadd.s32 v4, v6  }
0x84: {  	v31 =	vld [tilespmem:$0x7A50];
	v4 =	vadd.s32 v8, v4  }
0x85: {  	v32 =	vld [tilespmem:$0x7A70];
	v4 =	vadd.s32 v10, v4  }
0x86: {  	v33 =	vld [tilespmem:$0x7A80];
	v5 =	vadd.s32 v5, v7;
	v4 =	vadd.s32 v12, v4  }
0x87: {  	v34 =	vld [tilespmem:$0x7A90];
	v5 =	vadd.s32 v9, v5;
	v4 =	vadd.s32 v14, v4  }
0x88: {  	v7 =	vld [tilespmem:$0x7A60];
	v5 =	vadd.s32 v11, v5;
	v4 =	vadd.s32 v16, v4  }
0x89: {  	v6 =	vld [tilespmem:$0x7A30];
	v5 =	vadd.s32 v13, v5;
	v4 =	vadd.s32 v18, v4  }
0x8a: {  	v35 =	vld [tilespmem:$0x7AA0];
	v5 =	vadd.s32 v15, v5;
	v4 =	vadd.s32 v20, v4  }
0x8b: {  	v36 =	vld [tilespmem:$0x7AC0];
	v5 =	vadd.s32 v17, v5;
	v4 =	vadd.s32 v22, v4  }
0x8c: {  	v37 =	vld [tilespmem:$0x7AE0];
	v5 =	vadd.s32 v19, v5;
	v4 =	vadd.s32 v30, v4  }
0x8d: {  	v5 =	vadd.s32 v21, v5;
	v4 =	vadd.s32 v7, v4;
	v7 =	vld [tilespmem:$0x7AB0]  }
0x8e: {  	v5 =	vadd.s32 v6, v5;
	v6 =	vld [tilespmem:$0x7AD0];
	v4 =	vadd.s32 v33, v4  }
0x8f: {  	v38 =	vld [tilespmem:$0x7AF0];
	v5 =	vadd.s32 v31, v5;
	v4 =	vadd.s32 v35, v4  }
0x90: {  	v5 =	vadd.s32 v32, v5;
	v4 =	vadd.s32 v36, v4  }
0x91: {  	v5 =	vadd.s32 v34, v5;
	v4 =	vadd.s32 v37, v4  }
0x92: {  	v5 =	vadd.s32 v7, v5;
	v7 =	vadd.s32 $0x7, v4  }
0x93: {  	v5 =	vadd.s32 v6, v5;
	v6 =	vand.u32 $0xFFFFFFF8, v7;
	v7 =	vld [tilespmem:$0x7700]  }
0x94: {  	v5 =	vadd.s32 v38, v5;
	(xrf0) =	vadd.scan.msk.s32 $0xffff, v6  }
0x95: {  	v39 =	vadd.s32 $0x7, v5  }
0x96: {  	v8 =	vand.u32 $0xFFFFFFF8, v39  }
0x97: {  	v40 =	vld [tilespmem:$0x7710];
	(xrf0) =	vadd.scan.msk.s32 $0xffff, v8  }
0x98: {  	v41 =	vld [tilespmem:$0x7720];
	(xrf0) =	vadd.scan.msk.s32 $0xffff, v7;
	_ =	sdelay $0x1  }
0x99: {  	v44, _, _ =	vpop (xrf0)  }
0x9a: {  	v6 =	vsub.s32 v44, v6  }
0x9b: {  	v42 =	vld [tilespmem:$0x7730];
	(xrf0) =	vadd.scan.msk.s32 $0xffff, v40;
	v46 =	vbroadcast v6, $0x0  }
0x9c: {  	v43 =	vld [tilespmem:$0x7740];
	(xrf0) =	vadd.scan.msk.s32 $0xffff, v41;
	v48, _, _ =	vpop (xrf0)  }
0x9d: {  	[tilespmem:$0x7D00] =	vst v4;
	v4, _, _ =	vpop (xrf0);
	v7 =	vsub.s32 v46, v7  }
0x9e: {  	v4 =	vadd.s32 v4, v7  }
0x9f: {  	v49 =	vbroadcast v6, $0x1  }
0xa0: {  	v45 =	vld [tilespmem:$0x7750];
	[tilespmem:$0x7D10] =	vst v5;
	v5 =	vbroadcast v6, $0x2;
	(xrf0) =	vadd.scan.msk.s32 $0xffff, v42  }
0xa1: {  	v47 =	vld [tilespmem:$0x7760];
	(xrf0) =	vadd.scan.msk.s32 $0xffff, v43;
	v9 =	vsub.s32 v49, v40;
	[tilespmem:$0x7B00] =	vst v4;
	v4, _, _ =	vpop (xrf0)  }
0xa2: {  	v5 =	vsub.s32 v5, v41;
	v4 =	vadd.s32 v4, v9;
	v51, _, _ =	vpop (xrf0)  }
0xa3: {  	[tilespmem:$0x7B10] =	vst v4;
	v4 =	vadd.s32 v51, v5  }
0xa4: {  	v52 =	vbroadcast v6, $0x3  }
0xa5: {  	v50 =	vld [tilespmem:$0x7770];
	(xrf0) =	vadd.scan.msk.s32 $0xffff, v45;
	v5 =	vbroadcast v6, $0x4  }
0xa6: {  	v10 =	vsub.s32 v52, v42;
	v7 =	vld [tilespmem:$0x7780];
	(xrf0) =	vadd.scan.msk.s32 $0xffff, v47;
	[tilespmem:$0x7B20] =	vst v4;
	v4, _, _ =	vpop (xrf0)  }
0xa7: {  	v5 =	vsub.s32 v5, v43;
	v4 =	vadd.s32 v4, v10;
	v56, _, _ =	vpop (xrf0)  }
0xa8: {  	[tilespmem:$0x7B30] =	vst v4;
	v4 =	vadd.s32 v56, v5;
	_ =	sdelay $0x1  }
0xa9: {  	v53 =	vld [tilespmem:$0x7790];
	(xrf0) =	vadd.scan.msk.s32 $0xffff, v50;
	v5 =	vbroadcast v6, $0x6  }
0xaa: {  	v54 =	vld [tilespmem:$0x77A0];
	(xrf0) =	vadd.scan.msk.s32 $0xffff, v7;
	[tilespmem:$0x7B40] =	vst v4;
	v4, _, _ =	vpop (xrf0)  }
0xab: {  	v55 =	vld [tilespmem:$0x77B0];
	v5 =	vsub.s32 v5, v47;
	v60, _, _ =	vpop (xrf0)  }
0xac: {  	v5 =	vadd.s32 v60, v5  }
0xad: {  	v61 =	vbroadcast v6, $0x7  }
0xae: {  	v63 =	vbroadcast v6, $0x8;
	(xrf0) =	vadd.scan.msk.s32 $0xffff, v53  }
0xaf: {  	v58 =	vld [tilespmem:$0x77C0];
	v22 =	vsub.s32 v61, v50;
	(xrf0) =	vadd.scan.msk.s32 $0xffff, v54;
	[tilespmem:$0x7B60] =	vst v5;
	v5, _, _ =	vpop (xrf0)  }
0xb0: {  	v59 =	vld [tilespmem:$0x77D0];
	v7 =	vsub.s32 v63, v7;
	(xrf0) =	vadd.scan.msk.s32 $0xffff, v55;
	v5 =	vadd.s32 v5, v22;
	v23, _, _ =	vpop (xrf0)  }
0xb1: {  	v62 =	vld [tilespmem:$0x77E0];
	v57 =	vbroadcast v6, $0x5;
	[tilespmem:$0x7B70] =	vst v5;
	v5 =	vadd.s32 v23, v7;
	v7 =	vbroadcast v6, $0xA  }
0xb2: {  	v21 =	vld [tilespmem:$0x77F0];
	v24 =	vbroadcast v6, $0x9  }
0xb3: {  	v27 =	vbroadcast v6, $0xB;
	v12 =	vsub.s32 v57, v45;
	v7 =	vsub.s32 v7, v54  }
0xb4: {  	v4 =	vadd.s32 v4, v12;
	v12 =	vsub.s32 v24, v53;
	(xrf0) =	vadd.scan.msk.s32 $0xffff, v58;
	[tilespmem:$0x7B80] =	vst v5;
	v5, _, _ =	vpop (xrf0)  }
0xb5: {  	(xrf0) =	vadd.scan.msk.s32 $0xffff, v59;
	v5 =	vadd.s32 v5, v12;
	v29, _, _ =	vpop (xrf0)  }
0xb6: {  	v25 =	vld [tilespmem:$0x7800];
	v11 =	vsub.s32 v27, v55;
	(xrf0) =	vadd.scan.msk.s32 $0xffff, v62;
	[tilespmem:$0x7B90] =	vst v5;
	v5 =	vadd.s32 v29, v7;
	v7, _, _ =	vpop (xrf0)  }
0xb7: {  	v26 =	vld [tilespmem:$0x7810];
	(xrf0) =	vadd.scan.msk.s32 $0xffff, v21;
	[tilespmem:$0x7BA0] =	vst v5;
	v5 =	vadd.s32 v7, v11;
	v7 =	vbroadcast v6, $0xD  }
0xb8: {  	v28 =	vld [tilespmem:$0x7820];
	v31 =	vbroadcast v6, $0xC;
	v33 =	vbroadcast v6, $0xE  }
0xb9: {  	v30 =	vld [tilespmem:$0x7830];
	v13 =	vbroadcast v44, $0xF;
	[tilespmem:$0x7D80] =	vst v6;
	v7 =	vsub.s32 v7, v59  }
0xba: {  	v8 =	vsub.s32 v48, v8;
	v37 =	vsub.s32 v33, v62;
	v10 =	vsub.s32 v31, v58;
	[tilespmem:$0x7BB0] =	vst v5;
	v5, _, _ =	vpop (xrf0)  }
0xbb: {  	[tilespmem:$0x7B50] =	vst v4;
	(xrf0) =	vadd.scan.msk.s32 $0xffff, v25;
	v6 =	vbroadcast v6, $0xF;
	v5 =	vadd.s32 v5, v10;
	v35, _, _ =	vpop (xrf0)  }
0xbc: {  	v4 =	vadd.s32 v13, v8;
	(xrf0) =	vadd.scan.msk.s32 $0xffff, v26;
	[tilespmem:$0x7BC0] =	vst v5;
	v5 =	vadd.s32 v35, v7;
	v7, _, _ =	vpop (xrf0)  }
0xbd: {  	v32 =	vld [tilespmem:$0x7840];
	v6 =	vsub.s32 v6, v21;
	(xrf0) =	vadd.scan.msk.s32 $0xffff, v28;
	[tilespmem:$0x7BD0] =	vst v5;
	v5 =	vadd.s32 v7, v37;
	v7, _, _ =	vpop (xrf0)  }
0xbe: {  	v34 =	vld [tilespmem:$0x7850];
	(xrf0) =	vadd.scan.msk.s32 $0xffff, v30;
	[tilespmem:$0x7BE0] =	vst v5;
	v5 =	vadd.s32 v7, v6;
	v6 =	vbroadcast v4, $0x1  }
0xbf: {  	v36 =	vld [tilespmem:$0x7860];
	v39 =	vbroadcast v4, $0x0  }
0xc0: {  	v38 =	vld [tilespmem:$0x7870];
	v6 =	vsub.s32 v6, v26  }
0xc1: {  	v40 =	vbroadcast v4, $0x2;
	v10 =	vsub.s32 v39, v25;
	[tilespmem:$0x7BF0] =	vst v5;
	v5, _, _ =	vpop (xrf0)  }
0xc2: {  	v43 =	vbroadcast v4, $0x3;
	(xrf0) =	vadd.scan.msk.s32 $0xffff, v32;
	v5 =	vadd.s32 v5, v10;
	v42, _, _ =	vpop (xrf0)  }
0xc3: {  	v45 =	vsub.s32 v40, v28;
	(xrf0) =	vadd.scan.msk.s32 $0xffff, v34;
	[tilespmem:$0x7C00] =	vst v5;
	v5 =	vadd.s32 v42, v6;
	v6, _, _ =	vpop (xrf0)  }
0xc4: {  	v8 =	vsub.s32 v43, v30;
	v7 =	vld [tilespmem:$0x7880];
	(xrf0) =	vadd.scan.msk.s32 $0xffff, v36;
	[tilespmem:$0x7C10] =	vst v5;
	v5 =	vadd.s32 v6, v45;
	v6, _, _ =	vpop (xrf0)  }
0xc5: {  	v41 =	vld [tilespmem:$0x7890];
	(xrf0) =	vadd.scan.msk.s32 $0xffff, v38;
	[tilespmem:$0x7C20] =	vst v5;
	v5 =	vadd.s32 v6, v8;
	v6 =	vbroadcast v4, $0x5  }
0xc6: {  	v44 =	vld [tilespmem:$0x78A0];
	v47 =	vbroadcast v4, $0x4  }
0xc7: {  	v46 =	vld [tilespmem:$0x78B0];
	v6 =	vsub.s32 v6, v34  }
0xc8: {  	v49 =	vbroadcast v4, $0x6;
	v9 =	vsub.s32 v47, v32;
	[tilespmem:$0x7C30] =	vst v5;
	v5, _, _ =	vpop (xrf0)  }
0xc9: {  	v48 =	vld [tilespmem:$0x78C0];
	v52 =	vbroadcast v4, $0x7;
	v57 =	vbroadcast v4, $0x8;
	(xrf0) =	vadd.scan.msk.s32 $0xffff, v7;
	v5 =	vadd.s32 v5, v9;
	v51, _, _ =	vpop (xrf0)  }
0xca: {  	v50 =	vld [tilespmem:$0x78D0];
	v54 =	vsub.s32 v49, v36;
	(xrf0) =	vadd.scan.msk.s32 $0xffff, v41;
	[tilespmem:$0x7C40] =	vst v5;
	v5 =	vadd.s32 v51, v6;
	v6, _, _ =	vpop (xrf0)  }
0xcb: {  	v56 =	vsub.s32 v52, v38;
	(xrf0) =	vadd.scan.msk.s32 $0xffff, v44;
	[tilespmem:$0x7C50] =	vst v5;
	v5 =	vadd.s32 v6, v54;
	v6, _, _ =	vpop (xrf0)  }
0xcc: {  	v53 =	vld [tilespmem:$0x78E0];
	(xrf0) =	vadd.scan.msk.s32 $0xffff, v46;
	[tilespmem:$0x7C60] =	vst v5;
	v5 =	vadd.s32 v6, v56;
	v6 =	vbroadcast v4, $0x9  }
0xcd: {  	v7 =	vsub.s32 v57, v7  }
0xce: {  	v55 =	vld [tilespmem:$0x78F0];
	(xrf0) =	vadd.scan.msk.s32 $0xffff, v48;
	v6 =	vsub.s32 v6, v41  }
0xcf: {  	v58 =	vbroadcast v4, $0xA;
	[tilespmem:$0x7C70] =	vst v5;
	v5, _, _ =	vpop (xrf0);
	(xrf0) =	vadd.scan.msk.s32 $0xffff, v50  }
0xd0: {  	v59 =	vbroadcast v4, $0xB;
	v5 =	vadd.s32 v5, v7;
	v7, _, _ =	vpop (xrf0)  }
0xd1: {  	(xrf0) =	vadd.scan.msk.s32 $0xffff, v53;
	[tilespmem:$0x7C80] =	vst v5;
	v5 =	vadd.s32 v7, v6;
	v6, _, _ =	vpop (xrf0);
	v7 =	vsub.s32 v58, v44  }
0xd2: {  	v60, _, _ =	vpop (xrf0);
	[tilespmem:$0x7C90] =	vst v5;
	v5 =	vadd.s32 v6, v7;
	v6 =	vsub.s32 v59, v46;
	v7 =	vbroadcast v4, $0xC  }
0xd3: {  	(xrf0) =	vadd.scan.msk.s32 $0xffff, v55;
	[tilespmem:$0x7CA0] =	vst v5;
	v5 =	vadd.s32 v60, v6;
	v6 =	vbroadcast v4, $0xD  }
0xd4: {  	v61, _, _ =	vpop (xrf0);
	[tilespmem:$0x7CB0] =	vst v5;
	v5 =	vsub.s32 v7, v48;
	v7 =	vbroadcast v4, $0xE  }
0xd5: {  	v62, _, _ =	vpop (xrf0);
	v5 =	vadd.s32 v61, v5;
	v6 =	vsub.s32 v6, v50  }
0xd6: {  	[tilespmem:$0x7CC0] =	vst v5;
	v5 =	vadd.s32 v62, v6;
	v6 =	vsub.s32 v7, v53  }
0xd7: {  	[tilespmem:$0x7D90] =	vst v4;
	v4 =	vbroadcast v4, $0xF  }
0xd8: {  	v63, _, _ =	vpop (xrf0)  }
0xd9: {  	v4 =	vsub.s32 v4, v55;
	[tilespmem:$0x7CD0] =	vst v5;
	v5 =	vadd.s32 v63, v6;
	v6, _, _ =	vpop (xrf0)  }
0xda: {  	[tilespmem:$0x7CE0] =	vst v5;
	v4 =	vadd.s32 v6, v4  }
0xdb: {  	s19 =	simm.s32 $0x0;
	[tilespmem:$0x7CF0] =	vst v4  }
0xdc: {  	s18 =	simm.s32 $0x40;
	v4 =	vld [tilespmem:s19+$0x2780]  }
.LBB2_6:
0xdd: {  	p0 =	sne.s32 s18, $0x9C00;
	_ =	sdelay $0x3  }
0xde: {  	v5 =	vshra.s32 v4, $0x6  }
0xdf: {  	v5 =	vmul.u32 $0x3334, v5;
	_ =	sdelay $0x1  }
0xe0: {  	v5 =	vshra.s32 v5, $0xC  }
0xe1: {  	v5 =	vand.u32 $0xFFFFFFF0, v5  }
0xe2: {  	v5 =	vor.u32 v0, v5;
	_ =	sdelay $0x4  }
0xe3: {  	v6 =	vld.idx.msk [tilespmem:v5+s13+$0x0], $0xffff  }
0xe4: {  	v7 =	vld [tilespmem:s19+$0x0];
	_ =	sdelay $0x4  }
.Ltmp2:
0xe5: {  	v8 =	vadd.s32 $0x1, v6;
	v7 =	vshll.u32 v7, $0xE;
	(pc) =	sbr.rel @p0 .LBB2_6-.Ltmp2, $4  }
0xe6: {  	v4 =	vadd.s32 v4, v7  }
0xe7: {  	[tilespmem:v6+s14+$0x0] =	vst.idx.msk $0xffff, v4  }
0xe8: {  	s19 =	sshra.s32 s18, $0x2;
	[tilespmem:v5+s13+$0x0] =	vst.idx.msk $0xffff, v8  }
0xe9: {  	s18 =	sadd.s32 $0x40, s18;
	v4 =	vld [tilespmem:s19+$0x2780]  }
0xea: {  	_ =	sdelay $0x3  }
0xeb: {  	v5 =	vshra.s32 v4, $0x6  }
0xec: {  	v5 =	vmul.u32 $0x3334, v5;
	_ =	sdelay $0x1  }
0xed: {  	v5 =	vshra.s32 v5, $0xC  }
0xee: {  	v5 =	vand.u32 $0xFFFFFFF0, v5  }
0xef: {  	v5 =	vor.u32 v0, v5;
	_ =	sdelay $0x4  }
0xf0: {  	v6 =	vld.idx.msk [tilespmem:v5+s13+$0x0], $0xffff  }
0xf1: {  	v7 =	vld [tilespmem:s19+$0x0];
	_ =	sdelay $0x4  }
0xf2: {  	v7 =	vshll.u32 v7, $0xE  }
0xf3: {  	v4 =	vadd.s32 v4, v7  }
0xf4: {  	v63 =	vadd.s32 $0x1, v6;
	[tilespmem:v6+s14+$0x0] =	vst.idx.msk $0xffff, v4  }
0xf5: {  	[tilespmem:v5+s13+$0x0] =	vst.idx.msk $0xffff, v63  }
0xf6: {  	[hbm4b:s5+s2] =	stream.linear.scatter [tilespmem:s14], [sflag:$0x1], $0x2800, $0x38;
	[tilespmem:$0x7E00] =	vst v63  }
0xf7: {  	_ =	swait.ge [sflag:s9], $0x2800  }
0xf8: {  	[sflag:s9] =	ssyncset.done $0x0  }
0xf9: {  	[sflag:s9] =	ssyncadd.s32 $0xFFFFD800  }
0xfa: {  	[hbm4b:s6+s2] =	stream.linear.scatter [tilespmem:s15], [sflag:$0x1], $0x20, $0x38;
	[tilespmem:$0x7E00] =	vst v63  }
0xfb: {  	s17 =	sadd.s32 $0x1, s17;
	_ =	swait.ge [sflag:s9], $0x20  }
0xfc: {  	p0 =	sne.s32 s17, s8;
	[sflag:s9] =	ssyncset.done $0x0  }
.Ltmp3:
0xfd: {  	[sflag:s9] =	ssyncadd.s32 $0xFFFFFFE0;
	(pc) =	sbr.rel @p0 .LBB2_1-.Ltmp3, $4  }
0xfe: {  	[hbm4b:s7+s2] =	stream.linear.scatter [tilespmem:s16], [sflag:$0x1], $0x20, $0x38;
	[tilespmem:$0x7E00] =	vst v63  }
0xff: {  	_ =	swait.ge [sflag:s9], $0x20  }
0x100: {  	[sflag:s9] =	ssyncset.done $0x0  }
0x101: {  	[sflag:s9] =	ssyncadd.s32 $0xFFFFFFE0  }
0x102: {  	_ =	sfence.sel $0x180000  }
0x103: {  	[bflag:$0x0] =	sbarrier.arrive $0xFFFF  }
0x104: {  	p0 =	sne.s32 s0, $0x0;
	_ =	strace $0x90000047  }
0x105: {  	s0 =	sadd.s32 @!p0 $0x100000, s1;
	[bflag:$0x2] =	sbarrier.arrive $0xFFFF  }
0x106: {  	[sflag:s0] =	ssyncadd.tile.s32 @!p0 $0x1;
	_ =	shalt  }
.Lfunc_end2:
_tile_overlayer_lowered:
.L_overlay_start_2:
0x107: {  	(tag) =	ssettag $0x2  }
0x108: {  	s0 =	rddreg [dreg:$0x0];
	s2 =	stileid.u32  }
0x109: {  	s1 =	rddreg [dreg:$0x1];
	p0 =	sne.s32 s2, $0x0  }
0x10a: {  	s3 =	rddreg [dreg:$0x2];
	[bflag:$0x3] =	sbarrier.arrive $0xFFFF;
	s2 =	simm.s32 @!p0 $0x1C01  }
0x10b: {  	[timem:s3], [sflag:s2] =	dma.local @!p0 [hbm:s0], s1  }
0x10c: {  	s0 =	simm.s32 @!p0 $0x1  }
0x10d: {  	_ =	swait.ge @!p0 [sflag:s0], s1  }
0x10e: {  	s1 =	ssub.s32 @!p0 $0x0, s1;
	[sflag:s0] =	ssyncset.done @!p0 $0x0  }
0x10f: {  	[sflag:s0] =	ssyncadd.s32 @!p0 s1  }
0x110: {  	[bflag:$0x3] =	sbarrier.arrive $0xFFFF  }
0x111: {  	_ =	shalt  }

</sc_bundles>
